<compile_context>
chip_gen: v7x
topology: tpu7x:2x2x1
jax: 0.10.2.dev20260603
libtpu: 0.0.44.dev20260713+nightly
codegen_flags: <defaults>
</compile_context>

<pallas_src>
import functools

import jax
import jax.numpy as jnp
from jax import lax
from jax.experimental import pallas as pl
from jax.experimental.pallas import tpu as pltpu
from jax.experimental.pallas import tpu_sc as plsc

F32 = jnp.float32

NC = 2
NS = 16
NW = NC * NS
CH = 80
GR = 80
LANES = 16


@functools.cache
def _make_sc_agg(n_nodes, feat, n_edges, compute_deg):
    epw = n_edges // NW
    assert epw * NW == n_edges and epw % CH == 0
    sup = min(epw, 2000)
    assert epw % sup == 0 and sup % CH == 0
    n_sup = epw // sup
    chunks_per_sup = sup // CH
    assert n_nodes % GR == 0
    n_groups = n_nodes // GR
    gpt = pl.cdiv(n_groups, NS)
    fpl = feat // LANES

    mesh = plsc.VectorSubcoreMesh(core_axis_name="c", subcore_axis_name="s")

    out_type = [jax.ShapeDtypeStruct((NC, n_nodes, feat), F32)]
    if compute_deg:
        out_type.append(jax.ShapeDtypeStruct((NW * n_nodes,), F32))

    scratch = [
        pltpu.VMEM_SHARED((n_nodes, feat), F32),
        pltpu.VMEM((sup,), jnp.int32),
        pltpu.VMEM((sup,), jnp.int32),
        pltpu.VMEM((CH,), jnp.int32),
        pltpu.VMEM((CH,), jnp.int32),
        pltpu.VMEM((CH, feat), F32),
        pltpu.VMEM((GR, feat), F32),
        pltpu.SemaphoreType.DMA,
    ]
    if compute_deg:
        scratch.append(pltpu.VMEM((n_nodes,), F32))

    def body(h_hbm, src_hbm, dst_hbm, *rest):
        if compute_deg:
            acc_out, deg_out = rest[0], rest[1]
            acc, srcs, dsts, src_c, dst_c, rows, stage, sem, degl = rest[2:]
        else:
            acc_out = rest[0]
            acc, srcs, dsts, src_c, dst_c, rows, stage, sem = rest[1:]

        cid = lax.axis_index("c")
        sid = lax.axis_index("s")
        wid = sid * NC + cid

        zero16 = jnp.zeros((LANES,), F32)
        ones16 = jnp.ones((LANES,), F32)

        def zb(i, _):
            stage[i // fpl, pl.ds((i % fpl) * LANES, LANES)] = zero16
            return 0
        lax.fori_loop(0, GR * fpl, zb, 0)

        for k in range(gpt):
            g = sid + k * NS

            @pl.when(g < n_groups)
            def _():
                pltpu.sync_copy(stage, acc.at[pl.ds(g * GR, GR)])

        if compute_deg:
            def zdeg(i, _):
                degl[pl.ds(i * LANES, LANES)] = zero16
                return 0
            lax.fori_loop(0, n_nodes // LANES, zdeg, 0)

        plsc.subcore_barrier()

        def superchunk(si, _):
            sbase = wid * epw + si * sup
            pltpu.sync_copy(src_hbm.at[pl.ds(sbase, sup)], srcs)
            pltpu.sync_copy(dst_hbm.at[pl.ds(sbase, sup)], dsts)

            def chunk(ci, _):
                off = ci * CH
                for j in range(CH // LANES):
                    src_c[pl.ds(j * LANES, LANES)] = srcs[
                        pl.ds(off + j * LANES, LANES)]
                    dst_c[pl.ds(j * LANES, LANES)] = dsts[
                        pl.ds(off + j * LANES, LANES)]
                pltpu.async_copy(h_hbm.at[src_c], rows, sem).wait()
                pltpu.sync_copy(rows, acc.at[dst_c], add=True)
                if compute_deg:
                    for j in range(CH // LANES):
                        idx = dst_c[pl.ds(j * LANES, LANES)]
                        plsc.addupdate_scatter(degl, [idx], ones16)
                return 0
            lax.fori_loop(0, chunks_per_sup, chunk, 0)
            return 0
        lax.fori_loop(0, n_sup, superchunk, 0)

        plsc.subcore_barrier()

        for k in range(gpt):
            g = sid + k * NS

            @pl.when(g < n_groups)
            def _():
                pltpu.sync_copy(acc.at[pl.ds(g * GR, GR)], stage)
                pltpu.sync_copy(stage, acc_out.at[cid, pl.ds(g * GR, GR)])

        if compute_deg:
            pltpu.sync_copy(degl, deg_out.at[pl.ds(wid * n_nodes, n_nodes)])

    return pl.kernel(
        body,
        out_type=tuple(out_type) if compute_deg else out_type[0],
        mesh=mesh,
        scratch_types=scratch,
        compiler_params=pltpu.CompilerParams(needs_layout_passes=False),
    )


@functools.cache
def _make_tc_layer(n_nodes, feat, out_feat, br, has_res_proj, has_fc):
    grid = (pl.cdiv(n_nodes, br),)

    def body(h_ref, acc_ref, deg_ref, wl_ref, bl_ref, wr_ref, lnw_ref,
             lnb_ref, *rest):
        o_ref = rest[-1]
        h = h_ref[...]
        agg = acc_ref[0] + acc_ref[1]
        deg = jnp.sum(deg_ref[...], axis=-1, keepdims=True)
        mean = agg * (1.0 / jnp.maximum(deg, 1.0))
        z = jnp.dot(mean, wl_ref[...], preferred_element_type=F32)
        z = z + bl_ref[...]
        z = z + jnp.dot(h, wr_ref[...], preferred_element_type=F32)
        mu = jnp.mean(z, axis=-1, keepdims=True)
        zc = z - mu
        var = jnp.mean(zc * zc, axis=-1, keepdims=True)
        z = zc * lax.rsqrt(var + 1e-5) * lnw_ref[...] + lnb_ref[...]
        z = jnp.maximum(z, 0.0)
        if has_res_proj:
            res = jnp.dot(h, rest[0][...], preferred_element_type=F32)
            res = res + rest[1][...]
        else:
            res = h
        hn = z + res
        if has_fc:
            k = 2 if has_res_proj else 0
            hn = jnp.dot(hn, rest[k][...], preferred_element_type=F32)
            hn = hn + rest[k + 1][...]
        o_ref[...] = hn

    w_spec = pl.BlockSpec((feat, feat), lambda i: (0, 0))
    b_spec = pl.BlockSpec((1, feat), lambda i: (0, 0))
    in_specs = [
        pl.BlockSpec((br, feat), lambda i: (i, 0)),
        pl.BlockSpec((NC, br, feat), lambda i: (0, i, 0)),
        pl.BlockSpec((br, NW), lambda i: (i, 0)),
        w_spec, b_spec, w_spec, b_spec, b_spec,
    ]
    if has_res_proj:
        in_specs += [w_spec, b_spec]
    if has_fc:
        in_specs += [pl.BlockSpec((feat, out_feat), lambda i: (0, 0)),
                     pl.BlockSpec((1, out_feat), lambda i: (0, 0))]

    return pl.pallas_call(
        body,
        grid=grid,
        in_specs=in_specs,
        out_specs=pl.BlockSpec((br, out_feat), lambda i: (i, 0)),
        out_shape=jax.ShapeDtypeStruct((n_nodes, out_feat), F32),
    )


def kernel(x, edge_index, edge_attr, Wl, bl, Wr, ln_w, ln_b, Wres, bres,
           Wfc, bfc):
    n_nodes, feat = x.shape
    n_edges = edge_index.shape[1]
    out_feat = Wfc.shape[1]
    br = 512

    src = edge_index[0]
    dst = edge_index[1]

    sc_first = _make_sc_agg(n_nodes, feat, n_edges, True)
    sc_rest = _make_sc_agg(n_nodes, feat, n_edges, False)

    accp, degp = sc_first(x, src, dst)
    degt = degp.reshape(NW, n_nodes).T

    tc0 = _make_tc_layer(n_nodes, feat, feat, br, True, False)
    h = tc0(x, accp, degt, Wl[0], bl[0][None, :], Wr[0], ln_w[0][None, :],
            ln_b[0][None, :], Wres, bres[None, :])

    tc_mid = _make_tc_layer(n_nodes, feat, feat, br, False, False)
    accp = sc_rest(h, src, dst)
    h = tc_mid(h, accp, degt, Wl[1], bl[1][None, :], Wr[1],
               ln_w[1][None, :], ln_b[1][None, :])

    tc_last = _make_tc_layer(n_nodes, feat, out_feat, br, False, True)
    accp = sc_rest(h, src, dst)
    out = tc_last(h, accp, degt, Wl[2], bl[2][None, :], Wr[2],
                  ln_w[2][None, :], ln_b[2][None, :], Wfc, bfc[None, :])
    return out

# --- scband reference (transcript-rebuilt; emitter-appended) ---
"""Pipeline reference for scband-graph-sage-7713761263795 (READ-ONLY COPY).

The authoritative reference and input builder live on the scoring server;
editing this copy changes nothing except your own understanding.
"""

import jax, jax.numpy as jnp
import numpy as np

N = 10000
E = 320000
D = 128
H = 128
O = 128
L = 3


def setup_inputs(seed: int = 0) -> dict:
    key = jax.random.key(seed)
    ks = jax.random.split(key, 20)
    inp = {}
    inp["x"] = jax.random.normal(ks[0], (N, D), dtype=jnp.float32)
    inp["edge_index"] = jax.random.randint(ks[1], (2, E), 0, N, dtype=jnp.int32)
    inp["edge_attr"] = jax.random.normal(ks[2], (E, 16), dtype=jnp.float32)
    # SAGEConv params per layer (all layers are 128->128 since in_feats==hidden_feats)
    inp["Wl"] = jax.random.normal(ks[3], (L, D, H), dtype=jnp.float32) * 0.05  # lin_l (neighbor agg), with bias
    inp["bl"] = jnp.zeros((L, H), dtype=jnp.float32)
    inp["Wr"] = jax.random.normal(ks[4], (L, D, H), dtype=jnp.float32) * 0.05  # lin_r (root), no bias
    inp["ln_w"] = jnp.ones((L, H), dtype=jnp.float32)
    inp["ln_b"] = jnp.zeros((L, H), dtype=jnp.float32)
    # residual projection for layer 0 (Linear in_feats -> hidden_feats)
    inp["Wres"] = jax.random.normal(ks[5], (D, H), dtype=jnp.float32) * 0.05
    inp["bres"] = jnp.zeros((H,), dtype=jnp.float32)
    # final fc
    inp["Wfc"] = jax.random.normal(ks[6], (H, O), dtype=jnp.float32) * 0.05
    inp["bfc"] = jnp.zeros((O,), dtype=jnp.float32)
    return inp


def _layernorm(x, w, b, eps=1e-5):
    mu = jnp.mean(x, axis=-1, keepdims=True)
    var = jnp.mean((x - mu) ** 2, axis=-1, keepdims=True)
    return (x - mu) / jnp.sqrt(var + eps) * w + b


def _sage_conv(x, edge_index, Wl, bl, Wr):
    src = edge_index[0]
    dst = edge_index[1]
    msg = jnp.take(x, src, axis=0)                      # gather (SparseCore)
    agg = jax.ops.segment_sum(msg, dst, num_segments=N)  # scatter-add
    deg = jax.ops.segment_sum(jnp.ones((msg.shape[0], 1), dtype=x.dtype), dst, num_segments=N)
    mean_agg = agg / jnp.maximum(deg, 1.0)
    return mean_agg @ Wl + bl + x @ Wr


def reference(x, edge_index, edge_attr, Wl, bl, Wr, ln_w, ln_b, Wres, bres, Wfc, bfc):
    # edge_attr is read by the torch forward but unused by SAGEConv
    h = x
    for i in range(L):
        residual = h @ Wres + bres if i == 0 else h
        h = _sage_conv(h, edge_index, Wl[i], bl[i], Wr[i])
        h = _layernorm(h, ln_w[i], ln_b[i])
        h = jax.nn.relu(h)
        # dropout is a no-op in eval mode
        h = h + residual
    return h @ Wfc + bfc

if __name__ == "__main__":
    import jax
    _d = setup_inputs()
    print(jax.jit(kernel)(*tuple(_d.values())))

</pallas_src>

<mosaic_0001>
#map = affine_map<(d0, d1) -> (0, 0)>
#map1 = affine_map<(d0, d1) -> (0)>
#map2 = affine_map<(d0, d1) -> (0, 0, 0)>
module attributes {stable_mosaic.version = 14 : i64} {
  func.func @body(%arg0: i32, %arg1: i32, %arg2: memref<10000x128xf32, #tpu.memory_space<hbm>>, %arg3: memref<320000xi32, #tpu.memory_space<hbm>>, %arg4: memref<320000xi32, #tpu.memory_space<hbm>>, %arg5: memref<2x10000x128xf32, #tpu.memory_space<hbm>>, %arg6: memref<10000x128xf32, #tpu.memory_space<vmem_shared>>, %arg7: memref<2000xi32, #tpu.memory_space<vmem>>, %arg8: memref<2000xi32, #tpu.memory_space<vmem>>, %arg9: memref<80xi32, #tpu.memory_space<vmem>>, %arg10: memref<80xi32, #tpu.memory_space<vmem>>, %arg11: memref<80x128xf32, #tpu.memory_space<vmem>>, %arg12: memref<80x128xf32, #tpu.memory_space<vmem>>, %arg13: memref<!tpu.dma_semaphore, #tpu.memory_space<semaphore_mem>>) attributes {dimension_semantics = [#tpu.dimension_semantics<core_parallel>, #tpu.dimension_semantics<subcore_parallel>], iteration_bounds = array<i64: 2, 16>, scalar_prefetch = 0 : i64, scratch_operands = 8 : i64, tpu.core_type = #tpu.core_type<sc_vector_subcore>, window_params = [{transform_indices = #map}, {transform_indices = #map1}, {transform_indices = #map1}, {transform_indices = #map2}]} {
    %mul3A = arith.constant 2 : i32
    %mul3A_0 = arith.muli %arg1, %mul3A : i32
    %add3A = arith.addi %mul3A_0, %arg0 : i32
    %broadcast_in_dim3A = arith.constant 0.000000e+00 : f32
    %broadcast_in_dim3A_1 = vector.broadcast %broadcast_in_dim3A : f32 to vector<16xf32>
    %broadcast_in_dim3A_2 = arith.constant 1.000000e+00 : f32
    %broadcast_in_dim3A_3 = vector.broadcast %broadcast_in_dim3A_2 : f32 to vector<16xf32>
    %scan3A = arith.constant 0 : i32
    %scan3A_4 = arith.constant 0 : i32
    %scan3A_5 = arith.constant 640 : i32
    %scan3A_6 = arith.addi %scan3A_4, %scan3A_5 : i32
    %scan3A_7 = arith.constant 1 : i32
    %scan3A_8 = scf.for %scan3A_127 = %scan3A_4 to %scan3A_6 step %scan3A_7 iter_args(%scan3A_128 = %scan3A) -> (i32)  : i32 {
      %jit3A = arith.constant 8 : i32
      %div3A = arith.divsi %scan3A_127, %jit3A : i32
      %sign3A = arith.constant 0 : i32
      %sign3A_129 = arith.cmpi sgt, %scan3A_127, %sign3A : i32
      %sign3A_130 = arith.extui %sign3A_129 : i1 to i32
      %sign3A_131 = arith.constant 0 : i32
      %sign3A_132 = arith.cmpi slt, %scan3A_127, %sign3A_131 : i32
      %sign3A_133 = arith.extui %sign3A_132 : i1 to i32
      %sign3A_134 = arith.subi %sign3A_130, %sign3A_133 : i32
      %sign3A_135 = arith.constant 0 : i32
      %sign3A_136 = arith.cmpi sgt, %jit3A, %sign3A_135 : i32
      %sign3A_137 = arith.extui %sign3A_136 : i1 to i32
      %sign3A_138 = arith.constant 0 : i32
      %sign3A_139 = arith.cmpi slt, %jit3A, %sign3A_138 : i32
      %sign3A_140 = arith.extui %sign3A_139 : i1 to i32
      %sign3A_141 = arith.subi %sign3A_137, %sign3A_140 : i32
      %ne3A = arith.cmpi ne, %sign3A_134, %sign3A_141 : i32
      %rem3A = arith.remsi %scan3A_127, %jit3A : i32
      %ne3A_142 = arith.constant 0 : i32
      %ne3A_143 = arith.cmpi ne, %rem3A, %ne3A_142 : i32
      %and3A = arith.andi %ne3A, %ne3A_143 : i1
      %sub3A = arith.constant 1 : i32
      %sub3A_144 = arith.subi %div3A, %sub3A : i32
      %select_n3A = arith.select %and3A, %sub3A_144, %div3A : i32
      %jit3A_145 = arith.constant 8 : i32
      %eq3A = arith.constant 0 : i32
      %eq3A_146 = arith.cmpi eq, %jit3A_145, %eq3A : i32
      %jit3A_147 = arith.constant 1 : i32
      %select_n3A_148 = arith.select %eq3A_146, %jit3A_147, %jit3A_145 : i32
      %rem3A_149 = arith.remsi %scan3A_127, %select_n3A_148 : i32
      %ne3A_150 = arith.constant 0 : i32
      %ne3A_151 = arith.cmpi ne, %rem3A_149, %ne3A_150 : i32
      %lt3A_152 = arith.constant 0 : i32
      %lt3A_153 = arith.cmpi slt, %rem3A_149, %lt3A_152 : i32
      %lt3A_154 = arith.constant 0 : i32
      %lt3A_155 = arith.cmpi slt, %select_n3A_148, %lt3A_154 : i32
      %ne3A_156 = arith.xori %lt3A_153, %lt3A_155 : i1
      %and3A_157 = arith.andi %ne3A_156, %ne3A_151 : i1
      %add3A_158 = arith.addi %rem3A_149, %select_n3A_148 : i32
      %select_n3A_159 = arith.select %and3A_157, %add3A_158, %rem3A_149 : i32
      %mul3A_160 = arith.constant 16 : i32
      %mul3A_161 = arith.muli %select_n3A_159, %mul3A_160 : i32
      %swap3A = arith.index_cast %select_n3A : i32 to index
      %swap3A_162 = arith.index_cast %mul3A_161 : i32 to index
      %swap3A_163 = tpu.vector_load %arg12[%swap3A, %swap3A_162] {strides = array<i32>} : memref<80x128xf32, #tpu.memory_space<vmem>>, vector<16xf32>,
      tpu.vector_store %arg12[%swap3A, %swap3A_162], %broadcast_in_dim3A_1 {strides = array<i32>} : memref<80x128xf32, #tpu.memory_space<vmem>>, vector<16xf32>,
      %scan3A_164 = arith.constant 0 : i32
      scf.yield %scan3A_164 : i32
    }
    %scan3A_9 = arith.constant 640 : i32
    %add3A_10 = arith.constant 0 : i32
    %add3A_11 = arith.addi %arg1, %add3A_10 : i32
    %lt3A = arith.constant 125 : i32
    %lt3A_12 = arith.cmpi slt, %add3A_11, %lt3A : i32
    %convert_element_type3A = arith.extui %lt3A_12 : i1 to i32
    %cond3A = arith.constant 0 : i32
    %cond3A_13 = arith.cmpi ne, %convert_element_type3A, %cond3A : i32
    scf.if %cond3A_13 {
      %mul3A_127 = arith.constant 80 : i32
      %mul3A_128 = arith.muli %add3A_11, %mul3A_127 : i32
      "tpu.region"() ({
        %run_scoped3A = tpu.sem_alloc : memref<!tpu.dma_semaphore, #tpu.memory_space<semaphore_mem>>
        %dma_start3A = arith.constant 0 : i32
        %dma_start3A_129 = tpu.memref_slice %arg6[%mul3A_128, %dma_start3A] : memref<10000x128xf32, #tpu.memory_space<vmem_shared>> -> memref<80x128xf32, #tpu.memory_space<vmem_shared>>
        %dma_start3A_130 = arith.constant 0 : i32
        %dma_start3A_131 = tpu.memref_slice %arg6[%mul3A_128, %dma_start3A_130] : memref<10000x128xf32, #tpu.memory_space<vmem_shared>> -> memref<80x128xf32, #tpu.memory_space<vmem_shared>>
        tpu.enqueue_dma source(%arg12 : memref<80x128xf32, #tpu.memory_space<vmem>>) target(%dma_start3A_131 : memref<80x128xf32, #tpu.memory_space<vmem_shared>>) target_semaphore(%run_scoped3A : memref<!tpu.dma_semaphore, #tpu.memory_space<semaphore_mem>>)
        %dma_wait3A = arith.constant 0 : i32
        %dma_wait3A_132 = tpu.memref_slice %arg6[%mul3A_128, %dma_wait3A] : memref<10000x128xf32, #tpu.memory_space<vmem_shared>> -> memref<80x128xf32, #tpu.memory_space<vmem_shared>>
        %dma_wait3A_133 = arith.constant 0 : i32
        %dma_wait3A_134 = tpu.memref_slice %arg6[%mul3A_128, %dma_wait3A_133] : memref<10000x128xf32, #tpu.memory_space<vmem_shared>> -> memref<80x128xf32, #tpu.memory_space<vmem_shared>>
        tpu.wait_dma2 semaphore(%run_scoped3A : memref<!tpu.dma_semaphore, #tpu.memory_space<semaphore_mem>>) src(%arg12 : memref<80x128xf32, #tpu.memory_space<vmem>>) dst(%dma_wait3A_134 : memref<80x128xf32, #tpu.memory_space<vmem_shared>>)
        tpu.yield
      }) : () -> ()
    } else {
    }
    %add3A_14 = arith.constant 16 : i32
    %add3A_15 = arith.addi %arg1, %add3A_14 : i32
    %lt3A_16 = arith.constant 125 : i32
    %lt3A_17 = arith.cmpi slt, %add3A_15, %lt3A_16 : i32
    %convert_element_type3A_18 = arith.extui %lt3A_17 : i1 to i32
    %cond3A_19 = arith.constant 0 : i32
    %cond3A_20 = arith.cmpi ne, %convert_element_type3A_18, %cond3A_19 : i32
    scf.if %cond3A_20 {
      %mul3A_127 = arith.constant 80 : i32
      %mul3A_128 = arith.muli %add3A_15, %mul3A_127 : i32
      "tpu.region"() ({
        %run_scoped3A = tpu.sem_alloc : memref<!tpu.dma_semaphore, #tpu.memory_space<semaphore_mem>>
        %dma_start3A = arith.constant 0 : i32
        %dma_start3A_129 = tpu.memref_slice %arg6[%mul3A_128, %dma_start3A] : memref<10000x128xf32, #tpu.memory_space<vmem_shared>> -> memref<80x128xf32, #tpu.memory_space<vmem_shared>>
        %dma_start3A_130 = arith.constant 0 : i32
        %dma_start3A_131 = tpu.memref_slice %arg6[%mul3A_128, %dma_start3A_130] : memref<10000x128xf32, #tpu.memory_space<vmem_shared>> -> memref<80x128xf32, #tpu.memory_space<vmem_shared>>
        tpu.enqueue_dma source(%arg12 : memref<80x128xf32, #tpu.memory_space<vmem>>) target(%dma_start3A_131 : memref<80x128xf32, #tpu.memory_space<vmem_shared>>) target_semaphore(%run_scoped3A : memref<!tpu.dma_semaphore, #tpu.memory_space<semaphore_mem>>)
        %dma_wait3A = arith.constant 0 : i32
        %dma_wait3A_132 = tpu.memref_slice %arg6[%mul3A_128, %dma_wait3A] : memref<10000x128xf32, #tpu.memory_space<vmem_shared>> -> memref<80x128xf32, #tpu.memory_space<vmem_shared>>
        %dma_wait3A_133 = arith.constant 0 : i32
        %dma_wait3A_134 = tpu.memref_slice %arg6[%mul3A_128, %dma_wait3A_133] : memref<10000x128xf32, #tpu.memory_space<vmem_shared>> -> memref<80x128xf32, #tpu.memory_space<vmem_shared>>
        tpu.wait_dma2 semaphore(%run_scoped3A : memref<!tpu.dma_semaphore, #tpu.memory_space<semaphore_mem>>) src(%arg12 : memref<80x128xf32, #tpu.memory_space<vmem>>) dst(%dma_wait3A_134 : memref<80x128xf32, #tpu.memory_space<vmem_shared>>)
        tpu.yield
      }) : () -> ()
    } else {
    }
    %add3A_21 = arith.constant 32 : i32
    %add3A_22 = arith.addi %arg1, %add3A_21 : i32
    %lt3A_23 = arith.constant 125 : i32
    %lt3A_24 = arith.cmpi slt, %add3A_22, %lt3A_23 : i32
    %convert_element_type3A_25 = arith.extui %lt3A_24 : i1 to i32
    %cond3A_26 = arith.constant 0 : i32
    %cond3A_27 = arith.cmpi ne, %convert_element_type3A_25, %cond3A_26 : i32
    scf.if %cond3A_27 {
      %mul3A_127 = arith.constant 80 : i32
      %mul3A_128 = arith.muli %add3A_22, %mul3A_127 : i32
      "tpu.region"() ({
        %run_scoped3A = tpu.sem_alloc : memref<!tpu.dma_semaphore, #tpu.memory_space<semaphore_mem>>
        %dma_start3A = arith.constant 0 : i32
        %dma_start3A_129 = tpu.memref_slice %arg6[%mul3A_128, %dma_start3A] : memref<10000x128xf32, #tpu.memory_space<vmem_shared>> -> memref<80x128xf32, #tpu.memory_space<vmem_shared>>
        %dma_start3A_130 = arith.constant 0 : i32
        %dma_start3A_131 = tpu.memref_slice %arg6[%mul3A_128, %dma_start3A_130] : memref<10000x128xf32, #tpu.memory_space<vmem_shared>> -> memref<80x128xf32, #tpu.memory_space<vmem_shared>>
        tpu.enqueue_dma source(%arg12 : memref<80x128xf32, #tpu.memory_space<vmem>>) target(%dma_start3A_131 : memref<80x128xf32, #tpu.memory_space<vmem_shared>>) target_semaphore(%run_scoped3A : memref<!tpu.dma_semaphore, #tpu.memory_space<semaphore_mem>>)
        %dma_wait3A = arith.constant 0 : i32
        %dma_wait3A_132 = tpu.memref_slice %arg6[%mul3A_128, %dma_wait3A] : memref<10000x128xf32, #tpu.memory_space<vmem_shared>> -> memref<80x128xf32, #tpu.memory_space<vmem_shared>>
        %dma_wait3A_133 = arith.constant 0 : i32
        %dma_wait3A_134 = tpu.memref_slice %arg6[%mul3A_128, %dma_wait3A_133] : memref<10000x128xf32, #tpu.memory_space<vmem_shared>> -> memref<80x128xf32, #tpu.memory_space<vmem_shared>>
        tpu.wait_dma2 semaphore(%run_scoped3A : memref<!tpu.dma_semaphore, #tpu.memory_space<semaphore_mem>>) src(%arg12 : memref<80x128xf32, #tpu.memory_space<vmem>>) dst(%dma_wait3A_134 : memref<80x128xf32, #tpu.memory_space<vmem_shared>>)
        tpu.yield
      }) : () -> ()
    } else {
    }
    %add3A_28 = arith.constant 48 : i32
    %add3A_29 = arith.addi %arg1, %add3A_28 : i32
    %lt3A_30 = arith.constant 125 : i32
    %lt3A_31 = arith.cmpi slt, %add3A_29, %lt3A_30 : i32
    %convert_element_type3A_32 = arith.extui %lt3A_31 : i1 to i32
    %cond3A_33 = arith.constant 0 : i32
    %cond3A_34 = arith.cmpi ne, %convert_element_type3A_32, %cond3A_33 : i32
    scf.if %cond3A_34 {
      %mul3A_127 = arith.constant 80 : i32
      %mul3A_128 = arith.muli %add3A_29, %mul3A_127 : i32
      "tpu.region"() ({
        %run_scoped3A = tpu.sem_alloc : memref<!tpu.dma_semaphore, #tpu.memory_space<semaphore_mem>>
        %dma_start3A = arith.constant 0 : i32
        %dma_start3A_129 = tpu.memref_slice %arg6[%mul3A_128, %dma_start3A] : memref<10000x128xf32, #tpu.memory_space<vmem_shared>> -> memref<80x128xf32, #tpu.memory_space<vmem_shared>>
        %dma_start3A_130 = arith.constant 0 : i32
        %dma_start3A_131 = tpu.memref_slice %arg6[%mul3A_128, %dma_start3A_130] : memref<10000x128xf32, #tpu.memory_space<vmem_shared>> -> memref<80x128xf32, #tpu.memory_space<vmem_shared>>
        tpu.enqueue_dma source(%arg12 : memref<80x128xf32, #tpu.memory_space<vmem>>) target(%dma_start3A_131 : memref<80x128xf32, #tpu.memory_space<vmem_shared>>) target_semaphore(%run_scoped3A : memref<!tpu.dma_semaphore, #tpu.memory_space<semaphore_mem>>)
        %dma_wait3A = arith.constant 0 : i32
        %dma_wait3A_132 = tpu.memref_slice %arg6[%mul3A_128, %dma_wait3A] : memref<10000x128xf32, #tpu.memory_space<vmem_shared>> -> memref<80x128xf32, #tpu.memory_space<vmem_shared>>
        %dma_wait3A_133 = arith.constant 0 : i32
        %dma_wait3A_134 = tpu.memref_slice %arg6[%mul3A_128, %dma_wait3A_133] : memref<10000x128xf32, #tpu.memory_space<vmem_shared>> -> memref<80x128xf32, #tpu.memory_space<vmem_shared>>
        tpu.wait_dma2 semaphore(%run_scoped3A : memref<!tpu.dma_semaphore, #tpu.memory_space<semaphore_mem>>) src(%arg12 : memref<80x128xf32, #tpu.memory_space<vmem>>) dst(%dma_wait3A_134 : memref<80x128xf32, #tpu.memory_space<vmem_shared>>)
        tpu.yield
      }) : () -> ()
    } else {
    }
    %add3A_35 = arith.constant 64 : i32
    %add3A_36 = arith.addi %arg1, %add3A_35 : i32
    %lt3A_37 = arith.constant 125 : i32
    %lt3A_38 = arith.cmpi slt, %add3A_36, %lt3A_37 : i32
    %convert_element_type3A_39 = arith.extui %lt3A_38 : i1 to i32
    %cond3A_40 = arith.constant 0 : i32
    %cond3A_41 = arith.cmpi ne, %convert_element_type3A_39, %cond3A_40 : i32
    scf.if %cond3A_41 {
      %mul3A_127 = arith.constant 80 : i32
      %mul3A_128 = arith.muli %add3A_36, %mul3A_127 : i32
      "tpu.region"() ({
        %run_scoped3A = tpu.sem_alloc : memref<!tpu.dma_semaphore, #tpu.memory_space<semaphore_mem>>
        %dma_start3A = arith.constant 0 : i32
        %dma_start3A_129 = tpu.memref_slice %arg6[%mul3A_128, %dma_start3A] : memref<10000x128xf32, #tpu.memory_space<vmem_shared>> -> memref<80x128xf32, #tpu.memory_space<vmem_shared>>
        %dma_start3A_130 = arith.constant 0 : i32
        %dma_start3A_131 = tpu.memref_slice %arg6[%mul3A_128, %dma_start3A_130] : memref<10000x128xf32, #tpu.memory_space<vmem_shared>> -> memref<80x128xf32, #tpu.memory_space<vmem_shared>>
        tpu.enqueue_dma source(%arg12 : memref<80x128xf32, #tpu.memory_space<vmem>>) target(%dma_start3A_131 : memref<80x128xf32, #tpu.memory_space<vmem_shared>>) target_semaphore(%run_scoped3A : memref<!tpu.dma_semaphore, #tpu.memory_space<semaphore_mem>>)
        %dma_wait3A = arith.constant 0 : i32
        %dma_wait3A_132 = tpu.memref_slice %arg6[%mul3A_128, %dma_wait3A] : memref<10000x128xf32, #tpu.memory_space<vmem_shared>> -> memref<80x128xf32, #tpu.memory_space<vmem_shared>>
        %dma_wait3A_133 = arith.constant 0 : i32
        %dma_wait3A_134 = tpu.memref_slice %arg6[%mul3A_128, %dma_wait3A_133] : memref<10000x128xf32, #tpu.memory_space<vmem_shared>> -> memref<80x128xf32, #tpu.memory_space<vmem_shared>>
        tpu.wait_dma2 semaphore(%run_scoped3A : memref<!tpu.dma_semaphore, #tpu.memory_space<semaphore_mem>>) src(%arg12 : memref<80x128xf32, #tpu.memory_space<vmem>>) dst(%dma_wait3A_134 : memref<80x128xf32, #tpu.memory_space<vmem_shared>>)
        tpu.yield
      }) : () -> ()
    } else {
    }
    %add3A_42 = arith.constant 80 : i32
    %add3A_43 = arith.addi %arg1, %add3A_42 : i32
    %lt3A_44 = arith.constant 125 : i32
    %lt3A_45 = arith.cmpi slt, %add3A_43, %lt3A_44 : i32
    %convert_element_type3A_46 = arith.extui %lt3A_45 : i1 to i32
    %cond3A_47 = arith.constant 0 : i32
    %cond3A_48 = arith.cmpi ne, %convert_element_type3A_46, %cond3A_47 : i32
    scf.if %cond3A_48 {
      %mul3A_127 = arith.constant 80 : i32
      %mul3A_128 = arith.muli %add3A_43, %mul3A_127 : i32
      "tpu.region"() ({
        %run_scoped3A = tpu.sem_alloc : memref<!tpu.dma_semaphore, #tpu.memory_space<semaphore_mem>>
        %dma_start3A = arith.constant 0 : i32
        %dma_start3A_129 = tpu.memref_slice %arg6[%mul3A_128, %dma_start3A] : memref<10000x128xf32, #tpu.memory_space<vmem_shared>> -> memref<80x128xf32, #tpu.memory_space<vmem_shared>>
        %dma_start3A_130 = arith.constant 0 : i32
        %dma_start3A_131 = tpu.memref_slice %arg6[%mul3A_128, %dma_start3A_130] : memref<10000x128xf32, #tpu.memory_space<vmem_shared>> -> memref<80x128xf32, #tpu.memory_space<vmem_shared>>
        tpu.enqueue_dma source(%arg12 : memref<80x128xf32, #tpu.memory_space<vmem>>) target(%dma_start3A_131 : memref<80x128xf32, #tpu.memory_space<vmem_shared>>) target_semaphore(%run_scoped3A : memref<!tpu.dma_semaphore, #tpu.memory_space<semaphore_mem>>)
        %dma_wait3A = arith.constant 0 : i32
        %dma_wait3A_132 = tpu.memref_slice %arg6[%mul3A_128, %dma_wait3A] : memref<10000x128xf32, #tpu.memory_space<vmem_shared>> -> memref<80x128xf32, #tpu.memory_space<vmem_shared>>
        %dma_wait3A_133 = arith.constant 0 : i32
        %dma_wait3A_134 = tpu.memref_slice %arg6[%mul3A_128, %dma_wait3A_133] : memref<10000x128xf32, #tpu.memory_space<vmem_shared>> -> memref<80x128xf32, #tpu.memory_space<vmem_shared>>
        tpu.wait_dma2 semaphore(%run_scoped3A : memref<!tpu.dma_semaphore, #tpu.memory_space<semaphore_mem>>) src(%arg12 : memref<80x128xf32, #tpu.memory_space<vmem>>) dst(%dma_wait3A_134 : memref<80x128xf32, #tpu.memory_space<vmem_shared>>)
        tpu.yield
      }) : () -> ()
    } else {
    }
    %add3A_49 = arith.constant 96 : i32
    %add3A_50 = arith.addi %arg1, %add3A_49 : i32
    %lt3A_51 = arith.constant 125 : i32
    %lt3A_52 = arith.cmpi slt, %add3A_50, %lt3A_51 : i32
    %convert_element_type3A_53 = arith.extui %lt3A_52 : i1 to i32
    %cond3A_54 = arith.constant 0 : i32
    %cond3A_55 = arith.cmpi ne, %convert_element_type3A_53, %cond3A_54 : i32
    scf.if %cond3A_55 {
      %mul3A_127 = arith.constant 80 : i32
      %mul3A_128 = arith.muli %add3A_50, %mul3A_127 : i32
      "tpu.region"() ({
        %run_scoped3A = tpu.sem_alloc : memref<!tpu.dma_semaphore, #tpu.memory_space<semaphore_mem>>
        %dma_start3A = arith.constant 0 : i32
        %dma_start3A_129 = tpu.memref_slice %arg6[%mul3A_128, %dma_start3A] : memref<10000x128xf32, #tpu.memory_space<vmem_shared>> -> memref<80x128xf32, #tpu.memory_space<vmem_shared>>
        %dma_start3A_130 = arith.constant 0 : i32
        %dma_start3A_131 = tpu.memref_slice %arg6[%mul3A_128, %dma_start3A_130] : memref<10000x128xf32, #tpu.memory_space<vmem_shared>> -> memref<80x128xf32, #tpu.memory_space<vmem_shared>>
        tpu.enqueue_dma source(%arg12 : memref<80x128xf32, #tpu.memory_space<vmem>>) target(%dma_start3A_131 : memref<80x128xf32, #tpu.memory_space<vmem_shared>>) target_semaphore(%run_scoped3A : memref<!tpu.dma_semaphore, #tpu.memory_space<semaphore_mem>>)
        %dma_wait3A = arith.constant 0 : i32
        %dma_wait3A_132 = tpu.memref_slice %arg6[%mul3A_128, %dma_wait3A] : memref<10000x128xf32, #tpu.memory_space<vmem_shared>> -> memref<80x128xf32, #tpu.memory_space<vmem_shared>>
        %dma_wait3A_133 = arith.constant 0 : i32
        %dma_wait3A_134 = tpu.memref_slice %arg6[%mul3A_128, %dma_wait3A_133] : memref<10000x128xf32, #tpu.memory_space<vmem_shared>> -> memref<80x128xf32, #tpu.memory_space<vmem_shared>>
        tpu.wait_dma2 semaphore(%run_scoped3A : memref<!tpu.dma_semaphore, #tpu.memory_space<semaphore_mem>>) src(%arg12 : memref<80x128xf32, #tpu.memory_space<vmem>>) dst(%dma_wait3A_134 : memref<80x128xf32, #tpu.memory_space<vmem_shared>>)
        tpu.yield
      }) : () -> ()
    } else {
    }
    %add3A_56 = arith.constant 112 : i32
    %add3A_57 = arith.addi %arg1, %add3A_56 : i32
    %lt3A_58 = arith.constant 125 : i32
    %lt3A_59 = arith.cmpi slt, %add3A_57, %lt3A_58 : i32
    %convert_element_type3A_60 = arith.extui %lt3A_59 : i1 to i32
    %cond3A_61 = arith.constant 0 : i32
    %cond3A_62 = arith.cmpi ne, %convert_element_type3A_60, %cond3A_61 : i32
    scf.if %cond3A_62 {
      %mul3A_127 = arith.constant 80 : i32
      %mul3A_128 = arith.muli %add3A_57, %mul3A_127 : i32
      "tpu.region"() ({
        %run_scoped3A = tpu.sem_alloc : memref<!tpu.dma_semaphore, #tpu.memory_space<semaphore_mem>>
        %dma_start3A = arith.constant 0 : i32
        %dma_start3A_129 = tpu.memref_slice %arg6[%mul3A_128, %dma_start3A] : memref<10000x128xf32, #tpu.memory_space<vmem_shared>> -> memref<80x128xf32, #tpu.memory_space<vmem_shared>>
        %dma_start3A_130 = arith.constant 0 : i32
        %dma_start3A_131 = tpu.memref_slice %arg6[%mul3A_128, %dma_start3A_130] : memref<10000x128xf32, #tpu.memory_space<vmem_shared>> -> memref<80x128xf32, #tpu.memory_space<vmem_shared>>
        tpu.enqueue_dma source(%arg12 : memref<80x128xf32, #tpu.memory_space<vmem>>) target(%dma_start3A_131 : memref<80x128xf32, #tpu.memory_space<vmem_shared>>) target_semaphore(%run_scoped3A : memref<!tpu.dma_semaphore, #tpu.memory_space<semaphore_mem>>)
        %dma_wait3A = arith.constant 0 : i32
        %dma_wait3A_132 = tpu.memref_slice %arg6[%mul3A_128, %dma_wait3A] : memref<10000x128xf32, #tpu.memory_space<vmem_shared>> -> memref<80x128xf32, #tpu.memory_space<vmem_shared>>
        %dma_wait3A_133 = arith.constant 0 : i32
        %dma_wait3A_134 = tpu.memref_slice %arg6[%mul3A_128, %dma_wait3A_133] : memref<10000x128xf32, #tpu.memory_space<vmem_shared>> -> memref<80x128xf32, #tpu.memory_space<vmem_shared>>
        tpu.wait_dma2 semaphore(%run_scoped3A : memref<!tpu.dma_semaphore, #tpu.memory_space<semaphore_mem>>) src(%arg12 : memref<80x128xf32, #tpu.memory_space<vmem>>) dst(%dma_wait3A_134 : memref<80x128xf32, #tpu.memory_space<vmem_shared>>)
        tpu.yield
      }) : () -> ()
    } else {
    }
    %barrier3A = arith.constant 0 : index
    tpu.barrier barrier_id(%barrier3A)
    %scan3A_63 = arith.constant 0 : i32
    %scan3A_64 = arith.constant 0 : i32
    %scan3A_65 = arith.constant 5 : i32
    %scan3A_66 = arith.addi %scan3A_64, %scan3A_65 : i32
    %scan3A_67 = arith.constant 1 : i32
    %scan3A_68 = scf.for %scan3A_127 = %scan3A_64 to %scan3A_66 step %scan3A_67 iter_args(%scan3A_128 = %scan3A_63) -> (i32)  : i32 {
      %mul3A_129 = arith.constant 10000 : i32
      %mul3A_130 = arith.muli %add3A, %mul3A_129 : i32
      %mul3A_131 = arith.constant 2000 : i32
      %mul3A_132 = arith.muli %scan3A_127, %mul3A_131 : i32
      %add3A_133 = arith.addi %mul3A_130, %mul3A_132 : i32
      "tpu.region"() ({
        %run_scoped3A = tpu.sem_alloc : memref<!tpu.dma_semaphore, #tpu.memory_space<semaphore_mem>>
        %dma_start3A = tpu.memref_slice %arg3[%add3A_133] : memref<320000xi32, #tpu.memory_space<hbm>> -> memref<2000xi32, #tpu.memory_space<hbm>>
        %dma_start3A_142 = tpu.memref_slice %arg3[%add3A_133] : memref<320000xi32, #tpu.memory_space<hbm>> -> memref<2000xi32, #tpu.memory_space<hbm>>
        tpu.enqueue_dma source(%dma_start3A_142 : memref<2000xi32, #tpu.memory_space<hbm>>) target(%arg7 : memref<2000xi32, #tpu.memory_space<vmem>>) target_semaphore(%run_scoped3A : memref<!tpu.dma_semaphore, #tpu.memory_space<semaphore_mem>>)
        %dma_wait3A = tpu.memref_slice %arg3[%add3A_133] : memref<320000xi32, #tpu.memory_space<hbm>> -> memref<2000xi32, #tpu.memory_space<hbm>>
        %dma_wait3A_143 = tpu.memref_slice %arg3[%add3A_133] : memref<320000xi32, #tpu.memory_space<hbm>> -> memref<2000xi32, #tpu.memory_space<hbm>>
        tpu.wait_dma2 semaphore(%run_scoped3A : memref<!tpu.dma_semaphore, #tpu.memory_space<semaphore_mem>>) src(%dma_wait3A_143 : memref<2000xi32, #tpu.memory_space<hbm>>) dst(%arg7 : memref<2000xi32, #tpu.memory_space<vmem>>)
        tpu.yield
      }) : () -> ()
      "tpu.region"() ({
        %run_scoped3A = tpu.sem_alloc : memref<!tpu.dma_semaphore, #tpu.memory_space<semaphore_mem>>
        %dma_start3A = tpu.memref_slice %arg4[%add3A_133] : memref<320000xi32, #tpu.memory_space<hbm>> -> memref<2000xi32, #tpu.memory_space<hbm>>
        %dma_start3A_142 = tpu.memref_slice %arg4[%add3A_133] : memref<320000xi32, #tpu.memory_space<hbm>> -> memref<2000xi32, #tpu.memory_space<hbm>>
        tpu.enqueue_dma source(%dma_start3A_142 : memref<2000xi32, #tpu.memory_space<hbm>>) target(%arg8 : memref<2000xi32, #tpu.memory_space<vmem>>) target_semaphore(%run_scoped3A : memref<!tpu.dma_semaphore, #tpu.memory_space<semaphore_mem>>)
        %dma_wait3A = tpu.memref_slice %arg4[%add3A_133] : memref<320000xi32, #tpu.memory_space<hbm>> -> memref<2000xi32, #tpu.memory_space<hbm>>
        %dma_wait3A_143 = tpu.memref_slice %arg4[%add3A_133] : memref<320000xi32, #tpu.memory_space<hbm>> -> memref<2000xi32, #tpu.memory_space<hbm>>
        tpu.wait_dma2 semaphore(%run_scoped3A : memref<!tpu.dma_semaphore, #tpu.memory_space<semaphore_mem>>) src(%dma_wait3A_143 : memref<2000xi32, #tpu.memory_space<hbm>>) dst(%arg8 : memref<2000xi32, #tpu.memory_space<vmem>>)
        tpu.yield
      }) : () -> ()
      %scan3A_134 = arith.constant 0 : i32
      %scan3A_135 = arith.constant 0 : i32
      %scan3A_136 = arith.constant 25 : i32
      %scan3A_137 = arith.addi %scan3A_135, %scan3A_136 : i32
      %scan3A_138 = arith.constant 1 : i32
      %scan3A_139 = scf.for %scan3A_142 = %scan3A_135 to %scan3A_137 step %scan3A_138 iter_args(%scan3A_143 = %scan3A_134) -> (i32)  : i32 {
        %mul3A_144 = arith.constant 80 : i32
        %mul3A_145 = arith.muli %scan3A_142, %mul3A_144 : i32
        %add3A_146 = arith.constant 0 : i32
        %add3A_147 = arith.addi %mul3A_145, %add3A_146 : i32
        %get3A = arith.index_cast %add3A_147 : i32 to index
        %get3A_148 = tpu.vector_load %arg7[%get3A] {strides = array<i32>} : memref<2000xi32, #tpu.memory_space<vmem>>, vector<16xi32>,
        %swap3A = arith.constant 0 : index
        %swap3A_149 = tpu.vector_load %arg9[%swap3A] {strides = array<i32>} : memref<80xi32, #tpu.memory_space<vmem>>, vector<16xi32>,
        tpu.vector_store %arg9[%swap3A], %get3A_148 {strides = array<i32>} : memref<80xi32, #tpu.memory_space<vmem>>, vector<16xi32>,
        %add3A_150 = arith.constant 0 : i32
        %add3A_151 = arith.addi %mul3A_145, %add3A_150 : i32
        %get3A_152 = arith.index_cast %add3A_151 : i32 to index
        %get3A_153 = tpu.vector_load %arg8[%get3A_152] {strides = array<i32>} : memref<2000xi32, #tpu.memory_space<vmem>>, vector<16xi32>,
        %swap3A_154 = arith.constant 0 : index
        %swap3A_155 = tpu.vector_load %arg10[%swap3A_154] {strides = array<i32>} : memref<80xi32, #tpu.memory_space<vmem>>, vector<16xi32>,
        tpu.vector_store %arg10[%swap3A_154], %get3A_153 {strides = array<i32>} : memref<80xi32, #tpu.memory_space<vmem>>, vector<16xi32>,
        %add3A_156 = arith.constant 16 : i32
        %add3A_157 = arith.addi %mul3A_145, %add3A_156 : i32
        %get3A_158 = arith.index_cast %add3A_157 : i32 to index
        %get3A_159 = tpu.vector_load %arg7[%get3A_158] {strides = array<i32>} : memref<2000xi32, #tpu.memory_space<vmem>>, vector<16xi32>,
        %swap3A_160 = arith.constant 16 : index
        %swap3A_161 = tpu.vector_load %arg9[%swap3A_160] {strides = array<i32>} : memref<80xi32, #tpu.memory_space<vmem>>, vector<16xi32>,
        tpu.vector_store %arg9[%swap3A_160], %get3A_159 {strides = array<i32>} : memref<80xi32, #tpu.memory_space<vmem>>, vector<16xi32>,
        %add3A_162 = arith.constant 16 : i32
        %add3A_163 = arith.addi %mul3A_145, %add3A_162 : i32
        %get3A_164 = arith.index_cast %add3A_163 : i32 to index
        %get3A_165 = tpu.vector_load %arg8[%get3A_164] {strides = array<i32>} : memref<2000xi32, #tpu.memory_space<vmem>>, vector<16xi32>,
        %swap3A_166 = arith.constant 16 : index
        %swap3A_167 = tpu.vector_load %arg10[%swap3A_166] {strides = array<i32>} : memref<80xi32, #tpu.memory_space<vmem>>, vector<16xi32>,
        tpu.vector_store %arg10[%swap3A_166], %get3A_165 {strides = array<i32>} : memref<80xi32, #tpu.memory_space<vmem>>, vector<16xi32>,
        %add3A_168 = arith.constant 32 : i32
        %add3A_169 = arith.addi %mul3A_145, %add3A_168 : i32
        %get3A_170 = arith.index_cast %add3A_169 : i32 to index
        %get3A_171 = tpu.vector_load %arg7[%get3A_170] {strides = array<i32>} : memref<2000xi32, #tpu.memory_space<vmem>>, vector<16xi32>,
        %swap3A_172 = arith.constant 32 : index
        %swap3A_173 = tpu.vector_load %arg9[%swap3A_172] {strides = array<i32>} : memref<80xi32, #tpu.memory_space<vmem>>, vector<16xi32>,
        tpu.vector_store %arg9[%swap3A_172], %get3A_171 {strides = array<i32>} : memref<80xi32, #tpu.memory_space<vmem>>, vector<16xi32>,
        %add3A_174 = arith.constant 32 : i32
        %add3A_175 = arith.addi %mul3A_145, %add3A_174 : i32
        %get3A_176 = arith.index_cast %add3A_175 : i32 to index
        %get3A_177 = tpu.vector_load %arg8[%get3A_176] {strides = array<i32>} : memref<2000xi32, #tpu.memory_space<vmem>>, vector<16xi32>,
        %swap3A_178 = arith.constant 32 : index
        %swap3A_179 = tpu.vector_load %arg10[%swap3A_178] {strides = array<i32>} : memref<80xi32, #tpu.memory_space<vmem>>, vector<16xi32>,
        tpu.vector_store %arg10[%swap3A_178], %get3A_177 {strides = array<i32>} : memref<80xi32, #tpu.memory_space<vmem>>, vector<16xi32>,
        %add3A_180 = arith.constant 48 : i32
        %add3A_181 = arith.addi %mul3A_145, %add3A_180 : i32
        %get3A_182 = arith.index_cast %add3A_181 : i32 to index
        %get3A_183 = tpu.vector_load %arg7[%get3A_182] {strides = array<i32>} : memref<2000xi32, #tpu.memory_space<vmem>>, vector<16xi32>,
        %swap3A_184 = arith.constant 48 : index
        %swap3A_185 = tpu.vector_load %arg9[%swap3A_184] {strides = array<i32>} : memref<80xi32, #tpu.memory_space<vmem>>, vector<16xi32>,
        tpu.vector_store %arg9[%swap3A_184], %get3A_183 {strides = array<i32>} : memref<80xi32, #tpu.memory_space<vmem>>, vector<16xi32>,
        %add3A_186 = arith.constant 48 : i32
        %add3A_187 = arith.addi %mul3A_145, %add3A_186 : i32
        %get3A_188 = arith.index_cast %add3A_187 : i32 to index
        %get3A_189 = tpu.vector_load %arg8[%get3A_188] {strides = array<i32>} : memref<2000xi32, #tpu.memory_space<vmem>>, vector<16xi32>,
        %swap3A_190 = arith.constant 48 : index
        %swap3A_191 = tpu.vector_load %arg10[%swap3A_190] {strides = array<i32>} : memref<80xi32, #tpu.memory_space<vmem>>, vector<16xi32>,
        tpu.vector_store %arg10[%swap3A_190], %get3A_189 {strides = array<i32>} : memref<80xi32, #tpu.memory_space<vmem>>, vector<16xi32>,
        %add3A_192 = arith.constant 64 : i32
        %add3A_193 = arith.addi %mul3A_145, %add3A_192 : i32
        %get3A_194 = arith.index_cast %add3A_193 : i32 to index
        %get3A_195 = tpu.vector_load %arg7[%get3A_194] {strides = array<i32>} : memref<2000xi32, #tpu.memory_space<vmem>>, vector<16xi32>,
        %swap3A_196 = arith.constant 64 : index
        %swap3A_197 = tpu.vector_load %arg9[%swap3A_196] {strides = array<i32>} : memref<80xi32, #tpu.memory_space<vmem>>, vector<16xi32>,
        tpu.vector_store %arg9[%swap3A_196], %get3A_195 {strides = array<i32>} : memref<80xi32, #tpu.memory_space<vmem>>, vector<16xi32>,
        %add3A_198 = arith.constant 64 : i32
        %add3A_199 = arith.addi %mul3A_145, %add3A_198 : i32
        %get3A_200 = arith.index_cast %add3A_199 : i32 to index
        %get3A_201 = tpu.vector_load %arg8[%get3A_200] {strides = array<i32>} : memref<2000xi32, #tpu.memory_space<vmem>>, vector<16xi32>,
        %swap3A_202 = arith.constant 64 : index
        %swap3A_203 = tpu.vector_load %arg10[%swap3A_202] {strides = array<i32>} : memref<80xi32, #tpu.memory_space<vmem>>, vector<16xi32>,
        tpu.vector_store %arg10[%swap3A_202], %get3A_201 {strides = array<i32>} : memref<80xi32, #tpu.memory_space<vmem>>, vector<16xi32>,
        %dma_start3A = arith.constant 0 : i32
        %dma_start3A_204 = arith.constant 0 : i32
        %dma_start3A_205 = tpu.memref_slice %arg2[%dma_start3A, %dma_start3A_204] : memref<10000x128xf32, #tpu.memory_space<hbm>> -> memref<10000x128xf32, #tpu.memory_space<hbm>>
        tpu.enqueue_indirect_dma source(%dma_start3A_205 : memref<10000x128xf32, #tpu.memory_space<hbm>>) target(%arg11 : memref<80x128xf32, #tpu.memory_space<vmem>>) offsets(%arg9 : memref<80xi32, #tpu.memory_space<vmem>>) semaphore(%arg13 : memref<!tpu.dma_semaphore, #tpu.memory_space<semaphore_mem>>)
        %dma_wait3A = arith.constant 0 : i32
        %dma_wait3A_206 = arith.constant 0 : i32
        %dma_wait3A_207 = tpu.memref_slice %arg2[%dma_wait3A, %dma_wait3A_206] : memref<10000x128xf32, #tpu.memory_space<hbm>> -> memref<10000x128xf32, #tpu.memory_space<hbm>>
        tpu.wait_indirect_dma semaphore(%arg13 : memref<!tpu.dma_semaphore, #tpu.memory_space<semaphore_mem>>) src(%dma_wait3A_207 : memref<10000x128xf32, #tpu.memory_space<hbm>>) dst(%arg11 : memref<80x128xf32, #tpu.memory_space<vmem>>)
        "tpu.region"() ({
          %run_scoped3A = tpu.sem_alloc : memref<!tpu.dma_semaphore, #tpu.memory_space<semaphore_mem>>
          %dma_start3A_209 = arith.constant 0 : i32
          %dma_start3A_210 = arith.constant 0 : i32
          %dma_start3A_211 = tpu.memref_slice %arg6[%dma_start3A_209, %dma_start3A_210] : memref<10000x128xf32, #tpu.memory_space<vmem_shared>> -> memref<10000x128xf32, #tpu.memory_space<vmem_shared>>
          tpu.enqueue_indirect_dma source(%arg11 : memref<80x128xf32, #tpu.memory_space<vmem>>) target(%dma_start3A_211 : memref<10000x128xf32, #tpu.memory_space<vmem_shared>>) offsets(%arg10 : memref<80xi32, #tpu.memory_space<vmem>>) semaphore(%run_scoped3A : memref<!tpu.dma_semaphore, #tpu.memory_space<semaphore_mem>>) {add = true}
          %dma_wait3A_212 = arith.constant 0 : i32
          %dma_wait3A_213 = arith.constant 0 : i32
          %dma_wait3A_214 = tpu.memref_slice %arg6[%dma_wait3A_212, %dma_wait3A_213] : memref<10000x128xf32, #tpu.memory_space<vmem_shared>> -> memref<10000x128xf32, #tpu.memory_space<vmem_shared>>
          tpu.wait_indirect_dma semaphore(%run_scoped3A : memref<!tpu.dma_semaphore, #tpu.memory_space<semaphore_mem>>) src(%arg11 : memref<80x128xf32, #tpu.memory_space<vmem>>) dst(%dma_wait3A_214 : memref<10000x128xf32, #tpu.memory_space<vmem_shared>>)
          tpu.yield
        }) : () -> ()
        %scan3A_208 = arith.constant 0 : i32
        scf.yield %scan3A_208 : i32
      }
      %scan3A_140 = arith.constant 25 : i32
      %scan3A_141 = arith.constant 0 : i32
      scf.yield %scan3A_141 : i32
    }
    %scan3A_69 = arith.constant 5 : i32
    %barrier3A_70 = arith.constant 0 : index
    tpu.barrier barrier_id(%barrier3A_70)
    %add3A_71 = arith.constant 0 : i32
    %add3A_72 = arith.addi %arg1, %add3A_71 : i32
    %lt3A_73 = arith.constant 125 : i32
    %lt3A_74 = arith.cmpi slt, %add3A_72, %lt3A_73 : i32
    %convert_element_type3A_75 = arith.extui %lt3A_74 : i1 to i32
    %cond3A_76 = arith.constant 0 : i32
    %cond3A_77 = arith.cmpi ne, %convert_element_type3A_75, %cond3A_76 : i32
    scf.if %cond3A_77 {
      %mul3A_127 = arith.constant 80 : i32
      %mul3A_128 = arith.muli %add3A_72, %mul3A_127 : i32
      "tpu.region"() ({
        %run_scoped3A = tpu.sem_alloc : memref<!tpu.dma_semaphore, #tpu.memory_space<semaphore_mem>>
        %dma_start3A = arith.constant 0 : i32
        %dma_start3A_131 = tpu.memref_slice %arg6[%mul3A_128, %dma_start3A] : memref<10000x128xf32, #tpu.memory_space<vmem_shared>> -> memref<80x128xf32, #tpu.memory_space<vmem_shared>>
        %dma_start3A_132 = arith.constant 0 : i32
        %dma_start3A_133 = tpu.memref_slice %arg6[%mul3A_128, %dma_start3A_132] : memref<10000x128xf32, #tpu.memory_space<vmem_shared>> -> memref<80x128xf32, #tpu.memory_space<vmem_shared>>
        tpu.enqueue_dma source(%dma_start3A_133 : memref<80x128xf32, #tpu.memory_space<vmem_shared>>) target(%arg12 : memref<80x128xf32, #tpu.memory_space<vmem>>) target_semaphore(%run_scoped3A : memref<!tpu.dma_semaphore, #tpu.memory_space<semaphore_mem>>)
        %dma_wait3A = arith.constant 0 : i32
        %dma_wait3A_134 = tpu.memref_slice %arg6[%mul3A_128, %dma_wait3A] : memref<10000x128xf32, #tpu.memory_space<vmem_shared>> -> memref<80x128xf32, #tpu.memory_space<vmem_shared>>
        %dma_wait3A_135 = arith.constant 0 : i32
        %dma_wait3A_136 = tpu.memref_slice %arg6[%mul3A_128, %dma_wait3A_135] : memref<10000x128xf32, #tpu.memory_space<vmem_shared>> -> memref<80x128xf32, #tpu.memory_space<vmem_shared>>
        tpu.wait_dma2 semaphore(%run_scoped3A : memref<!tpu.dma_semaphore, #tpu.memory_space<semaphore_mem>>) src(%dma_wait3A_136 : memref<80x128xf32, #tpu.memory_space<vmem_shared>>) dst(%arg12 : memref<80x128xf32, #tpu.memory_space<vmem>>)
        tpu.yield
      }) : () -> ()
      %mul3A_129 = arith.constant 80 : i32
      %mul3A_130 = arith.muli %add3A_72, %mul3A_129 : i32
      "tpu.region"() ({
        %run_scoped3A = tpu.sem_alloc : memref<!tpu.dma_semaphore, #tpu.memory_space<semaphore_mem>>
        %dma_start3A = arith.constant 0 : i32
        %dma_start3A_131 = tpu.memref_slice %arg5[%arg0, %mul3A_130, %dma_start3A] : memref<2x10000x128xf32, #tpu.memory_space<hbm>> -> memref<1x80x128xf32, #tpu.memory_space<hbm>>
        %dma_start3A_132 = tpu.memref_squeeze %dma_start3A_131 : memref<1x80x128xf32, #tpu.memory_space<hbm>> -> memref<80x128xf32, #tpu.memory_space<hbm>>
        %dma_start3A_133 = arith.constant 0 : i32
        %dma_start3A_134 = tpu.memref_slice %arg5[%arg0, %mul3A_130, %dma_start3A_133] : memref<2x10000x128xf32, #tpu.memory_space<hbm>> -> memref<1x80x128xf32, #tpu.memory_space<hbm>>
        %dma_start3A_135 = tpu.memref_squeeze %dma_start3A_134 : memref<1x80x128xf32, #tpu.memory_space<hbm>> -> memref<80x128xf32, #tpu.memory_space<hbm>>
        tpu.enqueue_dma source(%arg12 : memref<80x128xf32, #tpu.memory_space<vmem>>) target(%dma_start3A_135 : memref<80x128xf32, #tpu.memory_space<hbm>>) target_semaphore(%run_scoped3A : memref<!tpu.dma_semaphore, #tpu.memory_space<semaphore_mem>>)
        %dma_wait3A = arith.constant 0 : i32
        %dma_wait3A_136 = tpu.memref_slice %arg5[%arg0, %mul3A_130, %dma_wait3A] : memref<2x10000x128xf32, #tpu.memory_space<hbm>> -> memref<1x80x128xf32, #tpu.memory_space<hbm>>
        %dma_wait3A_137 = tpu.memref_squeeze %dma_wait3A_136 : memref<1x80x128xf32, #tpu.memory_space<hbm>> -> memref<80x128xf32, #tpu.memory_space<hbm>>
        %dma_wait3A_138 = arith.constant 0 : i32
        %dma_wait3A_139 = tpu.memref_slice %arg5[%arg0, %mul3A_130, %dma_wait3A_138] : memref<2x10000x128xf32, #tpu.memory_space<hbm>> -> memref<1x80x128xf32, #tpu.memory_space<hbm>>
        %dma_wait3A_140 = tpu.memref_squeeze %dma_wait3A_139 : memref<1x80x128xf32, #tpu.memory_space<hbm>> -> memref<80x128xf32, #tpu.memory_space<hbm>>
        tpu.wait_dma2 semaphore(%run_scoped3A : memref<!tpu.dma_semaphore, #tpu.memory_space<semaphore_mem>>) src(%arg12 : memref<80x128xf32, #tpu.memory_space<vmem>>) dst(%dma_wait3A_140 : memref<80x128xf32, #tpu.memory_space<hbm>>)
        tpu.yield
      }) : () -> ()
    } else {
    }
    %add3A_78 = arith.constant 16 : i32
    %add3A_79 = arith.addi %arg1, %add3A_78 : i32
    %lt3A_80 = arith.constant 125 : i32
    %lt3A_81 = arith.cmpi slt, %add3A_79, %lt3A_80 : i32
    %convert_element_type3A_82 = arith.extui %lt3A_81 : i1 to i32
    %cond3A_83 = arith.constant 0 : i32
    %cond3A_84 = arith.cmpi ne, %convert_element_type3A_82, %cond3A_83 : i32
    scf.if %cond3A_84 {
      %mul3A_127 = arith.constant 80 : i32
      %mul3A_128 = arith.muli %add3A_79, %mul3A_127 : i32
      "tpu.region"() ({
        %run_scoped3A = tpu.sem_alloc : memref<!tpu.dma_semaphore, #tpu.memory_space<semaphore_mem>>
        %dma_start3A = arith.constant 0 : i32
        %dma_start3A_131 = tpu.memref_slice %arg6[%mul3A_128, %dma_start3A] : memref<10000x128xf32, #tpu.memory_space<vmem_shared>> -> memref<80x128xf32, #tpu.memory_space<vmem_shared>>
        %dma_start3A_132 = arith.constant 0 : i32
        %dma_start3A_133 = tpu.memref_slice %arg6[%mul3A_128, %dma_start3A_132] : memref<10000x128xf32, #tpu.memory_space<vmem_shared>> -> memref<80x128xf32, #tpu.memory_space<vmem_shared>>
        tpu.enqueue_dma source(%dma_start3A_133 : memref<80x128xf32, #tpu.memory_space<vmem_shared>>) target(%arg12 : memref<80x128xf32, #tpu.memory_space<vmem>>) target_semaphore(%run_scoped3A : memref<!tpu.dma_semaphore, #tpu.memory_space<semaphore_mem>>)
        %dma_wait3A = arith.constant 0 : i32
        %dma_wait3A_134 = tpu.memref_slice %arg6[%mul3A_128, %dma_wait3A] : memref<10000x128xf32, #tpu.memory_space<vmem_shared>> -> memref<80x128xf32, #tpu.memory_space<vmem_shared>>
        %dma_wait3A_135 = arith.constant 0 : i32
        %dma_wait3A_136 = tpu.memref_slice %arg6[%mul3A_128, %dma_wait3A_135] : memref<10000x128xf32, #tpu.memory_space<vmem_shared>> -> memref<80x128xf32, #tpu.memory_space<vmem_shared>>
        tpu.wait_dma2 semaphore(%run_scoped3A : memref<!tpu.dma_semaphore, #tpu.memory_space<semaphore_mem>>) src(%dma_wait3A_136 : memref<80x128xf32, #tpu.memory_space<vmem_shared>>) dst(%arg12 : memref<80x128xf32, #tpu.memory_space<vmem>>)
        tpu.yield
      }) : () -> ()
      %mul3A_129 = arith.constant 80 : i32
      %mul3A_130 = arith.muli %add3A_79, %mul3A_129 : i32
      "tpu.region"() ({
        %run_scoped3A = tpu.sem_alloc : memref<!tpu.dma_semaphore, #tpu.memory_space<semaphore_mem>>
        %dma_start3A = arith.constant 0 : i32
        %dma_start3A_131 = tpu.memref_slice %arg5[%arg0, %mul3A_130, %dma_start3A] : memref<2x10000x128xf32, #tpu.memory_space<hbm>> -> memref<1x80x128xf32, #tpu.memory_space<hbm>>
        %dma_start3A_132 = tpu.memref_squeeze %dma_start3A_131 : memref<1x80x128xf32, #tpu.memory_space<hbm>> -> memref<80x128xf32, #tpu.memory_space<hbm>>
        %dma_start3A_133 = arith.constant 0 : i32
        %dma_start3A_134 = tpu.memref_slice %arg5[%arg0, %mul3A_130, %dma_start3A_133] : memref<2x10000x128xf32, #tpu.memory_space<hbm>> -> memref<1x80x128xf32, #tpu.memory_space<hbm>>
        %dma_start3A_135 = tpu.memref_squeeze %dma_start3A_134 : memref<1x80x128xf32, #tpu.memory_space<hbm>> -> memref<80x128xf32, #tpu.memory_space<hbm>>
        tpu.enqueue_dma source(%arg12 : memref<80x128xf32, #tpu.memory_space<vmem>>) target(%dma_start3A_135 : memref<80x128xf32, #tpu.memory_space<hbm>>) target_semaphore(%run_scoped3A : memref<!tpu.dma_semaphore, #tpu.memory_space<semaphore_mem>>)
        %dma_wait3A = arith.constant 0 : i32
        %dma_wait3A_136 = tpu.memref_slice %arg5[%arg0, %mul3A_130, %dma_wait3A] : memref<2x10000x128xf32, #tpu.memory_space<hbm>> -> memref<1x80x128xf32, #tpu.memory_space<hbm>>
        %dma_wait3A_137 = tpu.memref_squeeze %dma_wait3A_136 : memref<1x80x128xf32, #tpu.memory_space<hbm>> -> memref<80x128xf32, #tpu.memory_space<hbm>>
        %dma_wait3A_138 = arith.constant 0 : i32
        %dma_wait3A_139 = tpu.memref_slice %arg5[%arg0, %mul3A_130, %dma_wait3A_138] : memref<2x10000x128xf32, #tpu.memory_space<hbm>> -> memref<1x80x128xf32, #tpu.memory_space<hbm>>
        %dma_wait3A_140 = tpu.memref_squeeze %dma_wait3A_139 : memref<1x80x128xf32, #tpu.memory_space<hbm>> -> memref<80x128xf32, #tpu.memory_space<hbm>>
        tpu.wait_dma2 semaphore(%run_scoped3A : memref<!tpu.dma_semaphore, #tpu.memory_space<semaphore_mem>>) src(%arg12 : memref<80x128xf32, #tpu.memory_space<vmem>>) dst(%dma_wait3A_140 : memref<80x128xf32, #tpu.memory_space<hbm>>)
        tpu.yield
      }) : () -> ()
    } else {
    }
    %add3A_85 = arith.constant 32 : i32
    %add3A_86 = arith.addi %arg1, %add3A_85 : i32
    %lt3A_87 = arith.constant 125 : i32
    %lt3A_88 = arith.cmpi slt, %add3A_86, %lt3A_87 : i32
    %convert_element_type3A_89 = arith.extui %lt3A_88 : i1 to i32
    %cond3A_90 = arith.constant 0 : i32
    %cond3A_91 = arith.cmpi ne, %convert_element_type3A_89, %cond3A_90 : i32
    scf.if %cond3A_91 {
      %mul3A_127 = arith.constant 80 : i32
      %mul3A_128 = arith.muli %add3A_86, %mul3A_127 : i32
      "tpu.region"() ({
        %run_scoped3A = tpu.sem_alloc : memref<!tpu.dma_semaphore, #tpu.memory_space<semaphore_mem>>
        %dma_start3A = arith.constant 0 : i32
        %dma_start3A_131 = tpu.memref_slice %arg6[%mul3A_128, %dma_start3A] : memref<10000x128xf32, #tpu.memory_space<vmem_shared>> -> memref<80x128xf32, #tpu.memory_space<vmem_shared>>
        %dma_start3A_132 = arith.constant 0 : i32
        %dma_start3A_133 = tpu.memref_slice %arg6[%mul3A_128, %dma_start3A_132] : memref<10000x128xf32, #tpu.memory_space<vmem_shared>> -> memref<80x128xf32, #tpu.memory_space<vmem_shared>>
        tpu.enqueue_dma source(%dma_start3A_133 : memref<80x128xf32, #tpu.memory_space<vmem_shared>>) target(%arg12 : memref<80x128xf32, #tpu.memory_space<vmem>>) target_semaphore(%run_scoped3A : memref<!tpu.dma_semaphore, #tpu.memory_space<semaphore_mem>>)
        %dma_wait3A = arith.constant 0 : i32
        %dma_wait3A_134 = tpu.memref_slice %arg6[%mul3A_128, %dma_wait3A] : memref<10000x128xf32, #tpu.memory_space<vmem_shared>> -> memref<80x128xf32, #tpu.memory_space<vmem_shared>>
        %dma_wait3A_135 = arith.constant 0 : i32
        %dma_wait3A_136 = tpu.memref_slice %arg6[%mul3A_128, %dma_wait3A_135] : memref<10000x128xf32, #tpu.memory_space<vmem_shared>> -> memref<80x128xf32, #tpu.memory_space<vmem_shared>>
        tpu.wait_dma2 semaphore(%run_scoped3A : memref<!tpu.dma_semaphore, #tpu.memory_space<semaphore_mem>>) src(%dma_wait3A_136 : memref<80x128xf32, #tpu.memory_space<vmem_shared>>) dst(%arg12 : memref<80x128xf32, #tpu.memory_space<vmem>>)
        tpu.yield
      }) : () -> ()
      %mul3A_129 = arith.constant 80 : i32
      %mul3A_130 = arith.muli %add3A_86, %mul3A_129 : i32
      "tpu.region"() ({
        %run_scoped3A = tpu.sem_alloc : memref<!tpu.dma_semaphore, #tpu.memory_space<semaphore_mem>>
        %dma_start3A = arith.constant 0 : i32
        %dma_start3A_131 = tpu.memref_slice %arg5[%arg0, %mul3A_130, %dma_start3A] : memref<2x10000x128xf32, #tpu.memory_space<hbm>> -> memref<1x80x128xf32, #tpu.memory_space<hbm>>
        %dma_start3A_132 = tpu.memref_squeeze %dma_start3A_131 : memref<1x80x128xf32, #tpu.memory_space<hbm>> -> memref<80x128xf32, #tpu.memory_space<hbm>>
        %dma_start3A_133 = arith.constant 0 : i32
        %dma_start3A_134 = tpu.memref_slice %arg5[%arg0, %mul3A_130, %dma_start3A_133] : memref<2x10000x128xf32, #tpu.memory_space<hbm>> -> memref<1x80x128xf32, #tpu.memory_space<hbm>>
        %dma_start3A_135 = tpu.memref_squeeze %dma_start3A_134 : memref<1x80x128xf32, #tpu.memory_space<hbm>> -> memref<80x128xf32, #tpu.memory_space<hbm>>
        tpu.enqueue_dma source(%arg12 : memref<80x128xf32, #tpu.memory_space<vmem>>) target(%dma_start3A_135 : memref<80x128xf32, #tpu.memory_space<hbm>>) target_semaphore(%run_scoped3A : memref<!tpu.dma_semaphore, #tpu.memory_space<semaphore_mem>>)
        %dma_wait3A = arith.constant 0 : i32
        %dma_wait3A_136 = tpu.memref_slice %arg5[%arg0, %mul3A_130, %dma_wait3A] : memref<2x10000x128xf32, #tpu.memory_space<hbm>> -> memref<1x80x128xf32, #tpu.memory_space<hbm>>
        %dma_wait3A_137 = tpu.memref_squeeze %dma_wait3A_136 : memref<1x80x128xf32, #tpu.memory_space<hbm>> -> memref<80x128xf32, #tpu.memory_space<hbm>>
        %dma_wait3A_138 = arith.constant 0 : i32
        %dma_wait3A_139 = tpu.memref_slice %arg5[%arg0, %mul3A_130, %dma_wait3A_138] : memref<2x10000x128xf32, #tpu.memory_space<hbm>> -> memref<1x80x128xf32, #tpu.memory_space<hbm>>
        %dma_wait3A_140 = tpu.memref_squeeze %dma_wait3A_139 : memref<1x80x128xf32, #tpu.memory_space<hbm>> -> memref<80x128xf32, #tpu.memory_space<hbm>>
        tpu.wait_dma2 semaphore(%run_scoped3A : memref<!tpu.dma_semaphore, #tpu.memory_space<semaphore_mem>>) src(%arg12 : memref<80x128xf32, #tpu.memory_space<vmem>>) dst(%dma_wait3A_140 : memref<80x128xf32, #tpu.memory_space<hbm>>)
        tpu.yield
      }) : () -> ()
    } else {
    }
    %add3A_92 = arith.constant 48 : i32
    %add3A_93 = arith.addi %arg1, %add3A_92 : i32
    %lt3A_94 = arith.constant 125 : i32
    %lt3A_95 = arith.cmpi slt, %add3A_93, %lt3A_94 : i32
    %convert_element_type3A_96 = arith.extui %lt3A_95 : i1 to i32
    %cond3A_97 = arith.constant 0 : i32
    %cond3A_98 = arith.cmpi ne, %convert_element_type3A_96, %cond3A_97 : i32
    scf.if %cond3A_98 {
      %mul3A_127 = arith.constant 80 : i32
      %mul3A_128 = arith.muli %add3A_93, %mul3A_127 : i32
      "tpu.region"() ({
        %run_scoped3A = tpu.sem_alloc : memref<!tpu.dma_semaphore, #tpu.memory_space<semaphore_mem>>
        %dma_start3A = arith.constant 0 : i32
        %dma_start3A_131 = tpu.memref_slice %arg6[%mul3A_128, %dma_start3A] : memref<10000x128xf32, #tpu.memory_space<vmem_shared>> -> memref<80x128xf32, #tpu.memory_space<vmem_shared>>
        %dma_start3A_132 = arith.constant 0 : i32
        %dma_start3A_133 = tpu.memref_slice %arg6[%mul3A_128, %dma_start3A_132] : memref<10000x128xf32, #tpu.memory_space<vmem_shared>> -> memref<80x128xf32, #tpu.memory_space<vmem_shared>>
        tpu.enqueue_dma source(%dma_start3A_133 : memref<80x128xf32, #tpu.memory_space<vmem_shared>>) target(%arg12 : memref<80x128xf32, #tpu.memory_space<vmem>>) target_semaphore(%run_scoped3A : memref<!tpu.dma_semaphore, #tpu.memory_space<semaphore_mem>>)
        %dma_wait3A = arith.constant 0 : i32
        %dma_wait3A_134 = tpu.memref_slice %arg6[%mul3A_128, %dma_wait3A] : memref<10000x128xf32, #tpu.memory_space<vmem_shared>> -> memref<80x128xf32, #tpu.memory_space<vmem_shared>>
        %dma_wait3A_135 = arith.constant 0 : i32
        %dma_wait3A_136 = tpu.memref_slice %arg6[%mul3A_128, %dma_wait3A_135] : memref<10000x128xf32, #tpu.memory_space<vmem_shared>> -> memref<80x128xf32, #tpu.memory_space<vmem_shared>>
        tpu.wait_dma2 semaphore(%run_scoped3A : memref<!tpu.dma_semaphore, #tpu.memory_space<semaphore_mem>>) src(%dma_wait3A_136 : memref<80x128xf32, #tpu.memory_space<vmem_shared>>) dst(%arg12 : memref<80x128xf32, #tpu.memory_space<vmem>>)
        tpu.yield
      }) : () -> ()
      %mul3A_129 = arith.constant 80 : i32
      %mul3A_130 = arith.muli %add3A_93, %mul3A_129 : i32
      "tpu.region"() ({
        %run_scoped3A = tpu.sem_alloc : memref<!tpu.dma_semaphore, #tpu.memory_space<semaphore_mem>>
        %dma_start3A = arith.constant 0 : i32
        %dma_start3A_131 = tpu.memref_slice %arg5[%arg0, %mul3A_130, %dma_start3A] : memref<2x10000x128xf32, #tpu.memory_space<hbm>> -> memref<1x80x128xf32, #tpu.memory_space<hbm>>
        %dma_start3A_132 = tpu.memref_squeeze %dma_start3A_131 : memref<1x80x128xf32, #tpu.memory_space<hbm>> -> memref<80x128xf32, #tpu.memory_space<hbm>>
        %dma_start3A_133 = arith.constant 0 : i32
        %dma_start3A_134 = tpu.memref_slice %arg5[%arg0, %mul3A_130, %dma_start3A_133] : memref<2x10000x128xf32, #tpu.memory_space<hbm>> -> memref<1x80x128xf32, #tpu.memory_space<hbm>>
        %dma_start3A_135 = tpu.memref_squeeze %dma_start3A_134 : memref<1x80x128xf32, #tpu.memory_space<hbm>> -> memref<80x128xf32, #tpu.memory_space<hbm>>
        tpu.enqueue_dma source(%arg12 : memref<80x128xf32, #tpu.memory_space<vmem>>) target(%dma_start3A_135 : memref<80x128xf32, #tpu.memory_space<hbm>>) target_semaphore(%run_scoped3A : memref<!tpu.dma_semaphore, #tpu.memory_space<semaphore_mem>>)
        %dma_wait3A = arith.constant 0 : i32
        %dma_wait3A_136 = tpu.memref_slice %arg5[%arg0, %mul3A_130, %dma_wait3A] : memref<2x10000x128xf32, #tpu.memory_space<hbm>> -> memref<1x80x128xf32, #tpu.memory_space<hbm>>
        %dma_wait3A_137 = tpu.memref_squeeze %dma_wait3A_136 : memref<1x80x128xf32, #tpu.memory_space<hbm>> -> memref<80x128xf32, #tpu.memory_space<hbm>>
        %dma_wait3A_138 = arith.constant 0 : i32
        %dma_wait3A_139 = tpu.memref_slice %arg5[%arg0, %mul3A_130, %dma_wait3A_138] : memref<2x10000x128xf32, #tpu.memory_space<hbm>> -> memref<1x80x128xf32, #tpu.memory_space<hbm>>
        %dma_wait3A_140 = tpu.memref_squeeze %dma_wait3A_139 : memref<1x80x128xf32, #tpu.memory_space<hbm>> -> memref<80x128xf32, #tpu.memory_space<hbm>>
        tpu.wait_dma2 semaphore(%run_scoped3A : memref<!tpu.dma_semaphore, #tpu.memory_space<semaphore_mem>>) src(%arg12 : memref<80x128xf32, #tpu.memory_space<vmem>>) dst(%dma_wait3A_140 : memref<80x128xf32, #tpu.memory_space<hbm>>)
        tpu.yield
      }) : () -> ()
    } else {
    }
    %add3A_99 = arith.constant 64 : i32
    %add3A_100 = arith.addi %arg1, %add3A_99 : i32
    %lt3A_101 = arith.constant 125 : i32
    %lt3A_102 = arith.cmpi slt, %add3A_100, %lt3A_101 : i32
    %convert_element_type3A_103 = arith.extui %lt3A_102 : i1 to i32
    %cond3A_104 = arith.constant 0 : i32
    %cond3A_105 = arith.cmpi ne, %convert_element_type3A_103, %cond3A_104 : i32
    scf.if %cond3A_105 {
      %mul3A_127 = arith.constant 80 : i32
      %mul3A_128 = arith.muli %add3A_100, %mul3A_127 : i32
      "tpu.region"() ({
        %run_scoped3A = tpu.sem_alloc : memref<!tpu.dma_semaphore, #tpu.memory_space<semaphore_mem>>
        %dma_start3A = arith.constant 0 : i32
        %dma_start3A_131 = tpu.memref_slice %arg6[%mul3A_128, %dma_start3A] : memref<10000x128xf32, #tpu.memory_space<vmem_shared>> -> memref<80x128xf32, #tpu.memory_space<vmem_shared>>
        %dma_start3A_132 = arith.constant 0 : i32
        %dma_start3A_133 = tpu.memref_slice %arg6[%mul3A_128, %dma_start3A_132] : memref<10000x128xf32, #tpu.memory_space<vmem_shared>> -> memref<80x128xf32, #tpu.memory_space<vmem_shared>>
        tpu.enqueue_dma source(%dma_start3A_133 : memref<80x128xf32, #tpu.memory_space<vmem_shared>>) target(%arg12 : memref<80x128xf32, #tpu.memory_space<vmem>>) target_semaphore(%run_scoped3A : memref<!tpu.dma_semaphore, #tpu.memory_space<semaphore_mem>>)
        %dma_wait3A = arith.constant 0 : i32
        %dma_wait3A_134 = tpu.memref_slice %arg6[%mul3A_128, %dma_wait3A] : memref<10000x128xf32, #tpu.memory_space<vmem_shared>> -> memref<80x128xf32, #tpu.memory_space<vmem_shared>>
        %dma_wait3A_135 = arith.constant 0 : i32
        %dma_wait3A_136 = tpu.memref_slice %arg6[%mul3A_128, %dma_wait3A_135] : memref<10000x128xf32, #tpu.memory_space<vmem_shared>> -> memref<80x128xf32, #tpu.memory_space<vmem_shared>>
        tpu.wait_dma2 semaphore(%run_scoped3A : memref<!tpu.dma_semaphore, #tpu.memory_space<semaphore_mem>>) src(%dma_wait3A_136 : memref<80x128xf32, #tpu.memory_space<vmem_shared>>) dst(%arg12 : memref<80x128xf32, #tpu.memory_space<vmem>>)
        tpu.yield
      }) : () -> ()
      %mul3A_129 = arith.constant 80 : i32
      %mul3A_130 = arith.muli %add3A_100, %mul3A_129 : i32
      "tpu.region"() ({
        %run_scoped3A = tpu.sem_alloc : memref<!tpu.dma_semaphore, #tpu.memory_space<semaphore_mem>>
        %dma_start3A = arith.constant 0 : i32
        %dma_start3A_131 = tpu.memref_slice %arg5[%arg0, %mul3A_130, %dma_start3A] : memref<2x10000x128xf32, #tpu.memory_space<hbm>> -> memref<1x80x128xf32, #tpu.memory_space<hbm>>
        %dma_start3A_132 = tpu.memref_squeeze %dma_start3A_131 : memref<1x80x128xf32, #tpu.memory_space<hbm>> -> memref<80x128xf32, #tpu.memory_space<hbm>>
        %dma_start3A_133 = arith.constant 0 : i32
        %dma_start3A_134 = tpu.memref_slice %arg5[%arg0, %mul3A_130, %dma_start3A_133] : memref<2x10000x128xf32, #tpu.memory_space<hbm>> -> memref<1x80x128xf32, #tpu.memory_space<hbm>>
        %dma_start3A_135 = tpu.memref_squeeze %dma_start3A_134 : memref<1x80x128xf32, #tpu.memory_space<hbm>> -> memref<80x128xf32, #tpu.memory_space<hbm>>
        tpu.enqueue_dma source(%arg12 : memref<80x128xf32, #tpu.memory_space<vmem>>) target(%dma_start3A_135 : memref<80x128xf32, #tpu.memory_space<hbm>>) target_semaphore(%run_scoped3A : memref<!tpu.dma_semaphore, #tpu.memory_space<semaphore_mem>>)
        %dma_wait3A = arith.constant 0 : i32
        %dma_wait3A_136 = tpu.memref_slice %arg5[%arg0, %mul3A_130, %dma_wait3A] : memref<2x10000x128xf32, #tpu.memory_space<hbm>> -> memref<1x80x128xf32, #tpu.memory_space<hbm>>
        %dma_wait3A_137 = tpu.memref_squeeze %dma_wait3A_136 : memref<1x80x128xf32, #tpu.memory_space<hbm>> -> memref<80x128xf32, #tpu.memory_space<hbm>>
        %dma_wait3A_138 = arith.constant 0 : i32
        %dma_wait3A_139 = tpu.memref_slice %arg5[%arg0, %mul3A_130, %dma_wait3A_138] : memref<2x10000x128xf32, #tpu.memory_space<hbm>> -> memref<1x80x128xf32, #tpu.memory_space<hbm>>
        %dma_wait3A_140 = tpu.memref_squeeze %dma_wait3A_139 : memref<1x80x128xf32, #tpu.memory_space<hbm>> -> memref<80x128xf32, #tpu.memory_space<hbm>>
        tpu.wait_dma2 semaphore(%run_scoped3A : memref<!tpu.dma_semaphore, #tpu.memory_space<semaphore_mem>>) src(%arg12 : memref<80x128xf32, #tpu.memory_space<vmem>>) dst(%dma_wait3A_140 : memref<80x128xf32, #tpu.memory_space<hbm>>)
        tpu.yield
      }) : () -> ()
    } else {
    }
    %add3A_106 = arith.constant 80 : i32
    %add3A_107 = arith.addi %arg1, %add3A_106 : i32
    %lt3A_108 = arith.constant 125 : i32
    %lt3A_109 = arith.cmpi slt, %add3A_107, %lt3A_108 : i32
    %convert_element_type3A_110 = arith.extui %lt3A_109 : i1 to i32
    %cond3A_111 = arith.constant 0 : i32
    %cond3A_112 = arith.cmpi ne, %convert_element_type3A_110, %cond3A_111 : i32
    scf.if %cond3A_112 {
      %mul3A_127 = arith.constant 80 : i32
      %mul3A_128 = arith.muli %add3A_107, %mul3A_127 : i32
      "tpu.region"() ({
        %run_scoped3A = tpu.sem_alloc : memref<!tpu.dma_semaphore, #tpu.memory_space<semaphore_mem>>
        %dma_start3A = arith.constant 0 : i32
        %dma_start3A_131 = tpu.memref_slice %arg6[%mul3A_128, %dma_start3A] : memref<10000x128xf32, #tpu.memory_space<vmem_shared>> -> memref<80x128xf32, #tpu.memory_space<vmem_shared>>
        %dma_start3A_132 = arith.constant 0 : i32
        %dma_start3A_133 = tpu.memref_slice %arg6[%mul3A_128, %dma_start3A_132] : memref<10000x128xf32, #tpu.memory_space<vmem_shared>> -> memref<80x128xf32, #tpu.memory_space<vmem_shared>>
        tpu.enqueue_dma source(%dma_start3A_133 : memref<80x128xf32, #tpu.memory_space<vmem_shared>>) target(%arg12 : memref<80x128xf32, #tpu.memory_space<vmem>>) target_semaphore(%run_scoped3A : memref<!tpu.dma_semaphore, #tpu.memory_space<semaphore_mem>>)
        %dma_wait3A = arith.constant 0 : i32
        %dma_wait3A_134 = tpu.memref_slice %arg6[%mul3A_128, %dma_wait3A] : memref<10000x128xf32, #tpu.memory_space<vmem_shared>> -> memref<80x128xf32, #tpu.memory_space<vmem_shared>>
        %dma_wait3A_135 = arith.constant 0 : i32
        %dma_wait3A_136 = tpu.memref_slice %arg6[%mul3A_128, %dma_wait3A_135] : memref<10000x128xf32, #tpu.memory_space<vmem_shared>> -> memref<80x128xf32, #tpu.memory_space<vmem_shared>>
        tpu.wait_dma2 semaphore(%run_scoped3A : memref<!tpu.dma_semaphore, #tpu.memory_space<semaphore_mem>>) src(%dma_wait3A_136 : memref<80x128xf32, #tpu.memory_space<vmem_shared>>) dst(%arg12 : memref<80x128xf32, #tpu.memory_space<vmem>>)
        tpu.yield
      }) : () -> ()
      %mul3A_129 = arith.constant 80 : i32
      %mul3A_130 = arith.muli %add3A_107, %mul3A_129 : i32
      "tpu.region"() ({
        %run_scoped3A = tpu.sem_alloc : memref<!tpu.dma_semaphore, #tpu.memory_space<semaphore_mem>>
        %dma_start3A = arith.constant 0 : i32
        %dma_start3A_131 = tpu.memref_slice %arg5[%arg0, %mul3A_130, %dma_start3A] : memref<2x10000x128xf32, #tpu.memory_space<hbm>> -> memref<1x80x128xf32, #tpu.memory_space<hbm>>
        %dma_start3A_132 = tpu.memref_squeeze %dma_start3A_131 : memref<1x80x128xf32, #tpu.memory_space<hbm>> -> memref<80x128xf32, #tpu.memory_space<hbm>>
        %dma_start3A_133 = arith.constant 0 : i32
        %dma_start3A_134 = tpu.memref_slice %arg5[%arg0, %mul3A_130, %dma_start3A_133] : memref<2x10000x128xf32, #tpu.memory_space<hbm>> -> memref<1x80x128xf32, #tpu.memory_space<hbm>>
        %dma_start3A_135 = tpu.memref_squeeze %dma_start3A_134 : memref<1x80x128xf32, #tpu.memory_space<hbm>> -> memref<80x128xf32, #tpu.memory_space<hbm>>
        tpu.enqueue_dma source(%arg12 : memref<80x128xf32, #tpu.memory_space<vmem>>) target(%dma_start3A_135 : memref<80x128xf32, #tpu.memory_space<hbm>>) target_semaphore(%run_scoped3A : memref<!tpu.dma_semaphore, #tpu.memory_space<semaphore_mem>>)
        %dma_wait3A = arith.constant 0 : i32
        %dma_wait3A_136 = tpu.memref_slice %arg5[%arg0, %mul3A_130, %dma_wait3A] : memref<2x10000x128xf32, #tpu.memory_space<hbm>> -> memref<1x80x128xf32, #tpu.memory_space<hbm>>
        %dma_wait3A_137 = tpu.memref_squeeze %dma_wait3A_136 : memref<1x80x128xf32, #tpu.memory_space<hbm>> -> memref<80x128xf32, #tpu.memory_space<hbm>>
        %dma_wait3A_138 = arith.constant 0 : i32
        %dma_wait3A_139 = tpu.memref_slice %arg5[%arg0, %mul3A_130, %dma_wait3A_138] : memref<2x10000x128xf32, #tpu.memory_space<hbm>> -> memref<1x80x128xf32, #tpu.memory_space<hbm>>
        %dma_wait3A_140 = tpu.memref_squeeze %dma_wait3A_139 : memref<1x80x128xf32, #tpu.memory_space<hbm>> -> memref<80x128xf32, #tpu.memory_space<hbm>>
        tpu.wait_dma2 semaphore(%run_scoped3A : memref<!tpu.dma_semaphore, #tpu.memory_space<semaphore_mem>>) src(%arg12 : memref<80x128xf32, #tpu.memory_space<vmem>>) dst(%dma_wait3A_140 : memref<80x128xf32, #tpu.memory_space<hbm>>)
        tpu.yield
      }) : () -> ()
    } else {
    }
    %add3A_113 = arith.constant 96 : i32
    %add3A_114 = arith.addi %arg1, %add3A_113 : i32
    %lt3A_115 = arith.constant 125 : i32
    %lt3A_116 = arith.cmpi slt, %add3A_114, %lt3A_115 : i32
    %convert_element_type3A_117 = arith.extui %lt3A_116 : i1 to i32
    %cond3A_118 = arith.constant 0 : i32
    %cond3A_119 = arith.cmpi ne, %convert_element_type3A_117, %cond3A_118 : i32
    scf.if %cond3A_119 {
      %mul3A_127 = arith.constant 80 : i32
      %mul3A_128 = arith.muli %add3A_114, %mul3A_127 : i32
      "tpu.region"() ({
        %run_scoped3A = tpu.sem_alloc : memref<!tpu.dma_semaphore, #tpu.memory_space<semaphore_mem>>
        %dma_start3A = arith.constant 0 : i32
        %dma_start3A_131 = tpu.memref_slice %arg6[%mul3A_128, %dma_start3A] : memref<10000x128xf32, #tpu.memory_space<vmem_shared>> -> memref<80x128xf32, #tpu.memory_space<vmem_shared>>
        %dma_start3A_132 = arith.constant 0 : i32
        %dma_start3A_133 = tpu.memref_slice %arg6[%mul3A_128, %dma_start3A_132] : memref<10000x128xf32, #tpu.memory_space<vmem_shared>> -> memref<80x128xf32, #tpu.memory_space<vmem_shared>>
        tpu.enqueue_dma source(%dma_start3A_133 : memref<80x128xf32, #tpu.memory_space<vmem_shared>>) target(%arg12 : memref<80x128xf32, #tpu.memory_space<vmem>>) target_semaphore(%run_scoped3A : memref<!tpu.dma_semaphore, #tpu.memory_space<semaphore_mem>>)
        %dma_wait3A = arith.constant 0 : i32
        %dma_wait3A_134 = tpu.memref_slice %arg6[%mul3A_128, %dma_wait3A] : memref<10000x128xf32, #tpu.memory_space<vmem_shared>> -> memref<80x128xf32, #tpu.memory_space<vmem_shared>>
        %dma_wait3A_135 = arith.constant 0 : i32
        %dma_wait3A_136 = tpu.memref_slice %arg6[%mul3A_128, %dma_wait3A_135] : memref<10000x128xf32, #tpu.memory_space<vmem_shared>> -> memref<80x128xf32, #tpu.memory_space<vmem_shared>>
        tpu.wait_dma2 semaphore(%run_scoped3A : memref<!tpu.dma_semaphore, #tpu.memory_space<semaphore_mem>>) src(%dma_wait3A_136 : memref<80x128xf32, #tpu.memory_space<vmem_shared>>) dst(%arg12 : memref<80x128xf32, #tpu.memory_space<vmem>>)
        tpu.yield
      }) : () -> ()
      %mul3A_129 = arith.constant 80 : i32
      %mul3A_130 = arith.muli %add3A_114, %mul3A_129 : i32
      "tpu.region"() ({
        %run_scoped3A = tpu.sem_alloc : memref<!tpu.dma_semaphore, #tpu.memory_space<semaphore_mem>>
        %dma_start3A = arith.constant 0 : i32
        %dma_start3A_131 = tpu.memref_slice %arg5[%arg0, %mul3A_130, %dma_start3A] : memref<2x10000x128xf32, #tpu.memory_space<hbm>> -> memref<1x80x128xf32, #tpu.memory_space<hbm>>
        %dma_start3A_132 = tpu.memref_squeeze %dma_start3A_131 : memref<1x80x128xf32, #tpu.memory_space<hbm>> -> memref<80x128xf32, #tpu.memory_space<hbm>>
        %dma_start3A_133 = arith.constant 0 : i32
        %dma_start3A_134 = tpu.memref_slice %arg5[%arg0, %mul3A_130, %dma_start3A_133] : memref<2x10000x128xf32, #tpu.memory_space<hbm>> -> memref<1x80x128xf32, #tpu.memory_space<hbm>>
        %dma_start3A_135 = tpu.memref_squeeze %dma_start3A_134 : memref<1x80x128xf32, #tpu.memory_space<hbm>> -> memref<80x128xf32, #tpu.memory_space<hbm>>
        tpu.enqueue_dma source(%arg12 : memref<80x128xf32, #tpu.memory_space<vmem>>) target(%dma_start3A_135 : memref<80x128xf32, #tpu.memory_space<hbm>>) target_semaphore(%run_scoped3A : memref<!tpu.dma_semaphore, #tpu.memory_space<semaphore_mem>>)
        %dma_wait3A = arith.constant 0 : i32
        %dma_wait3A_136 = tpu.memref_slice %arg5[%arg0, %mul3A_130, %dma_wait3A] : memref<2x10000x128xf32, #tpu.memory_space<hbm>> -> memref<1x80x128xf32, #tpu.memory_space<hbm>>
        %dma_wait3A_137 = tpu.memref_squeeze %dma_wait3A_136 : memref<1x80x128xf32, #tpu.memory_space<hbm>> -> memref<80x128xf32, #tpu.memory_space<hbm>>
        %dma_wait3A_138 = arith.constant 0 : i32
        %dma_wait3A_139 = tpu.memref_slice %arg5[%arg0, %mul3A_130, %dma_wait3A_138] : memref<2x10000x128xf32, #tpu.memory_space<hbm>> -> memref<1x80x128xf32, #tpu.memory_space<hbm>>
        %dma_wait3A_140 = tpu.memref_squeeze %dma_wait3A_139 : memref<1x80x128xf32, #tpu.memory_space<hbm>> -> memref<80x128xf32, #tpu.memory_space<hbm>>
        tpu.wait_dma2 semaphore(%run_scoped3A : memref<!tpu.dma_semaphore, #tpu.memory_space<semaphore_mem>>) src(%arg12 : memref<80x128xf32, #tpu.memory_space<vmem>>) dst(%dma_wait3A_140 : memref<80x128xf32, #tpu.memory_space<hbm>>)
        tpu.yield
      }) : () -> ()
    } else {
    }
    %add3A_120 = arith.constant 112 : i32
    %add3A_121 = arith.addi %arg1, %add3A_120 : i32
    %lt3A_122 = arith.constant 125 : i32
    %lt3A_123 = arith.cmpi slt, %add3A_121, %lt3A_122 : i32
    %convert_element_type3A_124 = arith.extui %lt3A_123 : i1 to i32
    %cond3A_125 = arith.constant 0 : i32
    %cond3A_126 = arith.cmpi ne, %convert_element_type3A_124, %cond3A_125 : i32
    scf.if %cond3A_126 {
      %mul3A_127 = arith.constant 80 : i32
      %mul3A_128 = arith.muli %add3A_121, %mul3A_127 : i32
      "tpu.region"() ({
        %run_scoped3A = tpu.sem_alloc : memref<!tpu.dma_semaphore, #tpu.memory_space<semaphore_mem>>
        %dma_start3A = arith.constant 0 : i32
        %dma_start3A_131 = tpu.memref_slice %arg6[%mul3A_128, %dma_start3A] : memref<10000x128xf32, #tpu.memory_space<vmem_shared>> -> memref<80x128xf32, #tpu.memory_space<vmem_shared>>
        %dma_start3A_132 = arith.constant 0 : i32
        %dma_start3A_133 = tpu.memref_slice %arg6[%mul3A_128, %dma_start3A_132] : memref<10000x128xf32, #tpu.memory_space<vmem_shared>> -> memref<80x128xf32, #tpu.memory_space<vmem_shared>>
        tpu.enqueue_dma source(%dma_start3A_133 : memref<80x128xf32, #tpu.memory_space<vmem_shared>>) target(%arg12 : memref<80x128xf32, #tpu.memory_space<vmem>>) target_semaphore(%run_scoped3A : memref<!tpu.dma_semaphore, #tpu.memory_space<semaphore_mem>>)
        %dma_wait3A = arith.constant 0 : i32
        %dma_wait3A_134 = tpu.memref_slice %arg6[%mul3A_128, %dma_wait3A] : memref<10000x128xf32, #tpu.memory_space<vmem_shared>> -> memref<80x128xf32, #tpu.memory_space<vmem_shared>>
        %dma_wait3A_135 = arith.constant 0 : i32
        %dma_wait3A_136 = tpu.memref_slice %arg6[%mul3A_128, %dma_wait3A_135] : memref<10000x128xf32, #tpu.memory_space<vmem_shared>> -> memref<80x128xf32, #tpu.memory_space<vmem_shared>>
        tpu.wait_dma2 semaphore(%run_scoped3A : memref<!tpu.dma_semaphore, #tpu.memory_space<semaphore_mem>>) src(%dma_wait3A_136 : memref<80x128xf32, #tpu.memory_space<vmem_shared>>) dst(%arg12 : memref<80x128xf32, #tpu.memory_space<vmem>>)
        tpu.yield
      }) : () -> ()
      %mul3A_129 = arith.constant 80 : i32
      %mul3A_130 = arith.muli %add3A_121, %mul3A_129 : i32
      "tpu.region"() ({
        %run_scoped3A = tpu.sem_alloc : memref<!tpu.dma_semaphore, #tpu.memory_space<semaphore_mem>>
        %dma_start3A = arith.constant 0 : i32
        %dma_start3A_131 = tpu.memref_slice %arg5[%arg0, %mul3A_130, %dma_start3A] : memref<2x10000x128xf32, #tpu.memory_space<hbm>> -> memref<1x80x128xf32, #tpu.memory_space<hbm>>
        %dma_start3A_132 = tpu.memref_squeeze %dma_start3A_131 : memref<1x80x128xf32, #tpu.memory_space<hbm>> -> memref<80x128xf32, #tpu.memory_space<hbm>>
        %dma_start3A_133 = arith.constant 0 : i32
        %dma_start3A_134 = tpu.memref_slice %arg5[%arg0, %mul3A_130, %dma_start3A_133] : memref<2x10000x128xf32, #tpu.memory_space<hbm>> -> memref<1x80x128xf32, #tpu.memory_space<hbm>>
        %dma_start3A_135 = tpu.memref_squeeze %dma_start3A_134 : memref<1x80x128xf32, #tpu.memory_space<hbm>> -> memref<80x128xf32, #tpu.memory_space<hbm>>
        tpu.enqueue_dma source(%arg12 : memref<80x128xf32, #tpu.memory_space<vmem>>) target(%dma_start3A_135 : memref<80x128xf32, #tpu.memory_space<hbm>>) target_semaphore(%run_scoped3A : memref<!tpu.dma_semaphore, #tpu.memory_space<semaphore_mem>>)
        %dma_wait3A = arith.constant 0 : i32
        %dma_wait3A_136 = tpu.memref_slice %arg5[%arg0, %mul3A_130, %dma_wait3A] : memref<2x10000x128xf32, #tpu.memory_space<hbm>> -> memref<1x80x128xf32, #tpu.memory_space<hbm>>
        %dma_wait3A_137 = tpu.memref_squeeze %dma_wait3A_136 : memref<1x80x128xf32, #tpu.memory_space<hbm>> -> memref<80x128xf32, #tpu.memory_space<hbm>>
        %dma_wait3A_138 = arith.constant 0 : i32
        %dma_wait3A_139 = tpu.memref_slice %arg5[%arg0, %mul3A_130, %dma_wait3A_138] : memref<2x10000x128xf32, #tpu.memory_space<hbm>> -> memref<1x80x128xf32, #tpu.memory_space<hbm>>
        %dma_wait3A_140 = tpu.memref_squeeze %dma_wait3A_139 : memref<1x80x128xf32, #tpu.memory_space<hbm>> -> memref<80x128xf32, #tpu.memory_space<hbm>>
        tpu.wait_dma2 semaphore(%run_scoped3A : memref<!tpu.dma_semaphore, #tpu.memory_space<semaphore_mem>>) src(%arg12 : memref<80x128xf32, #tpu.memory_space<vmem>>) dst(%dma_wait3A_140 : memref<80x128xf32, #tpu.memory_space<hbm>>)
        tpu.yield
      }) : () -> ()
    } else {
    }
    return
  }
}

#map = affine_map<(d0, d1) -> (0, 0)>
#map1 = affine_map<(d0, d1) -> (0)>
#map2 = affine_map<(d0, d1) -> (0, 0, 0)>
module attributes {stable_mosaic.version = 14 : i64} {
  func.func @body(%arg0: i32, %arg1: i32, %arg2: memref<10000x128xf32, #tpu.memory_space<hbm>>, %arg3: memref<320000xi32, #tpu.memory_space<hbm>>, %arg4: memref<320000xi32, #tpu.memory_space<hbm>>, %arg5: memref<2x10000x128xf32, #tpu.memory_space<hbm>>, %arg6: memref<320000xf32, #tpu.memory_space<hbm>>, %arg7: memref<10000x128xf32, #tpu.memory_space<vmem_shared>>, %arg8: memref<2000xi32, #tpu.memory_space<vmem>>, %arg9: memref<2000xi32, #tpu.memory_space<vmem>>, %arg10: memref<80xi32, #tpu.memory_space<vmem>>, %arg11: memref<80xi32, #tpu.memory_space<vmem>>, %arg12: memref<80x128xf32, #tpu.memory_space<vmem>>, %arg13: memref<80x128xf32, #tpu.memory_space<vmem>>, %arg14: memref<!tpu.dma_semaphore, #tpu.memory_space<semaphore_mem>>, %arg15: memref<10000xf32, #tpu.memory_space<vmem>>) attributes {dimension_semantics = [#tpu.dimension_semantics<core_parallel>, #tpu.dimension_semantics<subcore_parallel>], iteration_bounds = array<i64: 2, 16>, scalar_prefetch = 0 : i64, scratch_operands = 9 : i64, tpu.core_type = #tpu.core_type<sc_vector_subcore>, window_params = [{transform_indices = #map}, {transform_indices = #map1}, {transform_indices = #map1}, {transform_indices = #map2}, {transform_indices = #map1}]} {
    %mul3A = arith.constant 2 : i32
    %mul3A_0 = arith.muli %arg1, %mul3A : i32
    %add3A = arith.addi %mul3A_0, %arg0 : i32
    %broadcast_in_dim3A = arith.constant 0.000000e+00 : f32
    %broadcast_in_dim3A_1 = vector.broadcast %broadcast_in_dim3A : f32 to vector<16xf32>
    %broadcast_in_dim3A_2 = arith.constant 1.000000e+00 : f32
    %broadcast_in_dim3A_3 = vector.broadcast %broadcast_in_dim3A_2 : f32 to vector<16xf32>
    %scan3A = arith.constant 0 : i32
    %scan3A_4 = arith.constant 0 : i32
    %scan3A_5 = arith.constant 640 : i32
    %scan3A_6 = arith.addi %scan3A_4, %scan3A_5 : i32
    %scan3A_7 = arith.constant 1 : i32
    %scan3A_8 = scf.for %scan3A_136 = %scan3A_4 to %scan3A_6 step %scan3A_7 iter_args(%scan3A_137 = %scan3A) -> (i32)  : i32 {
      %jit3A = arith.constant 8 : i32
      %div3A = arith.divsi %scan3A_136, %jit3A : i32
      %sign3A = arith.constant 0 : i32
      %sign3A_138 = arith.cmpi sgt, %scan3A_136, %sign3A : i32
      %sign3A_139 = arith.extui %sign3A_138 : i1 to i32
      %sign3A_140 = arith.constant 0 : i32
      %sign3A_141 = arith.cmpi slt, %scan3A_136, %sign3A_140 : i32
      %sign3A_142 = arith.extui %sign3A_141 : i1 to i32
      %sign3A_143 = arith.subi %sign3A_139, %sign3A_142 : i32
      %sign3A_144 = arith.constant 0 : i32
      %sign3A_145 = arith.cmpi sgt, %jit3A, %sign3A_144 : i32
      %sign3A_146 = arith.extui %sign3A_145 : i1 to i32
      %sign3A_147 = arith.constant 0 : i32
      %sign3A_148 = arith.cmpi slt, %jit3A, %sign3A_147 : i32
      %sign3A_149 = arith.extui %sign3A_148 : i1 to i32
      %sign3A_150 = arith.subi %sign3A_146, %sign3A_149 : i32
      %ne3A = arith.cmpi ne, %sign3A_143, %sign3A_150 : i32
      %rem3A = arith.remsi %scan3A_136, %jit3A : i32
      %ne3A_151 = arith.constant 0 : i32
      %ne3A_152 = arith.cmpi ne, %rem3A, %ne3A_151 : i32
      %and3A = arith.andi %ne3A, %ne3A_152 : i1
      %sub3A = arith.constant 1 : i32
      %sub3A_153 = arith.subi %div3A, %sub3A : i32
      %select_n3A = arith.select %and3A, %sub3A_153, %div3A : i32
      %jit3A_154 = arith.constant 8 : i32
      %eq3A = arith.constant 0 : i32
      %eq3A_155 = arith.cmpi eq, %jit3A_154, %eq3A : i32
      %jit3A_156 = arith.constant 1 : i32
      %select_n3A_157 = arith.select %eq3A_155, %jit3A_156, %jit3A_154 : i32
      %rem3A_158 = arith.remsi %scan3A_136, %select_n3A_157 : i32
      %ne3A_159 = arith.constant 0 : i32
      %ne3A_160 = arith.cmpi ne, %rem3A_158, %ne3A_159 : i32
      %lt3A_161 = arith.constant 0 : i32
      %lt3A_162 = arith.cmpi slt, %rem3A_158, %lt3A_161 : i32
      %lt3A_163 = arith.constant 0 : i32
      %lt3A_164 = arith.cmpi slt, %select_n3A_157, %lt3A_163 : i32
      %ne3A_165 = arith.xori %lt3A_162, %lt3A_164 : i1
      %and3A_166 = arith.andi %ne3A_165, %ne3A_160 : i1
      %add3A_167 = arith.addi %rem3A_158, %select_n3A_157 : i32
      %select_n3A_168 = arith.select %and3A_166, %add3A_167, %rem3A_158 : i32
      %mul3A_169 = arith.constant 16 : i32
      %mul3A_170 = arith.muli %select_n3A_168, %mul3A_169 : i32
      %swap3A = arith.index_cast %select_n3A : i32 to index
      %swap3A_171 = arith.index_cast %mul3A_170 : i32 to index
      %swap3A_172 = tpu.vector_load %arg13[%swap3A, %swap3A_171] {strides = array<i32>} : memref<80x128xf32, #tpu.memory_space<vmem>>, vector<16xf32>,
      tpu.vector_store %arg13[%swap3A, %swap3A_171], %broadcast_in_dim3A_1 {strides = array<i32>} : memref<80x128xf32, #tpu.memory_space<vmem>>, vector<16xf32>,
      %scan3A_173 = arith.constant 0 : i32
      scf.yield %scan3A_173 : i32
    }
    %scan3A_9 = arith.constant 640 : i32
    %add3A_10 = arith.constant 0 : i32
    %add3A_11 = arith.addi %arg1, %add3A_10 : i32
    %lt3A = arith.constant 125 : i32
    %lt3A_12 = arith.cmpi slt, %add3A_11, %lt3A : i32
    %convert_element_type3A = arith.extui %lt3A_12 : i1 to i32
    %cond3A = arith.constant 0 : i32
    %cond3A_13 = arith.cmpi ne, %convert_element_type3A, %cond3A : i32
    scf.if %cond3A_13 {
      %mul3A_136 = arith.constant 80 : i32
      %mul3A_137 = arith.muli %add3A_11, %mul3A_136 : i32
      "tpu.region"() ({
        %run_scoped3A = tpu.sem_alloc : memref<!tpu.dma_semaphore, #tpu.memory_space<semaphore_mem>>
        %dma_start3A = arith.constant 0 : i32
        %dma_start3A_138 = tpu.memref_slice %arg7[%mul3A_137, %dma_start3A] : memref<10000x128xf32, #tpu.memory_space<vmem_shared>> -> memref<80x128xf32, #tpu.memory_space<vmem_shared>>
        %dma_start3A_139 = arith.constant 0 : i32
        %dma_start3A_140 = tpu.memref_slice %arg7[%mul3A_137, %dma_start3A_139] : memref<10000x128xf32, #tpu.memory_space<vmem_shared>> -> memref<80x128xf32, #tpu.memory_space<vmem_shared>>
        tpu.enqueue_dma source(%arg13 : memref<80x128xf32, #tpu.memory_space<vmem>>) target(%dma_start3A_140 : memref<80x128xf32, #tpu.memory_space<vmem_shared>>) target_semaphore(%run_scoped3A : memref<!tpu.dma_semaphore, #tpu.memory_space<semaphore_mem>>)
        %dma_wait3A = arith.constant 0 : i32
        %dma_wait3A_141 = tpu.memref_slice %arg7[%mul3A_137, %dma_wait3A] : memref<10000x128xf32, #tpu.memory_space<vmem_shared>> -> memref<80x128xf32, #tpu.memory_space<vmem_shared>>
        %dma_wait3A_142 = arith.constant 0 : i32
        %dma_wait3A_143 = tpu.memref_slice %arg7[%mul3A_137, %dma_wait3A_142] : memref<10000x128xf32, #tpu.memory_space<vmem_shared>> -> memref<80x128xf32, #tpu.memory_space<vmem_shared>>
        tpu.wait_dma2 semaphore(%run_scoped3A : memref<!tpu.dma_semaphore, #tpu.memory_space<semaphore_mem>>) src(%arg13 : memref<80x128xf32, #tpu.memory_space<vmem>>) dst(%dma_wait3A_143 : memref<80x128xf32, #tpu.memory_space<vmem_shared>>)
        tpu.yield
      }) : () -> ()
    } else {
    }
    %add3A_14 = arith.constant 16 : i32
    %add3A_15 = arith.addi %arg1, %add3A_14 : i32
    %lt3A_16 = arith.constant 125 : i32
    %lt3A_17 = arith.cmpi slt, %add3A_15, %lt3A_16 : i32
    %convert_element_type3A_18 = arith.extui %lt3A_17 : i1 to i32
    %cond3A_19 = arith.constant 0 : i32
    %cond3A_20 = arith.cmpi ne, %convert_element_type3A_18, %cond3A_19 : i32
    scf.if %cond3A_20 {
      %mul3A_136 = arith.constant 80 : i32
      %mul3A_137 = arith.muli %add3A_15, %mul3A_136 : i32
      "tpu.region"() ({
        %run_scoped3A = tpu.sem_alloc : memref<!tpu.dma_semaphore, #tpu.memory_space<semaphore_mem>>
        %dma_start3A = arith.constant 0 : i32
        %dma_start3A_138 = tpu.memref_slice %arg7[%mul3A_137, %dma_start3A] : memref<10000x128xf32, #tpu.memory_space<vmem_shared>> -> memref<80x128xf32, #tpu.memory_space<vmem_shared>>
        %dma_start3A_139 = arith.constant 0 : i32
        %dma_start3A_140 = tpu.memref_slice %arg7[%mul3A_137, %dma_start3A_139] : memref<10000x128xf32, #tpu.memory_space<vmem_shared>> -> memref<80x128xf32, #tpu.memory_space<vmem_shared>>
        tpu.enqueue_dma source(%arg13 : memref<80x128xf32, #tpu.memory_space<vmem>>) target(%dma_start3A_140 : memref<80x128xf32, #tpu.memory_space<vmem_shared>>) target_semaphore(%run_scoped3A : memref<!tpu.dma_semaphore, #tpu.memory_space<semaphore_mem>>)
        %dma_wait3A = arith.constant 0 : i32
        %dma_wait3A_141 = tpu.memref_slice %arg7[%mul3A_137, %dma_wait3A] : memref<10000x128xf32, #tpu.memory_space<vmem_shared>> -> memref<80x128xf32, #tpu.memory_space<vmem_shared>>
        %dma_wait3A_142 = arith.constant 0 : i32
        %dma_wait3A_143 = tpu.memref_slice %arg7[%mul3A_137, %dma_wait3A_142] : memref<10000x128xf32, #tpu.memory_space<vmem_shared>> -> memref<80x128xf32, #tpu.memory_space<vmem_shared>>
        tpu.wait_dma2 semaphore(%run_scoped3A : memref<!tpu.dma_semaphore, #tpu.memory_space<semaphore_mem>>) src(%arg13 : memref<80x128xf32, #tpu.memory_space<vmem>>) dst(%dma_wait3A_143 : memref<80x128xf32, #tpu.memory_space<vmem_shared>>)
        tpu.yield
      }) : () -> ()
    } else {
    }
    %add3A_21 = arith.constant 32 : i32
    %add3A_22 = arith.addi %arg1, %add3A_21 : i32
    %lt3A_23 = arith.constant 125 : i32
    %lt3A_24 = arith.cmpi slt, %add3A_22, %lt3A_23 : i32
    %convert_element_type3A_25 = arith.extui %lt3A_24 : i1 to i32
    %cond3A_26 = arith.constant 0 : i32
    %cond3A_27 = arith.cmpi ne, %convert_element_type3A_25, %cond3A_26 : i32
    scf.if %cond3A_27 {
      %mul3A_136 = arith.constant 80 : i32
      %mul3A_137 = arith.muli %add3A_22, %mul3A_136 : i32
      "tpu.region"() ({
        %run_scoped3A = tpu.sem_alloc : memref<!tpu.dma_semaphore, #tpu.memory_space<semaphore_mem>>
        %dma_start3A = arith.constant 0 : i32
        %dma_start3A_138 = tpu.memref_slice %arg7[%mul3A_137, %dma_start3A] : memref<10000x128xf32, #tpu.memory_space<vmem_shared>> -> memref<80x128xf32, #tpu.memory_space<vmem_shared>>
        %dma_start3A_139 = arith.constant 0 : i32
        %dma_start3A_140 = tpu.memref_slice %arg7[%mul3A_137, %dma_start3A_139] : memref<10000x128xf32, #tpu.memory_space<vmem_shared>> -> memref<80x128xf32, #tpu.memory_space<vmem_shared>>
        tpu.enqueue_dma source(%arg13 : memref<80x128xf32, #tpu.memory_space<vmem>>) target(%dma_start3A_140 : memref<80x128xf32, #tpu.memory_space<vmem_shared>>) target_semaphore(%run_scoped3A : memref<!tpu.dma_semaphore, #tpu.memory_space<semaphore_mem>>)
        %dma_wait3A = arith.constant 0 : i32
        %dma_wait3A_141 = tpu.memref_slice %arg7[%mul3A_137, %dma_wait3A] : memref<10000x128xf32, #tpu.memory_space<vmem_shared>> -> memref<80x128xf32, #tpu.memory_space<vmem_shared>>
        %dma_wait3A_142 = arith.constant 0 : i32
        %dma_wait3A_143 = tpu.memref_slice %arg7[%mul3A_137, %dma_wait3A_142] : memref<10000x128xf32, #tpu.memory_space<vmem_shared>> -> memref<80x128xf32, #tpu.memory_space<vmem_shared>>
        tpu.wait_dma2 semaphore(%run_scoped3A : memref<!tpu.dma_semaphore, #tpu.memory_space<semaphore_mem>>) src(%arg13 : memref<80x128xf32, #tpu.memory_space<vmem>>) dst(%dma_wait3A_143 : memref<80x128xf32, #tpu.memory_space<vmem_shared>>)
        tpu.yield
      }) : () -> ()
    } else {
    }
    %add3A_28 = arith.constant 48 : i32
    %add3A_29 = arith.addi %arg1, %add3A_28 : i32
    %lt3A_30 = arith.constant 125 : i32
    %lt3A_31 = arith.cmpi slt, %add3A_29, %lt3A_30 : i32
    %convert_element_type3A_32 = arith.extui %lt3A_31 : i1 to i32
    %cond3A_33 = arith.constant 0 : i32
    %cond3A_34 = arith.cmpi ne, %convert_element_type3A_32, %cond3A_33 : i32
    scf.if %cond3A_34 {
      %mul3A_136 = arith.constant 80 : i32
      %mul3A_137 = arith.muli %add3A_29, %mul3A_136 : i32
      "tpu.region"() ({
        %run_scoped3A = tpu.sem_alloc : memref<!tpu.dma_semaphore, #tpu.memory_space<semaphore_mem>>
        %dma_start3A = arith.constant 0 : i32
        %dma_start3A_138 = tpu.memref_slice %arg7[%mul3A_137, %dma_start3A] : memref<10000x128xf32, #tpu.memory_space<vmem_shared>> -> memref<80x128xf32, #tpu.memory_space<vmem_shared>>
        %dma_start3A_139 = arith.constant 0 : i32
        %dma_start3A_140 = tpu.memref_slice %arg7[%mul3A_137, %dma_start3A_139] : memref<10000x128xf32, #tpu.memory_space<vmem_shared>> -> memref<80x128xf32, #tpu.memory_space<vmem_shared>>
        tpu.enqueue_dma source(%arg13 : memref<80x128xf32, #tpu.memory_space<vmem>>) target(%dma_start3A_140 : memref<80x128xf32, #tpu.memory_space<vmem_shared>>) target_semaphore(%run_scoped3A : memref<!tpu.dma_semaphore, #tpu.memory_space<semaphore_mem>>)
        %dma_wait3A = arith.constant 0 : i32
        %dma_wait3A_141 = tpu.memref_slice %arg7[%mul3A_137, %dma_wait3A] : memref<10000x128xf32, #tpu.memory_space<vmem_shared>> -> memref<80x128xf32, #tpu.memory_space<vmem_shared>>
        %dma_wait3A_142 = arith.constant 0 : i32
        %dma_wait3A_143 = tpu.memref_slice %arg7[%mul3A_137, %dma_wait3A_142] : memref<10000x128xf32, #tpu.memory_space<vmem_shared>> -> memref<80x128xf32, #tpu.memory_space<vmem_shared>>
        tpu.wait_dma2 semaphore(%run_scoped3A : memref<!tpu.dma_semaphore, #tpu.memory_space<semaphore_mem>>) src(%arg13 : memref<80x128xf32, #tpu.memory_space<vmem>>) dst(%dma_wait3A_143 : memref<80x128xf32, #tpu.memory_space<vmem_shared>>)
        tpu.yield
      }) : () -> ()
    } else {
    }
    %add3A_35 = arith.constant 64 : i32
    %add3A_36 = arith.addi %arg1, %add3A_35 : i32
    %lt3A_37 = arith.constant 125 : i32
    %lt3A_38 = arith.cmpi slt, %add3A_36, %lt3A_37 : i32
    %convert_element_type3A_39 = arith.extui %lt3A_38 : i1 to i32
    %cond3A_40 = arith.constant 0 : i32
    %cond3A_41 = arith.cmpi ne, %convert_element_type3A_39, %cond3A_40 : i32
    scf.if %cond3A_41 {
      %mul3A_136 = arith.constant 80 : i32
      %mul3A_137 = arith.muli %add3A_36, %mul3A_136 : i32
      "tpu.region"() ({
        %run_scoped3A = tpu.sem_alloc : memref<!tpu.dma_semaphore, #tpu.memory_space<semaphore_mem>>
        %dma_start3A = arith.constant 0 : i32
        %dma_start3A_138 = tpu.memref_slice %arg7[%mul3A_137, %dma_start3A] : memref<10000x128xf32, #tpu.memory_space<vmem_shared>> -> memref<80x128xf32, #tpu.memory_space<vmem_shared>>
        %dma_start3A_139 = arith.constant 0 : i32
        %dma_start3A_140 = tpu.memref_slice %arg7[%mul3A_137, %dma_start3A_139] : memref<10000x128xf32, #tpu.memory_space<vmem_shared>> -> memref<80x128xf32, #tpu.memory_space<vmem_shared>>
        tpu.enqueue_dma source(%arg13 : memref<80x128xf32, #tpu.memory_space<vmem>>) target(%dma_start3A_140 : memref<80x128xf32, #tpu.memory_space<vmem_shared>>) target_semaphore(%run_scoped3A : memref<!tpu.dma_semaphore, #tpu.memory_space<semaphore_mem>>)
        %dma_wait3A = arith.constant 0 : i32
        %dma_wait3A_141 = tpu.memref_slice %arg7[%mul3A_137, %dma_wait3A] : memref<10000x128xf32, #tpu.memory_space<vmem_shared>> -> memref<80x128xf32, #tpu.memory_space<vmem_shared>>
        %dma_wait3A_142 = arith.constant 0 : i32
        %dma_wait3A_143 = tpu.memref_slice %arg7[%mul3A_137, %dma_wait3A_142] : memref<10000x128xf32, #tpu.memory_space<vmem_shared>> -> memref<80x128xf32, #tpu.memory_space<vmem_shared>>
        tpu.wait_dma2 semaphore(%run_scoped3A : memref<!tpu.dma_semaphore, #tpu.memory_space<semaphore_mem>>) src(%arg13 : memref<80x128xf32, #tpu.memory_space<vmem>>) dst(%dma_wait3A_143 : memref<80x128xf32, #tpu.memory_space<vmem_shared>>)
        tpu.yield
      }) : () -> ()
    } else {
    }
    %add3A_42 = arith.constant 80 : i32
    %add3A_43 = arith.addi %arg1, %add3A_42 : i32
    %lt3A_44 = arith.constant 125 : i32
    %lt3A_45 = arith.cmpi slt, %add3A_43, %lt3A_44 : i32
    %convert_element_type3A_46 = arith.extui %lt3A_45 : i1 to i32
    %cond3A_47 = arith.constant 0 : i32
    %cond3A_48 = arith.cmpi ne, %convert_element_type3A_46, %cond3A_47 : i32
    scf.if %cond3A_48 {
      %mul3A_136 = arith.constant 80 : i32
      %mul3A_137 = arith.muli %add3A_43, %mul3A_136 : i32
      "tpu.region"() ({
        %run_scoped3A = tpu.sem_alloc : memref<!tpu.dma_semaphore, #tpu.memory_space<semaphore_mem>>
        %dma_start3A = arith.constant 0 : i32
        %dma_start3A_138 = tpu.memref_slice %arg7[%mul3A_137, %dma_start3A] : memref<10000x128xf32, #tpu.memory_space<vmem_shared>> -> memref<80x128xf32, #tpu.memory_space<vmem_shared>>
        %dma_start3A_139 = arith.constant 0 : i32
        %dma_start3A_140 = tpu.memref_slice %arg7[%mul3A_137, %dma_start3A_139] : memref<10000x128xf32, #tpu.memory_space<vmem_shared>> -> memref<80x128xf32, #tpu.memory_space<vmem_shared>>
        tpu.enqueue_dma source(%arg13 : memref<80x128xf32, #tpu.memory_space<vmem>>) target(%dma_start3A_140 : memref<80x128xf32, #tpu.memory_space<vmem_shared>>) target_semaphore(%run_scoped3A : memref<!tpu.dma_semaphore, #tpu.memory_space<semaphore_mem>>)
        %dma_wait3A = arith.constant 0 : i32
        %dma_wait3A_141 = tpu.memref_slice %arg7[%mul3A_137, %dma_wait3A] : memref<10000x128xf32, #tpu.memory_space<vmem_shared>> -> memref<80x128xf32, #tpu.memory_space<vmem_shared>>
        %dma_wait3A_142 = arith.constant 0 : i32
        %dma_wait3A_143 = tpu.memref_slice %arg7[%mul3A_137, %dma_wait3A_142] : memref<10000x128xf32, #tpu.memory_space<vmem_shared>> -> memref<80x128xf32, #tpu.memory_space<vmem_shared>>
        tpu.wait_dma2 semaphore(%run_scoped3A : memref<!tpu.dma_semaphore, #tpu.memory_space<semaphore_mem>>) src(%arg13 : memref<80x128xf32, #tpu.memory_space<vmem>>) dst(%dma_wait3A_143 : memref<80x128xf32, #tpu.memory_space<vmem_shared>>)
        tpu.yield
      }) : () -> ()
    } else {
    }
    %add3A_49 = arith.constant 96 : i32
    %add3A_50 = arith.addi %arg1, %add3A_49 : i32
    %lt3A_51 = arith.constant 125 : i32
    %lt3A_52 = arith.cmpi slt, %add3A_50, %lt3A_51 : i32
    %convert_element_type3A_53 = arith.extui %lt3A_52 : i1 to i32
    %cond3A_54 = arith.constant 0 : i32
    %cond3A_55 = arith.cmpi ne, %convert_element_type3A_53, %cond3A_54 : i32
    scf.if %cond3A_55 {
      %mul3A_136 = arith.constant 80 : i32
      %mul3A_137 = arith.muli %add3A_50, %mul3A_136 : i32
      "tpu.region"() ({
        %run_scoped3A = tpu.sem_alloc : memref<!tpu.dma_semaphore, #tpu.memory_space<semaphore_mem>>
        %dma_start3A = arith.constant 0 : i32
        %dma_start3A_138 = tpu.memref_slice %arg7[%mul3A_137, %dma_start3A] : memref<10000x128xf32, #tpu.memory_space<vmem_shared>> -> memref<80x128xf32, #tpu.memory_space<vmem_shared>>
        %dma_start3A_139 = arith.constant 0 : i32
        %dma_start3A_140 = tpu.memref_slice %arg7[%mul3A_137, %dma_start3A_139] : memref<10000x128xf32, #tpu.memory_space<vmem_shared>> -> memref<80x128xf32, #tpu.memory_space<vmem_shared>>
        tpu.enqueue_dma source(%arg13 : memref<80x128xf32, #tpu.memory_space<vmem>>) target(%dma_start3A_140 : memref<80x128xf32, #tpu.memory_space<vmem_shared>>) target_semaphore(%run_scoped3A : memref<!tpu.dma_semaphore, #tpu.memory_space<semaphore_mem>>)
        %dma_wait3A = arith.constant 0 : i32
        %dma_wait3A_141 = tpu.memref_slice %arg7[%mul3A_137, %dma_wait3A] : memref<10000x128xf32, #tpu.memory_space<vmem_shared>> -> memref<80x128xf32, #tpu.memory_space<vmem_shared>>
        %dma_wait3A_142 = arith.constant 0 : i32
        %dma_wait3A_143 = tpu.memref_slice %arg7[%mul3A_137, %dma_wait3A_142] : memref<10000x128xf32, #tpu.memory_space<vmem_shared>> -> memref<80x128xf32, #tpu.memory_space<vmem_shared>>
        tpu.wait_dma2 semaphore(%run_scoped3A : memref<!tpu.dma_semaphore, #tpu.memory_space<semaphore_mem>>) src(%arg13 : memref<80x128xf32, #tpu.memory_space<vmem>>) dst(%dma_wait3A_143 : memref<80x128xf32, #tpu.memory_space<vmem_shared>>)
        tpu.yield
      }) : () -> ()
    } else {
    }
    %add3A_56 = arith.constant 112 : i32
    %add3A_57 = arith.addi %arg1, %add3A_56 : i32
    %lt3A_58 = arith.constant 125 : i32
    %lt3A_59 = arith.cmpi slt, %add3A_57, %lt3A_58 : i32
    %convert_element_type3A_60 = arith.extui %lt3A_59 : i1 to i32
    %cond3A_61 = arith.constant 0 : i32
    %cond3A_62 = arith.cmpi ne, %convert_element_type3A_60, %cond3A_61 : i32
    scf.if %cond3A_62 {
      %mul3A_136 = arith.constant 80 : i32
      %mul3A_137 = arith.muli %add3A_57, %mul3A_136 : i32
      "tpu.region"() ({
        %run_scoped3A = tpu.sem_alloc : memref<!tpu.dma_semaphore, #tpu.memory_space<semaphore_mem>>
        %dma_start3A = arith.constant 0 : i32
        %dma_start3A_138 = tpu.memref_slice %arg7[%mul3A_137, %dma_start3A] : memref<10000x128xf32, #tpu.memory_space<vmem_shared>> -> memref<80x128xf32, #tpu.memory_space<vmem_shared>>
        %dma_start3A_139 = arith.constant 0 : i32
        %dma_start3A_140 = tpu.memref_slice %arg7[%mul3A_137, %dma_start3A_139] : memref<10000x128xf32, #tpu.memory_space<vmem_shared>> -> memref<80x128xf32, #tpu.memory_space<vmem_shared>>
        tpu.enqueue_dma source(%arg13 : memref<80x128xf32, #tpu.memory_space<vmem>>) target(%dma_start3A_140 : memref<80x128xf32, #tpu.memory_space<vmem_shared>>) target_semaphore(%run_scoped3A : memref<!tpu.dma_semaphore, #tpu.memory_space<semaphore_mem>>)
        %dma_wait3A = arith.constant 0 : i32
        %dma_wait3A_141 = tpu.memref_slice %arg7[%mul3A_137, %dma_wait3A] : memref<10000x128xf32, #tpu.memory_space<vmem_shared>> -> memref<80x128xf32, #tpu.memory_space<vmem_shared>>
        %dma_wait3A_142 = arith.constant 0 : i32
        %dma_wait3A_143 = tpu.memref_slice %arg7[%mul3A_137, %dma_wait3A_142] : memref<10000x128xf32, #tpu.memory_space<vmem_shared>> -> memref<80x128xf32, #tpu.memory_space<vmem_shared>>
        tpu.wait_dma2 semaphore(%run_scoped3A : memref<!tpu.dma_semaphore, #tpu.memory_space<semaphore_mem>>) src(%arg13 : memref<80x128xf32, #tpu.memory_space<vmem>>) dst(%dma_wait3A_143 : memref<80x128xf32, #tpu.memory_space<vmem_shared>>)
        tpu.yield
      }) : () -> ()
    } else {
    }
    %scan3A_63 = arith.constant 0 : i32
    %scan3A_64 = arith.constant 0 : i32
    %scan3A_65 = arith.constant 625 : i32
    %scan3A_66 = arith.addi %scan3A_64, %scan3A_65 : i32
    %scan3A_67 = arith.constant 1 : i32
    %scan3A_68 = scf.for %scan3A_136 = %scan3A_64 to %scan3A_66 step %scan3A_67 iter_args(%scan3A_137 = %scan3A_63) -> (i32)  : i32 {
      %mul3A_138 = arith.constant 16 : i32
      %mul3A_139 = arith.muli %scan3A_136, %mul3A_138 : i32
      %swap3A = arith.index_cast %mul3A_139 : i32 to index
      %swap3A_140 = tpu.vector_load %arg15[%swap3A] {strides = array<i32>} : memref<10000xf32, #tpu.memory_space<vmem>>, vector<16xf32>,
      tpu.vector_store %arg15[%swap3A], %broadcast_in_dim3A_1 {strides = array<i32>} : memref<10000xf32, #tpu.memory_space<vmem>>, vector<16xf32>,
      %scan3A_141 = arith.constant 0 : i32
      scf.yield %scan3A_141 : i32
    }
    %scan3A_69 = arith.constant 625 : i32
    %barrier3A = arith.constant 0 : index
    tpu.barrier barrier_id(%barrier3A)
    %scan3A_70 = arith.constant 0 : i32
    %scan3A_71 = arith.constant 0 : i32
    %scan3A_72 = arith.constant 5 : i32
    %scan3A_73 = arith.addi %scan3A_71, %scan3A_72 : i32
    %scan3A_74 = arith.constant 1 : i32
    %scan3A_75 = scf.for %scan3A_136 = %scan3A_71 to %scan3A_73 step %scan3A_74 iter_args(%scan3A_137 = %scan3A_70) -> (i32)  : i32 {
      %mul3A_138 = arith.constant 10000 : i32
      %mul3A_139 = arith.muli %add3A, %mul3A_138 : i32
      %mul3A_140 = arith.constant 2000 : i32
      %mul3A_141 = arith.muli %scan3A_136, %mul3A_140 : i32
      %add3A_142 = arith.addi %mul3A_139, %mul3A_141 : i32
      "tpu.region"() ({
        %run_scoped3A = tpu.sem_alloc : memref<!tpu.dma_semaphore, #tpu.memory_space<semaphore_mem>>
        %dma_start3A = tpu.memref_slice %arg3[%add3A_142] : memref<320000xi32, #tpu.memory_space<hbm>> -> memref<2000xi32, #tpu.memory_space<hbm>>
        %dma_start3A_151 = tpu.memref_slice %arg3[%add3A_142] : memref<320000xi32, #tpu.memory_space<hbm>> -> memref<2000xi32, #tpu.memory_space<hbm>>
        tpu.enqueue_dma source(%dma_start3A_151 : memref<2000xi32, #tpu.memory_space<hbm>>) target(%arg8 : memref<2000xi32, #tpu.memory_space<vmem>>) target_semaphore(%run_scoped3A : memref<!tpu.dma_semaphore, #tpu.memory_space<semaphore_mem>>)
        %dma_wait3A = tpu.memref_slice %arg3[%add3A_142] : memref<320000xi32, #tpu.memory_space<hbm>> -> memref<2000xi32, #tpu.memory_space<hbm>>
        %dma_wait3A_152 = tpu.memref_slice %arg3[%add3A_142] : memref<320000xi32, #tpu.memory_space<hbm>> -> memref<2000xi32, #tpu.memory_space<hbm>>
        tpu.wait_dma2 semaphore(%run_scoped3A : memref<!tpu.dma_semaphore, #tpu.memory_space<semaphore_mem>>) src(%dma_wait3A_152 : memref<2000xi32, #tpu.memory_space<hbm>>) dst(%arg8 : memref<2000xi32, #tpu.memory_space<vmem>>)
        tpu.yield
      }) : () -> ()
      "tpu.region"() ({
        %run_scoped3A = tpu.sem_alloc : memref<!tpu.dma_semaphore, #tpu.memory_space<semaphore_mem>>
        %dma_start3A = tpu.memref_slice %arg4[%add3A_142] : memref<320000xi32, #tpu.memory_space<hbm>> -> memref<2000xi32, #tpu.memory_space<hbm>>
        %dma_start3A_151 = tpu.memref_slice %arg4[%add3A_142] : memref<320000xi32, #tpu.memory_space<hbm>> -> memref<2000xi32, #tpu.memory_space<hbm>>
        tpu.enqueue_dma source(%dma_start3A_151 : memref<2000xi32, #tpu.memory_space<hbm>>) target(%arg9 : memref<2000xi32, #tpu.memory_space<vmem>>) target_semaphore(%run_scoped3A : memref<!tpu.dma_semaphore, #tpu.memory_space<semaphore_mem>>)
        %dma_wait3A = tpu.memref_slice %arg4[%add3A_142] : memref<320000xi32, #tpu.memory_space<hbm>> -> memref<2000xi32, #tpu.memory_space<hbm>>
        %dma_wait3A_152 = tpu.memref_slice %arg4[%add3A_142] : memref<320000xi32, #tpu.memory_space<hbm>> -> memref<2000xi32, #tpu.memory_space<hbm>>
        tpu.wait_dma2 semaphore(%run_scoped3A : memref<!tpu.dma_semaphore, #tpu.memory_space<semaphore_mem>>) src(%dma_wait3A_152 : memref<2000xi32, #tpu.memory_space<hbm>>) dst(%arg9 : memref<2000xi32, #tpu.memory_space<vmem>>)
        tpu.yield
      }) : () -> ()
      %scan3A_143 = arith.constant 0 : i32
      %scan3A_144 = arith.constant 0 : i32
      %scan3A_145 = arith.constant 25 : i32
      %scan3A_146 = arith.addi %scan3A_144, %scan3A_145 : i32
      %scan3A_147 = arith.constant 1 : i32
      %scan3A_148 = scf.for %scan3A_151 = %scan3A_144 to %scan3A_146 step %scan3A_147 iter_args(%scan3A_152 = %scan3A_143) -> (i32)  : i32 {
        %mul3A_153 = arith.constant 80 : i32
        %mul3A_154 = arith.muli %scan3A_151, %mul3A_153 : i32
        %add3A_155 = arith.constant 0 : i32
        %add3A_156 = arith.addi %mul3A_154, %add3A_155 : i32
        %get3A = arith.index_cast %add3A_156 : i32 to index
        %get3A_157 = tpu.vector_load %arg8[%get3A] {strides = array<i32>} : memref<2000xi32, #tpu.memory_space<vmem>>, vector<16xi32>,
        %swap3A = arith.constant 0 : index
        %swap3A_158 = tpu.vector_load %arg10[%swap3A] {strides = array<i32>} : memref<80xi32, #tpu.memory_space<vmem>>, vector<16xi32>,
        tpu.vector_store %arg10[%swap3A], %get3A_157 {strides = array<i32>} : memref<80xi32, #tpu.memory_space<vmem>>, vector<16xi32>,
        %add3A_159 = arith.constant 0 : i32
        %add3A_160 = arith.addi %mul3A_154, %add3A_159 : i32
        %get3A_161 = arith.index_cast %add3A_160 : i32 to index
        %get3A_162 = tpu.vector_load %arg9[%get3A_161] {strides = array<i32>} : memref<2000xi32, #tpu.memory_space<vmem>>, vector<16xi32>,
        %swap3A_163 = arith.constant 0 : index
        %swap3A_164 = tpu.vector_load %arg11[%swap3A_163] {strides = array<i32>} : memref<80xi32, #tpu.memory_space<vmem>>, vector<16xi32>,
        tpu.vector_store %arg11[%swap3A_163], %get3A_162 {strides = array<i32>} : memref<80xi32, #tpu.memory_space<vmem>>, vector<16xi32>,
        %add3A_165 = arith.constant 16 : i32
        %add3A_166 = arith.addi %mul3A_154, %add3A_165 : i32
        %get3A_167 = arith.index_cast %add3A_166 : i32 to index
        %get3A_168 = tpu.vector_load %arg8[%get3A_167] {strides = array<i32>} : memref<2000xi32, #tpu.memory_space<vmem>>, vector<16xi32>,
        %swap3A_169 = arith.constant 16 : index
        %swap3A_170 = tpu.vector_load %arg10[%swap3A_169] {strides = array<i32>} : memref<80xi32, #tpu.memory_space<vmem>>, vector<16xi32>,
        tpu.vector_store %arg10[%swap3A_169], %get3A_168 {strides = array<i32>} : memref<80xi32, #tpu.memory_space<vmem>>, vector<16xi32>,
        %add3A_171 = arith.constant 16 : i32
        %add3A_172 = arith.addi %mul3A_154, %add3A_171 : i32
        %get3A_173 = arith.index_cast %add3A_172 : i32 to index
        %get3A_174 = tpu.vector_load %arg9[%get3A_173] {strides = array<i32>} : memref<2000xi32, #tpu.memory_space<vmem>>, vector<16xi32>,
        %swap3A_175 = arith.constant 16 : index
        %swap3A_176 = tpu.vector_load %arg11[%swap3A_175] {strides = array<i32>} : memref<80xi32, #tpu.memory_space<vmem>>, vector<16xi32>,
        tpu.vector_store %arg11[%swap3A_175], %get3A_174 {strides = array<i32>} : memref<80xi32, #tpu.memory_space<vmem>>, vector<16xi32>,
        %add3A_177 = arith.constant 32 : i32
        %add3A_178 = arith.addi %mul3A_154, %add3A_177 : i32
        %get3A_179 = arith.index_cast %add3A_178 : i32 to index
        %get3A_180 = tpu.vector_load %arg8[%get3A_179] {strides = array<i32>} : memref<2000xi32, #tpu.memory_space<vmem>>, vector<16xi32>,
        %swap3A_181 = arith.constant 32 : index
        %swap3A_182 = tpu.vector_load %arg10[%swap3A_181] {strides = array<i32>} : memref<80xi32, #tpu.memory_space<vmem>>, vector<16xi32>,
        tpu.vector_store %arg10[%swap3A_181], %get3A_180 {strides = array<i32>} : memref<80xi32, #tpu.memory_space<vmem>>, vector<16xi32>,
        %add3A_183 = arith.constant 32 : i32
        %add3A_184 = arith.addi %mul3A_154, %add3A_183 : i32
        %get3A_185 = arith.index_cast %add3A_184 : i32 to index
        %get3A_186 = tpu.vector_load %arg9[%get3A_185] {strides = array<i32>} : memref<2000xi32, #tpu.memory_space<vmem>>, vector<16xi32>,
        %swap3A_187 = arith.constant 32 : index
        %swap3A_188 = tpu.vector_load %arg11[%swap3A_187] {strides = array<i32>} : memref<80xi32, #tpu.memory_space<vmem>>, vector<16xi32>,
        tpu.vector_store %arg11[%swap3A_187], %get3A_186 {strides = array<i32>} : memref<80xi32, #tpu.memory_space<vmem>>, vector<16xi32>,
        %add3A_189 = arith.constant 48 : i32
        %add3A_190 = arith.addi %mul3A_154, %add3A_189 : i32
        %get3A_191 = arith.index_cast %add3A_190 : i32 to index
        %get3A_192 = tpu.vector_load %arg8[%get3A_191] {strides = array<i32>} : memref<2000xi32, #tpu.memory_space<vmem>>, vector<16xi32>,
        %swap3A_193 = arith.constant 48 : index
        %swap3A_194 = tpu.vector_load %arg10[%swap3A_193] {strides = array<i32>} : memref<80xi32, #tpu.memory_space<vmem>>, vector<16xi32>,
        tpu.vector_store %arg10[%swap3A_193], %get3A_192 {strides = array<i32>} : memref<80xi32, #tpu.memory_space<vmem>>, vector<16xi32>,
        %add3A_195 = arith.constant 48 : i32
        %add3A_196 = arith.addi %mul3A_154, %add3A_195 : i32
        %get3A_197 = arith.index_cast %add3A_196 : i32 to index
        %get3A_198 = tpu.vector_load %arg9[%get3A_197] {strides = array<i32>} : memref<2000xi32, #tpu.memory_space<vmem>>, vector<16xi32>,
        %swap3A_199 = arith.constant 48 : index
        %swap3A_200 = tpu.vector_load %arg11[%swap3A_199] {strides = array<i32>} : memref<80xi32, #tpu.memory_space<vmem>>, vector<16xi32>,
        tpu.vector_store %arg11[%swap3A_199], %get3A_198 {strides = array<i32>} : memref<80xi32, #tpu.memory_space<vmem>>, vector<16xi32>,
        %add3A_201 = arith.constant 64 : i32
        %add3A_202 = arith.addi %mul3A_154, %add3A_201 : i32
        %get3A_203 = arith.index_cast %add3A_202 : i32 to index
        %get3A_204 = tpu.vector_load %arg8[%get3A_203] {strides = array<i32>} : memref<2000xi32, #tpu.memory_space<vmem>>, vector<16xi32>,
        %swap3A_205 = arith.constant 64 : index
        %swap3A_206 = tpu.vector_load %arg10[%swap3A_205] {strides = array<i32>} : memref<80xi32, #tpu.memory_space<vmem>>, vector<16xi32>,
        tpu.vector_store %arg10[%swap3A_205], %get3A_204 {strides = array<i32>} : memref<80xi32, #tpu.memory_space<vmem>>, vector<16xi32>,
        %add3A_207 = arith.constant 64 : i32
        %add3A_208 = arith.addi %mul3A_154, %add3A_207 : i32
        %get3A_209 = arith.index_cast %add3A_208 : i32 to index
        %get3A_210 = tpu.vector_load %arg9[%get3A_209] {strides = array<i32>} : memref<2000xi32, #tpu.memory_space<vmem>>, vector<16xi32>,
        %swap3A_211 = arith.constant 64 : index
        %swap3A_212 = tpu.vector_load %arg11[%swap3A_211] {strides = array<i32>} : memref<80xi32, #tpu.memory_space<vmem>>, vector<16xi32>,
        tpu.vector_store %arg11[%swap3A_211], %get3A_210 {strides = array<i32>} : memref<80xi32, #tpu.memory_space<vmem>>, vector<16xi32>,
        %dma_start3A = arith.constant 0 : i32
        %dma_start3A_213 = arith.constant 0 : i32
        %dma_start3A_214 = tpu.memref_slice %arg2[%dma_start3A, %dma_start3A_213] : memref<10000x128xf32, #tpu.memory_space<hbm>> -> memref<10000x128xf32, #tpu.memory_space<hbm>>
        tpu.enqueue_indirect_dma source(%dma_start3A_214 : memref<10000x128xf32, #tpu.memory_space<hbm>>) target(%arg12 : memref<80x128xf32, #tpu.memory_space<vmem>>) offsets(%arg10 : memref<80xi32, #tpu.memory_space<vmem>>) semaphore(%arg14 : memref<!tpu.dma_semaphore, #tpu.memory_space<semaphore_mem>>)
        %dma_wait3A = arith.constant 0 : i32
        %dma_wait3A_215 = arith.constant 0 : i32
        %dma_wait3A_216 = tpu.memref_slice %arg2[%dma_wait3A, %dma_wait3A_215] : memref<10000x128xf32, #tpu.memory_space<hbm>> -> memref<10000x128xf32, #tpu.memory_space<hbm>>
        tpu.wait_indirect_dma semaphore(%arg14 : memref<!tpu.dma_semaphore, #tpu.memory_space<semaphore_mem>>) src(%dma_wait3A_216 : memref<10000x128xf32, #tpu.memory_space<hbm>>) dst(%arg12 : memref<80x128xf32, #tpu.memory_space<vmem>>)
        "tpu.region"() ({
          %run_scoped3A = tpu.sem_alloc : memref<!tpu.dma_semaphore, #tpu.memory_space<semaphore_mem>>
          %dma_start3A_228 = arith.constant 0 : i32
          %dma_start3A_229 = arith.constant 0 : i32
          %dma_start3A_230 = tpu.memref_slice %arg7[%dma_start3A_228, %dma_start3A_229] : memref<10000x128xf32, #tpu.memory_space<vmem_shared>> -> memref<10000x128xf32, #tpu.memory_space<vmem_shared>>
          tpu.enqueue_indirect_dma source(%arg12 : memref<80x128xf32, #tpu.memory_space<vmem>>) target(%dma_start3A_230 : memref<10000x128xf32, #tpu.memory_space<vmem_shared>>) offsets(%arg11 : memref<80xi32, #tpu.memory_space<vmem>>) semaphore(%run_scoped3A : memref<!tpu.dma_semaphore, #tpu.memory_space<semaphore_mem>>) {add = true}
          %dma_wait3A_231 = arith.constant 0 : i32
          %dma_wait3A_232 = arith.constant 0 : i32
          %dma_wait3A_233 = tpu.memref_slice %arg7[%dma_wait3A_231, %dma_wait3A_232] : memref<10000x128xf32, #tpu.memory_space<vmem_shared>> -> memref<10000x128xf32, #tpu.memory_space<vmem_shared>>
          tpu.wait_indirect_dma semaphore(%run_scoped3A : memref<!tpu.dma_semaphore, #tpu.memory_space<semaphore_mem>>) src(%arg12 : memref<80x128xf32, #tpu.memory_space<vmem>>) dst(%dma_wait3A_233 : memref<10000x128xf32, #tpu.memory_space<vmem_shared>>)
          tpu.yield
        }) : () -> ()
        %get3A_217 = arith.constant 0 : index
        %get3A_218 = tpu.vector_load %arg11[%get3A_217] {strides = array<i32>} : memref<80xi32, #tpu.memory_space<vmem>>, vector<16xi32>,
        tpu.vector_store_idx %arg15[%get3A_218], %broadcast_in_dim3A_3 {add = true} : memref<10000xf32, #tpu.memory_space<vmem>>[vector<16xi32>], vector<16xf32>,
        %get3A_219 = arith.constant 16 : index
        %get3A_220 = tpu.vector_load %arg11[%get3A_219] {strides = array<i32>} : memref<80xi32, #tpu.memory_space<vmem>>, vector<16xi32>,
        tpu.vector_store_idx %arg15[%get3A_220], %broadcast_in_dim3A_3 {add = true} : memref<10000xf32, #tpu.memory_space<vmem>>[vector<16xi32>], vector<16xf32>,
        %get3A_221 = arith.constant 32 : index
        %get3A_222 = tpu.vector_load %arg11[%get3A_221] {strides = array<i32>} : memref<80xi32, #tpu.memory_space<vmem>>, vector<16xi32>,
        tpu.vector_store_idx %arg15[%get3A_222], %broadcast_in_dim3A_3 {add = true} : memref<10000xf32, #tpu.memory_space<vmem>>[vector<16xi32>], vector<16xf32>,
        %get3A_223 = arith.constant 48 : index
        %get3A_224 = tpu.vector_load %arg11[%get3A_223] {strides = array<i32>} : memref<80xi32, #tpu.memory_space<vmem>>, vector<16xi32>,
        tpu.vector_store_idx %arg15[%get3A_224], %broadcast_in_dim3A_3 {add = true} : memref<10000xf32, #tpu.memory_space<vmem>>[vector<16xi32>], vector<16xf32>,
        %get3A_225 = arith.constant 64 : index
        %get3A_226 = tpu.vector_load %arg11[%get3A_225] {strides = array<i32>} : memref<80xi32, #tpu.memory_space<vmem>>, vector<16xi32>,
        tpu.vector_store_idx %arg15[%get3A_226], %broadcast_in_dim3A_3 {add = true} : memref<10000xf32, #tpu.memory_space<vmem>>[vector<16xi32>], vector<16xf32>,
        %scan3A_227 = arith.constant 0 : i32
        scf.yield %scan3A_227 : i32
      }
      %scan3A_149 = arith.constant 25 : i32
      %scan3A_150 = arith.constant 0 : i32
      scf.yield %scan3A_150 : i32
    }
    %scan3A_76 = arith.constant 5 : i32
    %barrier3A_77 = arith.constant 0 : index
    tpu.barrier barrier_id(%barrier3A_77)
    %add3A_78 = arith.constant 0 : i32
    %add3A_79 = arith.addi %arg1, %add3A_78 : i32
    %lt3A_80 = arith.constant 125 : i32
    %lt3A_81 = arith.cmpi slt, %add3A_79, %lt3A_80 : i32
    %convert_element_type3A_82 = arith.extui %lt3A_81 : i1 to i32
    %cond3A_83 = arith.constant 0 : i32
    %cond3A_84 = arith.cmpi ne, %convert_element_type3A_82, %cond3A_83 : i32
    scf.if %cond3A_84 {
      %mul3A_136 = arith.constant 80 : i32
      %mul3A_137 = arith.muli %add3A_79, %mul3A_136 : i32
      "tpu.region"() ({
        %run_scoped3A = tpu.sem_alloc : memref<!tpu.dma_semaphore, #tpu.memory_space<semaphore_mem>>
        %dma_start3A = arith.constant 0 : i32
        %dma_start3A_140 = tpu.memref_slice %arg7[%mul3A_137, %dma_start3A] : memref<10000x128xf32, #tpu.memory_space<vmem_shared>> -> memref<80x128xf32, #tpu.memory_space<vmem_shared>>
        %dma_start3A_141 = arith.constant 0 : i32
        %dma_start3A_142 = tpu.memref_slice %arg7[%mul3A_137, %dma_start3A_141] : memref<10000x128xf32, #tpu.memory_space<vmem_shared>> -> memref<80x128xf32, #tpu.memory_space<vmem_shared>>
        tpu.enqueue_dma source(%dma_start3A_142 : memref<80x128xf32, #tpu.memory_space<vmem_shared>>) target(%arg13 : memref<80x128xf32, #tpu.memory_space<vmem>>) target_semaphore(%run_scoped3A : memref<!tpu.dma_semaphore, #tpu.memory_space<semaphore_mem>>)
        %dma_wait3A = arith.constant 0 : i32
        %dma_wait3A_143 = tpu.memref_slice %arg7[%mul3A_137, %dma_wait3A] : memref<10000x128xf32, #tpu.memory_space<vmem_shared>> -> memref<80x128xf32, #tpu.memory_space<vmem_shared>>
        %dma_wait3A_144 = arith.constant 0 : i32
        %dma_wait3A_145 = tpu.memref_slice %arg7[%mul3A_137, %dma_wait3A_144] : memref<10000x128xf32, #tpu.memory_space<vmem_shared>> -> memref<80x128xf32, #tpu.memory_space<vmem_shared>>
        tpu.wait_dma2 semaphore(%run_scoped3A : memref<!tpu.dma_semaphore, #tpu.memory_space<semaphore_mem>>) src(%dma_wait3A_145 : memref<80x128xf32, #tpu.memory_space<vmem_shared>>) dst(%arg13 : memref<80x128xf32, #tpu.memory_space<vmem>>)
        tpu.yield
      }) : () -> ()
      %mul3A_138 = arith.constant 80 : i32
      %mul3A_139 = arith.muli %add3A_79, %mul3A_138 : i32
      "tpu.region"() ({
        %run_scoped3A = tpu.sem_alloc : memref<!tpu.dma_semaphore, #tpu.memory_space<semaphore_mem>>
        %dma_start3A = arith.constant 0 : i32
        %dma_start3A_140 = tpu.memref_slice %arg5[%arg0, %mul3A_139, %dma_start3A] : memref<2x10000x128xf32, #tpu.memory_space<hbm>> -> memref<1x80x128xf32, #tpu.memory_space<hbm>>
        %dma_start3A_141 = tpu.memref_squeeze %dma_start3A_140 : memref<1x80x128xf32, #tpu.memory_space<hbm>> -> memref<80x128xf32, #tpu.memory_space<hbm>>
        %dma_start3A_142 = arith.constant 0 : i32
        %dma_start3A_143 = tpu.memref_slice %arg5[%arg0, %mul3A_139, %dma_start3A_142] : memref<2x10000x128xf32, #tpu.memory_space<hbm>> -> memref<1x80x128xf32, #tpu.memory_space<hbm>>
        %dma_start3A_144 = tpu.memref_squeeze %dma_start3A_143 : memref<1x80x128xf32, #tpu.memory_space<hbm>> -> memref<80x128xf32, #tpu.memory_space<hbm>>
        tpu.enqueue_dma source(%arg13 : memref<80x128xf32, #tpu.memory_space<vmem>>) target(%dma_start3A_144 : memref<80x128xf32, #tpu.memory_space<hbm>>) target_semaphore(%run_scoped3A : memref<!tpu.dma_semaphore, #tpu.memory_space<semaphore_mem>>)
        %dma_wait3A = arith.constant 0 : i32
        %dma_wait3A_145 = tpu.memref_slice %arg5[%arg0, %mul3A_139, %dma_wait3A] : memref<2x10000x128xf32, #tpu.memory_space<hbm>> -> memref<1x80x128xf32, #tpu.memory_space<hbm>>
        %dma_wait3A_146 = tpu.memref_squeeze %dma_wait3A_145 : memref<1x80x128xf32, #tpu.memory_space<hbm>> -> memref<80x128xf32, #tpu.memory_space<hbm>>
        %dma_wait3A_147 = arith.constant 0 : i32
        %dma_wait3A_148 = tpu.memref_slice %arg5[%arg0, %mul3A_139, %dma_wait3A_147] : memref<2x10000x128xf32, #tpu.memory_space<hbm>> -> memref<1x80x128xf32, #tpu.memory_space<hbm>>
        %dma_wait3A_149 = tpu.memref_squeeze %dma_wait3A_148 : memref<1x80x128xf32, #tpu.memory_space<hbm>> -> memref<80x128xf32, #tpu.memory_space<hbm>>
        tpu.wait_dma2 semaphore(%run_scoped3A : memref<!tpu.dma_semaphore, #tpu.memory_space<semaphore_mem>>) src(%arg13 : memref<80x128xf32, #tpu.memory_space<vmem>>) dst(%dma_wait3A_149 : memref<80x128xf32, #tpu.memory_space<hbm>>)
        tpu.yield
      }) : () -> ()
    } else {
    }
    %add3A_85 = arith.constant 16 : i32
    %add3A_86 = arith.addi %arg1, %add3A_85 : i32
    %lt3A_87 = arith.constant 125 : i32
    %lt3A_88 = arith.cmpi slt, %add3A_86, %lt3A_87 : i32
    %convert_element_type3A_89 = arith.extui %lt3A_88 : i1 to i32
    %cond3A_90 = arith.constant 0 : i32
    %cond3A_91 = arith.cmpi ne, %convert_element_type3A_89, %cond3A_90 : i32
    scf.if %cond3A_91 {
      %mul3A_136 = arith.constant 80 : i32
      %mul3A_137 = arith.muli %add3A_86, %mul3A_136 : i32
      "tpu.region"() ({
        %run_scoped3A = tpu.sem_alloc : memref<!tpu.dma_semaphore, #tpu.memory_space<semaphore_mem>>
        %dma_start3A = arith.constant 0 : i32
        %dma_start3A_140 = tpu.memref_slice %arg7[%mul3A_137, %dma_start3A] : memref<10000x128xf32, #tpu.memory_space<vmem_shared>> -> memref<80x128xf32, #tpu.memory_space<vmem_shared>>
        %dma_start3A_141 = arith.constant 0 : i32
        %dma_start3A_142 = tpu.memref_slice %arg7[%mul3A_137, %dma_start3A_141] : memref<10000x128xf32, #tpu.memory_space<vmem_shared>> -> memref<80x128xf32, #tpu.memory_space<vmem_shared>>
        tpu.enqueue_dma source(%dma_start3A_142 : memref<80x128xf32, #tpu.memory_space<vmem_shared>>) target(%arg13 : memref<80x128xf32, #tpu.memory_space<vmem>>) target_semaphore(%run_scoped3A : memref<!tpu.dma_semaphore, #tpu.memory_space<semaphore_mem>>)
        %dma_wait3A = arith.constant 0 : i32
        %dma_wait3A_143 = tpu.memref_slice %arg7[%mul3A_137, %dma_wait3A] : memref<10000x128xf32, #tpu.memory_space<vmem_shared>> -> memref<80x128xf32, #tpu.memory_space<vmem_shared>>
        %dma_wait3A_144 = arith.constant 0 : i32
        %dma_wait3A_145 = tpu.memref_slice %arg7[%mul3A_137, %dma_wait3A_144] : memref<10000x128xf32, #tpu.memory_space<vmem_shared>> -> memref<80x128xf32, #tpu.memory_space<vmem_shared>>
        tpu.wait_dma2 semaphore(%run_scoped3A : memref<!tpu.dma_semaphore, #tpu.memory_space<semaphore_mem>>) src(%dma_wait3A_145 : memref<80x128xf32, #tpu.memory_space<vmem_shared>>) dst(%arg13 : memref<80x128xf32, #tpu.memory_space<vmem>>)
        tpu.yield
      }) : () -> ()
      %mul3A_138 = arith.constant 80 : i32
      %mul3A_139 = arith.muli %add3A_86, %mul3A_138 : i32
      "tpu.region"() ({
        %run_scoped3A = tpu.sem_alloc : memref<!tpu.dma_semaphore, #tpu.memory_space<semaphore_mem>>
        %dma_start3A = arith.constant 0 : i32
        %dma_start3A_140 = tpu.memref_slice %arg5[%arg0, %mul3A_139, %dma_start3A] : memref<2x10000x128xf32, #tpu.memory_space<hbm>> -> memref<1x80x128xf32, #tpu.memory_space<hbm>>
        %dma_start3A_141 = tpu.memref_squeeze %dma_start3A_140 : memref<1x80x128xf32, #tpu.memory_space<hbm>> -> memref<80x128xf32, #tpu.memory_space<hbm>>
        %dma_start3A_142 = arith.constant 0 : i32
        %dma_start3A_143 = tpu.memref_slice %arg5[%arg0, %mul3A_139, %dma_start3A_142] : memref<2x10000x128xf32, #tpu.memory_space<hbm>> -> memref<1x80x128xf32, #tpu.memory_space<hbm>>
        %dma_start3A_144 = tpu.memref_squeeze %dma_start3A_143 : memref<1x80x128xf32, #tpu.memory_space<hbm>> -> memref<80x128xf32, #tpu.memory_space<hbm>>
        tpu.enqueue_dma source(%arg13 : memref<80x128xf32, #tpu.memory_space<vmem>>) target(%dma_start3A_144 : memref<80x128xf32, #tpu.memory_space<hbm>>) target_semaphore(%run_scoped3A : memref<!tpu.dma_semaphore, #tpu.memory_space<semaphore_mem>>)
        %dma_wait3A = arith.constant 0 : i32
        %dma_wait3A_145 = tpu.memref_slice %arg5[%arg0, %mul3A_139, %dma_wait3A] : memref<2x10000x128xf32, #tpu.memory_space<hbm>> -> memref<1x80x128xf32, #tpu.memory_space<hbm>>
        %dma_wait3A_146 = tpu.memref_squeeze %dma_wait3A_145 : memref<1x80x128xf32, #tpu.memory_space<hbm>> -> memref<80x128xf32, #tpu.memory_space<hbm>>
        %dma_wait3A_147 = arith.constant 0 : i32
        %dma_wait3A_148 = tpu.memref_slice %arg5[%arg0, %mul3A_139, %dma_wait3A_147] : memref<2x10000x128xf32, #tpu.memory_space<hbm>> -> memref<1x80x128xf32, #tpu.memory_space<hbm>>
        %dma_wait3A_149 = tpu.memref_squeeze %dma_wait3A_148 : memref<1x80x128xf32, #tpu.memory_space<hbm>> -> memref<80x128xf32, #tpu.memory_space<hbm>>
        tpu.wait_dma2 semaphore(%run_scoped3A : memref<!tpu.dma_semaphore, #tpu.memory_space<semaphore_mem>>) src(%arg13 : memref<80x128xf32, #tpu.memory_space<vmem>>) dst(%dma_wait3A_149 : memref<80x128xf32, #tpu.memory_space<hbm>>)
        tpu.yield
      }) : () -> ()
    } else {
    }
    %add3A_92 = arith.constant 32 : i32
    %add3A_93 = arith.addi %arg1, %add3A_92 : i32
    %lt3A_94 = arith.constant 125 : i32
    %lt3A_95 = arith.cmpi slt, %add3A_93, %lt3A_94 : i32
    %convert_element_type3A_96 = arith.extui %lt3A_95 : i1 to i32
    %cond3A_97 = arith.constant 0 : i32
    %cond3A_98 = arith.cmpi ne, %convert_element_type3A_96, %cond3A_97 : i32
    scf.if %cond3A_98 {
      %mul3A_136 = arith.constant 80 : i32
      %mul3A_137 = arith.muli %add3A_93, %mul3A_136 : i32
      "tpu.region"() ({
        %run_scoped3A = tpu.sem_alloc : memref<!tpu.dma_semaphore, #tpu.memory_space<semaphore_mem>>
        %dma_start3A = arith.constant 0 : i32
        %dma_start3A_140 = tpu.memref_slice %arg7[%mul3A_137, %dma_start3A] : memref<10000x128xf32, #tpu.memory_space<vmem_shared>> -> memref<80x128xf32, #tpu.memory_space<vmem_shared>>
        %dma_start3A_141 = arith.constant 0 : i32
        %dma_start3A_142 = tpu.memref_slice %arg7[%mul3A_137, %dma_start3A_141] : memref<10000x128xf32, #tpu.memory_space<vmem_shared>> -> memref<80x128xf32, #tpu.memory_space<vmem_shared>>
        tpu.enqueue_dma source(%dma_start3A_142 : memref<80x128xf32, #tpu.memory_space<vmem_shared>>) target(%arg13 : memref<80x128xf32, #tpu.memory_space<vmem>>) target_semaphore(%run_scoped3A : memref<!tpu.dma_semaphore, #tpu.memory_space<semaphore_mem>>)
        %dma_wait3A = arith.constant 0 : i32
        %dma_wait3A_143 = tpu.memref_slice %arg7[%mul3A_137, %dma_wait3A] : memref<10000x128xf32, #tpu.memory_space<vmem_shared>> -> memref<80x128xf32, #tpu.memory_space<vmem_shared>>
        %dma_wait3A_144 = arith.constant 0 : i32
        %dma_wait3A_145 = tpu.memref_slice %arg7[%mul3A_137, %dma_wait3A_144] : memref<10000x128xf32, #tpu.memory_space<vmem_shared>> -> memref<80x128xf32, #tpu.memory_space<vmem_shared>>
        tpu.wait_dma2 semaphore(%run_scoped3A : memref<!tpu.dma_semaphore, #tpu.memory_space<semaphore_mem>>) src(%dma_wait3A_145 : memref<80x128xf32, #tpu.memory_space<vmem_shared>>) dst(%arg13 : memref<80x128xf32, #tpu.memory_space<vmem>>)
        tpu.yield
      }) : () -> ()
      %mul3A_138 = arith.constant 80 : i32
      %mul3A_139 = arith.muli %add3A_93, %mul3A_138 : i32
      "tpu.region"() ({
        %run_scoped3A = tpu.sem_alloc : memref<!tpu.dma_semaphore, #tpu.memory_space<semaphore_mem>>
        %dma_start3A = arith.constant 0 : i32
        %dma_start3A_140 = tpu.memref_slice %arg5[%arg0, %mul3A_139, %dma_start3A] : memref<2x10000x128xf32, #tpu.memory_space<hbm>> -> memref<1x80x128xf32, #tpu.memory_space<hbm>>
        %dma_start3A_141 = tpu.memref_squeeze %dma_start3A_140 : memref<1x80x128xf32, #tpu.memory_space<hbm>> -> memref<80x128xf32, #tpu.memory_space<hbm>>
        %dma_start3A_142 = arith.constant 0 : i32
        %dma_start3A_143 = tpu.memref_slice %arg5[%arg0, %mul3A_139, %dma_start3A_142] : memref<2x10000x128xf32, #tpu.memory_space<hbm>> -> memref<1x80x128xf32, #tpu.memory_space<hbm>>
        %dma_start3A_144 = tpu.memref_squeeze %dma_start3A_143 : memref<1x80x128xf32, #tpu.memory_space<hbm>> -> memref<80x128xf32, #tpu.memory_space<hbm>>
        tpu.enqueue_dma source(%arg13 : memref<80x128xf32, #tpu.memory_space<vmem>>) target(%dma_start3A_144 : memref<80x128xf32, #tpu.memory_space<hbm>>) target_semaphore(%run_scoped3A : memref<!tpu.dma_semaphore, #tpu.memory_space<semaphore_mem>>)
        %dma_wait3A = arith.constant 0 : i32
        %dma_wait3A_145 = tpu.memref_slice %arg5[%arg0, %mul3A_139, %dma_wait3A] : memref<2x10000x128xf32, #tpu.memory_space<hbm>> -> memref<1x80x128xf32, #tpu.memory_space<hbm>>
        %dma_wait3A_146 = tpu.memref_squeeze %dma_wait3A_145 : memref<1x80x128xf32, #tpu.memory_space<hbm>> -> memref<80x128xf32, #tpu.memory_space<hbm>>
        %dma_wait3A_147 = arith.constant 0 : i32
        %dma_wait3A_148 = tpu.memref_slice %arg5[%arg0, %mul3A_139, %dma_wait3A_147] : memref<2x10000x128xf32, #tpu.memory_space<hbm>> -> memref<1x80x128xf32, #tpu.memory_space<hbm>>
        %dma_wait3A_149 = tpu.memref_squeeze %dma_wait3A_148 : memref<1x80x128xf32, #tpu.memory_space<hbm>> -> memref<80x128xf32, #tpu.memory_space<hbm>>
        tpu.wait_dma2 semaphore(%run_scoped3A : memref<!tpu.dma_semaphore, #tpu.memory_space<semaphore_mem>>) src(%arg13 : memref<80x128xf32, #tpu.memory_space<vmem>>) dst(%dma_wait3A_149 : memref<80x128xf32, #tpu.memory_space<hbm>>)
        tpu.yield
      }) : () -> ()
    } else {
    }
    %add3A_99 = arith.constant 48 : i32
    %add3A_100 = arith.addi %arg1, %add3A_99 : i32
    %lt3A_101 = arith.constant 125 : i32
    %lt3A_102 = arith.cmpi slt, %add3A_100, %lt3A_101 : i32
    %convert_element_type3A_103 = arith.extui %lt3A_102 : i1 to i32
    %cond3A_104 = arith.constant 0 : i32
    %cond3A_105 = arith.cmpi ne, %convert_element_type3A_103, %cond3A_104 : i32
    scf.if %cond3A_105 {
      %mul3A_136 = arith.constant 80 : i32
      %mul3A_137 = arith.muli %add3A_100, %mul3A_136 : i32
      "tpu.region"() ({
        %run_scoped3A = tpu.sem_alloc : memref<!tpu.dma_semaphore, #tpu.memory_space<semaphore_mem>>
        %dma_start3A = arith.constant 0 : i32
        %dma_start3A_140 = tpu.memref_slice %arg7[%mul3A_137, %dma_start3A] : memref<10000x128xf32, #tpu.memory_space<vmem_shared>> -> memref<80x128xf32, #tpu.memory_space<vmem_shared>>
        %dma_start3A_141 = arith.constant 0 : i32
        %dma_start3A_142 = tpu.memref_slice %arg7[%mul3A_137, %dma_start3A_141] : memref<10000x128xf32, #tpu.memory_space<vmem_shared>> -> memref<80x128xf32, #tpu.memory_space<vmem_shared>>
        tpu.enqueue_dma source(%dma_start3A_142 : memref<80x128xf32, #tpu.memory_space<vmem_shared>>) target(%arg13 : memref<80x128xf32, #tpu.memory_space<vmem>>) target_semaphore(%run_scoped3A : memref<!tpu.dma_semaphore, #tpu.memory_space<semaphore_mem>>)
        %dma_wait3A = arith.constant 0 : i32
        %dma_wait3A_143 = tpu.memref_slice %arg7[%mul3A_137, %dma_wait3A] : memref<10000x128xf32, #tpu.memory_space<vmem_shared>> -> memref<80x128xf32, #tpu.memory_space<vmem_shared>>
        %dma_wait3A_144 = arith.constant 0 : i32
        %dma_wait3A_145 = tpu.memref_slice %arg7[%mul3A_137, %dma_wait3A_144] : memref<10000x128xf32, #tpu.memory_space<vmem_shared>> -> memref<80x128xf32, #tpu.memory_space<vmem_shared>>
        tpu.wait_dma2 semaphore(%run_scoped3A : memref<!tpu.dma_semaphore, #tpu.memory_space<semaphore_mem>>) src(%dma_wait3A_145 : memref<80x128xf32, #tpu.memory_space<vmem_shared>>) dst(%arg13 : memref<80x128xf32, #tpu.memory_space<vmem>>)
        tpu.yield
      }) : () -> ()
      %mul3A_138 = arith.constant 80 : i32
      %mul3A_139 = arith.muli %add3A_100, %mul3A_138 : i32
      "tpu.region"() ({
        %run_scoped3A = tpu.sem_alloc : memref<!tpu.dma_semaphore, #tpu.memory_space<semaphore_mem>>
        %dma_start3A = arith.constant 0 : i32
        %dma_start3A_140 = tpu.memref_slice %arg5[%arg0, %mul3A_139, %dma_start3A] : memref<2x10000x128xf32, #tpu.memory_space<hbm>> -> memref<1x80x128xf32, #tpu.memory_space<hbm>>
        %dma_start3A_141 = tpu.memref_squeeze %dma_start3A_140 : memref<1x80x128xf32, #tpu.memory_space<hbm>> -> memref<80x128xf32, #tpu.memory_space<hbm>>
        %dma_start3A_142 = arith.constant 0 : i32
        %dma_start3A_143 = tpu.memref_slice %arg5[%arg0, %mul3A_139, %dma_start3A_142] : memref<2x10000x128xf32, #tpu.memory_space<hbm>> -> memref<1x80x128xf32, #tpu.memory_space<hbm>>
        %dma_start3A_144 = tpu.memref_squeeze %dma_start3A_143 : memref<1x80x128xf32, #tpu.memory_space<hbm>> -> memref<80x128xf32, #tpu.memory_space<hbm>>
        tpu.enqueue_dma source(%arg13 : memref<80x128xf32, #tpu.memory_space<vmem>>) target(%dma_start3A_144 : memref<80x128xf32, #tpu.memory_space<hbm>>) target_semaphore(%run_scoped3A : memref<!tpu.dma_semaphore, #tpu.memory_space<semaphore_mem>>)
        %dma_wait3A = arith.constant 0 : i32
        %dma_wait3A_145 = tpu.memref_slice %arg5[%arg0, %mul3A_139, %dma_wait3A] : memref<2x10000x128xf32, #tpu.memory_space<hbm>> -> memref<1x80x128xf32, #tpu.memory_space<hbm>>
        %dma_wait3A_146 = tpu.memref_squeeze %dma_wait3A_145 : memref<1x80x128xf32, #tpu.memory_space<hbm>> -> memref<80x128xf32, #tpu.memory_space<hbm>>
        %dma_wait3A_147 = arith.constant 0 : i32
        %dma_wait3A_148 = tpu.memref_slice %arg5[%arg0, %mul3A_139, %dma_wait3A_147] : memref<2x10000x128xf32, #tpu.memory_space<hbm>> -> memref<1x80x128xf32, #tpu.memory_space<hbm>>
        %dma_wait3A_149 = tpu.memref_squeeze %dma_wait3A_148 : memref<1x80x128xf32, #tpu.memory_space<hbm>> -> memref<80x128xf32, #tpu.memory_space<hbm>>
        tpu.wait_dma2 semaphore(%run_scoped3A : memref<!tpu.dma_semaphore, #tpu.memory_space<semaphore_mem>>) src(%arg13 : memref<80x128xf32, #tpu.memory_space<vmem>>) dst(%dma_wait3A_149 : memref<80x128xf32, #tpu.memory_space<hbm>>)
        tpu.yield
      }) : () -> ()
    } else {
    }
    %add3A_106 = arith.constant 64 : i32
    %add3A_107 = arith.addi %arg1, %add3A_106 : i32
    %lt3A_108 = arith.constant 125 : i32
    %lt3A_109 = arith.cmpi slt, %add3A_107, %lt3A_108 : i32
    %convert_element_type3A_110 = arith.extui %lt3A_109 : i1 to i32
    %cond3A_111 = arith.constant 0 : i32
    %cond3A_112 = arith.cmpi ne, %convert_element_type3A_110, %cond3A_111 : i32
    scf.if %cond3A_112 {
      %mul3A_136 = arith.constant 80 : i32
      %mul3A_137 = arith.muli %add3A_107, %mul3A_136 : i32
      "tpu.region"() ({
        %run_scoped3A = tpu.sem_alloc : memref<!tpu.dma_semaphore, #tpu.memory_space<semaphore_mem>>
        %dma_start3A = arith.constant 0 : i32
        %dma_start3A_140 = tpu.memref_slice %arg7[%mul3A_137, %dma_start3A] : memref<10000x128xf32, #tpu.memory_space<vmem_shared>> -> memref<80x128xf32, #tpu.memory_space<vmem_shared>>
        %dma_start3A_141 = arith.constant 0 : i32
        %dma_start3A_142 = tpu.memref_slice %arg7[%mul3A_137, %dma_start3A_141] : memref<10000x128xf32, #tpu.memory_space<vmem_shared>> -> memref<80x128xf32, #tpu.memory_space<vmem_shared>>
        tpu.enqueue_dma source(%dma_start3A_142 : memref<80x128xf32, #tpu.memory_space<vmem_shared>>) target(%arg13 : memref<80x128xf32, #tpu.memory_space<vmem>>) target_semaphore(%run_scoped3A : memref<!tpu.dma_semaphore, #tpu.memory_space<semaphore_mem>>)
        %dma_wait3A = arith.constant 0 : i32
        %dma_wait3A_143 = tpu.memref_slice %arg7[%mul3A_137, %dma_wait3A] : memref<10000x128xf32, #tpu.memory_space<vmem_shared>> -> memref<80x128xf32, #tpu.memory_space<vmem_shared>>
        %dma_wait3A_144 = arith.constant 0 : i32
        %dma_wait3A_145 = tpu.memref_slice %arg7[%mul3A_137, %dma_wait3A_144] : memref<10000x128xf32, #tpu.memory_space<vmem_shared>> -> memref<80x128xf32, #tpu.memory_space<vmem_shared>>
        tpu.wait_dma2 semaphore(%run_scoped3A : memref<!tpu.dma_semaphore, #tpu.memory_space<semaphore_mem>>) src(%dma_wait3A_145 : memref<80x128xf32, #tpu.memory_space<vmem_shared>>) dst(%arg13 : memref<80x128xf32, #tpu.memory_space<vmem>>)
        tpu.yield
      }) : () -> ()
      %mul3A_138 = arith.constant 80 : i32
      %mul3A_139 = arith.muli %add3A_107, %mul3A_138 : i32
      "tpu.region"() ({
        %run_scoped3A = tpu.sem_alloc : memref<!tpu.dma_semaphore, #tpu.memory_space<semaphore_mem>>
        %dma_start3A = arith.constant 0 : i32
        %dma_start3A_140 = tpu.memref_slice %arg5[%arg0, %mul3A_139, %dma_start3A] : memref<2x10000x128xf32, #tpu.memory_space<hbm>> -> memref<1x80x128xf32, #tpu.memory_space<hbm>>
        %dma_start3A_141 = tpu.memref_squeeze %dma_start3A_140 : memref<1x80x128xf32, #tpu.memory_space<hbm>> -> memref<80x128xf32, #tpu.memory_space<hbm>>
        %dma_start3A_142 = arith.constant 0 : i32
        %dma_start3A_143 = tpu.memref_slice %arg5[%arg0, %mul3A_139, %dma_start3A_142] : memref<2x10000x128xf32, #tpu.memory_space<hbm>> -> memref<1x80x128xf32, #tpu.memory_space<hbm>>
        %dma_start3A_144 = tpu.memref_squeeze %dma_start3A_143 : memref<1x80x128xf32, #tpu.memory_space<hbm>> -> memref<80x128xf32, #tpu.memory_space<hbm>>
        tpu.enqueue_dma source(%arg13 : memref<80x128xf32, #tpu.memory_space<vmem>>) target(%dma_start3A_144 : memref<80x128xf32, #tpu.memory_space<hbm>>) target_semaphore(%run_scoped3A : memref<!tpu.dma_semaphore, #tpu.memory_space<semaphore_mem>>)
        %dma_wait3A = arith.constant 0 : i32
        %dma_wait3A_145 = tpu.memref_slice %arg5[%arg0, %mul3A_139, %dma_wait3A] : memref<2x10000x128xf32, #tpu.memory_space<hbm>> -> memref<1x80x128xf32, #tpu.memory_space<hbm>>
        %dma_wait3A_146 = tpu.memref_squeeze %dma_wait3A_145 : memref<1x80x128xf32, #tpu.memory_space<hbm>> -> memref<80x128xf32, #tpu.memory_space<hbm>>
        %dma_wait3A_147 = arith.constant 0 : i32
        %dma_wait3A_148 = tpu.memref_slice %arg5[%arg0, %mul3A_139, %dma_wait3A_147] : memref<2x10000x128xf32, #tpu.memory_space<hbm>> -> memref<1x80x128xf32, #tpu.memory_space<hbm>>
        %dma_wait3A_149 = tpu.memref_squeeze %dma_wait3A_148 : memref<1x80x128xf32, #tpu.memory_space<hbm>> -> memref<80x128xf32, #tpu.memory_space<hbm>>
        tpu.wait_dma2 semaphore(%run_scoped3A : memref<!tpu.dma_semaphore, #tpu.memory_space<semaphore_mem>>) src(%arg13 : memref<80x128xf32, #tpu.memory_space<vmem>>) dst(%dma_wait3A_149 : memref<80x128xf32, #tpu.memory_space<hbm>>)
        tpu.yield
      }) : () -> ()
    } else {
    }
    %add3A_113 = arith.constant 80 : i32
    %add3A_114 = arith.addi %arg1, %add3A_113 : i32
    %lt3A_115 = arith.constant 125 : i32
    %lt3A_116 = arith.cmpi slt, %add3A_114, %lt3A_115 : i32
    %convert_element_type3A_117 = arith.extui %lt3A_116 : i1 to i32
    %cond3A_118 = arith.constant 0 : i32
    %cond3A_119 = arith.cmpi ne, %convert_element_type3A_117, %cond3A_118 : i32
    scf.if %cond3A_119 {
      %mul3A_136 = arith.constant 80 : i32
      %mul3A_137 = arith.muli %add3A_114, %mul3A_136 : i32
      "tpu.region"() ({
        %run_scoped3A = tpu.sem_alloc : memref<!tpu.dma_semaphore, #tpu.memory_space<semaphore_mem>>
        %dma_start3A = arith.constant 0 : i32
        %dma_start3A_140 = tpu.memref_slice %arg7[%mul3A_137, %dma_start3A] : memref<10000x128xf32, #tpu.memory_space<vmem_shared>> -> memref<80x128xf32, #tpu.memory_space<vmem_shared>>
        %dma_start3A_141 = arith.constant 0 : i32
        %dma_start3A_142 = tpu.memref_slice %arg7[%mul3A_137, %dma_start3A_141] : memref<10000x128xf32, #tpu.memory_space<vmem_shared>> -> memref<80x128xf32, #tpu.memory_space<vmem_shared>>
        tpu.enqueue_dma source(%dma_start3A_142 : memref<80x128xf32, #tpu.memory_space<vmem_shared>>) target(%arg13 : memref<80x128xf32, #tpu.memory_space<vmem>>) target_semaphore(%run_scoped3A : memref<!tpu.dma_semaphore, #tpu.memory_space<semaphore_mem>>)
        %dma_wait3A = arith.constant 0 : i32
        %dma_wait3A_143 = tpu.memref_slice %arg7[%mul3A_137, %dma_wait3A] : memref<10000x128xf32, #tpu.memory_space<vmem_shared>> -> memref<80x128xf32, #tpu.memory_space<vmem_shared>>
        %dma_wait3A_144 = arith.constant 0 : i32
        %dma_wait3A_145 = tpu.memref_slice %arg7[%mul3A_137, %dma_wait3A_144] : memref<10000x128xf32, #tpu.memory_space<vmem_shared>> -> memref<80x128xf32, #tpu.memory_space<vmem_shared>>
        tpu.wait_dma2 semaphore(%run_scoped3A : memref<!tpu.dma_semaphore, #tpu.memory_space<semaphore_mem>>) src(%dma_wait3A_145 : memref<80x128xf32, #tpu.memory_space<vmem_shared>>) dst(%arg13 : memref<80x128xf32, #tpu.memory_space<vmem>>)
        tpu.yield
      }) : () -> ()
      %mul3A_138 = arith.constant 80 : i32
      %mul3A_139 = arith.muli %add3A_114, %mul3A_138 : i32
      "tpu.region"() ({
        %run_scoped3A = tpu.sem_alloc : memref<!tpu.dma_semaphore, #tpu.memory_space<semaphore_mem>>
        %dma_start3A = arith.constant 0 : i32
        %dma_start3A_140 = tpu.memref_slice %arg5[%arg0, %mul3A_139, %dma_start3A] : memref<2x10000x128xf32, #tpu.memory_space<hbm>> -> memref<1x80x128xf32, #tpu.memory_space<hbm>>
        %dma_start3A_141 = tpu.memref_squeeze %dma_start3A_140 : memref<1x80x128xf32, #tpu.memory_space<hbm>> -> memref<80x128xf32, #tpu.memory_space<hbm>>
        %dma_start3A_142 = arith.constant 0 : i32
        %dma_start3A_143 = tpu.memref_slice %arg5[%arg0, %mul3A_139, %dma_start3A_142] : memref<2x10000x128xf32, #tpu.memory_space<hbm>> -> memref<1x80x128xf32, #tpu.memory_space<hbm>>
        %dma_start3A_144 = tpu.memref_squeeze %dma_start3A_143 : memref<1x80x128xf32, #tpu.memory_space<hbm>> -> memref<80x128xf32, #tpu.memory_space<hbm>>
        tpu.enqueue_dma source(%arg13 : memref<80x128xf32, #tpu.memory_space<vmem>>) target(%dma_start3A_144 : memref<80x128xf32, #tpu.memory_space<hbm>>) target_semaphore(%run_scoped3A : memref<!tpu.dma_semaphore, #tpu.memory_space<semaphore_mem>>)
        %dma_wait3A = arith.constant 0 : i32
        %dma_wait3A_145 = tpu.memref_slice %arg5[%arg0, %mul3A_139, %dma_wait3A] : memref<2x10000x128xf32, #tpu.memory_space<hbm>> -> memref<1x80x128xf32, #tpu.memory_space<hbm>>
        %dma_wait3A_146 = tpu.memref_squeeze %dma_wait3A_145 : memref<1x80x128xf32, #tpu.memory_space<hbm>> -> memref<80x128xf32, #tpu.memory_space<hbm>>
        %dma_wait3A_147 = arith.constant 0 : i32
        %dma_wait3A_148 = tpu.memref_slice %arg5[%arg0, %mul3A_139, %dma_wait3A_147] : memref<2x10000x128xf32, #tpu.memory_space<hbm>> -> memref<1x80x128xf32, #tpu.memory_space<hbm>>
        %dma_wait3A_149 = tpu.memref_squeeze %dma_wait3A_148 : memref<1x80x128xf32, #tpu.memory_space<hbm>> -> memref<80x128xf32, #tpu.memory_space<hbm>>
        tpu.wait_dma2 semaphore(%run_scoped3A : memref<!tpu.dma_semaphore, #tpu.memory_space<semaphore_mem>>) src(%arg13 : memref<80x128xf32, #tpu.memory_space<vmem>>) dst(%dma_wait3A_149 : memref<80x128xf32, #tpu.memory_space<hbm>>)
        tpu.yield
      }) : () -> ()
    } else {
    }
    %add3A_120 = arith.constant 96 : i32
    %add3A_121 = arith.addi %arg1, %add3A_120 : i32
    %lt3A_122 = arith.constant 125 : i32
    %lt3A_123 = arith.cmpi slt, %add3A_121, %lt3A_122 : i32
    %convert_element_type3A_124 = arith.extui %lt3A_123 : i1 to i32
    %cond3A_125 = arith.constant 0 : i32
    %cond3A_126 = arith.cmpi ne, %convert_element_type3A_124, %cond3A_125 : i32
    scf.if %cond3A_126 {
      %mul3A_136 = arith.constant 80 : i32
      %mul3A_137 = arith.muli %add3A_121, %mul3A_136 : i32
      "tpu.region"() ({
        %run_scoped3A = tpu.sem_alloc : memref<!tpu.dma_semaphore, #tpu.memory_space<semaphore_mem>>
        %dma_start3A = arith.constant 0 : i32
        %dma_start3A_140 = tpu.memref_slice %arg7[%mul3A_137, %dma_start3A] : memref<10000x128xf32, #tpu.memory_space<vmem_shared>> -> memref<80x128xf32, #tpu.memory_space<vmem_shared>>
        %dma_start3A_141 = arith.constant 0 : i32
        %dma_start3A_142 = tpu.memref_slice %arg7[%mul3A_137, %dma_start3A_141] : memref<10000x128xf32, #tpu.memory_space<vmem_shared>> -> memref<80x128xf32, #tpu.memory_space<vmem_shared>>
        tpu.enqueue_dma source(%dma_start3A_142 : memref<80x128xf32, #tpu.memory_space<vmem_shared>>) target(%arg13 : memref<80x128xf32, #tpu.memory_space<vmem>>) target_semaphore(%run_scoped3A : memref<!tpu.dma_semaphore, #tpu.memory_space<semaphore_mem>>)
        %dma_wait3A = arith.constant 0 : i32
        %dma_wait3A_143 = tpu.memref_slice %arg7[%mul3A_137, %dma_wait3A] : memref<10000x128xf32, #tpu.memory_space<vmem_shared>> -> memref<80x128xf32, #tpu.memory_space<vmem_shared>>
        %dma_wait3A_144 = arith.constant 0 : i32
        %dma_wait3A_145 = tpu.memref_slice %arg7[%mul3A_137, %dma_wait3A_144] : memref<10000x128xf32, #tpu.memory_space<vmem_shared>> -> memref<80x128xf32, #tpu.memory_space<vmem_shared>>
        tpu.wait_dma2 semaphore(%run_scoped3A : memref<!tpu.dma_semaphore, #tpu.memory_space<semaphore_mem>>) src(%dma_wait3A_145 : memref<80x128xf32, #tpu.memory_space<vmem_shared>>) dst(%arg13 : memref<80x128xf32, #tpu.memory_space<vmem>>)
        tpu.yield
      }) : () -> ()
      %mul3A_138 = arith.constant 80 : i32
      %mul3A_139 = arith.muli %add3A_121, %mul3A_138 : i32
      "tpu.region"() ({
        %run_scoped3A = tpu.sem_alloc : memref<!tpu.dma_semaphore, #tpu.memory_space<semaphore_mem>>
        %dma_start3A = arith.constant 0 : i32
        %dma_start3A_140 = tpu.memref_slice %arg5[%arg0, %mul3A_139, %dma_start3A] : memref<2x10000x128xf32, #tpu.memory_space<hbm>> -> memref<1x80x128xf32, #tpu.memory_space<hbm>>
        %dma_start3A_141 = tpu.memref_squeeze %dma_start3A_140 : memref<1x80x128xf32, #tpu.memory_space<hbm>> -> memref<80x128xf32, #tpu.memory_space<hbm>>
        %dma_start3A_142 = arith.constant 0 : i32
        %dma_start3A_143 = tpu.memref_slice %arg5[%arg0, %mul3A_139, %dma_start3A_142] : memref<2x10000x128xf32, #tpu.memory_space<hbm>> -> memref<1x80x128xf32, #tpu.memory_space<hbm>>
        %dma_start3A_144 = tpu.memref_squeeze %dma_start3A_143 : memref<1x80x128xf32, #tpu.memory_space<hbm>> -> memref<80x128xf32, #tpu.memory_space<hbm>>
        tpu.enqueue_dma source(%arg13 : memref<80x128xf32, #tpu.memory_space<vmem>>) target(%dma_start3A_144 : memref<80x128xf32, #tpu.memory_space<hbm>>) target_semaphore(%run_scoped3A : memref<!tpu.dma_semaphore, #tpu.memory_space<semaphore_mem>>)
        %dma_wait3A = arith.constant 0 : i32
        %dma_wait3A_145 = tpu.memref_slice %arg5[%arg0, %mul3A_139, %dma_wait3A] : memref<2x10000x128xf32, #tpu.memory_space<hbm>> -> memref<1x80x128xf32, #tpu.memory_space<hbm>>
        %dma_wait3A_146 = tpu.memref_squeeze %dma_wait3A_145 : memref<1x80x128xf32, #tpu.memory_space<hbm>> -> memref<80x128xf32, #tpu.memory_space<hbm>>
        %dma_wait3A_147 = arith.constant 0 : i32
        %dma_wait3A_148 = tpu.memref_slice %arg5[%arg0, %mul3A_139, %dma_wait3A_147] : memref<2x10000x128xf32, #tpu.memory_space<hbm>> -> memref<1x80x128xf32, #tpu.memory_space<hbm>>
        %dma_wait3A_149 = tpu.memref_squeeze %dma_wait3A_148 : memref<1x80x128xf32, #tpu.memory_space<hbm>> -> memref<80x128xf32, #tpu.memory_space<hbm>>
        tpu.wait_dma2 semaphore(%run_scoped3A : memref<!tpu.dma_semaphore, #tpu.memory_space<semaphore_mem>>) src(%arg13 : memref<80x128xf32, #tpu.memory_space<vmem>>) dst(%dma_wait3A_149 : memref<80x128xf32, #tpu.memory_space<hbm>>)
        tpu.yield
      }) : () -> ()
    } else {
    }
    %add3A_127 = arith.constant 112 : i32
    %add3A_128 = arith.addi %arg1, %add3A_127 : i32
    %lt3A_129 = arith.constant 125 : i32
    %lt3A_130 = arith.cmpi slt, %add3A_128, %lt3A_129 : i32
    %convert_element_type3A_131 = arith.extui %lt3A_130 : i1 to i32
    %cond3A_132 = arith.constant 0 : i32
    %cond3A_133 = arith.cmpi ne, %convert_element_type3A_131, %cond3A_132 : i32
    scf.if %cond3A_133 {
      %mul3A_136 = arith.constant 80 : i32
      %mul3A_137 = arith.muli %add3A_128, %mul3A_136 : i32
      "tpu.region"() ({
        %run_scoped3A = tpu.sem_alloc : memref<!tpu.dma_semaphore, #tpu.memory_space<semaphore_mem>>
        %dma_start3A = arith.constant 0 : i32
        %dma_start3A_140 = tpu.memref_slice %arg7[%mul3A_137, %dma_start3A] : memref<10000x128xf32, #tpu.memory_space<vmem_shared>> -> memref<80x128xf32, #tpu.memory_space<vmem_shared>>
        %dma_start3A_141 = arith.constant 0 : i32
        %dma_start3A_142 = tpu.memref_slice %arg7[%mul3A_137, %dma_start3A_141] : memref<10000x128xf32, #tpu.memory_space<vmem_shared>> -> memref<80x128xf32, #tpu.memory_space<vmem_shared>>
        tpu.enqueue_dma source(%dma_start3A_142 : memref<80x128xf32, #tpu.memory_space<vmem_shared>>) target(%arg13 : memref<80x128xf32, #tpu.memory_space<vmem>>) target_semaphore(%run_scoped3A : memref<!tpu.dma_semaphore, #tpu.memory_space<semaphore_mem>>)
        %dma_wait3A = arith.constant 0 : i32
        %dma_wait3A_143 = tpu.memref_slice %arg7[%mul3A_137, %dma_wait3A] : memref<10000x128xf32, #tpu.memory_space<vmem_shared>> -> memref<80x128xf32, #tpu.memory_space<vmem_shared>>
        %dma_wait3A_144 = arith.constant 0 : i32
        %dma_wait3A_145 = tpu.memref_slice %arg7[%mul3A_137, %dma_wait3A_144] : memref<10000x128xf32, #tpu.memory_space<vmem_shared>> -> memref<80x128xf32, #tpu.memory_space<vmem_shared>>
        tpu.wait_dma2 semaphore(%run_scoped3A : memref<!tpu.dma_semaphore, #tpu.memory_space<semaphore_mem>>) src(%dma_wait3A_145 : memref<80x128xf32, #tpu.memory_space<vmem_shared>>) dst(%arg13 : memref<80x128xf32, #tpu.memory_space<vmem>>)
        tpu.yield
      }) : () -> ()
      %mul3A_138 = arith.constant 80 : i32
      %mul3A_139 = arith.muli %add3A_128, %mul3A_138 : i32
      "tpu.region"() ({
        %run_scoped3A = tpu.sem_alloc : memref<!tpu.dma_semaphore, #tpu.memory_space<semaphore_mem>>
        %dma_start3A = arith.constant 0 : i32
        %dma_start3A_140 = tpu.memref_slice %arg5[%arg0, %mul3A_139, %dma_start3A] : memref<2x10000x128xf32, #tpu.memory_space<hbm>> -> memref<1x80x128xf32, #tpu.memory_space<hbm>>
        %dma_start3A_141 = tpu.memref_squeeze %dma_start3A_140 : memref<1x80x128xf32, #tpu.memory_space<hbm>> -> memref<80x128xf32, #tpu.memory_space<hbm>>
        %dma_start3A_142 = arith.constant 0 : i32
        %dma_start3A_143 = tpu.memref_slice %arg5[%arg0, %mul3A_139, %dma_start3A_142] : memref<2x10000x128xf32, #tpu.memory_space<hbm>> -> memref<1x80x128xf32, #tpu.memory_space<hbm>>
        %dma_start3A_144 = tpu.memref_squeeze %dma_start3A_143 : memref<1x80x128xf32, #tpu.memory_space<hbm>> -> memref<80x128xf32, #tpu.memory_space<hbm>>
        tpu.enqueue_dma source(%arg13 : memref<80x128xf32, #tpu.memory_space<vmem>>) target(%dma_start3A_144 : memref<80x128xf32, #tpu.memory_space<hbm>>) target_semaphore(%run_scoped3A : memref<!tpu.dma_semaphore, #tpu.memory_space<semaphore_mem>>)
        %dma_wait3A = arith.constant 0 : i32
        %dma_wait3A_145 = tpu.memref_slice %arg5[%arg0, %mul3A_139, %dma_wait3A] : memref<2x10000x128xf32, #tpu.memory_space<hbm>> -> memref<1x80x128xf32, #tpu.memory_space<hbm>>
        %dma_wait3A_146 = tpu.memref_squeeze %dma_wait3A_145 : memref<1x80x128xf32, #tpu.memory_space<hbm>> -> memref<80x128xf32, #tpu.memory_space<hbm>>
        %dma_wait3A_147 = arith.constant 0 : i32
        %dma_wait3A_148 = tpu.memref_slice %arg5[%arg0, %mul3A_139, %dma_wait3A_147] : memref<2x10000x128xf32, #tpu.memory_space<hbm>> -> memref<1x80x128xf32, #tpu.memory_space<hbm>>
        %dma_wait3A_149 = tpu.memref_squeeze %dma_wait3A_148 : memref<1x80x128xf32, #tpu.memory_space<hbm>> -> memref<80x128xf32, #tpu.memory_space<hbm>>
        tpu.wait_dma2 semaphore(%run_scoped3A : memref<!tpu.dma_semaphore, #tpu.memory_space<semaphore_mem>>) src(%arg13 : memref<80x128xf32, #tpu.memory_space<vmem>>) dst(%dma_wait3A_149 : memref<80x128xf32, #tpu.memory_space<hbm>>)
        tpu.yield
      }) : () -> ()
    } else {
    }
    %mul3A_134 = arith.constant 10000 : i32
    %mul3A_135 = arith.muli %add3A, %mul3A_134 : i32
    "tpu.region"() ({
      %run_scoped3A = tpu.sem_alloc : memref<!tpu.dma_semaphore, #tpu.memory_space<semaphore_mem>>
      %dma_start3A = tpu.memref_slice %arg6[%mul3A_135] : memref<320000xf32, #tpu.memory_space<hbm>> -> memref<10000xf32, #tpu.memory_space<hbm>>
      %dma_start3A_136 = tpu.memref_slice %arg6[%mul3A_135] : memref<320000xf32, #tpu.memory_space<hbm>> -> memref<10000xf32, #tpu.memory_space<hbm>>
      tpu.enqueue_dma source(%arg15 : memref<10000xf32, #tpu.memory_space<vmem>>) target(%dma_start3A_136 : memref<10000xf32, #tpu.memory_space<hbm>>) target_semaphore(%run_scoped3A : memref<!tpu.dma_semaphore, #tpu.memory_space<semaphore_mem>>)
      %dma_wait3A = tpu.memref_slice %arg6[%mul3A_135] : memref<320000xf32, #tpu.memory_space<hbm>> -> memref<10000xf32, #tpu.memory_space<hbm>>
      %dma_wait3A_137 = tpu.memref_slice %arg6[%mul3A_135] : memref<320000xf32, #tpu.memory_space<hbm>> -> memref<10000xf32, #tpu.memory_space<hbm>>
      tpu.wait_dma2 semaphore(%run_scoped3A : memref<!tpu.dma_semaphore, #tpu.memory_space<semaphore_mem>>) src(%arg15 : memref<10000xf32, #tpu.memory_space<vmem>>) dst(%dma_wait3A_137 : memref<10000xf32, #tpu.memory_space<hbm>>)
      tpu.yield
    }) : () -> ()
    return
  }
}

#map = affine_map<(d0, d1) -> (0, 0)>
#map1 = affine_map<(d0, d1) -> (0)>
#map2 = affine_map<(d0, d1) -> (0, 0, 0)>
module attributes {stable_mosaic.version = 14 : i64} {
  func.func @body(%arg0: i32, %arg1: i32, %arg2: memref<10000x128xf32, #tpu.memory_space<hbm>>, %arg3: memref<320000xi32, #tpu.memory_space<hbm>>, %arg4: memref<320000xi32, #tpu.memory_space<hbm>>, %arg5: memref<2x10000x128xf32, #tpu.memory_space<hbm>>, %arg6: memref<10000x128xf32, #tpu.memory_space<vmem_shared>>, %arg7: memref<2000xi32, #tpu.memory_space<vmem>>, %arg8: memref<2000xi32, #tpu.memory_space<vmem>>, %arg9: memref<80xi32, #tpu.memory_space<vmem>>, %arg10: memref<80xi32, #tpu.memory_space<vmem>>, %arg11: memref<80x128xf32, #tpu.memory_space<vmem>>, %arg12: memref<80x128xf32, #tpu.memory_space<vmem>>, %arg13: memref<!tpu.dma_semaphore, #tpu.memory_space<semaphore_mem>>) attributes {dimension_semantics = [#tpu.dimension_semantics<core_parallel>, #tpu.dimension_semantics<subcore_parallel>], iteration_bounds = array<i64: 2, 16>, scalar_prefetch = 0 : i64, scratch_operands = 8 : i64, tpu.core_type = #tpu.core_type<sc_vector_subcore>, window_params = [{transform_indices = #map}, {transform_indices = #map1}, {transform_indices = #map1}, {transform_indices = #map2}]} {
    %mul3A = arith.constant 2 : i32
    %mul3A_0 = arith.muli %arg1, %mul3A : i32
    %add3A = arith.addi %mul3A_0, %arg0 : i32
    %broadcast_in_dim3A = arith.constant 0.000000e+00 : f32
    %broadcast_in_dim3A_1 = vector.broadcast %broadcast_in_dim3A : f32 to vector<16xf32>
    %broadcast_in_dim3A_2 = arith.constant 1.000000e+00 : f32
    %broadcast_in_dim3A_3 = vector.broadcast %broadcast_in_dim3A_2 : f32 to vector<16xf32>
    %scan3A = arith.constant 0 : i32
    %scan3A_4 = arith.constant 0 : i32
    %scan3A_5 = arith.constant 640 : i32
    %scan3A_6 = arith.addi %scan3A_4, %scan3A_5 : i32
    %scan3A_7 = arith.constant 1 : i32
    %scan3A_8 = scf.for %scan3A_127 = %scan3A_4 to %scan3A_6 step %scan3A_7 iter_args(%scan3A_128 = %scan3A) -> (i32)  : i32 {
      %jit3A = arith.constant 8 : i32
      %div3A = arith.divsi %scan3A_127, %jit3A : i32
      %sign3A = arith.constant 0 : i32
      %sign3A_129 = arith.cmpi sgt, %scan3A_127, %sign3A : i32
      %sign3A_130 = arith.extui %sign3A_129 : i1 to i32
      %sign3A_131 = arith.constant 0 : i32
      %sign3A_132 = arith.cmpi slt, %scan3A_127, %sign3A_131 : i32
      %sign3A_133 = arith.extui %sign3A_132 : i1 to i32
      %sign3A_134 = arith.subi %sign3A_130, %sign3A_133 : i32
      %sign3A_135 = arith.constant 0 : i32
      %sign3A_136 = arith.cmpi sgt, %jit3A, %sign3A_135 : i32
      %sign3A_137 = arith.extui %sign3A_136 : i1 to i32
      %sign3A_138 = arith.constant 0 : i32
      %sign3A_139 = arith.cmpi slt, %jit3A, %sign3A_138 : i32
      %sign3A_140 = arith.extui %sign3A_139 : i1 to i32
      %sign3A_141 = arith.subi %sign3A_137, %sign3A_140 : i32
      %ne3A = arith.cmpi ne, %sign3A_134, %sign3A_141 : i32
      %rem3A = arith.remsi %scan3A_127, %jit3A : i32
      %ne3A_142 = arith.constant 0 : i32
      %ne3A_143 = arith.cmpi ne, %rem3A, %ne3A_142 : i32
      %and3A = arith.andi %ne3A, %ne3A_143 : i1
      %sub3A = arith.constant 1 : i32
      %sub3A_144 = arith.subi %div3A, %sub3A : i32
      %select_n3A = arith.select %and3A, %sub3A_144, %div3A : i32
      %jit3A_145 = arith.constant 8 : i32
      %eq3A = arith.constant 0 : i32
      %eq3A_146 = arith.cmpi eq, %jit3A_145, %eq3A : i32
      %jit3A_147 = arith.constant 1 : i32
      %select_n3A_148 = arith.select %eq3A_146, %jit3A_147, %jit3A_145 : i32
      %rem3A_149 = arith.remsi %scan3A_127, %select_n3A_148 : i32
      %ne3A_150 = arith.constant 0 : i32
      %ne3A_151 = arith.cmpi ne, %rem3A_149, %ne3A_150 : i32
      %lt3A_152 = arith.constant 0 : i32
      %lt3A_153 = arith.cmpi slt, %rem3A_149, %lt3A_152 : i32
      %lt3A_154 = arith.constant 0 : i32
      %lt3A_155 = arith.cmpi slt, %select_n3A_148, %lt3A_154 : i32
      %ne3A_156 = arith.xori %lt3A_153, %lt3A_155 : i1
      %and3A_157 = arith.andi %ne3A_156, %ne3A_151 : i1
      %add3A_158 = arith.addi %rem3A_149, %select_n3A_148 : i32
      %select_n3A_159 = arith.select %and3A_157, %add3A_158, %rem3A_149 : i32
      %mul3A_160 = arith.constant 16 : i32
      %mul3A_161 = arith.muli %select_n3A_159, %mul3A_160 : i32
      %swap3A = arith.index_cast %select_n3A : i32 to index
      %swap3A_162 = arith.index_cast %mul3A_161 : i32 to index
      %swap3A_163 = tpu.vector_load %arg12[%swap3A, %swap3A_162] {strides = array<i32>} : memref<80x128xf32, #tpu.memory_space<vmem>>, vector<16xf32>,
      tpu.vector_store %arg12[%swap3A, %swap3A_162], %broadcast_in_dim3A_1 {strides = array<i32>} : memref<80x128xf32, #tpu.memory_space<vmem>>, vector<16xf32>,
      %scan3A_164 = arith.constant 0 : i32
      scf.yield %scan3A_164 : i32
    }
    %scan3A_9 = arith.constant 640 : i32
    %add3A_10 = arith.constant 0 : i32
    %add3A_11 = arith.addi %arg1, %add3A_10 : i32
    %lt3A = arith.constant 125 : i32
    %lt3A_12 = arith.cmpi slt, %add3A_11, %lt3A : i32
    %convert_element_type3A = arith.extui %lt3A_12 : i1 to i32
    %cond3A = arith.constant 0 : i32
    %cond3A_13 = arith.cmpi ne, %convert_element_type3A, %cond3A : i32
    scf.if %cond3A_13 {
      %mul3A_127 = arith.constant 80 : i32
      %mul3A_128 = arith.muli %add3A_11, %mul3A_127 : i32
      "tpu.region"() ({
        %run_scoped3A = tpu.sem_alloc : memref<!tpu.dma_semaphore, #tpu.memory_space<semaphore_mem>>
        %dma_start3A = arith.constant 0 : i32
        %dma_start3A_129 = tpu.memref_slice %arg6[%mul3A_128, %dma_start3A] : memref<10000x128xf32, #tpu.memory_space<vmem_shared>> -> memref<80x128xf32, #tpu.memory_space<vmem_shared>>
        %dma_start3A_130 = arith.constant 0 : i32
        %dma_start3A_131 = tpu.memref_slice %arg6[%mul3A_128, %dma_start3A_130] : memref<10000x128xf32, #tpu.memory_space<vmem_shared>> -> memref<80x128xf32, #tpu.memory_space<vmem_shared>>
        tpu.enqueue_dma source(%arg12 : memref<80x128xf32, #tpu.memory_space<vmem>>) target(%dma_start3A_131 : memref<80x128xf32, #tpu.memory_space<vmem_shared>>) target_semaphore(%run_scoped3A : memref<!tpu.dma_semaphore, #tpu.memory_space<semaphore_mem>>)
        %dma_wait3A = arith.constant 0 : i32
        %dma_wait3A_132 = tpu.memref_slice %arg6[%mul3A_128, %dma_wait3A] : memref<10000x128xf32, #tpu.memory_space<vmem_shared>> -> memref<80x128xf32, #tpu.memory_space<vmem_shared>>
        %dma_wait3A_133 = arith.constant 0 : i32
        %dma_wait3A_134 = tpu.memref_slice %arg6[%mul3A_128, %dma_wait3A_133] : memref<10000x128xf32, #tpu.memory_space<vmem_shared>> -> memref<80x128xf32, #tpu.memory_space<vmem_shared>>
        tpu.wait_dma2 semaphore(%run_scoped3A : memref<!tpu.dma_semaphore, #tpu.memory_space<semaphore_mem>>) src(%arg12 : memref<80x128xf32, #tpu.memory_space<vmem>>) dst(%dma_wait3A_134 : memref<80x128xf32, #tpu.memory_space<vmem_shared>>)
        tpu.yield
      }) : () -> ()
    } else {
    }
    %add3A_14 = arith.constant 16 : i32
    %add3A_15 = arith.addi %arg1, %add3A_14 : i32
    %lt3A_16 = arith.constant 125 : i32
    %lt3A_17 = arith.cmpi slt, %add3A_15, %lt3A_16 : i32
    %convert_element_type3A_18 = arith.extui %lt3A_17 : i1 to i32
    %cond3A_19 = arith.constant 0 : i32
    %cond3A_20 = arith.cmpi ne, %convert_element_type3A_18, %cond3A_19 : i32
    scf.if %cond3A_20 {
      %mul3A_127 = arith.constant 80 : i32
      %mul3A_128 = arith.muli %add3A_15, %mul3A_127 : i32
      "tpu.region"() ({
        %run_scoped3A = tpu.sem_alloc : memref<!tpu.dma_semaphore, #tpu.memory_space<semaphore_mem>>
        %dma_start3A = arith.constant 0 : i32
        %dma_start3A_129 = tpu.memref_slice %arg6[%mul3A_128, %dma_start3A] : memref<10000x128xf32, #tpu.memory_space<vmem_shared>> -> memref<80x128xf32, #tpu.memory_space<vmem_shared>>
        %dma_start3A_130 = arith.constant 0 : i32
        %dma_start3A_131 = tpu.memref_slice %arg6[%mul3A_128, %dma_start3A_130] : memref<10000x128xf32, #tpu.memory_space<vmem_shared>> -> memref<80x128xf32, #tpu.memory_space<vmem_shared>>
        tpu.enqueue_dma source(%arg12 : memref<80x128xf32, #tpu.memory_space<vmem>>) target(%dma_start3A_131 : memref<80x128xf32, #tpu.memory_space<vmem_shared>>) target_semaphore(%run_scoped3A : memref<!tpu.dma_semaphore, #tpu.memory_space<semaphore_mem>>)
        %dma_wait3A = arith.constant 0 : i32
        %dma_wait3A_132 = tpu.memref_slice %arg6[%mul3A_128, %dma_wait3A] : memref<10000x128xf32, #tpu.memory_space<vmem_shared>> -> memref<80x128xf32, #tpu.memory_space<vmem_shared>>
        %dma_wait3A_133 = arith.constant 0 : i32
        %dma_wait3A_134 = tpu.memref_slice %arg6[%mul3A_128, %dma_wait3A_133] : memref<10000x128xf32, #tpu.memory_space<vmem_shared>> -> memref<80x128xf32, #tpu.memory_space<vmem_shared>>
        tpu.wait_dma2 semaphore(%run_scoped3A : memref<!tpu.dma_semaphore, #tpu.memory_space<semaphore_mem>>) src(%arg12 : memref<80x128xf32, #tpu.memory_space<vmem>>) dst(%dma_wait3A_134 : memref<80x128xf32, #tpu.memory_space<vmem_shared>>)
        tpu.yield
      }) : () -> ()
    } else {
    }
    %add3A_21 = arith.constant 32 : i32
    %add3A_22 = arith.addi %arg1, %add3A_21 : i32
    %lt3A_23 = arith.constant 125 : i32
    %lt3A_24 = arith.cmpi slt, %add3A_22, %lt3A_23 : i32
    %convert_element_type3A_25 = arith.extui %lt3A_24 : i1 to i32
    %cond3A_26 = arith.constant 0 : i32
    %cond3A_27 = arith.cmpi ne, %convert_element_type3A_25, %cond3A_26 : i32
    scf.if %cond3A_27 {
      %mul3A_127 = arith.constant 80 : i32
      %mul3A_128 = arith.muli %add3A_22, %mul3A_127 : i32
      "tpu.region"() ({
        %run_scoped3A = tpu.sem_alloc : memref<!tpu.dma_semaphore, #tpu.memory_space<semaphore_mem>>
        %dma_start3A = arith.constant 0 : i32
        %dma_start3A_129 = tpu.memref_slice %arg6[%mul3A_128, %dma_start3A] : memref<10000x128xf32, #tpu.memory_space<vmem_shared>> -> memref<80x128xf32, #tpu.memory_space<vmem_shared>>
        %dma_start3A_130 = arith.constant 0 : i32
        %dma_start3A_131 = tpu.memref_slice %arg6[%mul3A_128, %dma_start3A_130] : memref<10000x128xf32, #tpu.memory_space<vmem_shared>> -> memref<80x128xf32, #tpu.memory_space<vmem_shared>>
        tpu.enqueue_dma source(%arg12 : memref<80x128xf32, #tpu.memory_space<vmem>>) target(%dma_start3A_131 : memref<80x128xf32, #tpu.memory_space<vmem_shared>>) target_semaphore(%run_scoped3A : memref<!tpu.dma_semaphore, #tpu.memory_space<semaphore_mem>>)
        %dma_wait3A = arith.constant 0 : i32
        %dma_wait3A_132 = tpu.memref_slice %arg6[%mul3A_128, %dma_wait3A] : memref<10000x128xf32, #tpu.memory_space<vmem_shared>> -> memref<80x128xf32, #tpu.memory_space<vmem_shared>>
        %dma_wait3A_133 = arith.constant 0 : i32
        %dma_wait3A_134 = tpu.memref_slice %arg6[%mul3A_128, %dma_wait3A_133] : memref<10000x128xf32, #tpu.memory_space<vmem_shared>> -> memref<80x128xf32, #tpu.memory_space<vmem_shared>>
        tpu.wait_dma2 semaphore(%run_scoped3A : memref<!tpu.dma_semaphore, #tpu.memory_space<semaphore_mem>>) src(%arg12 : memref<80x128xf32, #tpu.memory_space<vmem>>) dst(%dma_wait3A_134 : memref<80x128xf32, #tpu.memory_space<vmem_shared>>)
        tpu.yield
      }) : () -> ()
    } else {
    }
    %add3A_28 = arith.constant 48 : i32
    %add3A_29 = arith.addi %arg1, %add3A_28 : i32
    %lt3A_30 = arith.constant 125 : i32
    %lt3A_31 = arith.cmpi slt, %add3A_29, %lt3A_30 : i32
    %convert_element_type3A_32 = arith.extui %lt3A_31 : i1 to i32
    %cond3A_33 = arith.constant 0 : i32
    %cond3A_34 = arith.cmpi ne, %convert_element_type3A_32, %cond3A_33 : i32
    scf.if %cond3A_34 {
      %mul3A_127 = arith.constant 80 : i32
      %mul3A_128 = arith.muli %add3A_29, %mul3A_127 : i32
      "tpu.region"() ({
        %run_scoped3A = tpu.sem_alloc : memref<!tpu.dma_semaphore, #tpu.memory_space<semaphore_mem>>
        %dma_start3A = arith.constant 0 : i32
        %dma_start3A_129 = tpu.memref_slice %arg6[%mul3A_128, %dma_start3A] : memref<10000x128xf32, #tpu.memory_space<vmem_shared>> -> memref<80x128xf32, #tpu.memory_space<vmem_shared>>
        %dma_start3A_130 = arith.constant 0 : i32
        %dma_start3A_131 = tpu.memref_slice %arg6[%mul3A_128, %dma_start3A_130] : memref<10000x128xf32, #tpu.memory_space<vmem_shared>> -> memref<80x128xf32, #tpu.memory_space<vmem_shared>>
        tpu.enqueue_dma source(%arg12 : memref<80x128xf32, #tpu.memory_space<vmem>>) target(%dma_start3A_131 : memref<80x128xf32, #tpu.memory_space<vmem_shared>>) target_semaphore(%run_scoped3A : memref<!tpu.dma_semaphore, #tpu.memory_space<semaphore_mem>>)
        %dma_wait3A = arith.constant 0 : i32
        %dma_wait3A_132 = tpu.memref_slice %arg6[%mul3A_128, %dma_wait3A] : memref<10000x128xf32, #tpu.memory_space<vmem_shared>> -> memref<80x128xf32, #tpu.memory_space<vmem_shared>>
        %dma_wait3A_133 = arith.constant 0 : i32
        %dma_wait3A_134 = tpu.memref_slice %arg6[%mul3A_128, %dma_wait3A_133] : memref<10000x128xf32, #tpu.memory_space<vmem_shared>> -> memref<80x128xf32, #tpu.memory_space<vmem_shared>>
        tpu.wait_dma2 semaphore(%run_scoped3A : memref<!tpu.dma_semaphore, #tpu.memory_space<semaphore_mem>>) src(%arg12 : memref<80x128xf32, #tpu.memory_space<vmem>>) dst(%dma_wait3A_134 : memref<80x128xf32, #tpu.memory_space<vmem_shared>>)
        tpu.yield
      }) : () -> ()
    } else {
    }
    %add3A_35 = arith.constant 64 : i32
    %add3A_36 = arith.addi %arg1, %add3A_35 : i32
    %lt3A_37 = arith.constant 125 : i32
    %lt3A_38 = arith.cmpi slt, %add3A_36, %lt3A_37 : i32
    %convert_element_type3A_39 = arith.extui %lt3A_38 : i1 to i32
    %cond3A_40 = arith.constant 0 : i32
    %cond3A_41 = arith.cmpi ne, %convert_element_type3A_39, %cond3A_40 : i32
    scf.if %cond3A_41 {
      %mul3A_127 = arith.constant 80 : i32
      %mul3A_128 = arith.muli %add3A_36, %mul3A_127 : i32
      "tpu.region"() ({
        %run_scoped3A = tpu.sem_alloc : memref<!tpu.dma_semaphore, #tpu.memory_space<semaphore_mem>>
        %dma_start3A = arith.constant 0 : i32
        %dma_start3A_129 = tpu.memref_slice %arg6[%mul3A_128, %dma_start3A] : memref<10000x128xf32, #tpu.memory_space<vmem_shared>> -> memref<80x128xf32, #tpu.memory_space<vmem_shared>>
        %dma_start3A_130 = arith.constant 0 : i32
        %dma_start3A_131 = tpu.memref_slice %arg6[%mul3A_128, %dma_start3A_130] : memref<10000x128xf32, #tpu.memory_space<vmem_shared>> -> memref<80x128xf32, #tpu.memory_space<vmem_shared>>
        tpu.enqueue_dma source(%arg12 : memref<80x128xf32, #tpu.memory_space<vmem>>) target(%dma_start3A_131 : memref<80x128xf32, #tpu.memory_space<vmem_shared>>) target_semaphore(%run_scoped3A : memref<!tpu.dma_semaphore, #tpu.memory_space<semaphore_mem>>)
        %dma_wait3A = arith.constant 0 : i32
        %dma_wait3A_132 = tpu.memref_slice %arg6[%mul3A_128, %dma_wait3A] : memref<10000x128xf32, #tpu.memory_space<vmem_shared>> -> memref<80x128xf32, #tpu.memory_space<vmem_shared>>
        %dma_wait3A_133 = arith.constant 0 : i32
        %dma_wait3A_134 = tpu.memref_slice %arg6[%mul3A_128, %dma_wait3A_133] : memref<10000x128xf32, #tpu.memory_space<vmem_shared>> -> memref<80x128xf32, #tpu.memory_space<vmem_shared>>
        tpu.wait_dma2 semaphore(%run_scoped3A : memref<!tpu.dma_semaphore, #tpu.memory_space<semaphore_mem>>) src(%arg12 : memref<80x128xf32, #tpu.memory_space<vmem>>) dst(%dma_wait3A_134 : memref<80x128xf32, #tpu.memory_space<vmem_shared>>)
        tpu.yield
      }) : () -> ()
    } else {
    }
    %add3A_42 = arith.constant 80 : i32
    %add3A_43 = arith.addi %arg1, %add3A_42 : i32
    %lt3A_44 = arith.constant 125 : i32
    %lt3A_45 = arith.cmpi slt, %add3A_43, %lt3A_44 : i32
    %convert_element_type3A_46 = arith.extui %lt3A_45 : i1 to i32
    %cond3A_47 = arith.constant 0 : i32
    %cond3A_48 = arith.cmpi ne, %convert_element_type3A_46, %cond3A_47 : i32
    scf.if %cond3A_48 {
      %mul3A_127 = arith.constant 80 : i32
      %mul3A_128 = arith.muli %add3A_43, %mul3A_127 : i32
      "tpu.region"() ({
        %run_scoped3A = tpu.sem_alloc : memref<!tpu.dma_semaphore, #tpu.memory_space<semaphore_mem>>
        %dma_start3A = arith.constant 0 : i32
        %dma_start3A_129 = tpu.memref_slice %arg6[%mul3A_128, %dma_start3A] : memref<10000x128xf32, #tpu.memory_space<vmem_shared>> -> memref<80x128xf32, #tpu.memory_space<vmem_shared>>
        %dma_start3A_130 = arith.constant 0 : i32
        %dma_start3A_131 = tpu.memref_slice %arg6[%mul3A_128, %dma_start3A_130] : memref<10000x128xf32, #tpu.memory_space<vmem_shared>> -> memref<80x128xf32, #tpu.memory_space<vmem_shared>>
        tpu.enqueue_dma source(%arg12 : memref<80x128xf32, #tpu.memory_space<vmem>>) target(%dma_start3A_131 : memref<80x128xf32, #tpu.memory_space<vmem_shared>>) target_semaphore(%run_scoped3A : memref<!tpu.dma_semaphore, #tpu.memory_space<semaphore_mem>>)
        %dma_wait3A = arith.constant 0 : i32
        %dma_wait3A_132 = tpu.memref_slice %arg6[%mul3A_128, %dma_wait3A] : memref<10000x128xf32, #tpu.memory_space<vmem_shared>> -> memref<80x128xf32, #tpu.memory_space<vmem_shared>>
        %dma_wait3A_133 = arith.constant 0 : i32
        %dma_wait3A_134 = tpu.memref_slice %arg6[%mul3A_128, %dma_wait3A_133] : memref<10000x128xf32, #tpu.memory_space<vmem_shared>> -> memref<80x128xf32, #tpu.memory_space<vmem_shared>>
        tpu.wait_dma2 semaphore(%run_scoped3A : memref<!tpu.dma_semaphore, #tpu.memory_space<semaphore_mem>>) src(%arg12 : memref<80x128xf32, #tpu.memory_space<vmem>>) dst(%dma_wait3A_134 : memref<80x128xf32, #tpu.memory_space<vmem_shared>>)
        tpu.yield
      }) : () -> ()
    } else {
    }
    %add3A_49 = arith.constant 96 : i32
    %add3A_50 = arith.addi %arg1, %add3A_49 : i32
    %lt3A_51 = arith.constant 125 : i32
    %lt3A_52 = arith.cmpi slt, %add3A_50, %lt3A_51 : i32
    %convert_element_type3A_53 = arith.extui %lt3A_52 : i1 to i32
    %cond3A_54 = arith.constant 0 : i32
    %cond3A_55 = arith.cmpi ne, %convert_element_type3A_53, %cond3A_54 : i32
    scf.if %cond3A_55 {
      %mul3A_127 = arith.constant 80 : i32
      %mul3A_128 = arith.muli %add3A_50, %mul3A_127 : i32
      "tpu.region"() ({
        %run_scoped3A = tpu.sem_alloc : memref<!tpu.dma_semaphore, #tpu.memory_space<semaphore_mem>>
        %dma_start3A = arith.constant 0 : i32
        %dma_start3A_129 = tpu.memref_slice %arg6[%mul3A_128, %dma_start3A] : memref<10000x128xf32, #tpu.memory_space<vmem_shared>> -> memref<80x128xf32, #tpu.memory_space<vmem_shared>>
        %dma_start3A_130 = arith.constant 0 : i32
        %dma_start3A_131 = tpu.memref_slice %arg6[%mul3A_128, %dma_start3A_130] : memref<10000x128xf32, #tpu.memory_space<vmem_shared>> -> memref<80x128xf32, #tpu.memory_space<vmem_shared>>
        tpu.enqueue_dma source(%arg12 : memref<80x128xf32, #tpu.memory_space<vmem>>) target(%dma_start3A_131 : memref<80x128xf32, #tpu.memory_space<vmem_shared>>) target_semaphore(%run_scoped3A : memref<!tpu.dma_semaphore, #tpu.memory_space<semaphore_mem>>)
        %dma_wait3A = arith.constant 0 : i32
        %dma_wait3A_132 = tpu.memref_slice %arg6[%mul3A_128, %dma_wait3A] : memref<10000x128xf32, #tpu.memory_space<vmem_shared>> -> memref<80x128xf32, #tpu.memory_space<vmem_shared>>
        %dma_wait3A_133 = arith.constant 0 : i32
        %dma_wait3A_134 = tpu.memref_slice %arg6[%mul3A_128, %dma_wait3A_133] : memref<10000x128xf32, #tpu.memory_space<vmem_shared>> -> memref<80x128xf32, #tpu.memory_space<vmem_shared>>
        tpu.wait_dma2 semaphore(%run_scoped3A : memref<!tpu.dma_semaphore, #tpu.memory_space<semaphore_mem>>) src(%arg12 : memref<80x128xf32, #tpu.memory_space<vmem>>) dst(%dma_wait3A_134 : memref<80x128xf32, #tpu.memory_space<vmem_shared>>)
        tpu.yield
      }) : () -> ()
    } else {
    }
    %add3A_56 = arith.constant 112 : i32
    %add3A_57 = arith.addi %arg1, %add3A_56 : i32
    %lt3A_58 = arith.constant 125 : i32
    %lt3A_59 = arith.cmpi slt, %add3A_57, %lt3A_58 : i32
    %convert_element_type3A_60 = arith.extui %lt3A_59 : i1 to i32
    %cond3A_61 = arith.constant 0 : i32
    %cond3A_62 = arith.cmpi ne, %convert_element_type3A_60, %cond3A_61 : i32
    scf.if %cond3A_62 {
      %mul3A_127 = arith.constant 80 : i32
      %mul3A_128 = arith.muli %add3A_57, %mul3A_127 : i32
      "tpu.region"() ({
        %run_scoped3A = tpu.sem_alloc : memref<!tpu.dma_semaphore, #tpu.memory_space<semaphore_mem>>
        %dma_start3A = arith.constant 0 : i32
        %dma_start3A_129 = tpu.memref_slice %arg6[%mul3A_128, %dma_start3A] : memref<10000x128xf32, #tpu.memory_space<vmem_shared>> -> memref<80x128xf32, #tpu.memory_space<vmem_shared>>
        %dma_start3A_130 = arith.constant 0 : i32
        %dma_start3A_131 = tpu.memref_slice %arg6[%mul3A_128, %dma_start3A_130] : memref<10000x128xf32, #tpu.memory_space<vmem_shared>> -> memref<80x128xf32, #tpu.memory_space<vmem_shared>>
        tpu.enqueue_dma source(%arg12 : memref<80x128xf32, #tpu.memory_space<vmem>>) target(%dma_start3A_131 : memref<80x128xf32, #tpu.memory_space<vmem_shared>>) target_semaphore(%run_scoped3A : memref<!tpu.dma_semaphore, #tpu.memory_space<semaphore_mem>>)
        %dma_wait3A = arith.constant 0 : i32
        %dma_wait3A_132 = tpu.memref_slice %arg6[%mul3A_128, %dma_wait3A] : memref<10000x128xf32, #tpu.memory_space<vmem_shared>> -> memref<80x128xf32, #tpu.memory_space<vmem_shared>>
        %dma_wait3A_133 = arith.constant 0 : i32
        %dma_wait3A_134 = tpu.memref_slice %arg6[%mul3A_128, %dma_wait3A_133] : memref<10000x128xf32, #tpu.memory_space<vmem_shared>> -> memref<80x128xf32, #tpu.memory_space<vmem_shared>>
        tpu.wait_dma2 semaphore(%run_scoped3A : memref<!tpu.dma_semaphore, #tpu.memory_space<semaphore_mem>>) src(%arg12 : memref<80x128xf32, #tpu.memory_space<vmem>>) dst(%dma_wait3A_134 : memref<80x128xf32, #tpu.memory_space<vmem_shared>>)
        tpu.yield
      }) : () -> ()
    } else {
    }
    %barrier3A = arith.constant 0 : index
    tpu.barrier barrier_id(%barrier3A)
    %scan3A_63 = arith.constant 0 : i32
    %scan3A_64 = arith.constant 0 : i32
    %scan3A_65 = arith.constant 5 : i32
    %scan3A_66 = arith.addi %scan3A_64, %scan3A_65 : i32
    %scan3A_67 = arith.constant 1 : i32
    %scan3A_68 = scf.for %scan3A_127 = %scan3A_64 to %scan3A_66 step %scan3A_67 iter_args(%scan3A_128 = %scan3A_63) -> (i32)  : i32 {
      %mul3A_129 = arith.constant 10000 : i32
      %mul3A_130 = arith.muli %add3A, %mul3A_129 : i32
      %mul3A_131 = arith.constant 2000 : i32
      %mul3A_132 = arith.muli %scan3A_127, %mul3A_131 : i32
      %add3A_133 = arith.addi %mul3A_130, %mul3A_132 : i32
      "tpu.region"() ({
        %run_scoped3A = tpu.sem_alloc : memref<!tpu.dma_semaphore, #tpu.memory_space<semaphore_mem>>
        %dma_start3A = tpu.memref_slice %arg3[%add3A_133] : memref<320000xi32, #tpu.memory_space<hbm>> -> memref<2000xi32, #tpu.memory_space<hbm>>
        %dma_start3A_142 = tpu.memref_slice %arg3[%add3A_133] : memref<320000xi32, #tpu.memory_space<hbm>> -> memref<2000xi32, #tpu.memory_space<hbm>>
        tpu.enqueue_dma source(%dma_start3A_142 : memref<2000xi32, #tpu.memory_space<hbm>>) target(%arg7 : memref<2000xi32, #tpu.memory_space<vmem>>) target_semaphore(%run_scoped3A : memref<!tpu.dma_semaphore, #tpu.memory_space<semaphore_mem>>)
        %dma_wait3A = tpu.memref_slice %arg3[%add3A_133] : memref<320000xi32, #tpu.memory_space<hbm>> -> memref<2000xi32, #tpu.memory_space<hbm>>
        %dma_wait3A_143 = tpu.memref_slice %arg3[%add3A_133] : memref<320000xi32, #tpu.memory_space<hbm>> -> memref<2000xi32, #tpu.memory_space<hbm>>
        tpu.wait_dma2 semaphore(%run_scoped3A : memref<!tpu.dma_semaphore, #tpu.memory_space<semaphore_mem>>) src(%dma_wait3A_143 : memref<2000xi32, #tpu.memory_space<hbm>>) dst(%arg7 : memref<2000xi32, #tpu.memory_space<vmem>>)
        tpu.yield
      }) : () -> ()
      "tpu.region"() ({
        %run_scoped3A = tpu.sem_alloc : memref<!tpu.dma_semaphore, #tpu.memory_space<semaphore_mem>>
        %dma_start3A = tpu.memref_slice %arg4[%add3A_133] : memref<320000xi32, #tpu.memory_space<hbm>> -> memref<2000xi32, #tpu.memory_space<hbm>>
        %dma_start3A_142 = tpu.memref_slice %arg4[%add3A_133] : memref<320000xi32, #tpu.memory_space<hbm>> -> memref<2000xi32, #tpu.memory_space<hbm>>
        tpu.enqueue_dma source(%dma_start3A_142 : memref<2000xi32, #tpu.memory_space<hbm>>) target(%arg8 : memref<2000xi32, #tpu.memory_space<vmem>>) target_semaphore(%run_scoped3A : memref<!tpu.dma_semaphore, #tpu.memory_space<semaphore_mem>>)
        %dma_wait3A = tpu.memref_slice %arg4[%add3A_133] : memref<320000xi32, #tpu.memory_space<hbm>> -> memref<2000xi32, #tpu.memory_space<hbm>>
        %dma_wait3A_143 = tpu.memref_slice %arg4[%add3A_133] : memref<320000xi32, #tpu.memory_space<hbm>> -> memref<2000xi32, #tpu.memory_space<hbm>>
        tpu.wait_dma2 semaphore(%run_scoped3A : memref<!tpu.dma_semaphore, #tpu.memory_space<semaphore_mem>>) src(%dma_wait3A_143 : memref<2000xi32, #tpu.memory_space<hbm>>) dst(%arg8 : memref<2000xi32, #tpu.memory_space<vmem>>)
        tpu.yield
      }) : () -> ()
      %scan3A_134 = arith.constant 0 : i32
      %scan3A_135 = arith.constant 0 : i32
      %scan3A_136 = arith.constant 25 : i32
      %scan3A_137 = arith.addi %scan3A_135, %scan3A_136 : i32
      %scan3A_138 = arith.constant 1 : i32
      %scan3A_139 = scf.for %scan3A_142 = %scan3A_135 to %scan3A_137 step %scan3A_138 iter_args(%scan3A_143 = %scan3A_134) -> (i32)  : i32 {
        %mul3A_144 = arith.constant 80 : i32
        %mul3A_145 = arith.muli %scan3A_142, %mul3A_144 : i32
        %add3A_146 = arith.constant 0 : i32
        %add3A_147 = arith.addi %mul3A_145, %add3A_146 : i32
        %get3A = arith.index_cast %add3A_147 : i32 to index
        %get3A_148 = tpu.vector_load %arg7[%get3A] {strides = array<i32>} : memref<2000xi32, #tpu.memory_space<vmem>>, vector<16xi32>,
        %swap3A = arith.constant 0 : index
        %swap3A_149 = tpu.vector_load %arg9[%swap3A] {strides = array<i32>} : memref<80xi32, #tpu.memory_space<vmem>>, vector<16xi32>,
        tpu.vector_store %arg9[%swap3A], %get3A_148 {strides = array<i32>} : memref<80xi32, #tpu.memory_space<vmem>>, vector<16xi32>,
        %add3A_150 = arith.constant 0 : i32
        %add3A_151 = arith.addi %mul3A_145, %add3A_150 : i32
        %get3A_152 = arith.index_cast %add3A_151 : i32 to index
        %get3A_153 = tpu.vector_load %arg8[%get3A_152] {strides = array<i32>} : memref<2000xi32, #tpu.memory_space<vmem>>, vector<16xi32>,
        %swap3A_154 = arith.constant 0 : index
        %swap3A_155 = tpu.vector_load %arg10[%swap3A_154] {strides = array<i32>} : memref<80xi32, #tpu.memory_space<vmem>>, vector<16xi32>,
        tpu.vector_store %arg10[%swap3A_154], %get3A_153 {strides = array<i32>} : memref<80xi32, #tpu.memory_space<vmem>>, vector<16xi32>,
        %add3A_156 = arith.constant 16 : i32
        %add3A_157 = arith.addi %mul3A_145, %add3A_156 : i32
        %get3A_158 = arith.index_cast %add3A_157 : i32 to index
        %get3A_159 = tpu.vector_load %arg7[%get3A_158] {strides = array<i32>} : memref<2000xi32, #tpu.memory_space<vmem>>, vector<16xi32>,
        %swap3A_160 = arith.constant 16 : index
        %swap3A_161 = tpu.vector_load %arg9[%swap3A_160] {strides = array<i32>} : memref<80xi32, #tpu.memory_space<vmem>>, vector<16xi32>,
        tpu.vector_store %arg9[%swap3A_160], %get3A_159 {strides = array<i32>} : memref<80xi32, #tpu.memory_space<vmem>>, vector<16xi32>,
        %add3A_162 = arith.constant 16 : i32
        %add3A_163 = arith.addi %mul3A_145, %add3A_162 : i32
        %get3A_164 = arith.index_cast %add3A_163 : i32 to index
        %get3A_165 = tpu.vector_load %arg8[%get3A_164] {strides = array<i32>} : memref<2000xi32, #tpu.memory_space<vmem>>, vector<16xi32>,
        %swap3A_166 = arith.constant 16 : index
        %swap3A_167 = tpu.vector_load %arg10[%swap3A_166] {strides = array<i32>} : memref<80xi32, #tpu.memory_space<vmem>>, vector<16xi32>,
        tpu.vector_store %arg10[%swap3A_166], %get3A_165 {strides = array<i32>} : memref<80xi32, #tpu.memory_space<vmem>>, vector<16xi32>,
        %add3A_168 = arith.constant 32 : i32
        %add3A_169 = arith.addi %mul3A_145, %add3A_168 : i32
        %get3A_170 = arith.index_cast %add3A_169 : i32 to index
        %get3A_171 = tpu.vector_load %arg7[%get3A_170] {strides = array<i32>} : memref<2000xi32, #tpu.memory_space<vmem>>, vector<16xi32>,
        %swap3A_172 = arith.constant 32 : index
        %swap3A_173 = tpu.vector_load %arg9[%swap3A_172] {strides = array<i32>} : memref<80xi32, #tpu.memory_space<vmem>>, vector<16xi32>,
        tpu.vector_store %arg9[%swap3A_172], %get3A_171 {strides = array<i32>} : memref<80xi32, #tpu.memory_space<vmem>>, vector<16xi32>,
        %add3A_174 = arith.constant 32 : i32
        %add3A_175 = arith.addi %mul3A_145, %add3A_174 : i32
        %get3A_176 = arith.index_cast %add3A_175 : i32 to index
        %get3A_177 = tpu.vector_load %arg8[%get3A_176] {strides = array<i32>} : memref<2000xi32, #tpu.memory_space<vmem>>, vector<16xi32>,
        %swap3A_178 = arith.constant 32 : index
        %swap3A_179 = tpu.vector_load %arg10[%swap3A_178] {strides = array<i32>} : memref<80xi32, #tpu.memory_space<vmem>>, vector<16xi32>,
        tpu.vector_store %arg10[%swap3A_178], %get3A_177 {strides = array<i32>} : memref<80xi32, #tpu.memory_space<vmem>>, vector<16xi32>,
        %add3A_180 = arith.constant 48 : i32
        %add3A_181 = arith.addi %mul3A_145, %add3A_180 : i32
        %get3A_182 = arith.index_cast %add3A_181 : i32 to index
        %get3A_183 = tpu.vector_load %arg7[%get3A_182] {strides = array<i32>} : memref<2000xi32, #tpu.memory_space<vmem>>, vector<16xi32>,
        %swap3A_184 = arith.constant 48 : index
        %swap3A_185 = tpu.vector_load %arg9[%swap3A_184] {strides = array<i32>} : memref<80xi32, #tpu.memory_space<vmem>>, vector<16xi32>,
        tpu.vector_store %arg9[%swap3A_184], %get3A_183 {strides = array<i32>} : memref<80xi32, #tpu.memory_space<vmem>>, vector<16xi32>,
        %add3A_186 = arith.constant 48 : i32
        %add3A_187 = arith.addi %mul3A_145, %add3A_186 : i32
        %get3A_188 = arith.index_cast %add3A_187 : i32 to index
        %get3A_189 = tpu.vector_load %arg8[%get3A_188] {strides = array<i32>} : memref<2000xi32, #tpu.memory_space<vmem>>, vector<16xi32>,
        %swap3A_190 = arith.constant 48 : index
        %swap3A_191 = tpu.vector_load %arg10[%swap3A_190] {strides = array<i32>} : memref<80xi32, #tpu.memory_space<vmem>>, vector<16xi32>,
        tpu.vector_store %arg10[%swap3A_190], %get3A_189 {strides = array<i32>} : memref<80xi32, #tpu.memory_space<vmem>>, vector<16xi32>,
        %add3A_192 = arith.constant 64 : i32
        %add3A_193 = arith.addi %mul3A_145, %add3A_192 : i32
        %get3A_194 = arith.index_cast %add3A_193 : i32 to index
        %get3A_195 = tpu.vector_load %arg7[%get3A_194] {strides = array<i32>} : memref<2000xi32, #tpu.memory_space<vmem>>, vector<16xi32>,
        %swap3A_196 = arith.constant 64 : index
        %swap3A_197 = tpu.vector_load %arg9[%swap3A_196] {strides = array<i32>} : memref<80xi32, #tpu.memory_space<vmem>>, vector<16xi32>,
        tpu.vector_store %arg9[%swap3A_196], %get3A_195 {strides = array<i32>} : memref<80xi32, #tpu.memory_space<vmem>>, vector<16xi32>,
        %add3A_198 = arith.constant 64 : i32
        %add3A_199 = arith.addi %mul3A_145, %add3A_198 : i32
        %get3A_200 = arith.index_cast %add3A_199 : i32 to index
        %get3A_201 = tpu.vector_load %arg8[%get3A_200] {strides = array<i32>} : memref<2000xi32, #tpu.memory_space<vmem>>, vector<16xi32>,
        %swap3A_202 = arith.constant 64 : index
        %swap3A_203 = tpu.vector_load %arg10[%swap3A_202] {strides = array<i32>} : memref<80xi32, #tpu.memory_space<vmem>>, vector<16xi32>,
        tpu.vector_store %arg10[%swap3A_202], %get3A_201 {strides = array<i32>} : memref<80xi32, #tpu.memory_space<vmem>>, vector<16xi32>,
        %dma_start3A = arith.constant 0 : i32
        %dma_start3A_204 = arith.constant 0 : i32
        %dma_start3A_205 = tpu.memref_slice %arg2[%dma_start3A, %dma_start3A_204] : memref<10000x128xf32, #tpu.memory_space<hbm>> -> memref<10000x128xf32, #tpu.memory_space<hbm>>
        tpu.enqueue_indirect_dma source(%dma_start3A_205 : memref<10000x128xf32, #tpu.memory_space<hbm>>) target(%arg11 : memref<80x128xf32, #tpu.memory_space<vmem>>) offsets(%arg9 : memref<80xi32, #tpu.memory_space<vmem>>) semaphore(%arg13 : memref<!tpu.dma_semaphore, #tpu.memory_space<semaphore_mem>>)
        %dma_wait3A = arith.constant 0 : i32
        %dma_wait3A_206 = arith.constant 0 : i32
        %dma_wait3A_207 = tpu.memref_slice %arg2[%dma_wait3A, %dma_wait3A_206] : memref<10000x128xf32, #tpu.memory_space<hbm>> -> memref<10000x128xf32, #tpu.memory_space<hbm>>
        tpu.wait_indirect_dma semaphore(%arg13 : memref<!tpu.dma_semaphore, #tpu.memory_space<semaphore_mem>>) src(%dma_wait3A_207 : memref<10000x128xf32, #tpu.memory_space<hbm>>) dst(%arg11 : memref<80x128xf32, #tpu.memory_space<vmem>>)
        "tpu.region"() ({
          %run_scoped3A = tpu.sem_alloc : memref<!tpu.dma_semaphore, #tpu.memory_space<semaphore_mem>>
          %dma_start3A_209 = arith.constant 0 : i32
          %dma_start3A_210 = arith.constant 0 : i32
          %dma_start3A_211 = tpu.memref_slice %arg6[%dma_start3A_209, %dma_start3A_210] : memref<10000x128xf32, #tpu.memory_space<vmem_shared>> -> memref<10000x128xf32, #tpu.memory_space<vmem_shared>>
          tpu.enqueue_indirect_dma source(%arg11 : memref<80x128xf32, #tpu.memory_space<vmem>>) target(%dma_start3A_211 : memref<10000x128xf32, #tpu.memory_space<vmem_shared>>) offsets(%arg10 : memref<80xi32, #tpu.memory_space<vmem>>) semaphore(%run_scoped3A : memref<!tpu.dma_semaphore, #tpu.memory_space<semaphore_mem>>) {add = true}
          %dma_wait3A_212 = arith.constant 0 : i32
          %dma_wait3A_213 = arith.constant 0 : i32
          %dma_wait3A_214 = tpu.memref_slice %arg6[%dma_wait3A_212, %dma_wait3A_213] : memref<10000x128xf32, #tpu.memory_space<vmem_shared>> -> memref<10000x128xf32, #tpu.memory_space<vmem_shared>>
          tpu.wait_indirect_dma semaphore(%run_scoped3A : memref<!tpu.dma_semaphore, #tpu.memory_space<semaphore_mem>>) src(%arg11 : memref<80x128xf32, #tpu.memory_space<vmem>>) dst(%dma_wait3A_214 : memref<10000x128xf32, #tpu.memory_space<vmem_shared>>)
          tpu.yield
        }) : () -> ()
        %scan3A_208 = arith.constant 0 : i32
        scf.yield %scan3A_208 : i32
      }
      %scan3A_140 = arith.constant 25 : i32
      %scan3A_141 = arith.constant 0 : i32
      scf.yield %scan3A_141 : i32
    }
    %scan3A_69 = arith.constant 5 : i32
    %barrier3A_70 = arith.constant 0 : index
    tpu.barrier barrier_id(%barrier3A_70)
    %add3A_71 = arith.constant 0 : i32
    %add3A_72 = arith.addi %arg1, %add3A_71 : i32
    %lt3A_73 = arith.constant 125 : i32
    %lt3A_74 = arith.cmpi slt, %add3A_72, %lt3A_73 : i32
    %convert_element_type3A_75 = arith.extui %lt3A_74 : i1 to i32
    %cond3A_76 = arith.constant 0 : i32
    %cond3A_77 = arith.cmpi ne, %convert_element_type3A_75, %cond3A_76 : i32
    scf.if %cond3A_77 {
      %mul3A_127 = arith.constant 80 : i32
      %mul3A_128 = arith.muli %add3A_72, %mul3A_127 : i32
      "tpu.region"() ({
        %run_scoped3A = tpu.sem_alloc : memref<!tpu.dma_semaphore, #tpu.memory_space<semaphore_mem>>
        %dma_start3A = arith.constant 0 : i32
        %dma_start3A_131 = tpu.memref_slice %arg6[%mul3A_128, %dma_start3A] : memref<10000x128xf32, #tpu.memory_space<vmem_shared>> -> memref<80x128xf32, #tpu.memory_space<vmem_shared>>
        %dma_start3A_132 = arith.constant 0 : i32
        %dma_start3A_133 = tpu.memref_slice %arg6[%mul3A_128, %dma_start3A_132] : memref<10000x128xf32, #tpu.memory_space<vmem_shared>> -> memref<80x128xf32, #tpu.memory_space<vmem_shared>>
        tpu.enqueue_dma source(%dma_start3A_133 : memref<80x128xf32, #tpu.memory_space<vmem_shared>>) target(%arg12 : memref<80x128xf32, #tpu.memory_space<vmem>>) target_semaphore(%run_scoped3A : memref<!tpu.dma_semaphore, #tpu.memory_space<semaphore_mem>>)
        %dma_wait3A = arith.constant 0 : i32
        %dma_wait3A_134 = tpu.memref_slice %arg6[%mul3A_128, %dma_wait3A] : memref<10000x128xf32, #tpu.memory_space<vmem_shared>> -> memref<80x128xf32, #tpu.memory_space<vmem_shared>>
        %dma_wait3A_135 = arith.constant 0 : i32
        %dma_wait3A_136 = tpu.memref_slice %arg6[%mul3A_128, %dma_wait3A_135] : memref<10000x128xf32, #tpu.memory_space<vmem_shared>> -> memref<80x128xf32, #tpu.memory_space<vmem_shared>>
        tpu.wait_dma2 semaphore(%run_scoped3A : memref<!tpu.dma_semaphore, #tpu.memory_space<semaphore_mem>>) src(%dma_wait3A_136 : memref<80x128xf32, #tpu.memory_space<vmem_shared>>) dst(%arg12 : memref<80x128xf32, #tpu.memory_space<vmem>>)
        tpu.yield
      }) : () -> ()
      %mul3A_129 = arith.constant 80 : i32
      %mul3A_130 = arith.muli %add3A_72, %mul3A_129 : i32
      "tpu.region"() ({
        %run_scoped3A = tpu.sem_alloc : memref<!tpu.dma_semaphore, #tpu.memory_space<semaphore_mem>>
        %dma_start3A = arith.constant 0 : i32
        %dma_start3A_131 = tpu.memref_slice %arg5[%arg0, %mul3A_130, %dma_start3A] : memref<2x10000x128xf32, #tpu.memory_space<hbm>> -> memref<1x80x128xf32, #tpu.memory_space<hbm>>
        %dma_start3A_132 = tpu.memref_squeeze %dma_start3A_131 : memref<1x80x128xf32, #tpu.memory_space<hbm>> -> memref<80x128xf32, #tpu.memory_space<hbm>>
        %dma_start3A_133 = arith.constant 0 : i32
        %dma_start3A_134 = tpu.memref_slice %arg5[%arg0, %mul3A_130, %dma_start3A_133] : memref<2x10000x128xf32, #tpu.memory_space<hbm>> -> memref<1x80x128xf32, #tpu.memory_space<hbm>>
        %dma_start3A_135 = tpu.memref_squeeze %dma_start3A_134 : memref<1x80x128xf32, #tpu.memory_space<hbm>> -> memref<80x128xf32, #tpu.memory_space<hbm>>
        tpu.enqueue_dma source(%arg12 : memref<80x128xf32, #tpu.memory_space<vmem>>) target(%dma_start3A_135 : memref<80x128xf32, #tpu.memory_space<hbm>>) target_semaphore(%run_scoped3A : memref<!tpu.dma_semaphore, #tpu.memory_space<semaphore_mem>>)
        %dma_wait3A = arith.constant 0 : i32
        %dma_wait3A_136 = tpu.memref_slice %arg5[%arg0, %mul3A_130, %dma_wait3A] : memref<2x10000x128xf32, #tpu.memory_space<hbm>> -> memref<1x80x128xf32, #tpu.memory_space<hbm>>
        %dma_wait3A_137 = tpu.memref_squeeze %dma_wait3A_136 : memref<1x80x128xf32, #tpu.memory_space<hbm>> -> memref<80x128xf32, #tpu.memory_space<hbm>>
        %dma_wait3A_138 = arith.constant 0 : i32
        %dma_wait3A_139 = tpu.memref_slice %arg5[%arg0, %mul3A_130, %dma_wait3A_138] : memref<2x10000x128xf32, #tpu.memory_space<hbm>> -> memref<1x80x128xf32, #tpu.memory_space<hbm>>
        %dma_wait3A_140 = tpu.memref_squeeze %dma_wait3A_139 : memref<1x80x128xf32, #tpu.memory_space<hbm>> -> memref<80x128xf32, #tpu.memory_space<hbm>>
        tpu.wait_dma2 semaphore(%run_scoped3A : memref<!tpu.dma_semaphore, #tpu.memory_space<semaphore_mem>>) src(%arg12 : memref<80x128xf32, #tpu.memory_space<vmem>>) dst(%dma_wait3A_140 : memref<80x128xf32, #tpu.memory_space<hbm>>)
        tpu.yield
      }) : () -> ()
    } else {
    }
    %add3A_78 = arith.constant 16 : i32
    %add3A_79 = arith.addi %arg1, %add3A_78 : i32
    %lt3A_80 = arith.constant 125 : i32
    %lt3A_81 = arith.cmpi slt, %add3A_79, %lt3A_80 : i32
    %convert_element_type3A_82 = arith.extui %lt3A_81 : i1 to i32
    %cond3A_83 = arith.constant 0 : i32
    %cond3A_84 = arith.cmpi ne, %convert_element_type3A_82, %cond3A_83 : i32
    scf.if %cond3A_84 {
      %mul3A_127 = arith.constant 80 : i32
      %mul3A_128 = arith.muli %add3A_79, %mul3A_127 : i32
      "tpu.region"() ({
        %run_scoped3A = tpu.sem_alloc : memref<!tpu.dma_semaphore, #tpu.memory_space<semaphore_mem>>
        %dma_start3A = arith.constant 0 : i32
        %dma_start3A_131 = tpu.memref_slice %arg6[%mul3A_128, %dma_start3A] : memref<10000x128xf32, #tpu.memory_space<vmem_shared>> -> memref<80x128xf32, #tpu.memory_space<vmem_shared>>
        %dma_start3A_132 = arith.constant 0 : i32
        %dma_start3A_133 = tpu.memref_slice %arg6[%mul3A_128, %dma_start3A_132] : memref<10000x128xf32, #tpu.memory_space<vmem_shared>> -> memref<80x128xf32, #tpu.memory_space<vmem_shared>>
        tpu.enqueue_dma source(%dma_start3A_133 : memref<80x128xf32, #tpu.memory_space<vmem_shared>>) target(%arg12 : memref<80x128xf32, #tpu.memory_space<vmem>>) target_semaphore(%run_scoped3A : memref<!tpu.dma_semaphore, #tpu.memory_space<semaphore_mem>>)
        %dma_wait3A = arith.constant 0 : i32
        %dma_wait3A_134 = tpu.memref_slice %arg6[%mul3A_128, %dma_wait3A] : memref<10000x128xf32, #tpu.memory_space<vmem_shared>> -> memref<80x128xf32, #tpu.memory_space<vmem_shared>>
        %dma_wait3A_135 = arith.constant 0 : i32
        %dma_wait3A_136 = tpu.memref_slice %arg6[%mul3A_128, %dma_wait3A_135] : memref<10000x128xf32, #tpu.memory_space<vmem_shared>> -> memref<80x128xf32, #tpu.memory_space<vmem_shared>>
        tpu.wait_dma2 semaphore(%run_scoped3A : memref<!tpu.dma_semaphore, #tpu.memory_space<semaphore_mem>>) src(%dma_wait3A_136 : memref<80x128xf32, #tpu.memory_space<vmem_shared>>) dst(%arg12 : memref<80x128xf32, #tpu.memory_space<vmem>>)
        tpu.yield
      }) : () -> ()
      %mul3A_129 = arith.constant 80 : i32
      %mul3A_130 = arith.muli %add3A_79, %mul3A_129 : i32
      "tpu.region"() ({
        %run_scoped3A = tpu.sem_alloc : memref<!tpu.dma_semaphore, #tpu.memory_space<semaphore_mem>>
        %dma_start3A = arith.constant 0 : i32
        %dma_start3A_131 = tpu.memref_slice %arg5[%arg0, %mul3A_130, %dma_start3A] : memref<2x10000x128xf32, #tpu.memory_space<hbm>> -> memref<1x80x128xf32, #tpu.memory_space<hbm>>
        %dma_start3A_132 = tpu.memref_squeeze %dma_start3A_131 : memref<1x80x128xf32, #tpu.memory_space<hbm>> -> memref<80x128xf32, #tpu.memory_space<hbm>>
        %dma_start3A_133 = arith.constant 0 : i32
        %dma_start3A_134 = tpu.memref_slice %arg5[%arg0, %mul3A_130, %dma_start3A_133] : memref<2x10000x128xf32, #tpu.memory_space<hbm>> -> memref<1x80x128xf32, #tpu.memory_space<hbm>>
        %dma_start3A_135 = tpu.memref_squeeze %dma_start3A_134 : memref<1x80x128xf32, #tpu.memory_space<hbm>> -> memref<80x128xf32, #tpu.memory_space<hbm>>
        tpu.enqueue_dma source(%arg12 : memref<80x128xf32, #tpu.memory_space<vmem>>) target(%dma_start3A_135 : memref<80x128xf32, #tpu.memory_space<hbm>>) target_semaphore(%run_scoped3A : memref<!tpu.dma_semaphore, #tpu.memory_space<semaphore_mem>>)
        %dma_wait3A = arith.constant 0 : i32
        %dma_wait3A_136 = tpu.memref_slice %arg5[%arg0, %mul3A_130, %dma_wait3A] : memref<2x10000x128xf32, #tpu.memory_space<hbm>> -> memref<1x80x128xf32, #tpu.memory_space<hbm>>
        %dma_wait3A_137 = tpu.memref_squeeze %dma_wait3A_136 : memref<1x80x128xf32, #tpu.memory_space<hbm>> -> memref<80x128xf32, #tpu.memory_space<hbm>>
        %dma_wait3A_138 = arith.constant 0 : i32
        %dma_wait3A_139 = tpu.memref_slice %arg5[%arg0, %mul3A_130, %dma_wait3A_138] : memref<2x10000x128xf32, #tpu.memory_space<hbm>> -> memref<1x80x128xf32, #tpu.memory_space<hbm>>
        %dma_wait3A_140 = tpu.memref_squeeze %dma_wait3A_139 : memref<1x80x128xf32, #tpu.memory_space<hbm>> -> memref<80x128xf32, #tpu.memory_space<hbm>>
        tpu.wait_dma2 semaphore(%run_scoped3A : memref<!tpu.dma_semaphore, #tpu.memory_space<semaphore_mem>>) src(%arg12 : memref<80x128xf32, #tpu.memory_space<vmem>>) dst(%dma_wait3A_140 : memref<80x128xf32, #tpu.memory_space<hbm>>)
        tpu.yield
      }) : () -> ()
    } else {
    }
    %add3A_85 = arith.constant 32 : i32
    %add3A_86 = arith.addi %arg1, %add3A_85 : i32
    %lt3A_87 = arith.constant 125 : i32
    %lt3A_88 = arith.cmpi slt, %add3A_86, %lt3A_87 : i32
    %convert_element_type3A_89 = arith.extui %lt3A_88 : i1 to i32
    %cond3A_90 = arith.constant 0 : i32
    %cond3A_91 = arith.cmpi ne, %convert_element_type3A_89, %cond3A_90 : i32
    scf.if %cond3A_91 {
      %mul3A_127 = arith.constant 80 : i32
      %mul3A_128 = arith.muli %add3A_86, %mul3A_127 : i32
      "tpu.region"() ({
        %run_scoped3A = tpu.sem_alloc : memref<!tpu.dma_semaphore, #tpu.memory_space<semaphore_mem>>
        %dma_start3A = arith.constant 0 : i32
        %dma_start3A_131 = tpu.memref_slice %arg6[%mul3A_128, %dma_start3A] : memref<10000x128xf32, #tpu.memory_space<vmem_shared>> -> memref<80x128xf32, #tpu.memory_space<vmem_shared>>
        %dma_start3A_132 = arith.constant 0 : i32
        %dma_start3A_133 = tpu.memref_slice %arg6[%mul3A_128, %dma_start3A_132] : memref<10000x128xf32, #tpu.memory_space<vmem_shared>> -> memref<80x128xf32, #tpu.memory_space<vmem_shared>>
        tpu.enqueue_dma source(%dma_start3A_133 : memref<80x128xf32, #tpu.memory_space<vmem_shared>>) target(%arg12 : memref<80x128xf32, #tpu.memory_space<vmem>>) target_semaphore(%run_scoped3A : memref<!tpu.dma_semaphore, #tpu.memory_space<semaphore_mem>>)
        %dma_wait3A = arith.constant 0 : i32
        %dma_wait3A_134 = tpu.memref_slice %arg6[%mul3A_128, %dma_wait3A] : memref<10000x128xf32, #tpu.memory_space<vmem_shared>> -> memref<80x128xf32, #tpu.memory_space<vmem_shared>>
        %dma_wait3A_135 = arith.constant 0 : i32
        %dma_wait3A_136 = tpu.memref_slice %arg6[%mul3A_128, %dma_wait3A_135] : memref<10000x128xf32, #tpu.memory_space<vmem_shared>> -> memref<80x128xf32, #tpu.memory_space<vmem_shared>>
        tpu.wait_dma2 semaphore(%run_scoped3A : memref<!tpu.dma_semaphore, #tpu.memory_space<semaphore_mem>>) src(%dma_wait3A_136 : memref<80x128xf32, #tpu.memory_space<vmem_shared>>) dst(%arg12 : memref<80x128xf32, #tpu.memory_space<vmem>>)
        tpu.yield
      }) : () -> ()
      %mul3A_129 = arith.constant 80 : i32
      %mul3A_130 = arith.muli %add3A_86, %mul3A_129 : i32
      "tpu.region"() ({
        %run_scoped3A = tpu.sem_alloc : memref<!tpu.dma_semaphore, #tpu.memory_space<semaphore_mem>>
        %dma_start3A = arith.constant 0 : i32
        %dma_start3A_131 = tpu.memref_slice %arg5[%arg0, %mul3A_130, %dma_start3A] : memref<2x10000x128xf32, #tpu.memory_space<hbm>> -> memref<1x80x128xf32, #tpu.memory_space<hbm>>
        %dma_start3A_132 = tpu.memref_squeeze %dma_start3A_131 : memref<1x80x128xf32, #tpu.memory_space<hbm>> -> memref<80x128xf32, #tpu.memory_space<hbm>>
        %dma_start3A_133 = arith.constant 0 : i32
        %dma_start3A_134 = tpu.memref_slice %arg5[%arg0, %mul3A_130, %dma_start3A_133] : memref<2x10000x128xf32, #tpu.memory_space<hbm>> -> memref<1x80x128xf32, #tpu.memory_space<hbm>>
        %dma_start3A_135 = tpu.memref_squeeze %dma_start3A_134 : memref<1x80x128xf32, #tpu.memory_space<hbm>> -> memref<80x128xf32, #tpu.memory_space<hbm>>
        tpu.enqueue_dma source(%arg12 : memref<80x128xf32, #tpu.memory_space<vmem>>) target(%dma_start3A_135 : memref<80x128xf32, #tpu.memory_space<hbm>>) target_semaphore(%run_scoped3A : memref<!tpu.dma_semaphore, #tpu.memory_space<semaphore_mem>>)
        %dma_wait3A = arith.constant 0 : i32
        %dma_wait3A_136 = tpu.memref_slice %arg5[%arg0, %mul3A_130, %dma_wait3A] : memref<2x10000x128xf32, #tpu.memory_space<hbm>> -> memref<1x80x128xf32, #tpu.memory_space<hbm>>
        %dma_wait3A_137 = tpu.memref_squeeze %dma_wait3A_136 : memref<1x80x128xf32, #tpu.memory_space<hbm>> -> memref<80x128xf32, #tpu.memory_space<hbm>>
        %dma_wait3A_138 = arith.constant 0 : i32
        %dma_wait3A_139 = tpu.memref_slice %arg5[%arg0, %mul3A_130, %dma_wait3A_138] : memref<2x10000x128xf32, #tpu.memory_space<hbm>> -> memref<1x80x128xf32, #tpu.memory_space<hbm>>
        %dma_wait3A_140 = tpu.memref_squeeze %dma_wait3A_139 : memref<1x80x128xf32, #tpu.memory_space<hbm>> -> memref<80x128xf32, #tpu.memory_space<hbm>>
        tpu.wait_dma2 semaphore(%run_scoped3A : memref<!tpu.dma_semaphore, #tpu.memory_space<semaphore_mem>>) src(%arg12 : memref<80x128xf32, #tpu.memory_space<vmem>>) dst(%dma_wait3A_140 : memref<80x128xf32, #tpu.memory_space<hbm>>)
        tpu.yield
      }) : () -> ()
    } else {
    }
    %add3A_92 = arith.constant 48 : i32
    %add3A_93 = arith.addi %arg1, %add3A_92 : i32
    %lt3A_94 = arith.constant 125 : i32
    %lt3A_95 = arith.cmpi slt, %add3A_93, %lt3A_94 : i32
    %convert_element_type3A_96 = arith.extui %lt3A_95 : i1 to i32
    %cond3A_97 = arith.constant 0 : i32
    %cond3A_98 = arith.cmpi ne, %convert_element_type3A_96, %cond3A_97 : i32
    scf.if %cond3A_98 {
      %mul3A_127 = arith.constant 80 : i32
      %mul3A_128 = arith.muli %add3A_93, %mul3A_127 : i32
      "tpu.region"() ({
        %run_scoped3A = tpu.sem_alloc : memref<!tpu.dma_semaphore, #tpu.memory_space<semaphore_mem>>
        %dma_start3A = arith.constant 0 : i32
        %dma_start3A_131 = tpu.memref_slice %arg6[%mul3A_128, %dma_start3A] : memref<10000x128xf32, #tpu.memory_space<vmem_shared>> -> memref<80x128xf32, #tpu.memory_space<vmem_shared>>
        %dma_start3A_132 = arith.constant 0 : i32
        %dma_start3A_133 = tpu.memref_slice %arg6[%mul3A_128, %dma_start3A_132] : memref<10000x128xf32, #tpu.memory_space<vmem_shared>> -> memref<80x128xf32, #tpu.memory_space<vmem_shared>>
        tpu.enqueue_dma source(%dma_start3A_133 : memref<80x128xf32, #tpu.memory_space<vmem_shared>>) target(%arg12 : memref<80x128xf32, #tpu.memory_space<vmem>>) target_semaphore(%run_scoped3A : memref<!tpu.dma_semaphore, #tpu.memory_space<semaphore_mem>>)
        %dma_wait3A = arith.constant 0 : i32
        %dma_wait3A_134 = tpu.memref_slice %arg6[%mul3A_128, %dma_wait3A] : memref<10000x128xf32, #tpu.memory_space<vmem_shared>> -> memref<80x128xf32, #tpu.memory_space<vmem_shared>>
        %dma_wait3A_135 = arith.constant 0 : i32
        %dma_wait3A_136 = tpu.memref_slice %arg6[%mul3A_128, %dma_wait3A_135] : memref<10000x128xf32, #tpu.memory_space<vmem_shared>> -> memref<80x128xf32, #tpu.memory_space<vmem_shared>>
        tpu.wait_dma2 semaphore(%run_scoped3A : memref<!tpu.dma_semaphore, #tpu.memory_space<semaphore_mem>>) src(%dma_wait3A_136 : memref<80x128xf32, #tpu.memory_space<vmem_shared>>) dst(%arg12 : memref<80x128xf32, #tpu.memory_space<vmem>>)
        tpu.yield
      }) : () -> ()
      %mul3A_129 = arith.constant 80 : i32
      %mul3A_130 = arith.muli %add3A_93, %mul3A_129 : i32
      "tpu.region"() ({
        %run_scoped3A = tpu.sem_alloc : memref<!tpu.dma_semaphore, #tpu.memory_space<semaphore_mem>>
        %dma_start3A = arith.constant 0 : i32
        %dma_start3A_131 = tpu.memref_slice %arg5[%arg0, %mul3A_130, %dma_start3A] : memref<2x10000x128xf32, #tpu.memory_space<hbm>> -> memref<1x80x128xf32, #tpu.memory_space<hbm>>
        %dma_start3A_132 = tpu.memref_squeeze %dma_start3A_131 : memref<1x80x128xf32, #tpu.memory_space<hbm>> -> memref<80x128xf32, #tpu.memory_space<hbm>>
        %dma_start3A_133 = arith.constant 0 : i32
        %dma_start3A_134 = tpu.memref_slice %arg5[%arg0, %mul3A_130, %dma_start3A_133] : memref<2x10000x128xf32, #tpu.memory_space<hbm>> -> memref<1x80x128xf32, #tpu.memory_space<hbm>>
        %dma_start3A_135 = tpu.memref_squeeze %dma_start3A_134 : memref<1x80x128xf32, #tpu.memory_space<hbm>> -> memref<80x128xf32, #tpu.memory_space<hbm>>
        tpu.enqueue_dma source(%arg12 : memref<80x128xf32, #tpu.memory_space<vmem>>) target(%dma_start3A_135 : memref<80x128xf32, #tpu.memory_space<hbm>>) target_semaphore(%run_scoped3A : memref<!tpu.dma_semaphore, #tpu.memory_space<semaphore_mem>>)
        %dma_wait3A = arith.constant 0 : i32
        %dma_wait3A_136 = tpu.memref_slice %arg5[%arg0, %mul3A_130, %dma_wait3A] : memref<2x10000x128xf32, #tpu.memory_space<hbm>> -> memref<1x80x128xf32, #tpu.memory_space<hbm>>
        %dma_wait3A_137 = tpu.memref_squeeze %dma_wait3A_136 : memref<1x80x128xf32, #tpu.memory_space<hbm>> -> memref<80x128xf32, #tpu.memory_space<hbm>>
        %dma_wait3A_138 = arith.constant 0 : i32
        %dma_wait3A_139 = tpu.memref_slice %arg5[%arg0, %mul3A_130, %dma_wait3A_138] : memref<2x10000x128xf32, #tpu.memory_space<hbm>> -> memref<1x80x128xf32, #tpu.memory_space<hbm>>
        %dma_wait3A_140 = tpu.memref_squeeze %dma_wait3A_139 : memref<1x80x128xf32, #tpu.memory_space<hbm>> -> memref<80x128xf32, #tpu.memory_space<hbm>>
        tpu.wait_dma2 semaphore(%run_scoped3A : memref<!tpu.dma_semaphore, #tpu.memory_space<semaphore_mem>>) src(%arg12 : memref<80x128xf32, #tpu.memory_space<vmem>>) dst(%dma_wait3A_140 : memref<80x128xf32, #tpu.memory_space<hbm>>)
        tpu.yield
      }) : () -> ()
    } else {
    }
    %add3A_99 = arith.constant 64 : i32
    %add3A_100 = arith.addi %arg1, %add3A_99 : i32
    %lt3A_101 = arith.constant 125 : i32
    %lt3A_102 = arith.cmpi slt, %add3A_100, %lt3A_101 : i32
    %convert_element_type3A_103 = arith.extui %lt3A_102 : i1 to i32
    %cond3A_104 = arith.constant 0 : i32
    %cond3A_105 = arith.cmpi ne, %convert_element_type3A_103, %cond3A_104 : i32
    scf.if %cond3A_105 {
      %mul3A_127 = arith.constant 80 : i32
      %mul3A_128 = arith.muli %add3A_100, %mul3A_127 : i32
      "tpu.region"() ({
        %run_scoped3A = tpu.sem_alloc : memref<!tpu.dma_semaphore, #tpu.memory_space<semaphore_mem>>
        %dma_start3A = arith.constant 0 : i32
        %dma_start3A_131 = tpu.memref_slice %arg6[%mul3A_128, %dma_start3A] : memref<10000x128xf32, #tpu.memory_space<vmem_shared>> -> memref<80x128xf32, #tpu.memory_space<vmem_shared>>
        %dma_start3A_132 = arith.constant 0 : i32
        %dma_start3A_133 = tpu.memref_slice %arg6[%mul3A_128, %dma_start3A_132] : memref<10000x128xf32, #tpu.memory_space<vmem_shared>> -> memref<80x128xf32, #tpu.memory_space<vmem_shared>>
        tpu.enqueue_dma source(%dma_start3A_133 : memref<80x128xf32, #tpu.memory_space<vmem_shared>>) target(%arg12 : memref<80x128xf32, #tpu.memory_space<vmem>>) target_semaphore(%run_scoped3A : memref<!tpu.dma_semaphore, #tpu.memory_space<semaphore_mem>>)
        %dma_wait3A = arith.constant 0 : i32
        %dma_wait3A_134 = tpu.memref_slice %arg6[%mul3A_128, %dma_wait3A] : memref<10000x128xf32, #tpu.memory_space<vmem_shared>> -> memref<80x128xf32, #tpu.memory_space<vmem_shared>>
        %dma_wait3A_135 = arith.constant 0 : i32
        %dma_wait3A_136 = tpu.memref_slice %arg6[%mul3A_128, %dma_wait3A_135] : memref<10000x128xf32, #tpu.memory_space<vmem_shared>> -> memref<80x128xf32, #tpu.memory_space<vmem_shared>>
        tpu.wait_dma2 semaphore(%run_scoped3A : memref<!tpu.dma_semaphore, #tpu.memory_space<semaphore_mem>>) src(%dma_wait3A_136 : memref<80x128xf32, #tpu.memory_space<vmem_shared>>) dst(%arg12 : memref<80x128xf32, #tpu.memory_space<vmem>>)
        tpu.yield
      }) : () -> ()
      %mul3A_129 = arith.constant 80 : i32
      %mul3A_130 = arith.muli %add3A_100, %mul3A_129 : i32
      "tpu.region"() ({
        %run_scoped3A = tpu.sem_alloc : memref<!tpu.dma_semaphore, #tpu.memory_space<semaphore_mem>>
        %dma_start3A = arith.constant 0 : i32
        %dma_start3A_131 = tpu.memref_slice %arg5[%arg0, %mul3A_130, %dma_start3A] : memref<2x10000x128xf32, #tpu.memory_space<hbm>> -> memref<1x80x128xf32, #tpu.memory_space<hbm>>
        %dma_start3A_132 = tpu.memref_squeeze %dma_start3A_131 : memref<1x80x128xf32, #tpu.memory_space<hbm>> -> memref<80x128xf32, #tpu.memory_space<hbm>>
        %dma_start3A_133 = arith.constant 0 : i32
        %dma_start3A_134 = tpu.memref_slice %arg5[%arg0, %mul3A_130, %dma_start3A_133] : memref<2x10000x128xf32, #tpu.memory_space<hbm>> -> memref<1x80x128xf32, #tpu.memory_space<hbm>>
        %dma_start3A_135 = tpu.memref_squeeze %dma_start3A_134 : memref<1x80x128xf32, #tpu.memory_space<hbm>> -> memref<80x128xf32, #tpu.memory_space<hbm>>
        tpu.enqueue_dma source(%arg12 : memref<80x128xf32, #tpu.memory_space<vmem>>) target(%dma_start3A_135 : memref<80x128xf32, #tpu.memory_space<hbm>>) target_semaphore(%run_scoped3A : memref<!tpu.dma_semaphore, #tpu.memory_space<semaphore_mem>>)
        %dma_wait3A = arith.constant 0 : i32
        %dma_wait3A_136 = tpu.memref_slice %arg5[%arg0, %mul3A_130, %dma_wait3A] : memref<2x10000x128xf32, #tpu.memory_space<hbm>> -> memref<1x80x128xf32, #tpu.memory_space<hbm>>
        %dma_wait3A_137 = tpu.memref_squeeze %dma_wait3A_136 : memref<1x80x128xf32, #tpu.memory_space<hbm>> -> memref<80x128xf32, #tpu.memory_space<hbm>>
        %dma_wait3A_138 = arith.constant 0 : i32
        %dma_wait3A_139 = tpu.memref_slice %arg5[%arg0, %mul3A_130, %dma_wait3A_138] : memref<2x10000x128xf32, #tpu.memory_space<hbm>> -> memref<1x80x128xf32, #tpu.memory_space<hbm>>
        %dma_wait3A_140 = tpu.memref_squeeze %dma_wait3A_139 : memref<1x80x128xf32, #tpu.memory_space<hbm>> -> memref<80x128xf32, #tpu.memory_space<hbm>>
        tpu.wait_dma2 semaphore(%run_scoped3A : memref<!tpu.dma_semaphore, #tpu.memory_space<semaphore_mem>>) src(%arg12 : memref<80x128xf32, #tpu.memory_space<vmem>>) dst(%dma_wait3A_140 : memref<80x128xf32, #tpu.memory_space<hbm>>)
        tpu.yield
      }) : () -> ()
    } else {
    }
    %add3A_106 = arith.constant 80 : i32
    %add3A_107 = arith.addi %arg1, %add3A_106 : i32
    %lt3A_108 = arith.constant 125 : i32
    %lt3A_109 = arith.cmpi slt, %add3A_107, %lt3A_108 : i32
    %convert_element_type3A_110 = arith.extui %lt3A_109 : i1 to i32
    %cond3A_111 = arith.constant 0 : i32
    %cond3A_112 = arith.cmpi ne, %convert_element_type3A_110, %cond3A_111 : i32
    scf.if %cond3A_112 {
      %mul3A_127 = arith.constant 80 : i32
      %mul3A_128 = arith.muli %add3A_107, %mul3A_127 : i32
      "tpu.region"() ({
        %run_scoped3A = tpu.sem_alloc : memref<!tpu.dma_semaphore, #tpu.memory_space<semaphore_mem>>
        %dma_start3A = arith.constant 0 : i32
        %dma_start3A_131 = tpu.memref_slice %arg6[%mul3A_128, %dma_start3A] : memref<10000x128xf32, #tpu.memory_space<vmem_shared>> -> memref<80x128xf32, #tpu.memory_space<vmem_shared>>
        %dma_start3A_132 = arith.constant 0 : i32
        %dma_start3A_133 = tpu.memref_slice %arg6[%mul3A_128, %dma_start3A_132] : memref<10000x128xf32, #tpu.memory_space<vmem_shared>> -> memref<80x128xf32, #tpu.memory_space<vmem_shared>>
        tpu.enqueue_dma source(%dma_start3A_133 : memref<80x128xf32, #tpu.memory_space<vmem_shared>>) target(%arg12 : memref<80x128xf32, #tpu.memory_space<vmem>>) target_semaphore(%run_scoped3A : memref<!tpu.dma_semaphore, #tpu.memory_space<semaphore_mem>>)
        %dma_wait3A = arith.constant 0 : i32
        %dma_wait3A_134 = tpu.memref_slice %arg6[%mul3A_128, %dma_wait3A] : memref<10000x128xf32, #tpu.memory_space<vmem_shared>> -> memref<80x128xf32, #tpu.memory_space<vmem_shared>>
        %dma_wait3A_135 = arith.constant 0 : i32
        %dma_wait3A_136 = tpu.memref_slice %arg6[%mul3A_128, %dma_wait3A_135] : memref<10000x128xf32, #tpu.memory_space<vmem_shared>> -> memref<80x128xf32, #tpu.memory_space<vmem_shared>>
        tpu.wait_dma2 semaphore(%run_scoped3A : memref<!tpu.dma_semaphore, #tpu.memory_space<semaphore_mem>>) src(%dma_wait3A_136 : memref<80x128xf32, #tpu.memory_space<vmem_shared>>) dst(%arg12 : memref<80x128xf32, #tpu.memory_space<vmem>>)
        tpu.yield
      }) : () -> ()
      %mul3A_129 = arith.constant 80 : i32
      %mul3A_130 = arith.muli %add3A_107, %mul3A_129 : i32
      "tpu.region"() ({
        %run_scoped3A = tpu.sem_alloc : memref<!tpu.dma_semaphore, #tpu.memory_space<semaphore_mem>>
        %dma_start3A = arith.constant 0 : i32
        %dma_start3A_131 = tpu.memref_slice %arg5[%arg0, %mul3A_130, %dma_start3A] : memref<2x10000x128xf32, #tpu.memory_space<hbm>> -> memref<1x80x128xf32, #tpu.memory_space<hbm>>
        %dma_start3A_132 = tpu.memref_squeeze %dma_start3A_131 : memref<1x80x128xf32, #tpu.memory_space<hbm>> -> memref<80x128xf32, #tpu.memory_space<hbm>>
        %dma_start3A_133 = arith.constant 0 : i32
        %dma_start3A_134 = tpu.memref_slice %arg5[%arg0, %mul3A_130, %dma_start3A_133] : memref<2x10000x128xf32, #tpu.memory_space<hbm>> -> memref<1x80x128xf32, #tpu.memory_space<hbm>>
        %dma_start3A_135 = tpu.memref_squeeze %dma_start3A_134 : memref<1x80x128xf32, #tpu.memory_space<hbm>> -> memref<80x128xf32, #tpu.memory_space<hbm>>
        tpu.enqueue_dma source(%arg12 : memref<80x128xf32, #tpu.memory_space<vmem>>) target(%dma_start3A_135 : memref<80x128xf32, #tpu.memory_space<hbm>>) target_semaphore(%run_scoped3A : memref<!tpu.dma_semaphore, #tpu.memory_space<semaphore_mem>>)
        %dma_wait3A = arith.constant 0 : i32
        %dma_wait3A_136 = tpu.memref_slice %arg5[%arg0, %mul3A_130, %dma_wait3A] : memref<2x10000x128xf32, #tpu.memory_space<hbm>> -> memref<1x80x128xf32, #tpu.memory_space<hbm>>
        %dma_wait3A_137 = tpu.memref_squeeze %dma_wait3A_136 : memref<1x80x128xf32, #tpu.memory_space<hbm>> -> memref<80x128xf32, #tpu.memory_space<hbm>>
        %dma_wait3A_138 = arith.constant 0 : i32
        %dma_wait3A_139 = tpu.memref_slice %arg5[%arg0, %mul3A_130, %dma_wait3A_138] : memref<2x10000x128xf32, #tpu.memory_space<hbm>> -> memref<1x80x128xf32, #tpu.memory_space<hbm>>
        %dma_wait3A_140 = tpu.memref_squeeze %dma_wait3A_139 : memref<1x80x128xf32, #tpu.memory_space<hbm>> -> memref<80x128xf32, #tpu.memory_space<hbm>>
        tpu.wait_dma2 semaphore(%run_scoped3A : memref<!tpu.dma_semaphore, #tpu.memory_space<semaphore_mem>>) src(%arg12 : memref<80x128xf32, #tpu.memory_space<vmem>>) dst(%dma_wait3A_140 : memref<80x128xf32, #tpu.memory_space<hbm>>)
        tpu.yield
      }) : () -> ()
    } else {
    }
    %add3A_113 = arith.constant 96 : i32
    %add3A_114 = arith.addi %arg1, %add3A_113 : i32
    %lt3A_115 = arith.constant 125 : i32
    %lt3A_116 = arith.cmpi slt, %add3A_114, %lt3A_115 : i32
    %convert_element_type3A_117 = arith.extui %lt3A_116 : i1 to i32
    %cond3A_118 = arith.constant 0 : i32
    %cond3A_119 = arith.cmpi ne, %convert_element_type3A_117, %cond3A_118 : i32
    scf.if %cond3A_119 {
      %mul3A_127 = arith.constant 80 : i32
      %mul3A_128 = arith.muli %add3A_114, %mul3A_127 : i32
      "tpu.region"() ({
        %run_scoped3A = tpu.sem_alloc : memref<!tpu.dma_semaphore, #tpu.memory_space<semaphore_mem>>
        %dma_start3A = arith.constant 0 : i32
        %dma_start3A_131 = tpu.memref_slice %arg6[%mul3A_128, %dma_start3A] : memref<10000x128xf32, #tpu.memory_space<vmem_shared>> -> memref<80x128xf32, #tpu.memory_space<vmem_shared>>
        %dma_start3A_132 = arith.constant 0 : i32
        %dma_start3A_133 = tpu.memref_slice %arg6[%mul3A_128, %dma_start3A_132] : memref<10000x128xf32, #tpu.memory_space<vmem_shared>> -> memref<80x128xf32, #tpu.memory_space<vmem_shared>>
        tpu.enqueue_dma source(%dma_start3A_133 : memref<80x128xf32, #tpu.memory_space<vmem_shared>>) target(%arg12 : memref<80x128xf32, #tpu.memory_space<vmem>>) target_semaphore(%run_scoped3A : memref<!tpu.dma_semaphore, #tpu.memory_space<semaphore_mem>>)
        %dma_wait3A = arith.constant 0 : i32
        %dma_wait3A_134 = tpu.memref_slice %arg6[%mul3A_128, %dma_wait3A] : memref<10000x128xf32, #tpu.memory_space<vmem_shared>> -> memref<80x128xf32, #tpu.memory_space<vmem_shared>>
        %dma_wait3A_135 = arith.constant 0 : i32
        %dma_wait3A_136 = tpu.memref_slice %arg6[%mul3A_128, %dma_wait3A_135] : memref<10000x128xf32, #tpu.memory_space<vmem_shared>> -> memref<80x128xf32, #tpu.memory_space<vmem_shared>>
        tpu.wait_dma2 semaphore(%run_scoped3A : memref<!tpu.dma_semaphore, #tpu.memory_space<semaphore_mem>>) src(%dma_wait3A_136 : memref<80x128xf32, #tpu.memory_space<vmem_shared>>) dst(%arg12 : memref<80x128xf32, #tpu.memory_space<vmem>>)
        tpu.yield
      }) : () -> ()
      %mul3A_129 = arith.constant 80 : i32
      %mul3A_130 = arith.muli %add3A_114, %mul3A_129 : i32
      "tpu.region"() ({
        %run_scoped3A = tpu.sem_alloc : memref<!tpu.dma_semaphore, #tpu.memory_space<semaphore_mem>>
        %dma_start3A = arith.constant 0 : i32
        %dma_start3A_131 = tpu.memref_slice %arg5[%arg0, %mul3A_130, %dma_start3A] : memref<2x10000x128xf32, #tpu.memory_space<hbm>> -> memref<1x80x128xf32, #tpu.memory_space<hbm>>
        %dma_start3A_132 = tpu.memref_squeeze %dma_start3A_131 : memref<1x80x128xf32, #tpu.memory_space<hbm>> -> memref<80x128xf32, #tpu.memory_space<hbm>>
        %dma_start3A_133 = arith.constant 0 : i32
        %dma_start3A_134 = tpu.memref_slice %arg5[%arg0, %mul3A_130, %dma_start3A_133] : memref<2x10000x128xf32, #tpu.memory_space<hbm>> -> memref<1x80x128xf32, #tpu.memory_space<hbm>>
        %dma_start3A_135 = tpu.memref_squeeze %dma_start3A_134 : memref<1x80x128xf32, #tpu.memory_space<hbm>> -> memref<80x128xf32, #tpu.memory_space<hbm>>
        tpu.enqueue_dma source(%arg12 : memref<80x128xf32, #tpu.memory_space<vmem>>) target(%dma_start3A_135 : memref<80x128xf32, #tpu.memory_space<hbm>>) target_semaphore(%run_scoped3A : memref<!tpu.dma_semaphore, #tpu.memory_space<semaphore_mem>>)
        %dma_wait3A = arith.constant 0 : i32
        %dma_wait3A_136 = tpu.memref_slice %arg5[%arg0, %mul3A_130, %dma_wait3A] : memref<2x10000x128xf32, #tpu.memory_space<hbm>> -> memref<1x80x128xf32, #tpu.memory_space<hbm>>
        %dma_wait3A_137 = tpu.memref_squeeze %dma_wait3A_136 : memref<1x80x128xf32, #tpu.memory_space<hbm>> -> memref<80x128xf32, #tpu.memory_space<hbm>>
        %dma_wait3A_138 = arith.constant 0 : i32
        %dma_wait3A_139 = tpu.memref_slice %arg5[%arg0, %mul3A_130, %dma_wait3A_138] : memref<2x10000x128xf32, #tpu.memory_space<hbm>> -> memref<1x80x128xf32, #tpu.memory_space<hbm>>
        %dma_wait3A_140 = tpu.memref_squeeze %dma_wait3A_139 : memref<1x80x128xf32, #tpu.memory_space<hbm>> -> memref<80x128xf32, #tpu.memory_space<hbm>>
        tpu.wait_dma2 semaphore(%run_scoped3A : memref<!tpu.dma_semaphore, #tpu.memory_space<semaphore_mem>>) src(%arg12 : memref<80x128xf32, #tpu.memory_space<vmem>>) dst(%dma_wait3A_140 : memref<80x128xf32, #tpu.memory_space<hbm>>)
        tpu.yield
      }) : () -> ()
    } else {
    }
    %add3A_120 = arith.constant 112 : i32
    %add3A_121 = arith.addi %arg1, %add3A_120 : i32
    %lt3A_122 = arith.constant 125 : i32
    %lt3A_123 = arith.cmpi slt, %add3A_121, %lt3A_122 : i32
    %convert_element_type3A_124 = arith.extui %lt3A_123 : i1 to i32
    %cond3A_125 = arith.constant 0 : i32
    %cond3A_126 = arith.cmpi ne, %convert_element_type3A_124, %cond3A_125 : i32
    scf.if %cond3A_126 {
      %mul3A_127 = arith.constant 80 : i32
      %mul3A_128 = arith.muli %add3A_121, %mul3A_127 : i32
      "tpu.region"() ({
        %run_scoped3A = tpu.sem_alloc : memref<!tpu.dma_semaphore, #tpu.memory_space<semaphore_mem>>
        %dma_start3A = arith.constant 0 : i32
        %dma_start3A_131 = tpu.memref_slice %arg6[%mul3A_128, %dma_start3A] : memref<10000x128xf32, #tpu.memory_space<vmem_shared>> -> memref<80x128xf32, #tpu.memory_space<vmem_shared>>
        %dma_start3A_132 = arith.constant 0 : i32
        %dma_start3A_133 = tpu.memref_slice %arg6[%mul3A_128, %dma_start3A_132] : memref<10000x128xf32, #tpu.memory_space<vmem_shared>> -> memref<80x128xf32, #tpu.memory_space<vmem_shared>>
        tpu.enqueue_dma source(%dma_start3A_133 : memref<80x128xf32, #tpu.memory_space<vmem_shared>>) target(%arg12 : memref<80x128xf32, #tpu.memory_space<vmem>>) target_semaphore(%run_scoped3A : memref<!tpu.dma_semaphore, #tpu.memory_space<semaphore_mem>>)
        %dma_wait3A = arith.constant 0 : i32
        %dma_wait3A_134 = tpu.memref_slice %arg6[%mul3A_128, %dma_wait3A] : memref<10000x128xf32, #tpu.memory_space<vmem_shared>> -> memref<80x128xf32, #tpu.memory_space<vmem_shared>>
        %dma_wait3A_135 = arith.constant 0 : i32
        %dma_wait3A_136 = tpu.memref_slice %arg6[%mul3A_128, %dma_wait3A_135] : memref<10000x128xf32, #tpu.memory_space<vmem_shared>> -> memref<80x128xf32, #tpu.memory_space<vmem_shared>>
        tpu.wait_dma2 semaphore(%run_scoped3A : memref<!tpu.dma_semaphore, #tpu.memory_space<semaphore_mem>>) src(%dma_wait3A_136 : memref<80x128xf32, #tpu.memory_space<vmem_shared>>) dst(%arg12 : memref<80x128xf32, #tpu.memory_space<vmem>>)
        tpu.yield
      }) : () -> ()
      %mul3A_129 = arith.constant 80 : i32
      %mul3A_130 = arith.muli %add3A_121, %mul3A_129 : i32
      "tpu.region"() ({
        %run_scoped3A = tpu.sem_alloc : memref<!tpu.dma_semaphore, #tpu.memory_space<semaphore_mem>>
        %dma_start3A = arith.constant 0 : i32
        %dma_start3A_131 = tpu.memref_slice %arg5[%arg0, %mul3A_130, %dma_start3A] : memref<2x10000x128xf32, #tpu.memory_space<hbm>> -> memref<1x80x128xf32, #tpu.memory_space<hbm>>
        %dma_start3A_132 = tpu.memref_squeeze %dma_start3A_131 : memref<1x80x128xf32, #tpu.memory_space<hbm>> -> memref<80x128xf32, #tpu.memory_space<hbm>>
        %dma_start3A_133 = arith.constant 0 : i32
        %dma_start3A_134 = tpu.memref_slice %arg5[%arg0, %mul3A_130, %dma_start3A_133] : memref<2x10000x128xf32, #tpu.memory_space<hbm>> -> memref<1x80x128xf32, #tpu.memory_space<hbm>>
        %dma_start3A_135 = tpu.memref_squeeze %dma_start3A_134 : memref<1x80x128xf32, #tpu.memory_space<hbm>> -> memref<80x128xf32, #tpu.memory_space<hbm>>
        tpu.enqueue_dma source(%arg12 : memref<80x128xf32, #tpu.memory_space<vmem>>) target(%dma_start3A_135 : memref<80x128xf32, #tpu.memory_space<hbm>>) target_semaphore(%run_scoped3A : memref<!tpu.dma_semaphore, #tpu.memory_space<semaphore_mem>>)
        %dma_wait3A = arith.constant 0 : i32
        %dma_wait3A_136 = tpu.memref_slice %arg5[%arg0, %mul3A_130, %dma_wait3A] : memref<2x10000x128xf32, #tpu.memory_space<hbm>> -> memref<1x80x128xf32, #tpu.memory_space<hbm>>
        %dma_wait3A_137 = tpu.memref_squeeze %dma_wait3A_136 : memref<1x80x128xf32, #tpu.memory_space<hbm>> -> memref<80x128xf32, #tpu.memory_space<hbm>>
        %dma_wait3A_138 = arith.constant 0 : i32
        %dma_wait3A_139 = tpu.memref_slice %arg5[%arg0, %mul3A_130, %dma_wait3A_138] : memref<2x10000x128xf32, #tpu.memory_space<hbm>> -> memref<1x80x128xf32, #tpu.memory_space<hbm>>
        %dma_wait3A_140 = tpu.memref_squeeze %dma_wait3A_139 : memref<1x80x128xf32, #tpu.memory_space<hbm>> -> memref<80x128xf32, #tpu.memory_space<hbm>>
        tpu.wait_dma2 semaphore(%run_scoped3A : memref<!tpu.dma_semaphore, #tpu.memory_space<semaphore_mem>>) src(%arg12 : memref<80x128xf32, #tpu.memory_space<vmem>>) dst(%dma_wait3A_140 : memref<80x128xf32, #tpu.memory_space<hbm>>)
        tpu.yield
      }) : () -> ()
    } else {
    }
    return
  }
}

module attributes {stable_mosaic.version = 14 : i64} {
  func.func @body(%arg0: i32, %arg1: memref<512x128xf32, #tpu.memory_space<vmem>>, %arg2: memref<2x512x128xf32, #tpu.memory_space<vmem>>, %arg3: memref<512x32xf32, #tpu.memory_space<vmem>>, %arg4: memref<128x128xf32, #tpu.memory_space<vmem>>, %arg5: memref<1x128xf32, #tpu.memory_space<vmem>>, %arg6: memref<128x128xf32, #tpu.memory_space<vmem>>, %arg7: memref<1x128xf32, #tpu.memory_space<vmem>>, %arg8: memref<1x128xf32, #tpu.memory_space<vmem>>, %arg9: memref<128x128xf32, #tpu.memory_space<vmem>>, %arg10: memref<1x128xf32, #tpu.memory_space<vmem>>, %arg11: memref<512x128xf32, #tpu.memory_space<vmem>>) attributes {dimension_semantics = [#tpu.dimension_semantics<arbitrary>], iteration_bounds = array<i64: 20>, scalar_prefetch = 0 : i64, scratch_operands = 0 : i64, tpu.core_type = #tpu.core_type<tc>, window_params = [{transform_indices = @transform_0, window_bounds = array<i64: 512, 128>}, {transform_indices = @transform_1, window_bounds = array<i64: 2, 512, 128>}, {transform_indices = @transform_2, window_bounds = array<i64: 512, 32>}, {pipeline_mode = #tpu.pipeline_mode<synchronous>, transform_indices = @transform_3, window_bounds = array<i64: 128, 128>}, {pipeline_mode = #tpu.pipeline_mode<synchronous>, transform_indices = @transform_4, window_bounds = array<i64: 1, 128>}, {pipeline_mode = #tpu.pipeline_mode<synchronous>, transform_indices = @transform_5, window_bounds = array<i64: 128, 128>}, {pipeline_mode = #tpu.pipeline_mode<synchronous>, transform_indices = @transform_6, window_bounds = array<i64: 1, 128>}, {pipeline_mode = #tpu.pipeline_mode<synchronous>, transform_indices = @transform_7, window_bounds = array<i64: 1, 128>}, {pipeline_mode = #tpu.pipeline_mode<synchronous>, transform_indices = @transform_8, window_bounds = array<i64: 128, 128>}, {pipeline_mode = #tpu.pipeline_mode<synchronous>, transform_indices = @transform_9, window_bounds = array<i64: 1, 128>}, {transform_indices = @transform_10, window_bounds = array<i64: 512, 128>}]} {
    %get3A = arith.constant 0 : index
    %get3A_0 = arith.constant 0 : index
    %get3A_1 = vector.load %arg1[%get3A, %get3A_0] : memref<512x128xf32, #tpu.memory_space<vmem>>, vector<512x128xf32>
    %get3A_2 = arith.constant 0 : index
    %get3A_3 = arith.constant 0 : index
    %get3A_4 = arith.constant 0 : index
    %get3A_5 = vector.load %arg2[%get3A_2, %get3A_3, %get3A_4] : memref<2x512x128xf32, #tpu.memory_space<vmem>>, vector<1x512x128xf32>
    %get3A_6 = vector.shape_cast %get3A_5 : vector<1x512x128xf32> to vector<512x128xf32>
    %get3A_7 = arith.constant 1 : index
    %get3A_8 = arith.constant 0 : index
    %get3A_9 = arith.constant 0 : index
    %get3A_10 = vector.load %arg2[%get3A_7, %get3A_8, %get3A_9] : memref<2x512x128xf32, #tpu.memory_space<vmem>>, vector<1x512x128xf32>
    %get3A_11 = vector.shape_cast %get3A_10 : vector<1x512x128xf32> to vector<512x128xf32>
    %add3A = arith.addf %get3A_6, %get3A_11 : vector<512x128xf32>
    %get3A_12 = arith.constant 0 : index
    %get3A_13 = arith.constant 0 : index
    %get3A_14 = vector.load %arg3[%get3A_12, %get3A_13] : memref<512x32xf32, #tpu.memory_space<vmem>>, vector<512x32xf32>
    %reduce_sum3A = arith.constant dense<0.000000e+00> : vector<512xf32>
    %reduce_sum3A_15 = vector.multi_reduction <add>, %get3A_14, %reduce_sum3A [1] : vector<512x32xf32> to vector<512xf32>
    %broadcast_in_dim3A = vector.shape_cast %reduce_sum3A_15 : vector<512xf32> to vector<512x1xf32>
    %max3A = arith.constant 1.000000e+00 : f32
    %max3A_16 = vector.broadcast %max3A : f32 to vector<512x1xf32>
    %max3A_17 = arith.maximumf %broadcast_in_dim3A, %max3A_16 : vector<512x1xf32>
    %div3A = arith.constant 1.000000e+00 : f32
    %div3A_18 = vector.broadcast %div3A : f32 to vector<512x1xf32>
    %div3A_19 = arith.divf %div3A_18, %max3A_17 : vector<512x1xf32>
    %mul3A = vector.broadcast %div3A_19 : vector<512x1xf32> to vector<512x128xf32>
    %mul3A_20 = arith.mulf %add3A, %mul3A : vector<512x128xf32>
    %get3A_21 = arith.constant 0 : index
    %get3A_22 = arith.constant 0 : index
    %get3A_23 = vector.load %arg4[%get3A_21, %get3A_22] : memref<128x128xf32, #tpu.memory_space<vmem>>, vector<128x128xf32>
    %dot_general3A = arith.constant dense<0.000000e+00> : vector<512x128xf32>
    %dot_general3A_24 = tpu.matmul %mul3A_20, %get3A_23, %dot_general3A {dimension_numbers = #tpu.dot_dimension_numbers<[1], [0], [0], [1], [0, 0, 1, 1], [], []>, transpose_lhs_hint = false} : vector<512x128xf32>, vector<128x128xf32>, vector<512x128xf32> -> vector<512x128xf32>
    %get3A_25 = arith.constant 0 : index
    %get3A_26 = arith.constant 0 : index
    %get3A_27 = vector.load %arg5[%get3A_25, %get3A_26] : memref<1x128xf32, #tpu.memory_space<vmem>>, vector<1x128xf32>
    %add3A_28 = vector.broadcast %get3A_27 : vector<1x128xf32> to vector<512x128xf32>
    %add3A_29 = arith.addf %dot_general3A_24, %add3A_28 : vector<512x128xf32>
    %get3A_30 = arith.constant 0 : index
    %get3A_31 = arith.constant 0 : index
    %get3A_32 = vector.load %arg6[%get3A_30, %get3A_31] : memref<128x128xf32, #tpu.memory_space<vmem>>, vector<128x128xf32>
    %dot_general3A_33 = arith.constant dense<0.000000e+00> : vector<512x128xf32>
    %dot_general3A_34 = tpu.matmul %get3A_1, %get3A_32, %dot_general3A_33 {dimension_numbers = #tpu.dot_dimension_numbers<[1], [0], [0], [1], [0, 0, 1, 1], [], []>, transpose_lhs_hint = false} : vector<512x128xf32>, vector<128x128xf32>, vector<512x128xf32> -> vector<512x128xf32>
    %add3A_35 = arith.addf %add3A_29, %dot_general3A_34 : vector<512x128xf32>
    %reduce_sum3A_36 = arith.constant dense<0.000000e+00> : vector<512xf32>
    %reduce_sum3A_37 = vector.multi_reduction <add>, %add3A_35, %reduce_sum3A_36 [1] : vector<512x128xf32> to vector<512xf32>
    %broadcast_in_dim3A_38 = vector.shape_cast %reduce_sum3A_37 : vector<512xf32> to vector<512x1xf32>
    %div3A_39 = arith.constant 1.280000e+02 : f32
    %div3A_40 = vector.broadcast %div3A_39 : f32 to vector<512x1xf32>
    %div3A_41 = arith.divf %broadcast_in_dim3A_38, %div3A_40 : vector<512x1xf32>
    %sub3A = vector.broadcast %div3A_41 : vector<512x1xf32> to vector<512x128xf32>
    %sub3A_42 = arith.subf %add3A_35, %sub3A : vector<512x128xf32>
    %mul3A_43 = arith.mulf %sub3A_42, %sub3A_42 : vector<512x128xf32>
    %reduce_sum3A_44 = arith.constant dense<0.000000e+00> : vector<512xf32>
    %reduce_sum3A_45 = vector.multi_reduction <add>, %mul3A_43, %reduce_sum3A_44 [1] : vector<512x128xf32> to vector<512xf32>
    %broadcast_in_dim3A_46 = vector.shape_cast %reduce_sum3A_45 : vector<512xf32> to vector<512x1xf32>
    %div3A_47 = arith.constant 1.280000e+02 : f32
    %div3A_48 = vector.broadcast %div3A_47 : f32 to vector<512x1xf32>
    %div3A_49 = arith.divf %broadcast_in_dim3A_46, %div3A_48 : vector<512x1xf32>
    %add3A_50 = arith.constant 9.99999974E-6 : f32
    %add3A_51 = vector.broadcast %add3A_50 : f32 to vector<512x1xf32>
    %add3A_52 = arith.addf %div3A_49, %add3A_51 : vector<512x1xf32>
    %rsqrt3A = math.rsqrt %add3A_52 : vector<512x1xf32>
    %mul3A_53 = vector.broadcast %rsqrt3A : vector<512x1xf32> to vector<512x128xf32>
    %mul3A_54 = arith.mulf %sub3A_42, %mul3A_53 : vector<512x128xf32>
    %get3A_55 = arith.constant 0 : index
    %get3A_56 = arith.constant 0 : index
    %get3A_57 = vector.load %arg7[%get3A_55, %get3A_56] : memref<1x128xf32, #tpu.memory_space<vmem>>, vector<1x128xf32>
    %mul3A_58 = vector.broadcast %get3A_57 : vector<1x128xf32> to vector<512x128xf32>
    %mul3A_59 = arith.mulf %mul3A_54, %mul3A_58 : vector<512x128xf32>
    %get3A_60 = arith.constant 0 : index
    %get3A_61 = arith.constant 0 : index
    %get3A_62 = vector.load %arg8[%get3A_60, %get3A_61] : memref<1x128xf32, #tpu.memory_space<vmem>>, vector<1x128xf32>
    %add3A_63 = vector.broadcast %get3A_62 : vector<1x128xf32> to vector<512x128xf32>
    %add3A_64 = arith.addf %mul3A_59, %add3A_63 : vector<512x128xf32>
    %max3A_65 = arith.constant 0.000000e+00 : f32
    %max3A_66 = vector.broadcast %max3A_65 : f32 to vector<512x128xf32>
    %max3A_67 = arith.maximumf %add3A_64, %max3A_66 : vector<512x128xf32>
    %get3A_68 = arith.constant 0 : index
    %get3A_69 = arith.constant 0 : index
    %get3A_70 = vector.load %arg9[%get3A_68, %get3A_69] : memref<128x128xf32, #tpu.memory_space<vmem>>, vector<128x128xf32>
    %dot_general3A_71 = arith.constant dense<0.000000e+00> : vector<512x128xf32>
    %dot_general3A_72 = tpu.matmul %get3A_1, %get3A_70, %dot_general3A_71 {dimension_numbers = #tpu.dot_dimension_numbers<[1], [0], [0], [1], [0, 0, 1, 1], [], []>, transpose_lhs_hint = false} : vector<512x128xf32>, vector<128x128xf32>, vector<512x128xf32> -> vector<512x128xf32>
    %get3A_73 = arith.constant 0 : index
    %get3A_74 = arith.constant 0 : index
    %get3A_75 = vector.load %arg10[%get3A_73, %get3A_74] : memref<1x128xf32, #tpu.memory_space<vmem>>, vector<1x128xf32>
    %add3A_76 = vector.broadcast %get3A_75 : vector<1x128xf32> to vector<512x128xf32>
    %add3A_77 = arith.addf %dot_general3A_72, %add3A_76 : vector<512x128xf32>
    %add3A_78 = arith.addf %max3A_67, %add3A_77 : vector<512x128xf32>
    %swap3A = arith.constant 0 : index
    %swap3A_79 = arith.constant 0 : index
    %swap3A_80 = vector.load %arg11[%swap3A, %swap3A_79] : memref<512x128xf32, #tpu.memory_space<vmem>>, vector<512x128xf32>
    tpu.vector_store %arg11[%swap3A, %swap3A_79], %add3A_78 {strides = array<i32>} : memref<512x128xf32, #tpu.memory_space<vmem>>, vector<512x128xf32>,
    return
  }
  func.func @transform_0(%arg0: i32) -> (i32, i32) {
    %c0_i32 = arith.constant 0 : i32
    %c0_i32_0 = arith.constant 0 : i32
    return %arg0, %c0_i32 : i32, i32
  }
  func.func @transform_1(%arg0: i32) -> (i32, i32, i32) {
    %c0_i32 = arith.constant 0 : i32
    %c0_i32_0 = arith.constant 0 : i32
    %c0_i32_1 = arith.constant 0 : i32
    return %c0_i32, %arg0, %c0_i32_0 : i32, i32, i32
  }
  func.func @transform_2(%arg0: i32) -> (i32, i32) {
    %c0_i32 = arith.constant 0 : i32
    %c0_i32_0 = arith.constant 0 : i32
    return %arg0, %c0_i32 : i32, i32
  }
  func.func @transform_3(%arg0: i32) -> (i32, i32) {
    %c0_i32 = arith.constant 0 : i32
    %c0_i32_0 = arith.constant 0 : i32
    %c0_i32_1 = arith.constant 0 : i32
    return %c0_i32, %c0_i32_0 : i32, i32
  }
  func.func @transform_4(%arg0: i32) -> (i32, i32) {
    %c0_i32 = arith.constant 0 : i32
    %c0_i32_0 = arith.constant 0 : i32
    %c0_i32_1 = arith.constant 0 : i32
    return %c0_i32, %c0_i32_0 : i32, i32
  }
  func.func @transform_5(%arg0: i32) -> (i32, i32) {
    %c0_i32 = arith.constant 0 : i32
    %c0_i32_0 = arith.constant 0 : i32
    %c0_i32_1 = arith.constant 0 : i32
    return %c0_i32, %c0_i32_0 : i32, i32
  }
  func.func @transform_6(%arg0: i32) -> (i32, i32) {
    %c0_i32 = arith.constant 0 : i32
    %c0_i32_0 = arith.constant 0 : i32
    %c0_i32_1 = arith.constant 0 : i32
    return %c0_i32, %c0_i32_0 : i32, i32
  }
  func.func @transform_7(%arg0: i32) -> (i32, i32) {
    %c0_i32 = arith.constant 0 : i32
    %c0_i32_0 = arith.constant 0 : i32
    %c0_i32_1 = arith.constant 0 : i32
    return %c0_i32, %c0_i32_0 : i32, i32
  }
  func.func @transform_8(%arg0: i32) -> (i32, i32) {
    %c0_i32 = arith.constant 0 : i32
    %c0_i32_0 = arith.constant 0 : i32
    %c0_i32_1 = arith.constant 0 : i32
    return %c0_i32, %c0_i32_0 : i32, i32
  }
  func.func @transform_9(%arg0: i32) -> (i32, i32) {
    %c0_i32 = arith.constant 0 : i32
    %c0_i32_0 = arith.constant 0 : i32
    %c0_i32_1 = arith.constant 0 : i32
    return %c0_i32, %c0_i32_0 : i32, i32
  }
  func.func @transform_10(%arg0: i32) -> (i32, i32) {
    %c0_i32 = arith.constant 0 : i32
    %c0_i32_0 = arith.constant 0 : i32
    return %arg0, %c0_i32 : i32, i32
  }
}

module attributes {stable_mosaic.version = 14 : i64} {
  func.func @body(%arg0: i32, %arg1: memref<512x128xf32, #tpu.memory_space<vmem>>, %arg2: memref<2x512x128xf32, #tpu.memory_space<vmem>>, %arg3: memref<512x32xf32, #tpu.memory_space<vmem>>, %arg4: memref<128x128xf32, #tpu.memory_space<vmem>>, %arg5: memref<1x128xf32, #tpu.memory_space<vmem>>, %arg6: memref<128x128xf32, #tpu.memory_space<vmem>>, %arg7: memref<1x128xf32, #tpu.memory_space<vmem>>, %arg8: memref<1x128xf32, #tpu.memory_space<vmem>>, %arg9: memref<512x128xf32, #tpu.memory_space<vmem>>) attributes {dimension_semantics = [#tpu.dimension_semantics<arbitrary>], iteration_bounds = array<i64: 20>, scalar_prefetch = 0 : i64, scratch_operands = 0 : i64, tpu.core_type = #tpu.core_type<tc>, window_params = [{transform_indices = @transform_0, window_bounds = array<i64: 512, 128>}, {transform_indices = @transform_1, window_bounds = array<i64: 2, 512, 128>}, {transform_indices = @transform_2, window_bounds = array<i64: 512, 32>}, {pipeline_mode = #tpu.pipeline_mode<synchronous>, transform_indices = @transform_3, window_bounds = array<i64: 128, 128>}, {pipeline_mode = #tpu.pipeline_mode<synchronous>, transform_indices = @transform_4, window_bounds = array<i64: 1, 128>}, {pipeline_mode = #tpu.pipeline_mode<synchronous>, transform_indices = @transform_5, window_bounds = array<i64: 128, 128>}, {pipeline_mode = #tpu.pipeline_mode<synchronous>, transform_indices = @transform_6, window_bounds = array<i64: 1, 128>}, {pipeline_mode = #tpu.pipeline_mode<synchronous>, transform_indices = @transform_7, window_bounds = array<i64: 1, 128>}, {transform_indices = @transform_8, window_bounds = array<i64: 512, 128>}]} {
    %get3A = arith.constant 0 : index
    %get3A_0 = arith.constant 0 : index
    %get3A_1 = vector.load %arg1[%get3A, %get3A_0] : memref<512x128xf32, #tpu.memory_space<vmem>>, vector<512x128xf32>
    %get3A_2 = arith.constant 0 : index
    %get3A_3 = arith.constant 0 : index
    %get3A_4 = arith.constant 0 : index
    %get3A_5 = vector.load %arg2[%get3A_2, %get3A_3, %get3A_4] : memref<2x512x128xf32, #tpu.memory_space<vmem>>, vector<1x512x128xf32>
    %get3A_6 = vector.shape_cast %get3A_5 : vector<1x512x128xf32> to vector<512x128xf32>
    %get3A_7 = arith.constant 1 : index
    %get3A_8 = arith.constant 0 : index
    %get3A_9 = arith.constant 0 : index
    %get3A_10 = vector.load %arg2[%get3A_7, %get3A_8, %get3A_9] : memref<2x512x128xf32, #tpu.memory_space<vmem>>, vector<1x512x128xf32>
    %get3A_11 = vector.shape_cast %get3A_10 : vector<1x512x128xf32> to vector<512x128xf32>
    %add3A = arith.addf %get3A_6, %get3A_11 : vector<512x128xf32>
    %get3A_12 = arith.constant 0 : index
    %get3A_13 = arith.constant 0 : index
    %get3A_14 = vector.load %arg3[%get3A_12, %get3A_13] : memref<512x32xf32, #tpu.memory_space<vmem>>, vector<512x32xf32>
    %reduce_sum3A = arith.constant dense<0.000000e+00> : vector<512xf32>
    %reduce_sum3A_15 = vector.multi_reduction <add>, %get3A_14, %reduce_sum3A [1] : vector<512x32xf32> to vector<512xf32>
    %broadcast_in_dim3A = vector.shape_cast %reduce_sum3A_15 : vector<512xf32> to vector<512x1xf32>
    %max3A = arith.constant 1.000000e+00 : f32
    %max3A_16 = vector.broadcast %max3A : f32 to vector<512x1xf32>
    %max3A_17 = arith.maximumf %broadcast_in_dim3A, %max3A_16 : vector<512x1xf32>
    %div3A = arith.constant 1.000000e+00 : f32
    %div3A_18 = vector.broadcast %div3A : f32 to vector<512x1xf32>
    %div3A_19 = arith.divf %div3A_18, %max3A_17 : vector<512x1xf32>
    %mul3A = vector.broadcast %div3A_19 : vector<512x1xf32> to vector<512x128xf32>
    %mul3A_20 = arith.mulf %add3A, %mul3A : vector<512x128xf32>
    %get3A_21 = arith.constant 0 : index
    %get3A_22 = arith.constant 0 : index
    %get3A_23 = vector.load %arg4[%get3A_21, %get3A_22] : memref<128x128xf32, #tpu.memory_space<vmem>>, vector<128x128xf32>
    %dot_general3A = arith.constant dense<0.000000e+00> : vector<512x128xf32>
    %dot_general3A_24 = tpu.matmul %mul3A_20, %get3A_23, %dot_general3A {dimension_numbers = #tpu.dot_dimension_numbers<[1], [0], [0], [1], [0, 0, 1, 1], [], []>, transpose_lhs_hint = false} : vector<512x128xf32>, vector<128x128xf32>, vector<512x128xf32> -> vector<512x128xf32>
    %get3A_25 = arith.constant 0 : index
    %get3A_26 = arith.constant 0 : index
    %get3A_27 = vector.load %arg5[%get3A_25, %get3A_26] : memref<1x128xf32, #tpu.memory_space<vmem>>, vector<1x128xf32>
    %add3A_28 = vector.broadcast %get3A_27 : vector<1x128xf32> to vector<512x128xf32>
    %add3A_29 = arith.addf %dot_general3A_24, %add3A_28 : vector<512x128xf32>
    %get3A_30 = arith.constant 0 : index
    %get3A_31 = arith.constant 0 : index
    %get3A_32 = vector.load %arg6[%get3A_30, %get3A_31] : memref<128x128xf32, #tpu.memory_space<vmem>>, vector<128x128xf32>
    %dot_general3A_33 = arith.constant dense<0.000000e+00> : vector<512x128xf32>
    %dot_general3A_34 = tpu.matmul %get3A_1, %get3A_32, %dot_general3A_33 {dimension_numbers = #tpu.dot_dimension_numbers<[1], [0], [0], [1], [0, 0, 1, 1], [], []>, transpose_lhs_hint = false} : vector<512x128xf32>, vector<128x128xf32>, vector<512x128xf32> -> vector<512x128xf32>
    %add3A_35 = arith.addf %add3A_29, %dot_general3A_34 : vector<512x128xf32>
    %reduce_sum3A_36 = arith.constant dense<0.000000e+00> : vector<512xf32>
    %reduce_sum3A_37 = vector.multi_reduction <add>, %add3A_35, %reduce_sum3A_36 [1] : vector<512x128xf32> to vector<512xf32>
    %broadcast_in_dim3A_38 = vector.shape_cast %reduce_sum3A_37 : vector<512xf32> to vector<512x1xf32>
    %div3A_39 = arith.constant 1.280000e+02 : f32
    %div3A_40 = vector.broadcast %div3A_39 : f32 to vector<512x1xf32>
    %div3A_41 = arith.divf %broadcast_in_dim3A_38, %div3A_40 : vector<512x1xf32>
    %sub3A = vector.broadcast %div3A_41 : vector<512x1xf32> to vector<512x128xf32>
    %sub3A_42 = arith.subf %add3A_35, %sub3A : vector<512x128xf32>
    %mul3A_43 = arith.mulf %sub3A_42, %sub3A_42 : vector<512x128xf32>
    %reduce_sum3A_44 = arith.constant dense<0.000000e+00> : vector<512xf32>
    %reduce_sum3A_45 = vector.multi_reduction <add>, %mul3A_43, %reduce_sum3A_44 [1] : vector<512x128xf32> to vector<512xf32>
    %broadcast_in_dim3A_46 = vector.shape_cast %reduce_sum3A_45 : vector<512xf32> to vector<512x1xf32>
    %div3A_47 = arith.constant 1.280000e+02 : f32
    %div3A_48 = vector.broadcast %div3A_47 : f32 to vector<512x1xf32>
    %div3A_49 = arith.divf %broadcast_in_dim3A_46, %div3A_48 : vector<512x1xf32>
    %add3A_50 = arith.constant 9.99999974E-6 : f32
    %add3A_51 = vector.broadcast %add3A_50 : f32 to vector<512x1xf32>
    %add3A_52 = arith.addf %div3A_49, %add3A_51 : vector<512x1xf32>
    %rsqrt3A = math.rsqrt %add3A_52 : vector<512x1xf32>
    %mul3A_53 = vector.broadcast %rsqrt3A : vector<512x1xf32> to vector<512x128xf32>
    %mul3A_54 = arith.mulf %sub3A_42, %mul3A_53 : vector<512x128xf32>
    %get3A_55 = arith.constant 0 : index
    %get3A_56 = arith.constant 0 : index
    %get3A_57 = vector.load %arg7[%get3A_55, %get3A_56] : memref<1x128xf32, #tpu.memory_space<vmem>>, vector<1x128xf32>
    %mul3A_58 = vector.broadcast %get3A_57 : vector<1x128xf32> to vector<512x128xf32>
    %mul3A_59 = arith.mulf %mul3A_54, %mul3A_58 : vector<512x128xf32>
    %get3A_60 = arith.constant 0 : index
    %get3A_61 = arith.constant 0 : index
    %get3A_62 = vector.load %arg8[%get3A_60, %get3A_61] : memref<1x128xf32, #tpu.memory_space<vmem>>, vector<1x128xf32>
    %add3A_63 = vector.broadcast %get3A_62 : vector<1x128xf32> to vector<512x128xf32>
    %add3A_64 = arith.addf %mul3A_59, %add3A_63 : vector<512x128xf32>
    %max3A_65 = arith.constant 0.000000e+00 : f32
    %max3A_66 = vector.broadcast %max3A_65 : f32 to vector<512x128xf32>
    %max3A_67 = arith.maximumf %add3A_64, %max3A_66 : vector<512x128xf32>
    %add3A_68 = arith.addf %max3A_67, %get3A_1 : vector<512x128xf32>
    %swap3A = arith.constant 0 : index
    %swap3A_69 = arith.constant 0 : index
    %swap3A_70 = vector.load %arg9[%swap3A, %swap3A_69] : memref<512x128xf32, #tpu.memory_space<vmem>>, vector<512x128xf32>
    tpu.vector_store %arg9[%swap3A, %swap3A_69], %add3A_68 {strides = array<i32>} : memref<512x128xf32, #tpu.memory_space<vmem>>, vector<512x128xf32>,
    return
  }
  func.func @transform_0(%arg0: i32) -> (i32, i32) {
    %c0_i32 = arith.constant 0 : i32
    %c0_i32_0 = arith.constant 0 : i32
    return %arg0, %c0_i32 : i32, i32
  }
  func.func @transform_1(%arg0: i32) -> (i32, i32, i32) {
    %c0_i32 = arith.constant 0 : i32
    %c0_i32_0 = arith.constant 0 : i32
    %c0_i32_1 = arith.constant 0 : i32
    return %c0_i32, %arg0, %c0_i32_0 : i32, i32, i32
  }
  func.func @transform_2(%arg0: i32) -> (i32, i32) {
    %c0_i32 = arith.constant 0 : i32
    %c0_i32_0 = arith.constant 0 : i32
    return %arg0, %c0_i32 : i32, i32
  }
  func.func @transform_3(%arg0: i32) -> (i32, i32) {
    %c0_i32 = arith.constant 0 : i32
    %c0_i32_0 = arith.constant 0 : i32
    %c0_i32_1 = arith.constant 0 : i32
    return %c0_i32, %c0_i32_0 : i32, i32
  }
  func.func @transform_4(%arg0: i32) -> (i32, i32) {
    %c0_i32 = arith.constant 0 : i32
    %c0_i32_0 = arith.constant 0 : i32
    %c0_i32_1 = arith.constant 0 : i32
    return %c0_i32, %c0_i32_0 : i32, i32
  }
  func.func @transform_5(%arg0: i32) -> (i32, i32) {
    %c0_i32 = arith.constant 0 : i32
    %c0_i32_0 = arith.constant 0 : i32
    %c0_i32_1 = arith.constant 0 : i32
    return %c0_i32, %c0_i32_0 : i32, i32
  }
  func.func @transform_6(%arg0: i32) -> (i32, i32) {
    %c0_i32 = arith.constant 0 : i32
    %c0_i32_0 = arith.constant 0 : i32
    %c0_i32_1 = arith.constant 0 : i32
    return %c0_i32, %c0_i32_0 : i32, i32
  }
  func.func @transform_7(%arg0: i32) -> (i32, i32) {
    %c0_i32 = arith.constant 0 : i32
    %c0_i32_0 = arith.constant 0 : i32
    %c0_i32_1 = arith.constant 0 : i32
    return %c0_i32, %c0_i32_0 : i32, i32
  }
  func.func @transform_8(%arg0: i32) -> (i32, i32) {
    %c0_i32 = arith.constant 0 : i32
    %c0_i32_0 = arith.constant 0 : i32
    return %arg0, %c0_i32 : i32, i32
  }
}

module attributes {stable_mosaic.version = 14 : i64} {
  func.func @body(%arg0: i32, %arg1: memref<512x128xf32, #tpu.memory_space<vmem>>, %arg2: memref<2x512x128xf32, #tpu.memory_space<vmem>>, %arg3: memref<512x32xf32, #tpu.memory_space<vmem>>, %arg4: memref<128x128xf32, #tpu.memory_space<vmem>>, %arg5: memref<1x128xf32, #tpu.memory_space<vmem>>, %arg6: memref<128x128xf32, #tpu.memory_space<vmem>>, %arg7: memref<1x128xf32, #tpu.memory_space<vmem>>, %arg8: memref<1x128xf32, #tpu.memory_space<vmem>>, %arg9: memref<128x128xf32, #tpu.memory_space<vmem>>, %arg10: memref<1x128xf32, #tpu.memory_space<vmem>>, %arg11: memref<512x128xf32, #tpu.memory_space<vmem>>) attributes {dimension_semantics = [#tpu.dimension_semantics<arbitrary>], iteration_bounds = array<i64: 20>, scalar_prefetch = 0 : i64, scratch_operands = 0 : i64, tpu.core_type = #tpu.core_type<tc>, window_params = [{transform_indices = @transform_0, window_bounds = array<i64: 512, 128>}, {transform_indices = @transform_1, window_bounds = array<i64: 2, 512, 128>}, {transform_indices = @transform_2, window_bounds = array<i64: 512, 32>}, {pipeline_mode = #tpu.pipeline_mode<synchronous>, transform_indices = @transform_3, window_bounds = array<i64: 128, 128>}, {pipeline_mode = #tpu.pipeline_mode<synchronous>, transform_indices = @transform_4, window_bounds = array<i64: 1, 128>}, {pipeline_mode = #tpu.pipeline_mode<synchronous>, transform_indices = @transform_5, window_bounds = array<i64: 128, 128>}, {pipeline_mode = #tpu.pipeline_mode<synchronous>, transform_indices = @transform_6, window_bounds = array<i64: 1, 128>}, {pipeline_mode = #tpu.pipeline_mode<synchronous>, transform_indices = @transform_7, window_bounds = array<i64: 1, 128>}, {pipeline_mode = #tpu.pipeline_mode<synchronous>, transform_indices = @transform_8, window_bounds = array<i64: 128, 128>}, {pipeline_mode = #tpu.pipeline_mode<synchronous>, transform_indices = @transform_9, window_bounds = array<i64: 1, 128>}, {transform_indices = @transform_10, window_bounds = array<i64: 512, 128>}]} {
    %get3A = arith.constant 0 : index
    %get3A_0 = arith.constant 0 : index
    %get3A_1 = vector.load %arg1[%get3A, %get3A_0] : memref<512x128xf32, #tpu.memory_space<vmem>>, vector<512x128xf32>
    %get3A_2 = arith.constant 0 : index
    %get3A_3 = arith.constant 0 : index
    %get3A_4 = arith.constant 0 : index
    %get3A_5 = vector.load %arg2[%get3A_2, %get3A_3, %get3A_4] : memref<2x512x128xf32, #tpu.memory_space<vmem>>, vector<1x512x128xf32>
    %get3A_6 = vector.shape_cast %get3A_5 : vector<1x512x128xf32> to vector<512x128xf32>
    %get3A_7 = arith.constant 1 : index
    %get3A_8 = arith.constant 0 : index
    %get3A_9 = arith.constant 0 : index
    %get3A_10 = vector.load %arg2[%get3A_7, %get3A_8, %get3A_9] : memref<2x512x128xf32, #tpu.memory_space<vmem>>, vector<1x512x128xf32>
    %get3A_11 = vector.shape_cast %get3A_10 : vector<1x512x128xf32> to vector<512x128xf32>
    %add3A = arith.addf %get3A_6, %get3A_11 : vector<512x128xf32>
    %get3A_12 = arith.constant 0 : index
    %get3A_13 = arith.constant 0 : index
    %get3A_14 = vector.load %arg3[%get3A_12, %get3A_13] : memref<512x32xf32, #tpu.memory_space<vmem>>, vector<512x32xf32>
    %reduce_sum3A = arith.constant dense<0.000000e+00> : vector<512xf32>
    %reduce_sum3A_15 = vector.multi_reduction <add>, %get3A_14, %reduce_sum3A [1] : vector<512x32xf32> to vector<512xf32>
    %broadcast_in_dim3A = vector.shape_cast %reduce_sum3A_15 : vector<512xf32> to vector<512x1xf32>
    %max3A = arith.constant 1.000000e+00 : f32
    %max3A_16 = vector.broadcast %max3A : f32 to vector<512x1xf32>
    %max3A_17 = arith.maximumf %broadcast_in_dim3A, %max3A_16 : vector<512x1xf32>
    %div3A = arith.constant 1.000000e+00 : f32
    %div3A_18 = vector.broadcast %div3A : f32 to vector<512x1xf32>
    %div3A_19 = arith.divf %div3A_18, %max3A_17 : vector<512x1xf32>
    %mul3A = vector.broadcast %div3A_19 : vector<512x1xf32> to vector<512x128xf32>
    %mul3A_20 = arith.mulf %add3A, %mul3A : vector<512x128xf32>
    %get3A_21 = arith.constant 0 : index
    %get3A_22 = arith.constant 0 : index
    %get3A_23 = vector.load %arg4[%get3A_21, %get3A_22] : memref<128x128xf32, #tpu.memory_space<vmem>>, vector<128x128xf32>
    %dot_general3A = arith.constant dense<0.000000e+00> : vector<512x128xf32>
    %dot_general3A_24 = tpu.matmul %mul3A_20, %get3A_23, %dot_general3A {dimension_numbers = #tpu.dot_dimension_numbers<[1], [0], [0], [1], [0, 0, 1, 1], [], []>, transpose_lhs_hint = false} : vector<512x128xf32>, vector<128x128xf32>, vector<512x128xf32> -> vector<512x128xf32>
    %get3A_25 = arith.constant 0 : index
    %get3A_26 = arith.constant 0 : index
    %get3A_27 = vector.load %arg5[%get3A_25, %get3A_26] : memref<1x128xf32, #tpu.memory_space<vmem>>, vector<1x128xf32>
    %add3A_28 = vector.broadcast %get3A_27 : vector<1x128xf32> to vector<512x128xf32>
    %add3A_29 = arith.addf %dot_general3A_24, %add3A_28 : vector<512x128xf32>
    %get3A_30 = arith.constant 0 : index
    %get3A_31 = arith.constant 0 : index
    %get3A_32 = vector.load %arg6[%get3A_30, %get3A_31] : memref<128x128xf32, #tpu.memory_space<vmem>>, vector<128x128xf32>
    %dot_general3A_33 = arith.constant dense<0.000000e+00> : vector<512x128xf32>
    %dot_general3A_34 = tpu.matmul %get3A_1, %get3A_32, %dot_general3A_33 {dimension_numbers = #tpu.dot_dimension_numbers<[1], [0], [0], [1], [0, 0, 1, 1], [], []>, transpose_lhs_hint = false} : vector<512x128xf32>, vector<128x128xf32>, vector<512x128xf32> -> vector<512x128xf32>
    %add3A_35 = arith.addf %add3A_29, %dot_general3A_34 : vector<512x128xf32>
    %reduce_sum3A_36 = arith.constant dense<0.000000e+00> : vector<512xf32>
    %reduce_sum3A_37 = vector.multi_reduction <add>, %add3A_35, %reduce_sum3A_36 [1] : vector<512x128xf32> to vector<512xf32>
    %broadcast_in_dim3A_38 = vector.shape_cast %reduce_sum3A_37 : vector<512xf32> to vector<512x1xf32>
    %div3A_39 = arith.constant 1.280000e+02 : f32
    %div3A_40 = vector.broadcast %div3A_39 : f32 to vector<512x1xf32>
    %div3A_41 = arith.divf %broadcast_in_dim3A_38, %div3A_40 : vector<512x1xf32>
    %sub3A = vector.broadcast %div3A_41 : vector<512x1xf32> to vector<512x128xf32>
    %sub3A_42 = arith.subf %add3A_35, %sub3A : vector<512x128xf32>
    %mul3A_43 = arith.mulf %sub3A_42, %sub3A_42 : vector<512x128xf32>
    %reduce_sum3A_44 = arith.constant dense<0.000000e+00> : vector<512xf32>
    %reduce_sum3A_45 = vector.multi_reduction <add>, %mul3A_43, %reduce_sum3A_44 [1] : vector<512x128xf32> to vector<512xf32>
    %broadcast_in_dim3A_46 = vector.shape_cast %reduce_sum3A_45 : vector<512xf32> to vector<512x1xf32>
    %div3A_47 = arith.constant 1.280000e+02 : f32
    %div3A_48 = vector.broadcast %div3A_47 : f32 to vector<512x1xf32>
    %div3A_49 = arith.divf %broadcast_in_dim3A_46, %div3A_48 : vector<512x1xf32>
    %add3A_50 = arith.constant 9.99999974E-6 : f32
    %add3A_51 = vector.broadcast %add3A_50 : f32 to vector<512x1xf32>
    %add3A_52 = arith.addf %div3A_49, %add3A_51 : vector<512x1xf32>
    %rsqrt3A = math.rsqrt %add3A_52 : vector<512x1xf32>
    %mul3A_53 = vector.broadcast %rsqrt3A : vector<512x1xf32> to vector<512x128xf32>
    %mul3A_54 = arith.mulf %sub3A_42, %mul3A_53 : vector<512x128xf32>
    %get3A_55 = arith.constant 0 : index
    %get3A_56 = arith.constant 0 : index
    %get3A_57 = vector.load %arg7[%get3A_55, %get3A_56] : memref<1x128xf32, #tpu.memory_space<vmem>>, vector<1x128xf32>
    %mul3A_58 = vector.broadcast %get3A_57 : vector<1x128xf32> to vector<512x128xf32>
    %mul3A_59 = arith.mulf %mul3A_54, %mul3A_58 : vector<512x128xf32>
    %get3A_60 = arith.constant 0 : index
    %get3A_61 = arith.constant 0 : index
    %get3A_62 = vector.load %arg8[%get3A_60, %get3A_61] : memref<1x128xf32, #tpu.memory_space<vmem>>, vector<1x128xf32>
    %add3A_63 = vector.broadcast %get3A_62 : vector<1x128xf32> to vector<512x128xf32>
    %add3A_64 = arith.addf %mul3A_59, %add3A_63 : vector<512x128xf32>
    %max3A_65 = arith.constant 0.000000e+00 : f32
    %max3A_66 = vector.broadcast %max3A_65 : f32 to vector<512x128xf32>
    %max3A_67 = arith.maximumf %add3A_64, %max3A_66 : vector<512x128xf32>
    %add3A_68 = arith.addf %max3A_67, %get3A_1 : vector<512x128xf32>
    %get3A_69 = arith.constant 0 : index
    %get3A_70 = arith.constant 0 : index
    %get3A_71 = vector.load %arg9[%get3A_69, %get3A_70] : memref<128x128xf32, #tpu.memory_space<vmem>>, vector<128x128xf32>
    %dot_general3A_72 = arith.constant dense<0.000000e+00> : vector<512x128xf32>
    %dot_general3A_73 = tpu.matmul %add3A_68, %get3A_71, %dot_general3A_72 {dimension_numbers = #tpu.dot_dimension_numbers<[1], [0], [0], [1], [0, 0, 1, 1], [], []>, transpose_lhs_hint = false} : vector<512x128xf32>, vector<128x128xf32>, vector<512x128xf32> -> vector<512x128xf32>
    %get3A_74 = arith.constant 0 : index
    %get3A_75 = arith.constant 0 : index
    %get3A_76 = vector.load %arg10[%get3A_74, %get3A_75] : memref<1x128xf32, #tpu.memory_space<vmem>>, vector<1x128xf32>
    %add3A_77 = vector.broadcast %get3A_76 : vector<1x128xf32> to vector<512x128xf32>
    %add3A_78 = arith.addf %dot_general3A_73, %add3A_77 : vector<512x128xf32>
    %swap3A = arith.constant 0 : index
    %swap3A_79 = arith.constant 0 : index
    %swap3A_80 = vector.load %arg11[%swap3A, %swap3A_79] : memref<512x128xf32, #tpu.memory_space<vmem>>, vector<512x128xf32>
    tpu.vector_store %arg11[%swap3A, %swap3A_79], %add3A_78 {strides = array<i32>} : memref<512x128xf32, #tpu.memory_space<vmem>>, vector<512x128xf32>,
    return
  }
  func.func @transform_0(%arg0: i32) -> (i32, i32) {
    %c0_i32 = arith.constant 0 : i32
    %c0_i32_0 = arith.constant 0 : i32
    return %arg0, %c0_i32 : i32, i32
  }
  func.func @transform_1(%arg0: i32) -> (i32, i32, i32) {
    %c0_i32 = arith.constant 0 : i32
    %c0_i32_0 = arith.constant 0 : i32
    %c0_i32_1 = arith.constant 0 : i32
    return %c0_i32, %arg0, %c0_i32_0 : i32, i32, i32
  }
  func.func @transform_2(%arg0: i32) -> (i32, i32) {
    %c0_i32 = arith.constant 0 : i32
    %c0_i32_0 = arith.constant 0 : i32
    return %arg0, %c0_i32 : i32, i32
  }
  func.func @transform_3(%arg0: i32) -> (i32, i32) {
    %c0_i32 = arith.constant 0 : i32
    %c0_i32_0 = arith.constant 0 : i32
    %c0_i32_1 = arith.constant 0 : i32
    return %c0_i32, %c0_i32_0 : i32, i32
  }
  func.func @transform_4(%arg0: i32) -> (i32, i32) {
    %c0_i32 = arith.constant 0 : i32
    %c0_i32_0 = arith.constant 0 : i32
    %c0_i32_1 = arith.constant 0 : i32
    return %c0_i32, %c0_i32_0 : i32, i32
  }
  func.func @transform_5(%arg0: i32) -> (i32, i32) {
    %c0_i32 = arith.constant 0 : i32
    %c0_i32_0 = arith.constant 0 : i32
    %c0_i32_1 = arith.constant 0 : i32
    return %c0_i32, %c0_i32_0 : i32, i32
  }
  func.func @transform_6(%arg0: i32) -> (i32, i32) {
    %c0_i32 = arith.constant 0 : i32
    %c0_i32_0 = arith.constant 0 : i32
    %c0_i32_1 = arith.constant 0 : i32
    return %c0_i32, %c0_i32_0 : i32, i32
  }
  func.func @transform_7(%arg0: i32) -> (i32, i32) {
    %c0_i32 = arith.constant 0 : i32
    %c0_i32_0 = arith.constant 0 : i32
    %c0_i32_1 = arith.constant 0 : i32
    return %c0_i32, %c0_i32_0 : i32, i32
  }
  func.func @transform_8(%arg0: i32) -> (i32, i32) {
    %c0_i32 = arith.constant 0 : i32
    %c0_i32_0 = arith.constant 0 : i32
    %c0_i32_1 = arith.constant 0 : i32
    return %c0_i32, %c0_i32_0 : i32, i32
  }
  func.func @transform_9(%arg0: i32) -> (i32, i32) {
    %c0_i32 = arith.constant 0 : i32
    %c0_i32_0 = arith.constant 0 : i32
    %c0_i32_1 = arith.constant 0 : i32
    return %c0_i32, %c0_i32_0 : i32, i32
  }
  func.func @transform_10(%arg0: i32) -> (i32, i32) {
    %c0_i32 = arith.constant 0 : i32
    %c0_i32_0 = arith.constant 0 : i32
    return %arg0, %c0_i32 : i32, i32
  }
}

</mosaic_0001>

<sc_bundles>
// kernel: kernel.11.cloned.1.call-start
scs
__scs_entry_jumppad:
0x0: {  	(pc) =	sbr.rel $0x88, $3  }
0x1: {  	(tag) =	ssettag $0x0;
	lr =	simm.s32 $0x1  }
0x2: {  	[smem:$0x3F96] =	sst lr;
	_ =	strace $0xD0000000  }
0x3: {  	_ = 	snop  }
0x4: {  	_ = 	snop  }
0x5: {  	_ = 	snop  }
0x6: {  	_ = 	snop  }
0x7: {  	_ = 	snop  }
__scs_overlays_trampoline_lowered:
0x8: {  	[smem:$0x3FA5] =	sst s0  }
0x9: {  	[smem:$0x3FA6] =	sst s1  }
0xa: {  	[smem:$0x3FA7] =	sst s2  }
0xb: {  	[smem:$0x3FA8] =	sst s3  }
0xc: {  	[smem:$0x3FA9] =	sst s4  }
0xd: {  	[smem:$0x3FAA] =	sst s5  }
0xe: {  	[smem:$0x3FAB] =	sst s6  }
0xf: {  	[smem:$0x3FAC] =	sst s7  }
0x10: {  	[smem:$0x3FAD] =	sst s8  }
0x11: {  	[smem:$0x3FAE] =	sst s9;
	s0 =	simm.s32 @!p0 $0x0  }
0x12: {  	s1 =	sld [smem:$0x3F94];
	s0 =	simm.s32 @p0 $0x1  }
0x13: {  	[smem:$0x3FAF] =	sst s0;
	s0 =	simm.s32 @!p1 $0x0  }
0x14: {  	s2 =	sld [smem:$0x3F93];
	s0 =	simm.s32 @p1 $0x1  }
0x15: {  	[smem:$0x3FB0] =	sst s0;
	s0 =	simm.s32 @!p2 $0x0  }
0x16: {  	s3 =	sld [smem:$0x3FDB];
	s0 =	simm.s32 @p2 $0x1  }
0x17: {  	s4 =	simm.s32 $0x1BF5;
	[smem:$0x3FB2] =	sst s0  }
0x18: {  	s0 =	sld [smem:$0x3F95];
	_ =	swait.ge [sflag:s4], $0x0  }
0x19: {  	s7 =	sld [smem:$0x3F96]  }
0x1a: {  	s8 =	sadd.s32 $0xFFFFE003, lr  }
0x1b: {  	s9 =	sadd.s32 $0xFFFFFEF7, lr;
	s5 =	simm.s32 $0xFFFFFFFF;
	p2 =	slt.u32 s8, $0xFFFFF086  }
0x1c: {  	p1 =	slt.u32 s9, $0xF7A;
	s5 =	simm.s32 @!p2 $0x0  }
0x1d: {  	s5 =	simm.s32 @p1 $0x1;
	p0 =	seq.s32 s7, s2  }
0x1e: {  	s7 =	smul.u32 @!p0 $0xF7A, s2;
	p2 =	seq.s32 @!p0 s5, $0x0  }
0x1f: {  	s9 =	smul.u32 $0xF7A, s1;
	s8 =	simm.s32 @!p0 $0x1BF5;
	p2 =	por !p2, p0  }
0x20: {  	[sflag:s8] =	ssyncset.s32 @!p0 $0xFFFFF086;
	s6 =	sadd.s32 @!p0 s3, s7;
	s7 =	simm.s32 @!p0 $0x108  }
0x21: {  	s3 =	sadd.s32 s3, s9;
	s6 =	sadd.s32 @!p0 $0x88, s6;
	s7 =	simm.s32 @p2 $0x1082  }
0x22: {  	[simem:s7], [sflag:s8] =	dma.local @!p0 [hbm:s6], $0xF7A  }
0x23: {  	s9 =	sor.u32 $0xD0000000, s2;
	s6 =	simm.s32 $0x108;
	_ =	swait.ge @!p0 [sflag:s8], $0x0  }
0x24: {  	s3 =	sadd.s32 $0x88, s3;
	s6 =	simm.s32 @!p1 $0x1082;
	[sflag:s4] =	ssyncset.s32 $0xFFFFF086  }
0x25: {  	[simem:s6], [sflag:s4] =	dma.local [hbm:s3], $0xF7A  }
0x26: {  	[smem:$0x3F96] =	sst s1;
	(tag) =	ssettag s2;
	_ =	strace s9  }
0x27: {  	s1 =	sld [smem:$0x3FA6]  }
0x28: {  	s2 =	sld [smem:$0x3FA7]  }
0x29: {  	s4 =	sld [smem:$0x3FA9]  }
0x2a: {  	p0 =	seq.s32 s5, $0x0;
	s5 =	sld [smem:$0x3FAA]  }
0x2b: {  	s6 =	sld [smem:$0x3FAB]  }
0x2c: {  	s7 =	sld [smem:$0x3FAC]  }
0x2d: {  	s3 =	simm.s32 $0x108;
	s8 =	sld [smem:$0x3FAD]  }
0x2e: {  	s3 =	simm.s32 @!p0 $0x1082;
	s9 =	sld [smem:$0x3FAE]  }
0x2f: {  	lr =	sadd.s32 s0, s3;
	s0 =	sld [smem:$0x3FA5]  }
0x30: {  	s3 =	sld [smem:$0x3FA8]  }
0x31: {  	[smem:$0x3FB1] =	sst s10  }
0x32: {  	s10 =	sld [smem:$0x3FAF];
	_ =	sdelay $0x3  }
0x33: {  	p0 =	seq.s32 s10, $0x1;
	s10 =	sld [smem:$0x3FB1];
	_ =	sdelay $0x3  }
0x34: {  	[smem:$0x3FB1] =	sst s10  }
0x35: {  	s10 =	sld [smem:$0x3FB0];
	_ =	sdelay $0x3  }
0x36: {  	p1 =	seq.s32 s10, $0x1;
	s10 =	sld [smem:$0x3FB1];
	_ =	sdelay $0x3  }
0x37: {  	[smem:$0x3FB1] =	sst s10  }
0x38: {  	s10 =	sld [smem:$0x3FB2]  }
0x39: {  	_ = 	snop;
	(pc) =	sbr.ind lr, $3  }
0x3a: {  	_ = 	snop  }
0x3b: {  	_ = 	snop  }
0x3c: {  	p2 =	seq.s32 s10, $0x1;
	s10 =	sld [smem:$0x3FB1]  }
0x3d: {  	_ =	shalt  }
0x3e: {  	_ =	shalt  }
0x3f: {  	_ =	shalt  }
0x40: {  	_ =	shalt  }
0x41: {  	_ =	shalt  }
0x42: {  	_ =	shalt  }
0x43: {  	_ =	shalt  }
0x44: {  	_ =	shalt  }
0x45: {  	_ =	shalt  }
0x46: {  	_ =	shalt  }
0x47: {  	_ =	shalt  }
0x48: {  	_ =	shalt  }
0x49: {  	_ =	shalt  }
0x4a: {  	_ =	shalt  }
0x4b: {  	_ =	shalt  }
0x4c: {  	_ =	shalt  }
0x4d: {  	_ =	shalt  }
0x4e: {  	_ =	shalt  }
0x4f: {  	_ =	shalt  }
0x50: {  	_ =	shalt  }
0x51: {  	_ =	shalt  }
0x52: {  	_ =	shalt  }
0x53: {  	_ =	shalt  }
0x54: {  	_ =	shalt  }
0x55: {  	_ =	shalt  }
0x56: {  	_ =	shalt  }
0x57: {  	_ =	shalt  }
0x58: {  	_ =	shalt  }
0x59: {  	_ =	shalt  }
0x5a: {  	_ =	shalt  }
0x5b: {  	_ =	shalt  }
0x5c: {  	_ =	shalt  }
0x5d: {  	_ =	shalt  }
0x5e: {  	_ =	shalt  }
0x5f: {  	_ =	shalt  }
0x60: {  	_ =	shalt  }
0x61: {  	_ =	shalt  }
0x62: {  	_ =	shalt  }
0x63: {  	_ =	shalt  }
0x64: {  	_ =	shalt  }
0x65: {  	_ =	shalt  }
0x66: {  	_ =	shalt  }
0x67: {  	_ =	shalt  }
0x68: {  	_ =	shalt  }
0x69: {  	_ =	shalt  }
0x6a: {  	_ =	shalt  }
0x6b: {  	_ =	shalt  }
0x6c: {  	_ =	shalt  }
0x6d: {  	_ =	shalt  }
0x6e: {  	_ =	shalt  }
0x6f: {  	_ =	shalt  }
0x70: {  	_ =	shalt  }
0x71: {  	_ =	shalt  }
0x72: {  	_ =	shalt  }
0x73: {  	_ =	shalt  }
0x74: {  	_ =	shalt  }
0x75: {  	_ =	shalt  }
0x76: {  	_ =	shalt  }
0x77: {  	_ =	shalt  }
0x78: {  	_ =	shalt  }
0x79: {  	_ =	shalt  }
0x7a: {  	_ =	shalt  }
0x7b: {  	_ =	shalt  }
0x7c: {  	_ =	shalt  }
0x7d: {  	_ =	shalt  }
0x7e: {  	_ =	shalt  }
0x7f: {  	_ =	shalt  }
0x80: {  	_ =	shalt  }
0x81: {  	_ =	shalt  }
0x82: {  	_ =	shalt  }
0x83: {  	_ =	shalt  }
0x84: {  	_ =	shalt  }
0x85: {  	_ =	shalt  }
0x86: {  	_ =	shalt  }
0x87: {  	_ =	shalt  }
.Lfunc_end0:
.L_simem_size_0:
called_computation.1_lowered:
.L_overlay_start_0:
0x88: {  	s2 =	sld [smem:$0x3FD9]  }
0x89: {  	s3 =	sld [smem:$0x3FFE];
	_ =	sdelay $0x1  }
0x8a: {  	s1 =	srdreg.scid  }
0x8b: {  	s0 =	sand.u32 $0x1, s1  }
0x8c: {  	s17 =	sshll.u32 s0, $0xA;
	s2 =	sadd.s32 s3, s2  }
0x8d: {  	s2 =	sadd.s32 s2, s17  }
0x8e: {  	[smem:$0x3FBD] =	sst s2  }
0x8f: {  	_ = 	snop  }
0x90: {  	s2 =	sld [smem:$0x3FD0];
	(tm) =	ssettm $0x1  }
0x91: {  	s18 =	sld [smem:$0x3FFB];
	_ =	sdelay $0x3  }
0x92: {  	_ =	strace s18  }
0x93: {  	s3 =	sld [smem:$0x3FFC];
	_ =	sdelay $0x3  }
0x94: {  	_ =	strace s3  }
0x95: {  	s3 =	sld [smem:$0x3FFD];
	_ =	sdelay $0x3  }
0x96: {  	_ =	strace s3  }
0x97: {  	_ =	strace $0x8FFFFFFF  }
0x98: {  	s19 =	sld [smem:$0x3FDB];
	_ =	sdelay $0x1  }
0x99: {  	s4 =	simm.s32 $_scs_section_size  }
0x9a: {  	s5 =	simm.s32 $_size__tile_overlayer_lowered;
	s6 =	simm.s32 $_tile_overlayer_lowered  }
0x9b: {  	s22 =	simm.s32 $0x1BFF;
	s21 =	sshll.u32 s6, $0x1;
	s3 =	sadd.s32 s4, s19  }
0x9c: {  	s7 =	simm.s32 $0x0;
	s20 =	sshll.u32 s5, $0x1;
	s5 =	sadd.s32 s21, s3  }
0x9d: {  	[timem:s7], [sflag:s22] =	dma.local [hbm:s5], s20  }
0x9e: {  	_ =	swait.ge [sflag:s22], s20  }
0x9f: {  	s4 =	ssub.s32 $0x0, s20;
	[sflag:s22] =	ssyncset.done $0x0  }
0xa0: {  	[sflag:s22] =	ssyncadd.s32 s4;
	_ =	sdelay $0x1  }
0xa1: {  	s23 =	simm.s32 $0x1B8B  }
0xa2: {  	_ =	swait.ge [sflag:s23], $0x1  }
0xa3: {  	[sflag:s23] =	ssyncset.done $0x0  }
0xa4: {  	s25 =	simm.s32 $0x1B8E;
	s24 =	sld [smem:$0x3FFE];
	[sflag:s23] =	ssyncadd.s32 $0xFFFFFFFF  }
0xa5: {  	s26 =	simm.s32 $execute0_lowered;
	[smem:$0x3FD2] =	sst s25  }
0xa6: {  	s5 =	sshll.u32 s26, $0x1;
	_ =	strace $0x80000049;
	[dreg:$0x1] =	wrdreg $0xFFFFFFFF  }
0xa7: {  	s28 =	simm.s32 $_size_execute0_lowered;
	s3 =	sadd.s32 s3, s5;
	[dreg:$0x0] =	wrdreg $0x0  }
0xa8: {  	s5 =	sshll.u32 s28, $0x1;
	[dreg:$0x2] =	wrdreg s3  }
0xa9: {  	[dreg:$0x3] =	wrdreg s5  }
0xaa: {  	[dreg:$0x4] =	wrdreg $0xC0  }
0xab: {  	_ =	task [dreg:s7], $0x5FFFF  }
0xac: {  	[dreg:$0x1] =	wrdreg $0xFFFFFFFF  }
0xad: {  	[dreg:$0x0] =	wrdreg $0x60  }
0xae: {  	[dreg:$0x2] =	wrdreg s2  }
0xaf: {  	[dreg:$0x3] =	wrdreg s24  }
0xb0: {  	[dreg:$0x4] =	wrdreg $0x0  }
0xb1: {  	[dreg:$0x5] =	wrdreg $0x9  }
0xb2: {  	_ =	task.clear_ibuf [dreg:s7], $0x6FFFF;
	_ =	strace $0x90000049  }
0xb3: {  	s29 =	simm.s32 $0x9;
	_ =	strace $0x8000004B  }
0xb4: {  	_ =	swait.ge [sflag:s29], $0x1  }
0xb5: {  	[sflag:s29] =	ssyncadd.s32 $0xFFFFFFFF  }
0xb6: {  	_ =	strace $0x9000004B  }
0xb7: {  	_ =	sfence  }
0xb8: {  	s30 =	sld [smem:$0x0];
	_ =	sdelay $0x2  }
0xb9: {  	s31 =	sshll.u32 s1, $0xD;
	s1 =	sshrl.u32 s1, $0x2  }
0xba: {  	s3 =	sand.u32 $0x4000, s31;
	s1 =	sadd.s32 s1, s30  }
0xbb: {  	s0 =	sor.u32 s3, s0;
	s1 =	sshll.u32 s1, $0x11  }
0xbc: {  	s0 =	sor.u32 s1, s0  }
0xbd: {  	s0 =	sadd.s32 $0x8F2B, s0  }
0xbe: {  	[sflag:s0] =	ssyncadd.remote.s32 $0x1  }
0xbf: {  	_ =	sfence.sel $0xFFFF  }
0xc0: {  	[dreg:$0x0] =	wrdreg $0xFFFFFFFF;
	(pc) =	sbr.abs _section_cstart, $3  }
0xc1: {  	[dreg:$0x1] =	wrdreg $0xFFFFFFFF  }
0xc2: {  	_ =	task.clear_ibuf [dreg:s7], $0x2FFFF;
	_ =	strace $0x9FFFFFFF  }
0xc3: {  	(tm) =	ssettm $0x7FFFFFFF  }
tec
execute0_lowered:
.L_overlay_start_1:
0x0: {  	(tag) =	ssettag $0x1  }
0x1: {  	s1 =	rddreg [dreg:$0x0]  }
0x2: {  	s2 =	rddreg [dreg:$0x1]  }
0x3: {  	s3 =	rddreg [dreg:$0x2]  }
0x4: {  	s4 =	simm.s32 $0x0;
	s29 =	stileid.u32;
	s0 =	srdreg.scid  }
0x5: {  	s30 =	simm.s32 $0x50;
	s31 =	simm.s32 $0x14880;
	s7 =	smul.u32 $0xA000, s29  }
0x6: {  	s6 =	sor.u32 $0x10, s29;
	[smem:$0x7FF] =	sst s4;
	s11 =	smul.u32 $0x2800, s29  }
0x7: {  	s8 =	sand.u32 $0x1, s0;
	s5 =	sadd.s32 $0xD000, s2;
	s9 =	smul.u32 $0xA000, s6  }
0x8: {  	s13 =	sor.u32 $0x20, s29;
	s15 =	sshll.u32 s29, $0x1;
	s10 =	smul.u32 $0x138800, s8  }
0x9: {  	s16 =	sor.u32 $0x40, s29;
	s18 =	sor.u32 $0x50, s29;
	s6 =	smul.u32 $0x2800, s6  }
0xa: {  	s19 =	sor.u32 $0x60, s29;
	s20 =	sor.u32 $0x70, s29;
	s14 =	smul.u32 $0x2800, s13  }
0xb: {  	p0 =	sgt.u32 s29, $0xC;
	_ =	strace $0x8000004A;
	s26 =	smul.u32 $0x2800, s16  }
0xc: {  	s0 =	ssub.s32 $0x2, s8;
	s15 =	sor.u32 s8, s15;
	s21 =	smul.u32 $0x2800, s18  }
0xd: {  	s12 =	sshrl.u32 s0, $0x1;
	s7 =	sshrl.u32 s7, $0x2;
	s15 =	smul.u32 $0x2710, s15  }
0xe: {  	s0 =	ssub.s32 s0, s12;
	s22 =	sadd.s32 s11, s10;
	s11 =	smul.u32 $0x2800, s19  }
0xf: {  	s12 =	sor.u32 $0x30, s29;
	s24 =	sadd.s32 s10, s14;
	s14 =	smul.u32 $0x2800, s20  }
0x10: {  	s23 =	sadd.s32 s10, s6;
	s25 =	sadd.s32 s10, s26;
	s20 =	smul.u32 $0xA000, s20  }
0x11: {  	s21 =	sadd.s32 s10, s21;
	s6 =	sadd.s32 $0x3200, s2;
	s17 =	smul.u32 $0x2800, s12  }
0x12: {  	s2 =	sadd.s32 $0x16E00, s2;
	s28 =	sadd.s32 s10, s14;
	s14 =	smul.u32 $0xA000, s13  }
0x13: {  	s7 =	sadd.s32 s7, s3;
	s26 =	sadd.s32 s10, s11;
	s11 =	smul.u32 $0xA000, s12  }
0x14: {  	s9 =	sshrl.u32 s9, $0x2;
	s29 =	simm.s32 $0x14080;
	s12 =	smul.u32 $0xA000, s16  }
0x15: {  	s8 =	sadd.s32 s9, s3;
	s13 =	sshrl.u32 s14, $0x2;
	s14 =	smul.u32 $0xA000, s18  }
0x16: {  	s17 =	sadd.s32 s10, s17;
	s16 =	sshrl.u32 s11, $0x2;
	s18 =	smul.u32 $0xA000, s19  }
0x17: {  	s19 =	sshrl.u32 s12, $0x2;
	s17 =	sshrl.u32 s17, $0x3;
	s9 =	sadd.s32 s13, s3  }
0x18: {  	s10 =	sadd.s32 s16, s3;
	s11 =	sadd.s32 s19, s3;
	s19 =	sshrl.u32 s20, $0x2  }
0x19: {  	s20 =	sshrl.u32 s22, $0x3;
	s22 =	sshrl.u32 s23, $0x3;
	s13 =	sshrl.u32 s14, $0x2  }
0x1a: {  	s18 =	sshrl.u32 s18, $0x2;
	s14 =	sadd.s32 s19, s3;
	s16 =	sadd.s32 s2, s20  }
0x1b: {  	s23 =	sadd.s32 s2, s22;
	s19 =	sshrl.u32 s25, $0x3;
	s20 =	sadd.s32 s2, s17  }
0x1c: {  	s25 =	sshrl.u32 s28, $0x3;
	s28 =	simm.s32 $0x13880;
	[dreg:$0x4] =	wrdreg s16  }
0x1d: {  	s17 =	simm.s32 $0x0;
	s12 =	sadd.s32 s13, s3;
	[dreg:$0x5] =	wrdreg s23  }
0x1e: {  	s13 =	sadd.s32 s18, s3;
	s18 =	sshrl.u32 s24, $0x3;
	[dreg:$0x7] =	wrdreg s20  }
0x1f: {  	s22 =	sadd.s32 s2, s19;
	s23 =	sshrl.u32 s21, $0x3;
	s24 =	sshrl.u32 s26, $0x3  }
0x20: {  	s16 =	sadd.s32 s2, s18;
	[dreg:$0x8] =	wrdreg s22;
	s26 =	sadd.s32 s2, s24  }
0x21: {  	s24 =	smax.u32 s0, $0x1;
	s0 =	simm.s32 $0x14980;
	[dreg:$0x6] =	wrdreg s16  }
0x22: {  	s16 =	sadd.s32 s2, s23;
	[dreg:$0xa] =	wrdreg s26;
	s2 =	sadd.s32 s2, s25  }
0x23: {  	s25 =	simm.s32 $0x17180;
	s26 =	simm.s32 $0x2;
	[dreg:$0x9] =	wrdreg s16  }
0x24: {  	v0 =	vimm.f32 $0.0e+00;
	[dreg:$0xb] =	wrdreg s2;
	s2 =	simm.s32 $0x1;
	s16 =	simm.s32 $0x14900  }
.LBB2_1:
0x25: {  	s18 =	sand.u32 $0xFE00, s4  }
0x26: {  	s19 =	sand.u32 $0x70, s4;
	s20 =	sshrl.u32 s18, $0x2  }
0x27: {  	s18 =	simm.s32 $0x40;
	s20 =	sor.u32 s19, s20;
	s19 =	simm.s32 $0x0  }
.LBB2_2:
0x28: {  	p1 =	sne.s32 s18, $0x9FC0  }
0x29: {  	[tilespmem:s20+$0x17180] =	vst v0;
	s19 =	sadd.s32 $0x10, s19;
	s20 =	smov.u32 s18;
	s18 =	sadd.s32 $0x40, s18  }
.Ltmp0:
0x2a: {  	(pc) =	sbr.rel @p1 .LBB2_2-.Ltmp0, $4  }
0x2b: {  	_ = 	snop  }
0x2c: {  	s20 =	sand.u32 $0xFE00, s20  }
0x2d: {  	s21 =	sand.u32 $0x70, s19;
	s20 =	sshrl.u32 s20, $0x2  }
0x2e: {  	s20 =	sor.u32 s21, s20  }
0x2f: {  	[tilespmem:s20+$0x17180] =	vst v0  }
0x30: {  	[spmem:s7] =	stream.linear.scatter [tilespmem:s25], [sflag:$0x2], $0x2800, $0x38;
	[tilespmem:$0x19980] =	vst v63  }
0x31: {  	_ =	swait.ge [sflag:s26], $0x2800  }
0x32: {  	[sflag:s26] =	ssyncset.done $0x0  }
0x33: {  	[sflag:s26] =	ssyncadd.s32 $0xFFFFD800  }
0x34: {  	[spmem:s8] =	stream.linear.scatter [tilespmem:s25], [sflag:$0x2], $0x2800, $0x38;
	[tilespmem:$0x19980] =	vst v63  }
0x35: {  	_ =	swait.ge [sflag:s26], $0x2800  }
0x36: {  	[sflag:s26] =	ssyncset.done $0x0  }
0x37: {  	[sflag:s26] =	ssyncadd.s32 $0xFFFFD800  }
0x38: {  	[spmem:s9] =	stream.linear.scatter [tilespmem:s25], [sflag:$0x2], $0x2800, $0x38;
	[tilespmem:$0x19980] =	vst v63  }
0x39: {  	_ =	swait.ge [sflag:s26], $0x2800  }
0x3a: {  	[sflag:s26] =	ssyncset.done $0x0  }
0x3b: {  	[sflag:s26] =	ssyncadd.s32 $0xFFFFD800  }
0x3c: {  	[spmem:s10] =	stream.linear.scatter [tilespmem:s25], [sflag:$0x2], $0x2800, $0x38;
	[tilespmem:$0x19980] =	vst v63  }
0x3d: {  	_ =	swait.ge [sflag:s26], $0x2800  }
0x3e: {  	[sflag:s26] =	ssyncset.done $0x0  }
0x3f: {  	[sflag:s26] =	ssyncadd.s32 $0xFFFFD800  }
0x40: {  	[spmem:s11] =	stream.linear.scatter [tilespmem:s25], [sflag:$0x2], $0x2800, $0x38;
	[tilespmem:$0x19980] =	vst v63  }
0x41: {  	_ =	swait.ge [sflag:s26], $0x2800  }
0x42: {  	[sflag:s26] =	ssyncset.done $0x0  }
0x43: {  	[sflag:s26] =	ssyncadd.s32 $0xFFFFD800  }
0x44: {  	[spmem:s12] =	stream.linear.scatter [tilespmem:s25], [sflag:$0x2], $0x2800, $0x38;
	[tilespmem:$0x19980] =	vst v63  }
0x45: {  	_ =	swait.ge [sflag:s26], $0x2800  }
0x46: {  	[sflag:s26] =	ssyncset.done $0x0  }
0x47: {  	[sflag:s26] =	ssyncadd.s32 $0xFFFFD800  }
0x48: {  	[spmem:s13] =	stream.linear.scatter [tilespmem:s25], [sflag:$0x2], $0x2800, $0x38;
	[tilespmem:$0x19980] =	vst v63  }
0x49: {  	_ =	swait.ge [sflag:s26], $0x2800  }
0x4a: {  	[sflag:s26] =	ssyncset.done $0x0  }
0x4b: {  	s18 =	simm.s32 @!p0 $0x17180;
	[sflag:s26] =	ssyncadd.s32 $0xFFFFD800  }
0x4c: {  	[spmem:s14] =	stream.linear.scatter @!p0 [tilespmem:s18], [sflag:$0x2], $0x2800, $0x38;
	[tilespmem:$0x19980] =	vst v63  }
0x4d: {  	s18 =	simm.s32 @!p0 $0x2  }
0x4e: {  	_ =	swait.ge @!p0 [sflag:s18], $0x2800  }
0x4f: {  	[sflag:s18] =	ssyncset.done @!p0 $0x0  }
0x50: {  	[sflag:s18] =	ssyncadd.s32 @!p0 $0xFFFFD800  }
0x51: {  	s19 =	simm.s32 $0x0;
	s18 =	simm.s32 $0x0;
	[bflag:$0x0] =	sbarrier.arrive $0xFFFF  }
.LBB2_4:
0x52: {  	s20 =	smul.u32 $0x7D0, s19;
	_ =	sdelay $0x1  }
0x53: {  	s20 =	sadd.s32 s15, s20  }
0x54: {  	s20 =	sshrl.u32 s20, $0x3  }
0x55: {  	s21 =	sadd.s32 s5, s20  }
0x56: {  	[tilespmem:s28], [sflag:$0x2] =	stream.linear.gather [hbm4b:s21+s18], $0x7D0, $0x38;
	[tilespmem:$0x19980] =	vst v63  }
0x57: {  	_ =	swait.ge [sflag:s26], $0x7D0  }
0x58: {  	[sflag:s26] =	ssyncset.done $0x0  }
0x59: {  	s20 =	sadd.s32 s6, s20;
	[sflag:s26] =	ssyncadd.s32 $0xFFFFF830  }
0x5a: {  	[tilespmem:s29], [sflag:$0x2] =	stream.linear.gather [hbm4b:s20+s18], $0x7D0, $0x38;
	[tilespmem:$0x19980] =	vst v63  }
0x5b: {  	_ =	swait.ge [sflag:s26], $0x7D0  }
0x5c: {  	[sflag:s26] =	ssyncset.done $0x0  }
0x5d: {  	s23 =	simm.s32 $0x0;
	[sflag:s26] =	ssyncadd.s32 $0xFFFFF830  }
0x5e: {  	v1 =	vld [tilespmem:s23+$0x13880];
	_ =	sdelay $0x4  }
0x5f: {  	[tilespmem:$0x14880] =	vst v1  }
0x60: {  	v1 =	vld [tilespmem:s23+$0x14080];
	_ =	sdelay $0x4  }
0x61: {  	[tilespmem:$0x14900] =	vst v1  }
0x62: {  	v1 =	vld [tilespmem:s23+$0x13890];
	_ =	sdelay $0x4  }
0x63: {  	[tilespmem:$0x14890] =	vst v1  }
0x64: {  	v1 =	vld [tilespmem:s23+$0x14090];
	_ =	sdelay $0x4  }
0x65: {  	[tilespmem:$0x14910] =	vst v1  }
0x66: {  	v1 =	vld [tilespmem:s23+$0x138A0];
	_ =	sdelay $0x4  }
0x67: {  	[tilespmem:$0x148A0] =	vst v1  }
0x68: {  	v1 =	vld [tilespmem:s23+$0x140A0];
	_ =	sdelay $0x4  }
0x69: {  	[tilespmem:$0x14920] =	vst v1  }
0x6a: {  	v1 =	vld [tilespmem:s23+$0x138B0];
	_ =	sdelay $0x4  }
0x6b: {  	[tilespmem:$0x148B0] =	vst v1  }
0x6c: {  	v1 =	vld [tilespmem:s23+$0x140B0];
	_ =	sdelay $0x4  }
0x6d: {  	[tilespmem:$0x14930] =	vst v1  }
0x6e: {  	v1 =	vld [tilespmem:s23+$0x138C0];
	_ =	sdelay $0x4  }
0x6f: {  	[tilespmem:$0x148C0] =	vst v1  }
0x70: {  	v1 =	vld [tilespmem:s23+$0x140C0];
	_ =	sdelay $0x4  }
0x71: {  	[tilespmem:$0x14940] =	vst v1  }
0x72: {  	[tilespmem:s0], [sflag:$0x1] =	stream.indirect.gather [hbm4b:s1+s30], $0x80, s31, s30, $0xb8;
	[tilespmem:$0x19980] =	vst v63  }
0x73: {  	_ =	swait.ge [sflag:s2], $0x2800  }
0x74: {  	[sflag:s2] =	ssyncset.done $0x0  }
0x75: {  	[sflag:s2] =	ssyncadd.s32 $0xFFFFD800  }
0x76: {  	[spmem:s3] =	stream.indirect.scatter.add.f32 [tilespmem:s0], [sflag:$0x2], $0x80, s16, s30, $0xb8;
	[tilespmem:$0x19980] =	vst v63  }
0x77: {  	_ =	swait.ge [sflag:s26], $0x2800  }
0x78: {  	s21 =	simm.s32 $0x280;
	s20 =	simm.s32 $0x140;
	[sflag:s26] =	ssyncset.done $0x0  }
.LBB2_5:
0x79: {  	s22 =	sshra.s32 s20, $0x2  }
0x7a: {  	[sflag:s26] =	ssyncadd.s32 $0xFFFFD800;
	s20 =	smov.u32 s21;
	s23 =	sadd.s32 $0x140, s21  }
0x7b: {  	p1 =	sne.s32 s21, $0x1E00;
	v1 =	vld [tilespmem:s22+$0x13880];
	_ =	sdelay $0x4  }
0x7c: {  	[tilespmem:$0x14880] =	vst v1  }
0x7d: {  	v1 =	vld [tilespmem:s22+$0x14080];
	_ =	sdelay $0x4  }
0x7e: {  	[tilespmem:$0x14900] =	vst v1  }
0x7f: {  	v1 =	vld [tilespmem:s22+$0x13890];
	_ =	sdelay $0x4  }
0x80: {  	[tilespmem:$0x14890] =	vst v1  }
0x81: {  	v1 =	vld [tilespmem:s22+$0x14090];
	_ =	sdelay $0x4  }
0x82: {  	[tilespmem:$0x14910] =	vst v1  }
0x83: {  	v1 =	vld [tilespmem:s22+$0x138A0];
	_ =	sdelay $0x4  }
0x84: {  	[tilespmem:$0x148A0] =	vst v1  }
0x85: {  	v1 =	vld [tilespmem:s22+$0x140A0];
	_ =	sdelay $0x4  }
0x86: {  	[tilespmem:$0x14920] =	vst v1  }
0x87: {  	v1 =	vld [tilespmem:s22+$0x138B0];
	_ =	sdelay $0x4  }
0x88: {  	[tilespmem:$0x148B0] =	vst v1  }
0x89: {  	v1 =	vld [tilespmem:s22+$0x140B0];
	_ =	sdelay $0x4  }
0x8a: {  	[tilespmem:$0x14930] =	vst v1  }
0x8b: {  	v1 =	vld [tilespmem:s22+$0x138C0];
	_ =	sdelay $0x4  }
0x8c: {  	[tilespmem:$0x148C0] =	vst v1  }
0x8d: {  	v1 =	vld [tilespmem:s22+$0x140C0];
	_ =	sdelay $0x4  }
0x8e: {  	[tilespmem:$0x14940] =	vst v1  }
0x8f: {  	[tilespmem:s0], [sflag:$0x1] =	stream.indirect.gather [hbm4b:s1+s30], $0x80, s31, s30, $0xb8;
	[tilespmem:$0x19980] =	vst v63  }
0x90: {  	_ =	swait.ge [sflag:s2], $0x2800  }
.Ltmp1:
0x91: {  	[sflag:s2] =	ssyncset.done $0x0;
	(pc) =	sbr.rel @p1 .LBB2_5-.Ltmp1, $4  }
0x92: {  	[sflag:s2] =	ssyncadd.s32 $0xFFFFD800  }
0x93: {  	[spmem:s3] =	stream.indirect.scatter.add.f32 [tilespmem:s0], [sflag:$0x2], $0x80, s16, s30, $0xb8;
	[tilespmem:$0x19980] =	vst v63  }
0x94: {  	_ =	swait.ge [sflag:s26], $0x2800  }
0x95: {  	s21 =	smov.u32 s23;
	[sflag:s26] =	ssyncset.done $0x0  }
0x96: {  	s20 =	sshra.s32 s20, $0x2;
	[sflag:s26] =	ssyncadd.s32 $0xFFFFD800  }
0x97: {  	v1 =	vld [tilespmem:s20+$0x13880];
	_ =	sdelay $0x4  }
0x98: {  	[tilespmem:$0x14880] =	vst v1  }
0x99: {  	v1 =	vld [tilespmem:s20+$0x14080];
	_ =	sdelay $0x4  }
0x9a: {  	[tilespmem:$0x14900] =	vst v1  }
0x9b: {  	v1 =	vld [tilespmem:s20+$0x13890];
	_ =	sdelay $0x4  }
0x9c: {  	[tilespmem:$0x14890] =	vst v1  }
0x9d: {  	v1 =	vld [tilespmem:s20+$0x14090];
	_ =	sdelay $0x4  }
0x9e: {  	[tilespmem:$0x14910] =	vst v1  }
0x9f: {  	v1 =	vld [tilespmem:s20+$0x138A0];
	_ =	sdelay $0x4  }
0xa0: {  	[tilespmem:$0x148A0] =	vst v1  }
0xa1: {  	v1 =	vld [tilespmem:s20+$0x140A0];
	_ =	sdelay $0x4  }
0xa2: {  	[tilespmem:$0x14920] =	vst v1  }
0xa3: {  	v1 =	vld [tilespmem:s20+$0x138B0];
	_ =	sdelay $0x4  }
0xa4: {  	[tilespmem:$0x148B0] =	vst v1  }
0xa5: {  	v1 =	vld [tilespmem:s20+$0x140B0];
	_ =	sdelay $0x4  }
0xa6: {  	[tilespmem:$0x14930] =	vst v1  }
0xa7: {  	v1 =	vld [tilespmem:s20+$0x138C0];
	_ =	sdelay $0x4  }
0xa8: {  	[tilespmem:$0x148C0] =	vst v1  }
0xa9: {  	v1 =	vld [tilespmem:s20+$0x140C0];
	_ =	sdelay $0x4  }
0xaa: {  	[tilespmem:$0x14940] =	vst v1  }
0xab: {  	[tilespmem:s0], [sflag:$0x1] =	stream.indirect.gather [hbm4b:s1+s30], $0x80, s31, s30, $0xb8;
	[tilespmem:$0x19980] =	vst v63  }
0xac: {  	s19 =	sadd.s32 $0x1, s19;
	_ =	swait.ge [sflag:s2], $0x2800  }
0xad: {  	p1 =	sne.s32 s19, $0x5;
	[sflag:s2] =	ssyncset.done $0x0  }
.Ltmp2:
0xae: {  	[sflag:s2] =	ssyncadd.s32 $0xFFFFD800;
	(pc) =	sbr.rel @p1 .LBB2_4-.Ltmp2, $4  }
0xaf: {  	[spmem:s3] =	stream.indirect.scatter.add.f32 [tilespmem:s0], [sflag:$0x2], $0x80, s16, s30, $0xb8;
	[tilespmem:$0x19980] =	vst v63  }
0xb0: {  	_ =	swait.ge [sflag:s26], $0x2800  }
0xb1: {  	[sflag:s26] =	ssyncset.done $0x0  }
0xb2: {  	[sflag:s26] =	ssyncadd.s32 $0xFFFFD800  }
0xb3: {  	[bflag:$0x0] =	sbarrier.arrive $0xFFFF  }
0xb4: {  	[tilespmem:s25], [sflag:$0x2] =	stream.linear.gather [spmem:s7], $0x2800, $0x38;
	[tilespmem:$0x19980] =	vst v63  }
0xb5: {  	_ =	swait.ge [sflag:s26], $0x2800  }
0xb6: {  	[sflag:s26] =	ssyncset.done $0x0  }
0xb7: {  	s18 =	rddreg [dreg:$0x4];
	[sflag:s26] =	ssyncadd.s32 $0xFFFFD800  }
0xb8: {  	[hbm4b:s18+s4] =	stream.linear.scatter [tilespmem:s25], [sflag:$0x2], $0x2800, $0x38;
	[tilespmem:$0x19980] =	vst v63  }
0xb9: {  	_ =	swait.ge [sflag:s26], $0x2800  }
0xba: {  	[sflag:s26] =	ssyncset.done $0x0  }
0xbb: {  	[sflag:s26] =	ssyncadd.s32 $0xFFFFD800  }
0xbc: {  	[tilespmem:s25], [sflag:$0x2] =	stream.linear.gather [spmem:s8], $0x2800, $0x38;
	[tilespmem:$0x19980] =	vst v63  }
0xbd: {  	_ =	swait.ge [sflag:s26], $0x2800  }
0xbe: {  	[sflag:s26] =	ssyncset.done $0x0  }
0xbf: {  	s23 =	rddreg [dreg:$0x5];
	[sflag:s26] =	ssyncadd.s32 $0xFFFFD800  }
0xc0: {  	[hbm4b:s23+s4] =	stream.linear.scatter [tilespmem:s25], [sflag:$0x2], $0x2800, $0x38;
	[tilespmem:$0x19980] =	vst v63  }
0xc1: {  	_ =	swait.ge [sflag:s26], $0x2800  }
0xc2: {  	[sflag:s26] =	ssyncset.done $0x0  }
0xc3: {  	[sflag:s26] =	ssyncadd.s32 $0xFFFFD800  }
0xc4: {  	[tilespmem:s25], [sflag:$0x2] =	stream.linear.gather [spmem:s9], $0x2800, $0x38;
	[tilespmem:$0x19980] =	vst v63  }
0xc5: {  	_ =	swait.ge [sflag:s26], $0x2800  }
0xc6: {  	[sflag:s26] =	ssyncset.done $0x0  }
0xc7: {  	s19 =	rddreg [dreg:$0x6];
	[sflag:s26] =	ssyncadd.s32 $0xFFFFD800  }
0xc8: {  	[hbm4b:s19+s4] =	stream.linear.scatter [tilespmem:s25], [sflag:$0x2], $0x2800, $0x38;
	[tilespmem:$0x19980] =	vst v63  }
0xc9: {  	_ =	swait.ge [sflag:s26], $0x2800  }
0xca: {  	[sflag:s26] =	ssyncset.done $0x0  }
0xcb: {  	[sflag:s26] =	ssyncadd.s32 $0xFFFFD800  }
0xcc: {  	[tilespmem:s25], [sflag:$0x2] =	stream.linear.gather [spmem:s10], $0x2800, $0x38;
	[tilespmem:$0x19980] =	vst v63  }
0xcd: {  	_ =	swait.ge [sflag:s26], $0x2800  }
0xce: {  	[sflag:s26] =	ssyncset.done $0x0  }
0xcf: {  	s20 =	rddreg [dreg:$0x7];
	[sflag:s26] =	ssyncadd.s32 $0xFFFFD800  }
0xd0: {  	[hbm4b:s20+s4] =	stream.linear.scatter [tilespmem:s25], [sflag:$0x2], $0x2800, $0x38;
	[tilespmem:$0x19980] =	vst v63  }
0xd1: {  	_ =	swait.ge [sflag:s26], $0x2800  }
0xd2: {  	[sflag:s26] =	ssyncset.done $0x0  }
0xd3: {  	[sflag:s26] =	ssyncadd.s32 $0xFFFFD800  }
0xd4: {  	[tilespmem:s25], [sflag:$0x2] =	stream.linear.gather [spmem:s11], $0x2800, $0x38;
	[tilespmem:$0x19980] =	vst v63  }
0xd5: {  	_ =	swait.ge [sflag:s26], $0x2800  }
0xd6: {  	[sflag:s26] =	ssyncset.done $0x0  }
0xd7: {  	s21 =	rddreg [dreg:$0x8];
	[sflag:s26] =	ssyncadd.s32 $0xFFFFD800  }
0xd8: {  	[hbm4b:s21+s4] =	stream.linear.scatter [tilespmem:s25], [sflag:$0x2], $0x2800, $0x38;
	[tilespmem:$0x19980] =	vst v63  }
0xd9: {  	_ =	swait.ge [sflag:s26], $0x2800  }
0xda: {  	[sflag:s26] =	ssyncset.done $0x0  }
0xdb: {  	[sflag:s26] =	ssyncadd.s32 $0xFFFFD800  }
0xdc: {  	[tilespmem:s25], [sflag:$0x2] =	stream.linear.gather [spmem:s12], $0x2800, $0x38;
	[tilespmem:$0x19980] =	vst v63  }
0xdd: {  	_ =	swait.ge [sflag:s26], $0x2800  }
0xde: {  	[sflag:s26] =	ssyncset.done $0x0  }
0xdf: {  	s22 =	rddreg [dreg:$0x9];
	[sflag:s26] =	ssyncadd.s32 $0xFFFFD800  }
0xe0: {  	[hbm4b:s22+s4] =	stream.linear.scatter [tilespmem:s25], [sflag:$0x2], $0x2800, $0x38;
	[tilespmem:$0x19980] =	vst v63  }
0xe1: {  	_ =	swait.ge [sflag:s26], $0x2800  }
0xe2: {  	[sflag:s26] =	ssyncset.done $0x0  }
0xe3: {  	[sflag:s26] =	ssyncadd.s32 $0xFFFFD800  }
0xe4: {  	[tilespmem:s25], [sflag:$0x2] =	stream.linear.gather [spmem:s13], $0x2800, $0x38;
	[tilespmem:$0x19980] =	vst v63  }
0xe5: {  	_ =	swait.ge [sflag:s26], $0x2800  }
0xe6: {  	[sflag:s26] =	ssyncset.done $0x0  }
0xe7: {  	s23 =	rddreg [dreg:$0xa];
	[sflag:s26] =	ssyncadd.s32 $0xFFFFD800  }
0xe8: {  	[hbm4b:s23+s4] =	stream.linear.scatter [tilespmem:s25], [sflag:$0x2], $0x2800, $0x38;
	[tilespmem:$0x19980] =	vst v63  }
0xe9: {  	_ =	swait.ge [sflag:s26], $0x2800  }
0xea: {  	[sflag:s26] =	ssyncset.done $0x0  }
0xeb: {  	s18 =	simm.s32 @!p0 $0x17180;
	s19 =	simm.s32 @!p0 $0x2;
	[sflag:s26] =	ssyncadd.s32 $0xFFFFD800  }
0xec: {  	[tilespmem:s18], [sflag:$0x2] =	stream.linear.gather @!p0 [spmem:s14], $0x2800, $0x38;
	[tilespmem:$0x19980] =	vst v63  }
0xed: {  	s17 =	sadd.s32 $0x1, s17;
	_ =	swait.ge @!p0 [sflag:s19], $0x2800  }
0xee: {  	p1 =	sne.s32 s17, s24;
	s20 =	simm.s32 @!p0 $0x0;
	[sflag:s19] =	ssyncset.done @!p0 $0x0  }
.Ltmp3:
0xef: {  	s21 =	rddreg [dreg:$0xb];
	[sflag:s19] =	ssyncadd.s32 @!p0 $0xFFFFD800;
	(pc) =	sbr.rel @p1 .LBB2_1-.Ltmp3, $4  }
0xf0: {  	[hbm4b:s21+s20] =	stream.linear.scatter @!p0 [tilespmem:s18], [sflag:$0x2], $0x2800, $0x38;
	[tilespmem:$0x19980] =	vst v63  }
0xf1: {  	_ =	swait.ge @!p0 [sflag:s19], $0x2800  }
0xf2: {  	[sflag:s19] =	ssyncset.done @!p0 $0x0  }
0xf3: {  	[sflag:s19] =	ssyncadd.s32 @!p0 $0xFFFFD800  }
0xf4: {  	_ =	sfence.sel $0x180000  }
0xf5: {  	[bflag:$0x0] =	sbarrier.arrive $0xFFFF  }
0xf6: {  	_ =	strace $0x9000004A  }
0xf7: {  	s0 =	stileid.u32;
	[bflag:$0x2] =	sbarrier.arrive $0xFFFF  }
0xf8: {  	p0 =	sne.s32 s0, $0x0;
	s0 =	rddreg [dreg:$0x3]  }
0xf9: {  	s0 =	sadd.s32 @!p0 $0x100000, s0  }
0xfa: {  	[sflag:s0] =	ssyncadd.tile.s32 @!p0 $0x1;
	_ =	shalt  }
.Lfunc_end2:
_tile_overlayer_lowered:
.L_overlay_start_2:
0xfb: {  	(tag) =	ssettag $0x2  }
0xfc: {  	s0 =	rddreg [dreg:$0x0];
	s2 =	stileid.u32  }
0xfd: {  	s1 =	rddreg [dreg:$0x1];
	p0 =	sne.s32 s2, $0x0  }
0xfe: {  	s3 =	rddreg [dreg:$0x2];
	[bflag:$0x3] =	sbarrier.arrive $0xFFFF;
	s2 =	simm.s32 @!p0 $0x1C02  }
0xff: {  	[timem:s3], [sflag:s2] =	dma.local @!p0 [hbm:s0], s1  }
0x100: {  	s0 =	simm.s32 @!p0 $0x2  }
0x101: {  	_ =	swait.ge @!p0 [sflag:s0], s1  }
0x102: {  	s1 =	ssub.s32 @!p0 $0x0, s1;
	[sflag:s0] =	ssyncset.done @!p0 $0x0  }
0x103: {  	[sflag:s0] =	ssyncadd.s32 @!p0 s1  }
0x104: {  	[bflag:$0x3] =	sbarrier.arrive $0xFFFF  }
0x105: {  	_ =	shalt  }

// kernel: kernel.14.cloned.1.call-start
scs
__scs_entry_jumppad:
0x0: {  	(pc) =	sbr.rel $0x88, $3  }
0x1: {  	(tag) =	ssettag $0x0;
	lr =	simm.s32 $0x1  }
0x2: {  	[smem:$0x3F96] =	sst lr;
	_ =	strace $0xD0000000  }
0x3: {  	_ = 	snop  }
0x4: {  	_ = 	snop  }
0x5: {  	_ = 	snop  }
0x6: {  	_ = 	snop  }
0x7: {  	_ = 	snop  }
__scs_overlays_trampoline_lowered:
0x8: {  	[smem:$0x3FA5] =	sst s0  }
0x9: {  	[smem:$0x3FA6] =	sst s1  }
0xa: {  	[smem:$0x3FA7] =	sst s2  }
0xb: {  	[smem:$0x3FA8] =	sst s3  }
0xc: {  	[smem:$0x3FA9] =	sst s4  }
0xd: {  	[smem:$0x3FAA] =	sst s5  }
0xe: {  	[smem:$0x3FAB] =	sst s6  }
0xf: {  	[smem:$0x3FAC] =	sst s7  }
0x10: {  	[smem:$0x3FAD] =	sst s8  }
0x11: {  	[smem:$0x3FAE] =	sst s9;
	s0 =	simm.s32 @!p0 $0x0  }
0x12: {  	s1 =	sld [smem:$0x3F94];
	s0 =	simm.s32 @p0 $0x1  }
0x13: {  	[smem:$0x3FAF] =	sst s0;
	s0 =	simm.s32 @!p1 $0x0  }
0x14: {  	s2 =	sld [smem:$0x3F93];
	s0 =	simm.s32 @p1 $0x1  }
0x15: {  	[smem:$0x3FB0] =	sst s0;
	s0 =	simm.s32 @!p2 $0x0  }
0x16: {  	s3 =	sld [smem:$0x3FDB];
	s0 =	simm.s32 @p2 $0x1  }
0x17: {  	s4 =	simm.s32 $0x1BF5;
	[smem:$0x3FB2] =	sst s0  }
0x18: {  	s0 =	sld [smem:$0x3F95];
	_ =	swait.ge [sflag:s4], $0x0  }
0x19: {  	s7 =	sld [smem:$0x3F96]  }
0x1a: {  	s8 =	sadd.s32 $0xFFFFE003, lr  }
0x1b: {  	s9 =	sadd.s32 $0xFFFFFEF7, lr;
	s5 =	simm.s32 $0xFFFFFFFF;
	p2 =	slt.u32 s8, $0xFFFFF086  }
0x1c: {  	p1 =	slt.u32 s9, $0xF7A;
	s5 =	simm.s32 @!p2 $0x0  }
0x1d: {  	s5 =	simm.s32 @p1 $0x1;
	p0 =	seq.s32 s7, s2  }
0x1e: {  	s7 =	smul.u32 @!p0 $0xF7A, s2;
	p2 =	seq.s32 @!p0 s5, $0x0  }
0x1f: {  	s9 =	smul.u32 $0xF7A, s1;
	s8 =	simm.s32 @!p0 $0x1BF5;
	p2 =	por !p2, p0  }
0x20: {  	[sflag:s8] =	ssyncset.s32 @!p0 $0xFFFFF086;
	s6 =	sadd.s32 @!p0 s3, s7;
	s7 =	simm.s32 @!p0 $0x108  }
0x21: {  	s3 =	sadd.s32 s3, s9;
	s6 =	sadd.s32 @!p0 $0x88, s6;
	s7 =	simm.s32 @p2 $0x1082  }
0x22: {  	[simem:s7], [sflag:s8] =	dma.local @!p0 [hbm:s6], $0xF7A  }
0x23: {  	s9 =	sor.u32 $0xD0000000, s2;
	s6 =	simm.s32 $0x108;
	_ =	swait.ge @!p0 [sflag:s8], $0x0  }
0x24: {  	s3 =	sadd.s32 $0x88, s3;
	s6 =	simm.s32 @!p1 $0x1082;
	[sflag:s4] =	ssyncset.s32 $0xFFFFF086  }
0x25: {  	[simem:s6], [sflag:s4] =	dma.local [hbm:s3], $0xF7A  }
0x26: {  	[smem:$0x3F96] =	sst s1;
	(tag) =	ssettag s2;
	_ =	strace s9  }
0x27: {  	s1 =	sld [smem:$0x3FA6]  }
0x28: {  	s2 =	sld [smem:$0x3FA7]  }
0x29: {  	s4 =	sld [smem:$0x3FA9]  }
0x2a: {  	p0 =	seq.s32 s5, $0x0;
	s5 =	sld [smem:$0x3FAA]  }
0x2b: {  	s6 =	sld [smem:$0x3FAB]  }
0x2c: {  	s7 =	sld [smem:$0x3FAC]  }
0x2d: {  	s3 =	simm.s32 $0x108;
	s8 =	sld [smem:$0x3FAD]  }
0x2e: {  	s3 =	simm.s32 @!p0 $0x1082;
	s9 =	sld [smem:$0x3FAE]  }
0x2f: {  	lr =	sadd.s32 s0, s3;
	s0 =	sld [smem:$0x3FA5]  }
0x30: {  	s3 =	sld [smem:$0x3FA8]  }
0x31: {  	[smem:$0x3FB1] =	sst s10  }
0x32: {  	s10 =	sld [smem:$0x3FAF];
	_ =	sdelay $0x3  }
0x33: {  	p0 =	seq.s32 s10, $0x1;
	s10 =	sld [smem:$0x3FB1];
	_ =	sdelay $0x3  }
0x34: {  	[smem:$0x3FB1] =	sst s10  }
0x35: {  	s10 =	sld [smem:$0x3FB0];
	_ =	sdelay $0x3  }
0x36: {  	p1 =	seq.s32 s10, $0x1;
	s10 =	sld [smem:$0x3FB1];
	_ =	sdelay $0x3  }
0x37: {  	[smem:$0x3FB1] =	sst s10  }
0x38: {  	s10 =	sld [smem:$0x3FB2]  }
0x39: {  	_ = 	snop;
	(pc) =	sbr.ind lr, $3  }
0x3a: {  	_ = 	snop  }
0x3b: {  	_ = 	snop  }
0x3c: {  	p2 =	seq.s32 s10, $0x1;
	s10 =	sld [smem:$0x3FB1]  }
0x3d: {  	_ =	shalt  }
0x3e: {  	_ =	shalt  }
0x3f: {  	_ =	shalt  }
0x40: {  	_ =	shalt  }
0x41: {  	_ =	shalt  }
0x42: {  	_ =	shalt  }
0x43: {  	_ =	shalt  }
0x44: {  	_ =	shalt  }
0x45: {  	_ =	shalt  }
0x46: {  	_ =	shalt  }
0x47: {  	_ =	shalt  }
0x48: {  	_ =	shalt  }
0x49: {  	_ =	shalt  }
0x4a: {  	_ =	shalt  }
0x4b: {  	_ =	shalt  }
0x4c: {  	_ =	shalt  }
0x4d: {  	_ =	shalt  }
0x4e: {  	_ =	shalt  }
0x4f: {  	_ =	shalt  }
0x50: {  	_ =	shalt  }
0x51: {  	_ =	shalt  }
0x52: {  	_ =	shalt  }
0x53: {  	_ =	shalt  }
0x54: {  	_ =	shalt  }
0x55: {  	_ =	shalt  }
0x56: {  	_ =	shalt  }
0x57: {  	_ =	shalt  }
0x58: {  	_ =	shalt  }
0x59: {  	_ =	shalt  }
0x5a: {  	_ =	shalt  }
0x5b: {  	_ =	shalt  }
0x5c: {  	_ =	shalt  }
0x5d: {  	_ =	shalt  }
0x5e: {  	_ =	shalt  }
0x5f: {  	_ =	shalt  }
0x60: {  	_ =	shalt  }
0x61: {  	_ =	shalt  }
0x62: {  	_ =	shalt  }
0x63: {  	_ =	shalt  }
0x64: {  	_ =	shalt  }
0x65: {  	_ =	shalt  }
0x66: {  	_ =	shalt  }
0x67: {  	_ =	shalt  }
0x68: {  	_ =	shalt  }
0x69: {  	_ =	shalt  }
0x6a: {  	_ =	shalt  }
0x6b: {  	_ =	shalt  }
0x6c: {  	_ =	shalt  }
0x6d: {  	_ =	shalt  }
0x6e: {  	_ =	shalt  }
0x6f: {  	_ =	shalt  }
0x70: {  	_ =	shalt  }
0x71: {  	_ =	shalt  }
0x72: {  	_ =	shalt  }
0x73: {  	_ =	shalt  }
0x74: {  	_ =	shalt  }
0x75: {  	_ =	shalt  }
0x76: {  	_ =	shalt  }
0x77: {  	_ =	shalt  }
0x78: {  	_ =	shalt  }
0x79: {  	_ =	shalt  }
0x7a: {  	_ =	shalt  }
0x7b: {  	_ =	shalt  }
0x7c: {  	_ =	shalt  }
0x7d: {  	_ =	shalt  }
0x7e: {  	_ =	shalt  }
0x7f: {  	_ =	shalt  }
0x80: {  	_ =	shalt  }
0x81: {  	_ =	shalt  }
0x82: {  	_ =	shalt  }
0x83: {  	_ =	shalt  }
0x84: {  	_ =	shalt  }
0x85: {  	_ =	shalt  }
0x86: {  	_ =	shalt  }
0x87: {  	_ =	shalt  }
.Lfunc_end0:
.L_simem_size_0:
called_computation.2_lowered:
.L_overlay_start_0:
0x88: {  	s2 =	sld [smem:$0x3FD9]  }
0x89: {  	s3 =	sld [smem:$0x3FFE];
	_ =	sdelay $0x1  }
0x8a: {  	s1 =	srdreg.scid  }
0x8b: {  	s0 =	sand.u32 $0x1, s1  }
0x8c: {  	s17 =	sshll.u32 s0, $0xA;
	s2 =	sadd.s32 s3, s2  }
0x8d: {  	s2 =	sadd.s32 s2, s17  }
0x8e: {  	[smem:$0x3FBD] =	sst s2  }
0x8f: {  	_ = 	snop  }
0x90: {  	s2 =	sld [smem:$0x3FD0];
	(tm) =	ssettm $0x1  }
0x91: {  	s18 =	sld [smem:$0x3FFB];
	_ =	sdelay $0x3  }
0x92: {  	_ =	strace s18  }
0x93: {  	s3 =	sld [smem:$0x3FFC];
	_ =	sdelay $0x3  }
0x94: {  	_ =	strace s3  }
0x95: {  	s3 =	sld [smem:$0x3FFD];
	_ =	sdelay $0x3  }
0x96: {  	_ =	strace s3  }
0x97: {  	_ =	strace $0x8FFFFFFF  }
0x98: {  	s19 =	sld [smem:$0x3FDB];
	_ =	sdelay $0x1  }
0x99: {  	s4 =	simm.s32 $_scs_section_size  }
0x9a: {  	s5 =	simm.s32 $_size__tile_overlayer_lowered;
	s6 =	simm.s32 $_tile_overlayer_lowered  }
0x9b: {  	s22 =	simm.s32 $0x1BFF;
	s21 =	sshll.u32 s6, $0x1;
	s3 =	sadd.s32 s4, s19  }
0x9c: {  	s7 =	simm.s32 $0x0;
	s20 =	sshll.u32 s5, $0x1;
	s5 =	sadd.s32 s21, s3  }
0x9d: {  	[timem:s7], [sflag:s22] =	dma.local [hbm:s5], s20  }
0x9e: {  	_ =	swait.ge [sflag:s22], s20  }
0x9f: {  	s4 =	ssub.s32 $0x0, s20;
	[sflag:s22] =	ssyncset.done $0x0  }
0xa0: {  	[sflag:s22] =	ssyncadd.s32 s4;
	_ =	sdelay $0x1  }
0xa1: {  	s23 =	simm.s32 $0x1B8B  }
0xa2: {  	_ =	swait.ge [sflag:s23], $0x1  }
0xa3: {  	[sflag:s23] =	ssyncset.done $0x0  }
0xa4: {  	s25 =	simm.s32 $0x1B8E;
	s24 =	sld [smem:$0x3FFE];
	[sflag:s23] =	ssyncadd.s32 $0xFFFFFFFF  }
0xa5: {  	s26 =	simm.s32 $execute0_lowered;
	[smem:$0x3FD2] =	sst s25  }
0xa6: {  	s5 =	sshll.u32 s26, $0x1;
	_ =	strace $0x8000004C;
	[dreg:$0x1] =	wrdreg $0xFFFFFFFF  }
0xa7: {  	s28 =	simm.s32 $_size_execute0_lowered;
	s3 =	sadd.s32 s3, s5;
	[dreg:$0x0] =	wrdreg $0x0  }
0xa8: {  	s5 =	sshll.u32 s28, $0x1;
	[dreg:$0x2] =	wrdreg s3  }
0xa9: {  	[dreg:$0x3] =	wrdreg s5  }
0xaa: {  	[dreg:$0x4] =	wrdreg $0xC0  }
0xab: {  	_ =	task [dreg:s7], $0x5FFFF  }
0xac: {  	[dreg:$0x1] =	wrdreg $0xFFFFFFFF  }
0xad: {  	[dreg:$0x0] =	wrdreg $0x60  }
0xae: {  	[dreg:$0x2] =	wrdreg s2  }
0xaf: {  	[dreg:$0x3] =	wrdreg s24  }
0xb0: {  	[dreg:$0x4] =	wrdreg $0x0  }
0xb1: {  	[dreg:$0x5] =	wrdreg $0x9  }
0xb2: {  	_ =	task.clear_ibuf [dreg:s7], $0x6FFFF;
	_ =	strace $0x9000004C  }
0xb3: {  	s29 =	simm.s32 $0x9;
	_ =	strace $0x8000004E  }
0xb4: {  	_ =	swait.ge [sflag:s29], $0x1  }
0xb5: {  	[sflag:s29] =	ssyncadd.s32 $0xFFFFFFFF  }
0xb6: {  	_ =	strace $0x9000004E  }
0xb7: {  	_ =	sfence  }
0xb8: {  	s30 =	sld [smem:$0x0];
	_ =	sdelay $0x2  }
0xb9: {  	s31 =	sshll.u32 s1, $0xD;
	s1 =	sshrl.u32 s1, $0x2  }
0xba: {  	s3 =	sand.u32 $0x4000, s31;
	s1 =	sadd.s32 s1, s30  }
0xbb: {  	s0 =	sor.u32 s3, s0;
	s1 =	sshll.u32 s1, $0x11  }
0xbc: {  	s0 =	sor.u32 s1, s0  }
0xbd: {  	s0 =	sadd.s32 $0x8F2B, s0  }
0xbe: {  	[sflag:s0] =	ssyncadd.remote.s32 $0x1  }
0xbf: {  	_ =	sfence.sel $0xFFFF  }
0xc0: {  	[dreg:$0x0] =	wrdreg $0xFFFFFFFF;
	(pc) =	sbr.abs _section_cstart, $3  }
0xc1: {  	[dreg:$0x1] =	wrdreg $0xFFFFFFFF  }
0xc2: {  	_ =	task.clear_ibuf [dreg:s7], $0x2FFFF;
	_ =	strace $0x9FFFFFFF  }
0xc3: {  	(tm) =	ssettm $0x7FFFFFFF  }
tec
execute0_lowered:
.L_overlay_start_1:
0x0: {  	(tag) =	ssettag $0x1  }
0x1: {  	s1 =	rddreg [dreg:$0x0]  }
0x2: {  	s2 =	rddreg [dreg:$0x1]  }
0x3: {  	s3 =	rddreg [dreg:$0x2]  }
0x4: {  	s4 =	simm.s32 $0x0;
	s29 =	stileid.u32;
	s0 =	srdreg.scid  }
0x5: {  	s30 =	simm.s32 $0x50;
	s31 =	simm.s32 $0x14880;
	s7 =	smul.u32 $0xA000, s29  }
0x6: {  	s6 =	sor.u32 $0x10, s29;
	[smem:$0x7FF] =	sst s4;
	s11 =	smul.u32 $0x2800, s29  }
0x7: {  	s8 =	sand.u32 $0x1, s0;
	s5 =	sadd.s32 $0xD000, s2;
	s9 =	smul.u32 $0xA000, s6  }
0x8: {  	s13 =	sor.u32 $0x20, s29;
	s15 =	sshll.u32 s29, $0x1;
	s10 =	smul.u32 $0x138800, s8  }
0x9: {  	s16 =	sor.u32 $0x40, s29;
	s18 =	sor.u32 $0x50, s29;
	s6 =	smul.u32 $0x2800, s6  }
0xa: {  	s19 =	sor.u32 $0x60, s29;
	s20 =	sor.u32 $0x70, s29;
	s14 =	smul.u32 $0x2800, s13  }
0xb: {  	p0 =	sgt.u32 s29, $0xC;
	_ =	strace $0x8000004D;
	s26 =	smul.u32 $0x2800, s16  }
0xc: {  	s0 =	ssub.s32 $0x2, s8;
	s15 =	sor.u32 s8, s15;
	s21 =	smul.u32 $0x2800, s18  }
0xd: {  	s12 =	sshrl.u32 s0, $0x1;
	s7 =	sshrl.u32 s7, $0x2;
	s15 =	smul.u32 $0x2710, s15  }
0xe: {  	s0 =	ssub.s32 s0, s12;
	s22 =	sadd.s32 s11, s10;
	s11 =	smul.u32 $0x2800, s19  }
0xf: {  	s12 =	sor.u32 $0x30, s29;
	s24 =	sadd.s32 s10, s14;
	s14 =	smul.u32 $0x2800, s20  }
0x10: {  	s23 =	sadd.s32 s10, s6;
	s25 =	sadd.s32 s10, s26;
	s20 =	smul.u32 $0xA000, s20  }
0x11: {  	s21 =	sadd.s32 s10, s21;
	s6 =	sadd.s32 $0x3200, s2;
	s17 =	smul.u32 $0x2800, s12  }
0x12: {  	s2 =	sadd.s32 $0x16E00, s2;
	s28 =	sadd.s32 s10, s14;
	s14 =	smul.u32 $0xA000, s13  }
0x13: {  	s7 =	sadd.s32 s7, s3;
	s26 =	sadd.s32 s10, s11;
	s11 =	smul.u32 $0xA000, s12  }
0x14: {  	s9 =	sshrl.u32 s9, $0x2;
	s29 =	simm.s32 $0x14080;
	s12 =	smul.u32 $0xA000, s16  }
0x15: {  	s8 =	sadd.s32 s9, s3;
	s13 =	sshrl.u32 s14, $0x2;
	s14 =	smul.u32 $0xA000, s18  }
0x16: {  	s17 =	sadd.s32 s10, s17;
	s16 =	sshrl.u32 s11, $0x2;
	s18 =	smul.u32 $0xA000, s19  }
0x17: {  	s19 =	sshrl.u32 s12, $0x2;
	s17 =	sshrl.u32 s17, $0x3;
	s9 =	sadd.s32 s13, s3  }
0x18: {  	s10 =	sadd.s32 s16, s3;
	s11 =	sadd.s32 s19, s3;
	s19 =	sshrl.u32 s20, $0x2  }
0x19: {  	s20 =	sshrl.u32 s22, $0x3;
	s22 =	sshrl.u32 s23, $0x3;
	s13 =	sshrl.u32 s14, $0x2  }
0x1a: {  	s18 =	sshrl.u32 s18, $0x2;
	s14 =	sadd.s32 s19, s3;
	s16 =	sadd.s32 s2, s20  }
0x1b: {  	s23 =	sadd.s32 s2, s22;
	s19 =	sshrl.u32 s25, $0x3;
	s20 =	sadd.s32 s2, s17  }
0x1c: {  	s25 =	sshrl.u32 s28, $0x3;
	s28 =	simm.s32 $0x13880;
	[dreg:$0x4] =	wrdreg s16  }
0x1d: {  	s17 =	simm.s32 $0x0;
	s12 =	sadd.s32 s13, s3;
	[dreg:$0x5] =	wrdreg s23  }
0x1e: {  	s13 =	sadd.s32 s18, s3;
	s18 =	sshrl.u32 s24, $0x3;
	[dreg:$0x7] =	wrdreg s20  }
0x1f: {  	s22 =	sadd.s32 s2, s19;
	s23 =	sshrl.u32 s21, $0x3;
	s24 =	sshrl.u32 s26, $0x3  }
0x20: {  	s16 =	sadd.s32 s2, s18;
	[dreg:$0x8] =	wrdreg s22;
	s26 =	sadd.s32 s2, s24  }
0x21: {  	s24 =	smax.u32 s0, $0x1;
	s0 =	simm.s32 $0x14980;
	[dreg:$0x6] =	wrdreg s16  }
0x22: {  	s16 =	sadd.s32 s2, s23;
	[dreg:$0xa] =	wrdreg s26;
	s2 =	sadd.s32 s2, s25  }
0x23: {  	s25 =	simm.s32 $0x17180;
	s26 =	simm.s32 $0x2;
	[dreg:$0x9] =	wrdreg s16  }
0x24: {  	v0 =	vimm.f32 $0.0e+00;
	[dreg:$0xb] =	wrdreg s2;
	s2 =	simm.s32 $0x1;
	s16 =	simm.s32 $0x14900  }
.LBB2_1:
0x25: {  	s18 =	sand.u32 $0xFE00, s4  }
0x26: {  	s19 =	sand.u32 $0x70, s4;
	s20 =	sshrl.u32 s18, $0x2  }
0x27: {  	s18 =	simm.s32 $0x40;
	s20 =	sor.u32 s19, s20;
	s19 =	simm.s32 $0x0  }
.LBB2_2:
0x28: {  	p1 =	sne.s32 s18, $0x9FC0  }
0x29: {  	[tilespmem:s20+$0x17180] =	vst v0;
	s19 =	sadd.s32 $0x10, s19;
	s20 =	smov.u32 s18;
	s18 =	sadd.s32 $0x40, s18  }
.Ltmp0:
0x2a: {  	(pc) =	sbr.rel @p1 .LBB2_2-.Ltmp0, $4  }
0x2b: {  	_ = 	snop  }
0x2c: {  	s20 =	sand.u32 $0xFE00, s20  }
0x2d: {  	s21 =	sand.u32 $0x70, s19;
	s20 =	sshrl.u32 s20, $0x2  }
0x2e: {  	s20 =	sor.u32 s21, s20  }
0x2f: {  	[tilespmem:s20+$0x17180] =	vst v0  }
0x30: {  	[spmem:s7] =	stream.linear.scatter [tilespmem:s25], [sflag:$0x2], $0x2800, $0x38;
	[tilespmem:$0x19980] =	vst v63  }
0x31: {  	_ =	swait.ge [sflag:s26], $0x2800  }
0x32: {  	[sflag:s26] =	ssyncset.done $0x0  }
0x33: {  	[sflag:s26] =	ssyncadd.s32 $0xFFFFD800  }
0x34: {  	[spmem:s8] =	stream.linear.scatter [tilespmem:s25], [sflag:$0x2], $0x2800, $0x38;
	[tilespmem:$0x19980] =	vst v63  }
0x35: {  	_ =	swait.ge [sflag:s26], $0x2800  }
0x36: {  	[sflag:s26] =	ssyncset.done $0x0  }
0x37: {  	[sflag:s26] =	ssyncadd.s32 $0xFFFFD800  }
0x38: {  	[spmem:s9] =	stream.linear.scatter [tilespmem:s25], [sflag:$0x2], $0x2800, $0x38;
	[tilespmem:$0x19980] =	vst v63  }
0x39: {  	_ =	swait.ge [sflag:s26], $0x2800  }
0x3a: {  	[sflag:s26] =	ssyncset.done $0x0  }
0x3b: {  	[sflag:s26] =	ssyncadd.s32 $0xFFFFD800  }
0x3c: {  	[spmem:s10] =	stream.linear.scatter [tilespmem:s25], [sflag:$0x2], $0x2800, $0x38;
	[tilespmem:$0x19980] =	vst v63  }
0x3d: {  	_ =	swait.ge [sflag:s26], $0x2800  }
0x3e: {  	[sflag:s26] =	ssyncset.done $0x0  }
0x3f: {  	[sflag:s26] =	ssyncadd.s32 $0xFFFFD800  }
0x40: {  	[spmem:s11] =	stream.linear.scatter [tilespmem:s25], [sflag:$0x2], $0x2800, $0x38;
	[tilespmem:$0x19980] =	vst v63  }
0x41: {  	_ =	swait.ge [sflag:s26], $0x2800  }
0x42: {  	[sflag:s26] =	ssyncset.done $0x0  }
0x43: {  	[sflag:s26] =	ssyncadd.s32 $0xFFFFD800  }
0x44: {  	[spmem:s12] =	stream.linear.scatter [tilespmem:s25], [sflag:$0x2], $0x2800, $0x38;
	[tilespmem:$0x19980] =	vst v63  }
0x45: {  	_ =	swait.ge [sflag:s26], $0x2800  }
0x46: {  	[sflag:s26] =	ssyncset.done $0x0  }
0x47: {  	[sflag:s26] =	ssyncadd.s32 $0xFFFFD800  }
0x48: {  	[spmem:s13] =	stream.linear.scatter [tilespmem:s25], [sflag:$0x2], $0x2800, $0x38;
	[tilespmem:$0x19980] =	vst v63  }
0x49: {  	_ =	swait.ge [sflag:s26], $0x2800  }
0x4a: {  	[sflag:s26] =	ssyncset.done $0x0  }
0x4b: {  	s18 =	simm.s32 @!p0 $0x17180;
	[sflag:s26] =	ssyncadd.s32 $0xFFFFD800  }
0x4c: {  	[spmem:s14] =	stream.linear.scatter @!p0 [tilespmem:s18], [sflag:$0x2], $0x2800, $0x38;
	[tilespmem:$0x19980] =	vst v63  }
0x4d: {  	s18 =	simm.s32 @!p0 $0x2  }
0x4e: {  	_ =	swait.ge @!p0 [sflag:s18], $0x2800  }
0x4f: {  	[sflag:s18] =	ssyncset.done @!p0 $0x0  }
0x50: {  	[sflag:s18] =	ssyncadd.s32 @!p0 $0xFFFFD800  }
0x51: {  	s19 =	simm.s32 $0x0;
	s18 =	simm.s32 $0x0;
	[bflag:$0x0] =	sbarrier.arrive $0xFFFF  }
.LBB2_4:
0x52: {  	s20 =	smul.u32 $0x7D0, s19;
	_ =	sdelay $0x1  }
0x53: {  	s20 =	sadd.s32 s15, s20  }
0x54: {  	s20 =	sshrl.u32 s20, $0x3  }
0x55: {  	s21 =	sadd.s32 s5, s20  }
0x56: {  	[tilespmem:s28], [sflag:$0x2] =	stream.linear.gather [hbm4b:s21+s18], $0x7D0, $0x38;
	[tilespmem:$0x19980] =	vst v63  }
0x57: {  	_ =	swait.ge [sflag:s26], $0x7D0  }
0x58: {  	[sflag:s26] =	ssyncset.done $0x0  }
0x59: {  	s20 =	sadd.s32 s6, s20;
	[sflag:s26] =	ssyncadd.s32 $0xFFFFF830  }
0x5a: {  	[tilespmem:s29], [sflag:$0x2] =	stream.linear.gather [hbm4b:s20+s18], $0x7D0, $0x38;
	[tilespmem:$0x19980] =	vst v63  }
0x5b: {  	_ =	swait.ge [sflag:s26], $0x7D0  }
0x5c: {  	[sflag:s26] =	ssyncset.done $0x0  }
0x5d: {  	s23 =	simm.s32 $0x0;
	[sflag:s26] =	ssyncadd.s32 $0xFFFFF830  }
0x5e: {  	v1 =	vld [tilespmem:s23+$0x13880];
	_ =	sdelay $0x4  }
0x5f: {  	[tilespmem:$0x14880] =	vst v1  }
0x60: {  	v1 =	vld [tilespmem:s23+$0x14080];
	_ =	sdelay $0x4  }
0x61: {  	[tilespmem:$0x14900] =	vst v1  }
0x62: {  	v1 =	vld [tilespmem:s23+$0x13890];
	_ =	sdelay $0x4  }
0x63: {  	[tilespmem:$0x14890] =	vst v1  }
0x64: {  	v1 =	vld [tilespmem:s23+$0x14090];
	_ =	sdelay $0x4  }
0x65: {  	[tilespmem:$0x14910] =	vst v1  }
0x66: {  	v1 =	vld [tilespmem:s23+$0x138A0];
	_ =	sdelay $0x4  }
0x67: {  	[tilespmem:$0x148A0] =	vst v1  }
0x68: {  	v1 =	vld [tilespmem:s23+$0x140A0];
	_ =	sdelay $0x4  }
0x69: {  	[tilespmem:$0x14920] =	vst v1  }
0x6a: {  	v1 =	vld [tilespmem:s23+$0x138B0];
	_ =	sdelay $0x4  }
0x6b: {  	[tilespmem:$0x148B0] =	vst v1  }
0x6c: {  	v1 =	vld [tilespmem:s23+$0x140B0];
	_ =	sdelay $0x4  }
0x6d: {  	[tilespmem:$0x14930] =	vst v1  }
0x6e: {  	v1 =	vld [tilespmem:s23+$0x138C0];
	_ =	sdelay $0x4  }
0x6f: {  	[tilespmem:$0x148C0] =	vst v1  }
0x70: {  	v1 =	vld [tilespmem:s23+$0x140C0];
	_ =	sdelay $0x4  }
0x71: {  	[tilespmem:$0x14940] =	vst v1  }
0x72: {  	[tilespmem:s0], [sflag:$0x1] =	stream.indirect.gather [hbm4b:s1+s30], $0x80, s31, s30, $0xb8;
	[tilespmem:$0x19980] =	vst v63  }
0x73: {  	_ =	swait.ge [sflag:s2], $0x2800  }
0x74: {  	[sflag:s2] =	ssyncset.done $0x0  }
0x75: {  	[sflag:s2] =	ssyncadd.s32 $0xFFFFD800  }
0x76: {  	[spmem:s3] =	stream.indirect.scatter.add.f32 [tilespmem:s0], [sflag:$0x2], $0x80, s16, s30, $0xb8;
	[tilespmem:$0x19980] =	vst v63  }
0x77: {  	_ =	swait.ge [sflag:s26], $0x2800  }
0x78: {  	s21 =	simm.s32 $0x280;
	s20 =	simm.s32 $0x140;
	[sflag:s26] =	ssyncset.done $0x0  }
.LBB2_5:
0x79: {  	s22 =	sshra.s32 s20, $0x2  }
0x7a: {  	[sflag:s26] =	ssyncadd.s32 $0xFFFFD800;
	s20 =	smov.u32 s21;
	s23 =	sadd.s32 $0x140, s21  }
0x7b: {  	p1 =	sne.s32 s21, $0x1E00;
	v1 =	vld [tilespmem:s22+$0x13880];
	_ =	sdelay $0x4  }
0x7c: {  	[tilespmem:$0x14880] =	vst v1  }
0x7d: {  	v1 =	vld [tilespmem:s22+$0x14080];
	_ =	sdelay $0x4  }
0x7e: {  	[tilespmem:$0x14900] =	vst v1  }
0x7f: {  	v1 =	vld [tilespmem:s22+$0x13890];
	_ =	sdelay $0x4  }
0x80: {  	[tilespmem:$0x14890] =	vst v1  }
0x81: {  	v1 =	vld [tilespmem:s22+$0x14090];
	_ =	sdelay $0x4  }
0x82: {  	[tilespmem:$0x14910] =	vst v1  }
0x83: {  	v1 =	vld [tilespmem:s22+$0x138A0];
	_ =	sdelay $0x4  }
0x84: {  	[tilespmem:$0x148A0] =	vst v1  }
0x85: {  	v1 =	vld [tilespmem:s22+$0x140A0];
	_ =	sdelay $0x4  }
0x86: {  	[tilespmem:$0x14920] =	vst v1  }
0x87: {  	v1 =	vld [tilespmem:s22+$0x138B0];
	_ =	sdelay $0x4  }
0x88: {  	[tilespmem:$0x148B0] =	vst v1  }
0x89: {  	v1 =	vld [tilespmem:s22+$0x140B0];
	_ =	sdelay $0x4  }
0x8a: {  	[tilespmem:$0x14930] =	vst v1  }
0x8b: {  	v1 =	vld [tilespmem:s22+$0x138C0];
	_ =	sdelay $0x4  }
0x8c: {  	[tilespmem:$0x148C0] =	vst v1  }
0x8d: {  	v1 =	vld [tilespmem:s22+$0x140C0];
	_ =	sdelay $0x4  }
0x8e: {  	[tilespmem:$0x14940] =	vst v1  }
0x8f: {  	[tilespmem:s0], [sflag:$0x1] =	stream.indirect.gather [hbm4b:s1+s30], $0x80, s31, s30, $0xb8;
	[tilespmem:$0x19980] =	vst v63  }
0x90: {  	_ =	swait.ge [sflag:s2], $0x2800  }
.Ltmp1:
0x91: {  	[sflag:s2] =	ssyncset.done $0x0;
	(pc) =	sbr.rel @p1 .LBB2_5-.Ltmp1, $4  }
0x92: {  	[sflag:s2] =	ssyncadd.s32 $0xFFFFD800  }
0x93: {  	[spmem:s3] =	stream.indirect.scatter.add.f32 [tilespmem:s0], [sflag:$0x2], $0x80, s16, s30, $0xb8;
	[tilespmem:$0x19980] =	vst v63  }
0x94: {  	_ =	swait.ge [sflag:s26], $0x2800  }
0x95: {  	s21 =	smov.u32 s23;
	[sflag:s26] =	ssyncset.done $0x0  }
0x96: {  	s20 =	sshra.s32 s20, $0x2;
	[sflag:s26] =	ssyncadd.s32 $0xFFFFD800  }
0x97: {  	v1 =	vld [tilespmem:s20+$0x13880];
	_ =	sdelay $0x4  }
0x98: {  	[tilespmem:$0x14880] =	vst v1  }
0x99: {  	v1 =	vld [tilespmem:s20+$0x14080];
	_ =	sdelay $0x4  }
0x9a: {  	[tilespmem:$0x14900] =	vst v1  }
0x9b: {  	v1 =	vld [tilespmem:s20+$0x13890];
	_ =	sdelay $0x4  }
0x9c: {  	[tilespmem:$0x14890] =	vst v1  }
0x9d: {  	v1 =	vld [tilespmem:s20+$0x14090];
	_ =	sdelay $0x4  }
0x9e: {  	[tilespmem:$0x14910] =	vst v1  }
0x9f: {  	v1 =	vld [tilespmem:s20+$0x138A0];
	_ =	sdelay $0x4  }
0xa0: {  	[tilespmem:$0x148A0] =	vst v1  }
0xa1: {  	v1 =	vld [tilespmem:s20+$0x140A0];
	_ =	sdelay $0x4  }
0xa2: {  	[tilespmem:$0x14920] =	vst v1  }
0xa3: {  	v1 =	vld [tilespmem:s20+$0x138B0];
	_ =	sdelay $0x4  }
0xa4: {  	[tilespmem:$0x148B0] =	vst v1  }
0xa5: {  	v1 =	vld [tilespmem:s20+$0x140B0];
	_ =	sdelay $0x4  }
0xa6: {  	[tilespmem:$0x14930] =	vst v1  }
0xa7: {  	v1 =	vld [tilespmem:s20+$0x138C0];
	_ =	sdelay $0x4  }
0xa8: {  	[tilespmem:$0x148C0] =	vst v1  }
0xa9: {  	v1 =	vld [tilespmem:s20+$0x140C0];
	_ =	sdelay $0x4  }
0xaa: {  	[tilespmem:$0x14940] =	vst v1  }
0xab: {  	[tilespmem:s0], [sflag:$0x1] =	stream.indirect.gather [hbm4b:s1+s30], $0x80, s31, s30, $0xb8;
	[tilespmem:$0x19980] =	vst v63  }
0xac: {  	s19 =	sadd.s32 $0x1, s19;
	_ =	swait.ge [sflag:s2], $0x2800  }
0xad: {  	p1 =	sne.s32 s19, $0x5;
	[sflag:s2] =	ssyncset.done $0x0  }
.Ltmp2:
0xae: {  	[sflag:s2] =	ssyncadd.s32 $0xFFFFD800;
	(pc) =	sbr.rel @p1 .LBB2_4-.Ltmp2, $4  }
0xaf: {  	[spmem:s3] =	stream.indirect.scatter.add.f32 [tilespmem:s0], [sflag:$0x2], $0x80, s16, s30, $0xb8;
	[tilespmem:$0x19980] =	vst v63  }
0xb0: {  	_ =	swait.ge [sflag:s26], $0x2800  }
0xb1: {  	[sflag:s26] =	ssyncset.done $0x0  }
0xb2: {  	[sflag:s26] =	ssyncadd.s32 $0xFFFFD800  }
0xb3: {  	[bflag:$0x0] =	sbarrier.arrive $0xFFFF  }
0xb4: {  	[tilespmem:s25], [sflag:$0x2] =	stream.linear.gather [spmem:s7], $0x2800, $0x38;
	[tilespmem:$0x19980] =	vst v63  }
0xb5: {  	_ =	swait.ge [sflag:s26], $0x2800  }
0xb6: {  	[sflag:s26] =	ssyncset.done $0x0  }
0xb7: {  	s18 =	rddreg [dreg:$0x4];
	[sflag:s26] =	ssyncadd.s32 $0xFFFFD800  }
0xb8: {  	[hbm4b:s18+s4] =	stream.linear.scatter [tilespmem:s25], [sflag:$0x2], $0x2800, $0x38;
	[tilespmem:$0x19980] =	vst v63  }
0xb9: {  	_ =	swait.ge [sflag:s26], $0x2800  }
0xba: {  	[sflag:s26] =	ssyncset.done $0x0  }
0xbb: {  	[sflag:s26] =	ssyncadd.s32 $0xFFFFD800  }
0xbc: {  	[tilespmem:s25], [sflag:$0x2] =	stream.linear.gather [spmem:s8], $0x2800, $0x38;
	[tilespmem:$0x19980] =	vst v63  }
0xbd: {  	_ =	swait.ge [sflag:s26], $0x2800  }
0xbe: {  	[sflag:s26] =	ssyncset.done $0x0  }
0xbf: {  	s23 =	rddreg [dreg:$0x5];
	[sflag:s26] =	ssyncadd.s32 $0xFFFFD800  }
0xc0: {  	[hbm4b:s23+s4] =	stream.linear.scatter [tilespmem:s25], [sflag:$0x2], $0x2800, $0x38;
	[tilespmem:$0x19980] =	vst v63  }
0xc1: {  	_ =	swait.ge [sflag:s26], $0x2800  }
0xc2: {  	[sflag:s26] =	ssyncset.done $0x0  }
0xc3: {  	[sflag:s26] =	ssyncadd.s32 $0xFFFFD800  }
0xc4: {  	[tilespmem:s25], [sflag:$0x2] =	stream.linear.gather [spmem:s9], $0x2800, $0x38;
	[tilespmem:$0x19980] =	vst v63  }
0xc5: {  	_ =	swait.ge [sflag:s26], $0x2800  }
0xc6: {  	[sflag:s26] =	ssyncset.done $0x0  }
0xc7: {  	s19 =	rddreg [dreg:$0x6];
	[sflag:s26] =	ssyncadd.s32 $0xFFFFD800  }
0xc8: {  	[hbm4b:s19+s4] =	stream.linear.scatter [tilespmem:s25], [sflag:$0x2], $0x2800, $0x38;
	[tilespmem:$0x19980] =	vst v63  }
0xc9: {  	_ =	swait.ge [sflag:s26], $0x2800  }
0xca: {  	[sflag:s26] =	ssyncset.done $0x0  }
0xcb: {  	[sflag:s26] =	ssyncadd.s32 $0xFFFFD800  }
0xcc: {  	[tilespmem:s25], [sflag:$0x2] =	stream.linear.gather [spmem:s10], $0x2800, $0x38;
	[tilespmem:$0x19980] =	vst v63  }
0xcd: {  	_ =	swait.ge [sflag:s26], $0x2800  }
0xce: {  	[sflag:s26] =	ssyncset.done $0x0  }
0xcf: {  	s20 =	rddreg [dreg:$0x7];
	[sflag:s26] =	ssyncadd.s32 $0xFFFFD800  }
0xd0: {  	[hbm4b:s20+s4] =	stream.linear.scatter [tilespmem:s25], [sflag:$0x2], $0x2800, $0x38;
	[tilespmem:$0x19980] =	vst v63  }
0xd1: {  	_ =	swait.ge [sflag:s26], $0x2800  }
0xd2: {  	[sflag:s26] =	ssyncset.done $0x0  }
0xd3: {  	[sflag:s26] =	ssyncadd.s32 $0xFFFFD800  }
0xd4: {  	[tilespmem:s25], [sflag:$0x2] =	stream.linear.gather [spmem:s11], $0x2800, $0x38;
	[tilespmem:$0x19980] =	vst v63  }
0xd5: {  	_ =	swait.ge [sflag:s26], $0x2800  }
0xd6: {  	[sflag:s26] =	ssyncset.done $0x0  }
0xd7: {  	s21 =	rddreg [dreg:$0x8];
	[sflag:s26] =	ssyncadd.s32 $0xFFFFD800  }
0xd8: {  	[hbm4b:s21+s4] =	stream.linear.scatter [tilespmem:s25], [sflag:$0x2], $0x2800, $0x38;
	[tilespmem:$0x19980] =	vst v63  }
0xd9: {  	_ =	swait.ge [sflag:s26], $0x2800  }
0xda: {  	[sflag:s26] =	ssyncset.done $0x0  }
0xdb: {  	[sflag:s26] =	ssyncadd.s32 $0xFFFFD800  }
0xdc: {  	[tilespmem:s25], [sflag:$0x2] =	stream.linear.gather [spmem:s12], $0x2800, $0x38;
	[tilespmem:$0x19980] =	vst v63  }
0xdd: {  	_ =	swait.ge [sflag:s26], $0x2800  }
0xde: {  	[sflag:s26] =	ssyncset.done $0x0  }
0xdf: {  	s22 =	rddreg [dreg:$0x9];
	[sflag:s26] =	ssyncadd.s32 $0xFFFFD800  }
0xe0: {  	[hbm4b:s22+s4] =	stream.linear.scatter [tilespmem:s25], [sflag:$0x2], $0x2800, $0x38;
	[tilespmem:$0x19980] =	vst v63  }
0xe1: {  	_ =	swait.ge [sflag:s26], $0x2800  }
0xe2: {  	[sflag:s26] =	ssyncset.done $0x0  }
0xe3: {  	[sflag:s26] =	ssyncadd.s32 $0xFFFFD800  }
0xe4: {  	[tilespmem:s25], [sflag:$0x2] =	stream.linear.gather [spmem:s13], $0x2800, $0x38;
	[tilespmem:$0x19980] =	vst v63  }
0xe5: {  	_ =	swait.ge [sflag:s26], $0x2800  }
0xe6: {  	[sflag:s26] =	ssyncset.done $0x0  }
0xe7: {  	s23 =	rddreg [dreg:$0xa];
	[sflag:s26] =	ssyncadd.s32 $0xFFFFD800  }
0xe8: {  	[hbm4b:s23+s4] =	stream.linear.scatter [tilespmem:s25], [sflag:$0x2], $0x2800, $0x38;
	[tilespmem:$0x19980] =	vst v63  }
0xe9: {  	_ =	swait.ge [sflag:s26], $0x2800  }
0xea: {  	[sflag:s26] =	ssyncset.done $0x0  }
0xeb: {  	s18 =	simm.s32 @!p0 $0x17180;
	s19 =	simm.s32 @!p0 $0x2;
	[sflag:s26] =	ssyncadd.s32 $0xFFFFD800  }
0xec: {  	[tilespmem:s18], [sflag:$0x2] =	stream.linear.gather @!p0 [spmem:s14], $0x2800, $0x38;
	[tilespmem:$0x19980] =	vst v63  }
0xed: {  	s17 =	sadd.s32 $0x1, s17;
	_ =	swait.ge @!p0 [sflag:s19], $0x2800  }
0xee: {  	p1 =	sne.s32 s17, s24;
	s20 =	simm.s32 @!p0 $0x0;
	[sflag:s19] =	ssyncset.done @!p0 $0x0  }
.Ltmp3:
0xef: {  	s21 =	rddreg [dreg:$0xb];
	[sflag:s19] =	ssyncadd.s32 @!p0 $0xFFFFD800;
	(pc) =	sbr.rel @p1 .LBB2_1-.Ltmp3, $4  }
0xf0: {  	[hbm4b:s21+s20] =	stream.linear.scatter @!p0 [tilespmem:s18], [sflag:$0x2], $0x2800, $0x38;
	[tilespmem:$0x19980] =	vst v63  }
0xf1: {  	_ =	swait.ge @!p0 [sflag:s19], $0x2800  }
0xf2: {  	[sflag:s19] =	ssyncset.done @!p0 $0x0  }
0xf3: {  	[sflag:s19] =	ssyncadd.s32 @!p0 $0xFFFFD800  }
0xf4: {  	_ =	sfence.sel $0x180000  }
0xf5: {  	[bflag:$0x0] =	sbarrier.arrive $0xFFFF  }
0xf6: {  	_ =	strace $0x9000004D  }
0xf7: {  	s0 =	stileid.u32;
	[bflag:$0x2] =	sbarrier.arrive $0xFFFF  }
0xf8: {  	p0 =	sne.s32 s0, $0x0;
	s0 =	rddreg [dreg:$0x3]  }
0xf9: {  	s0 =	sadd.s32 @!p0 $0x100000, s0  }
0xfa: {  	[sflag:s0] =	ssyncadd.tile.s32 @!p0 $0x1;
	_ =	shalt  }
.Lfunc_end2:
_tile_overlayer_lowered:
.L_overlay_start_2:
0xfb: {  	(tag) =	ssettag $0x2  }
0xfc: {  	s0 =	rddreg [dreg:$0x0];
	s2 =	stileid.u32  }
0xfd: {  	s1 =	rddreg [dreg:$0x1];
	p0 =	sne.s32 s2, $0x0  }
0xfe: {  	s3 =	rddreg [dreg:$0x2];
	[bflag:$0x3] =	sbarrier.arrive $0xFFFF;
	s2 =	simm.s32 @!p0 $0x1C02  }
0xff: {  	[timem:s3], [sflag:s2] =	dma.local @!p0 [hbm:s0], s1  }
0x100: {  	s0 =	simm.s32 @!p0 $0x2  }
0x101: {  	_ =	swait.ge @!p0 [sflag:s0], s1  }
0x102: {  	s1 =	ssub.s32 @!p0 $0x0, s1;
	[sflag:s0] =	ssyncset.done @!p0 $0x0  }
0x103: {  	[sflag:s0] =	ssyncadd.s32 @!p0 s1  }
0x104: {  	[bflag:$0x3] =	sbarrier.arrive $0xFFFF  }
0x105: {  	_ =	shalt  }

// kernel: kernel.8.cloned.1.call-start
scs
__scs_entry_jumppad:
0x0: {  	(pc) =	sbr.rel $0x88, $3  }
0x1: {  	(tag) =	ssettag $0x0;
	lr =	simm.s32 $0x1  }
0x2: {  	[smem:$0x3F96] =	sst lr;
	_ =	strace $0xD0000000  }
0x3: {  	_ = 	snop  }
0x4: {  	_ = 	snop  }
0x5: {  	_ = 	snop  }
0x6: {  	_ = 	snop  }
0x7: {  	_ = 	snop  }
__scs_overlays_trampoline_lowered:
0x8: {  	[smem:$0x3FA5] =	sst s0  }
0x9: {  	[smem:$0x3FA6] =	sst s1  }
0xa: {  	[smem:$0x3FA7] =	sst s2  }
0xb: {  	[smem:$0x3FA8] =	sst s3  }
0xc: {  	[smem:$0x3FA9] =	sst s4  }
0xd: {  	[smem:$0x3FAA] =	sst s5  }
0xe: {  	[smem:$0x3FAB] =	sst s6  }
0xf: {  	[smem:$0x3FAC] =	sst s7  }
0x10: {  	[smem:$0x3FAD] =	sst s8  }
0x11: {  	[smem:$0x3FAE] =	sst s9;
	s0 =	simm.s32 @!p0 $0x0  }
0x12: {  	s1 =	sld [smem:$0x3F94];
	s0 =	simm.s32 @p0 $0x1  }
0x13: {  	[smem:$0x3FAF] =	sst s0;
	s0 =	simm.s32 @!p1 $0x0  }
0x14: {  	s2 =	sld [smem:$0x3F93];
	s0 =	simm.s32 @p1 $0x1  }
0x15: {  	[smem:$0x3FB0] =	sst s0;
	s0 =	simm.s32 @!p2 $0x0  }
0x16: {  	s3 =	sld [smem:$0x3FDB];
	s0 =	simm.s32 @p2 $0x1  }
0x17: {  	s4 =	simm.s32 $0x1BF5;
	[smem:$0x3FB2] =	sst s0  }
0x18: {  	s0 =	sld [smem:$0x3F95];
	_ =	swait.ge [sflag:s4], $0x0  }
0x19: {  	s7 =	sld [smem:$0x3F96]  }
0x1a: {  	s8 =	sadd.s32 $0xFFFFE003, lr  }
0x1b: {  	s9 =	sadd.s32 $0xFFFFFEF7, lr;
	s5 =	simm.s32 $0xFFFFFFFF;
	p2 =	slt.u32 s8, $0xFFFFF086  }
0x1c: {  	p1 =	slt.u32 s9, $0xF7A;
	s5 =	simm.s32 @!p2 $0x0  }
0x1d: {  	s5 =	simm.s32 @p1 $0x1;
	p0 =	seq.s32 s7, s2  }
0x1e: {  	s7 =	smul.u32 @!p0 $0xF7A, s2;
	p2 =	seq.s32 @!p0 s5, $0x0  }
0x1f: {  	s9 =	smul.u32 $0xF7A, s1;
	s8 =	simm.s32 @!p0 $0x1BF5;
	p2 =	por !p2, p0  }
0x20: {  	[sflag:s8] =	ssyncset.s32 @!p0 $0xFFFFF086;
	s6 =	sadd.s32 @!p0 s3, s7;
	s7 =	simm.s32 @!p0 $0x108  }
0x21: {  	s3 =	sadd.s32 s3, s9;
	s6 =	sadd.s32 @!p0 $0x88, s6;
	s7 =	simm.s32 @p2 $0x1082  }
0x22: {  	[simem:s7], [sflag:s8] =	dma.local @!p0 [hbm:s6], $0xF7A  }
0x23: {  	s9 =	sor.u32 $0xD0000000, s2;
	s6 =	simm.s32 $0x108;
	_ =	swait.ge @!p0 [sflag:s8], $0x0  }
0x24: {  	s3 =	sadd.s32 $0x88, s3;
	s6 =	simm.s32 @!p1 $0x1082;
	[sflag:s4] =	ssyncset.s32 $0xFFFFF086  }
0x25: {  	[simem:s6], [sflag:s4] =	dma.local [hbm:s3], $0xF7A  }
0x26: {  	[smem:$0x3F96] =	sst s1;
	(tag) =	ssettag s2;
	_ =	strace s9  }
0x27: {  	s1 =	sld [smem:$0x3FA6]  }
0x28: {  	s2 =	sld [smem:$0x3FA7]  }
0x29: {  	s4 =	sld [smem:$0x3FA9]  }
0x2a: {  	p0 =	seq.s32 s5, $0x0;
	s5 =	sld [smem:$0x3FAA]  }
0x2b: {  	s6 =	sld [smem:$0x3FAB]  }
0x2c: {  	s7 =	sld [smem:$0x3FAC]  }
0x2d: {  	s3 =	simm.s32 $0x108;
	s8 =	sld [smem:$0x3FAD]  }
0x2e: {  	s3 =	simm.s32 @!p0 $0x1082;
	s9 =	sld [smem:$0x3FAE]  }
0x2f: {  	lr =	sadd.s32 s0, s3;
	s0 =	sld [smem:$0x3FA5]  }
0x30: {  	s3 =	sld [smem:$0x3FA8]  }
0x31: {  	[smem:$0x3FB1] =	sst s10  }
0x32: {  	s10 =	sld [smem:$0x3FAF];
	_ =	sdelay $0x3  }
0x33: {  	p0 =	seq.s32 s10, $0x1;
	s10 =	sld [smem:$0x3FB1];
	_ =	sdelay $0x3  }
0x34: {  	[smem:$0x3FB1] =	sst s10  }
0x35: {  	s10 =	sld [smem:$0x3FB0];
	_ =	sdelay $0x3  }
0x36: {  	p1 =	seq.s32 s10, $0x1;
	s10 =	sld [smem:$0x3FB1];
	_ =	sdelay $0x3  }
0x37: {  	[smem:$0x3FB1] =	sst s10  }
0x38: {  	s10 =	sld [smem:$0x3FB2]  }
0x39: {  	_ = 	snop;
	(pc) =	sbr.ind lr, $3  }
0x3a: {  	_ = 	snop  }
0x3b: {  	_ = 	snop  }
0x3c: {  	p2 =	seq.s32 s10, $0x1;
	s10 =	sld [smem:$0x3FB1]  }
0x3d: {  	_ =	shalt  }
0x3e: {  	_ =	shalt  }
0x3f: {  	_ =	shalt  }
0x40: {  	_ =	shalt  }
0x41: {  	_ =	shalt  }
0x42: {  	_ =	shalt  }
0x43: {  	_ =	shalt  }
0x44: {  	_ =	shalt  }
0x45: {  	_ =	shalt  }
0x46: {  	_ =	shalt  }
0x47: {  	_ =	shalt  }
0x48: {  	_ =	shalt  }
0x49: {  	_ =	shalt  }
0x4a: {  	_ =	shalt  }
0x4b: {  	_ =	shalt  }
0x4c: {  	_ =	shalt  }
0x4d: {  	_ =	shalt  }
0x4e: {  	_ =	shalt  }
0x4f: {  	_ =	shalt  }
0x50: {  	_ =	shalt  }
0x51: {  	_ =	shalt  }
0x52: {  	_ =	shalt  }
0x53: {  	_ =	shalt  }
0x54: {  	_ =	shalt  }
0x55: {  	_ =	shalt  }
0x56: {  	_ =	shalt  }
0x57: {  	_ =	shalt  }
0x58: {  	_ =	shalt  }
0x59: {  	_ =	shalt  }
0x5a: {  	_ =	shalt  }
0x5b: {  	_ =	shalt  }
0x5c: {  	_ =	shalt  }
0x5d: {  	_ =	shalt  }
0x5e: {  	_ =	shalt  }
0x5f: {  	_ =	shalt  }
0x60: {  	_ =	shalt  }
0x61: {  	_ =	shalt  }
0x62: {  	_ =	shalt  }
0x63: {  	_ =	shalt  }
0x64: {  	_ =	shalt  }
0x65: {  	_ =	shalt  }
0x66: {  	_ =	shalt  }
0x67: {  	_ =	shalt  }
0x68: {  	_ =	shalt  }
0x69: {  	_ =	shalt  }
0x6a: {  	_ =	shalt  }
0x6b: {  	_ =	shalt  }
0x6c: {  	_ =	shalt  }
0x6d: {  	_ =	shalt  }
0x6e: {  	_ =	shalt  }
0x6f: {  	_ =	shalt  }
0x70: {  	_ =	shalt  }
0x71: {  	_ =	shalt  }
0x72: {  	_ =	shalt  }
0x73: {  	_ =	shalt  }
0x74: {  	_ =	shalt  }
0x75: {  	_ =	shalt  }
0x76: {  	_ =	shalt  }
0x77: {  	_ =	shalt  }
0x78: {  	_ =	shalt  }
0x79: {  	_ =	shalt  }
0x7a: {  	_ =	shalt  }
0x7b: {  	_ =	shalt  }
0x7c: {  	_ =	shalt  }
0x7d: {  	_ =	shalt  }
0x7e: {  	_ =	shalt  }
0x7f: {  	_ =	shalt  }
0x80: {  	_ =	shalt  }
0x81: {  	_ =	shalt  }
0x82: {  	_ =	shalt  }
0x83: {  	_ =	shalt  }
0x84: {  	_ =	shalt  }
0x85: {  	_ =	shalt  }
0x86: {  	_ =	shalt  }
0x87: {  	_ =	shalt  }
.Lfunc_end0:
.L_simem_size_0:
called_computation_lowered:
.L_overlay_start_0:
0x88: {  	s2 =	sld [smem:$0x3FD9]  }
0x89: {  	s3 =	sld [smem:$0x3FFE];
	_ =	sdelay $0x1  }
0x8a: {  	s1 =	srdreg.scid  }
0x8b: {  	s0 =	sand.u32 $0x1, s1  }
0x8c: {  	s17 =	sshll.u32 s0, $0xA;
	s2 =	sadd.s32 s3, s2  }
0x8d: {  	s2 =	sadd.s32 s2, s17  }
0x8e: {  	[smem:$0x3FBD] =	sst s2  }
0x8f: {  	_ = 	snop  }
0x90: {  	s2 =	sld [smem:$0x3FC9]  }
0x91: {  	s18 =	sld [smem:$0x3FD0];
	(tm) =	ssettm $0x1  }
0x92: {  	s4 =	sld [smem:$0x3FFB];
	_ =	sdelay $0x3  }
0x93: {  	_ =	strace s4  }
0x94: {  	s4 =	sld [smem:$0x3FFC];
	_ =	sdelay $0x3  }
0x95: {  	_ =	strace s4  }
0x96: {  	s4 =	sld [smem:$0x3FFD];
	_ =	sdelay $0x3  }
0x97: {  	_ =	strace s4  }
0x98: {  	_ =	strace $0x8FFFFFFF  }
0x99: {  	s19 =	sld [smem:$0x3FDB];
	_ =	sdelay $0x1  }
0x9a: {  	s5 =	simm.s32 $_scs_section_size  }
0x9b: {  	s6 =	simm.s32 $_size__tile_overlayer_lowered;
	s7 =	simm.s32 $_tile_overlayer_lowered  }
0x9c: {  	s22 =	simm.s32 $0x1BFF;
	s21 =	sshll.u32 s7, $0x1;
	s4 =	sadd.s32 s5, s19  }
0x9d: {  	s8 =	simm.s32 $0x0;
	s20 =	sshll.u32 s6, $0x1;
	s6 =	sadd.s32 s21, s4  }
0x9e: {  	[timem:s8], [sflag:s22] =	dma.local [hbm:s6], s20  }
0x9f: {  	_ =	swait.ge [sflag:s22], s20  }
0xa0: {  	s5 =	ssub.s32 $0x0, s20;
	[sflag:s22] =	ssyncset.done $0x0  }
0xa1: {  	[sflag:s22] =	ssyncadd.s32 s5;
	_ =	sdelay $0x1  }
0xa2: {  	s23 =	simm.s32 $0x1B8B  }
0xa3: {  	_ =	swait.ge [sflag:s23], $0x1  }
0xa4: {  	[sflag:s23] =	ssyncset.done $0x0  }
0xa5: {  	s25 =	simm.s32 $0x1B8E;
	s24 =	sld [smem:$0x3FFE];
	[sflag:s23] =	ssyncadd.s32 $0xFFFFFFFF  }
0xa6: {  	s26 =	simm.s32 $execute0_lowered;
	[smem:$0x3FD2] =	sst s25  }
0xa7: {  	s6 =	sshll.u32 s26, $0x1;
	_ =	strace $0x80000046;
	[dreg:$0x1] =	wrdreg $0xFFFFFFFF  }
0xa8: {  	s28 =	simm.s32 $_size_execute0_lowered;
	s4 =	sadd.s32 s4, s6;
	[dreg:$0x0] =	wrdreg $0x0  }
0xa9: {  	s6 =	sshll.u32 s28, $0x1;
	[dreg:$0x2] =	wrdreg s4  }
0xaa: {  	[dreg:$0x3] =	wrdreg s6  }
0xab: {  	[dreg:$0x4] =	wrdreg $0xC0  }
0xac: {  	_ =	task [dreg:s8], $0x5FFFF  }
0xad: {  	[dreg:$0x1] =	wrdreg $0xFFFFFFFF  }
0xae: {  	[dreg:$0x0] =	wrdreg $0x60  }
0xaf: {  	[dreg:$0x2] =	wrdreg s2  }
0xb0: {  	[dreg:$0x3] =	wrdreg s24  }
0xb1: {  	[dreg:$0x4] =	wrdreg s18  }
0xb2: {  	[dreg:$0x5] =	wrdreg $0x0  }
0xb3: {  	[dreg:$0x6] =	wrdreg $0x9  }
0xb4: {  	_ =	task.clear_ibuf [dreg:s8], $0x7FFFF;
	_ =	strace $0x90000046  }
0xb5: {  	s29 =	simm.s32 $0x9;
	_ =	strace $0x80000048  }
0xb6: {  	_ =	swait.ge [sflag:s29], $0x1  }
0xb7: {  	[sflag:s29] =	ssyncadd.s32 $0xFFFFFFFF  }
0xb8: {  	_ =	strace $0x90000048  }
0xb9: {  	_ =	sfence  }
0xba: {  	s30 =	sld [smem:$0x0];
	_ =	sdelay $0x2  }
0xbb: {  	s31 =	sshll.u32 s1, $0xD;
	s1 =	sshrl.u32 s1, $0x2  }
0xbc: {  	s3 =	sand.u32 $0x4000, s31;
	s1 =	sadd.s32 s1, s30  }
0xbd: {  	s0 =	sor.u32 s3, s0;
	s1 =	sshll.u32 s1, $0x11  }
0xbe: {  	s0 =	sor.u32 s1, s0  }
0xbf: {  	s0 =	sadd.s32 $0x8F2B, s0  }
0xc0: {  	[sflag:s0] =	ssyncadd.remote.s32 $0x1  }
0xc1: {  	_ =	sfence.sel $0xFFFF  }
0xc2: {  	[dreg:$0x0] =	wrdreg $0xFFFFFFFF;
	(pc) =	sbr.abs _section_cstart, $3  }
0xc3: {  	[dreg:$0x1] =	wrdreg $0xFFFFFFFF  }
0xc4: {  	_ =	task.clear_ibuf [dreg:s8], $0x2FFFF;
	_ =	strace $0x9FFFFFFF  }
0xc5: {  	(tm) =	ssettm $0x7FFFFFFF  }
tec
execute0_lowered:
.L_overlay_start_1:
0x0: {  	(tag) =	ssettag $0x1  }
0x1: {  	s1 =	rddreg [dreg:$0x0]  }
0x2: {  	s4 =	rddreg [dreg:$0x1]  }
0x3: {  	s5 =	rddreg [dreg:$0x2]  }
0x4: {  	s2 =	rddreg [dreg:$0x3]  }
0x5: {  	s3 =	simm.s32 $0x0;
	s0 =	srdreg.scid;
	s26 =	stileid.u32  }
0x6: {  	s28 =	simm.s32 $0x2;
	s6 =	sand.u32 $0x1, s0;
	s10 =	smul.u32 $0x2800, s26  }
0x7: {  	s29 =	simm.s32 $0x13880;
	s9 =	sor.u32 $0x10, s26;
	s8 =	smul.u32 $0x138800, s6  }
0x8: {  	s30 =	simm.s32 $0x14080;
	s15 =	sor.u32 $0x20, s26;
	s12 =	smul.u32 $0x2800, s9  }
0x9: {  	s31 =	simm.s32 $0x50;
	s17 =	sor.u32 $0x40, s26;
	s13 =	smul.u32 $0x2800, s15  }
0xa: {  	[smem:$0x7FF] =	sst s3;
	s18 =	sor.u32 $0x50, s26;
	s25 =	smul.u32 $0x2800, s17  }
0xb: {  	s7 =	sadd.s32 $0x16E00, s4;
	s19 =	sor.u32 $0x60, s26;
	s21 =	smul.u32 $0x2800, s18  }
0xc: {  	s14 =	sshll.u32 s26, $0x1;
	s20 =	sor.u32 $0x70, s26;
	s22 =	smul.u32 $0x2800, s19  }
0xd: {  	p0 =	sgt.u32 s26, $0xC;
	s0 =	ssub.s32 $0x2, s6;
	s23 =	smul.u32 $0x2800, s20  }
0xe: {  	s6 =	sor.u32 s6, s14;
	s9 =	smul.u32 $0xA000, s9;
	s11 =	sshrl.u32 s0, $0x1  }
0xf: {  	s0 =	ssub.s32 s0, s11;
	s11 =	sor.u32 $0x30, s26;
	s10 =	sadd.s32 s10, s8  }
0x10: {  	s12 =	sadd.s32 s8, s12;
	s13 =	sadd.s32 s8, s13;
	s14 =	sadd.s32 s8, s25  }
0x11: {  	s21 =	sadd.s32 s8, s21;
	s22 =	sadd.s32 s8, s22;
	s16 =	smul.u32 $0x2800, s11  }
0x12: {  	s10 =	sshrl.u32 s10, $0x3;
	s24 =	sshrl.u32 s12, $0x3;
	s25 =	sshrl.u32 s13, $0x3  }
0x13: {  	s14 =	sshrl.u32 s14, $0x3;
	s10 =	sadd.s32 s7, s10;
	s12 =	sadd.s32 s7, s25  }
0x14: {  	s25 =	smul.u32 $0x4E2, s6;
	s16 =	sadd.s32 s8, s16;
	s8 =	sadd.s32 s8, s23  }
0x15: {  	s23 =	smul.u32 $0xA000, s26;
	[dreg:$0x5] =	wrdreg s10;
	s10 =	sadd.s32 s7, s24  }
0x16: {  	[dreg:$0x7] =	wrdreg s12;
	s24 =	sshrl.u32 s22, $0x3;
	s12 =	smul.u32 $0xA000, s15  }
0x17: {  	s15 =	sadd.s32 $0x3200, s4;
	s22 =	sshrl.u32 s9, $0x2;
	s26 =	simm.s32 $0x17180  }
0x18: {  	[dreg:$0x6] =	wrdreg s10;
	s13 =	sshrl.u32 s16, $0x3;
	s16 =	sshrl.u32 s21, $0x3  }
0x19: {  	s8 =	sshrl.u32 s8, $0x3;
	s10 =	sadd.s32 s7, s13;
	s21 =	sadd.s32 s7, s16  }
0x1a: {  	s13 =	sadd.s32 s5, s25;
	s16 =	sshrl.u32 s23, $0x2;
	s23 =	smul.u32 $0xA000, s17  }
0x1b: {  	s17 =	sadd.s32 s22, s2;
	s25 =	smul.u32 $0xA000, s18;
	[dreg:$0x8] =	wrdreg s10  }
0x1c: {  	s5 =	simm.s32 $0x1;
	s10 =	sadd.s32 s7, s14;
	[dreg:$0xa] =	wrdreg s21  }
0x1d: {  	s14 =	sadd.s32 $0xD000, s4;
	s21 =	smul.u32 $0xA000, s11;
	s16 =	sadd.s32 s16, s2  }
0x1e: {  	s4 =	simm.s32 $0x14980;
	[dreg:$0x9] =	wrdreg s10;
	s10 =	sadd.s32 s7, s24  }
0x1f: {  	s7 =	sadd.s32 s7, s8;
	s24 =	sshrl.u32 s12, $0x2;
	s11 =	sshrl.u32 s23, $0x2  }
0x20: {  	s12 =	smul.u32 $0xA000, s20;
	s23 =	sshrl.u32 s25, $0x2;
	[dreg:$0xb] =	wrdreg s10  }
0x21: {  	s8 =	simm.s32 $0x0;
	[dreg:$0xc] =	wrdreg s7;
	s18 =	sadd.s32 s24, s2  }
0x22: {  	s9 =	sshrl.u32 s21, $0x2;
	s10 =	smul.u32 $0xA000, s19;
	s20 =	sadd.s32 s11, s2  }
0x23: {  	s21 =	sadd.s32 s23, s2;
	s7 =	simm.s32 $0x19980;
	_ =	strace $0x80000047  }
0x24: {  	s19 =	sadd.s32 s9, s2;
	s25 =	sshrl.u32 s12, $0x2;
	s24 =	sshrl.u32 s10, $0x2  }
0x25: {  	s23 =	sadd.s32 s25, s2;
	s25 =	smax.u32 s0, $0x1;
	s0 =	simm.s32 $0x14880  }
0x26: {  	v0 =	vimm.f32 $0.0e+00;
	v1 =	vimm.f32 $1.000000000e+00;
	s22 =	sadd.s32 s24, s2;
	s24 =	smul.u32 $0x2710, s6;
	s6 =	simm.s32 $0x14900  }
.LBB2_1:
0x27: {  	s9 =	sand.u32 $0xFE00, s3  }
0x28: {  	s10 =	sand.u32 $0x70, s3;
	s11 =	sshrl.u32 s9, $0x2  }
0x29: {  	s9 =	simm.s32 $0x40;
	s11 =	sor.u32 s10, s11;
	s10 =	simm.s32 $0x0  }
.LBB2_2:
0x2a: {  	p1 =	sne.s32 s9, $0x9FC0  }
0x2b: {  	[tilespmem:s11+$0x17180] =	vst v0;
	s10 =	sadd.s32 $0x10, s10;
	s11 =	smov.u32 s9;
	s9 =	sadd.s32 $0x40, s9  }
.Ltmp0:
0x2c: {  	(pc) =	sbr.rel @p1 .LBB2_2-.Ltmp0, $4  }
0x2d: {  	_ = 	snop  }
0x2e: {  	s11 =	sand.u32 $0xFE00, s11  }
0x2f: {  	s12 =	sand.u32 $0x70, s10;
	s11 =	sshrl.u32 s11, $0x2  }
0x30: {  	s11 =	sor.u32 s12, s11  }
0x31: {  	[tilespmem:s11+$0x17180] =	vst v0  }
0x32: {  	[spmem:s16] =	stream.linear.scatter [tilespmem:s26], [sflag:$0x2], $0x2800, $0x38;
	[tilespmem:$0x1C100] =	vst v63  }
0x33: {  	_ =	swait.ge [sflag:s28], $0x2800  }
0x34: {  	[sflag:s28] =	ssyncset.done $0x0  }
0x35: {  	[sflag:s28] =	ssyncadd.s32 $0xFFFFD800  }
0x36: {  	[spmem:s17] =	stream.linear.scatter [tilespmem:s26], [sflag:$0x2], $0x2800, $0x38;
	[tilespmem:$0x1C100] =	vst v63  }
0x37: {  	_ =	swait.ge [sflag:s28], $0x2800  }
0x38: {  	[sflag:s28] =	ssyncset.done $0x0  }
0x39: {  	[sflag:s28] =	ssyncadd.s32 $0xFFFFD800  }
0x3a: {  	[spmem:s18] =	stream.linear.scatter [tilespmem:s26], [sflag:$0x2], $0x2800, $0x38;
	[tilespmem:$0x1C100] =	vst v63  }
0x3b: {  	_ =	swait.ge [sflag:s28], $0x2800  }
0x3c: {  	[sflag:s28] =	ssyncset.done $0x0  }
0x3d: {  	[sflag:s28] =	ssyncadd.s32 $0xFFFFD800  }
0x3e: {  	[spmem:s19] =	stream.linear.scatter [tilespmem:s26], [sflag:$0x2], $0x2800, $0x38;
	[tilespmem:$0x1C100] =	vst v63  }
0x3f: {  	_ =	swait.ge [sflag:s28], $0x2800  }
0x40: {  	[sflag:s28] =	ssyncset.done $0x0  }
0x41: {  	[sflag:s28] =	ssyncadd.s32 $0xFFFFD800  }
0x42: {  	[spmem:s20] =	stream.linear.scatter [tilespmem:s26], [sflag:$0x2], $0x2800, $0x38;
	[tilespmem:$0x1C100] =	vst v63  }
0x43: {  	_ =	swait.ge [sflag:s28], $0x2800  }
0x44: {  	[sflag:s28] =	ssyncset.done $0x0  }
0x45: {  	[sflag:s28] =	ssyncadd.s32 $0xFFFFD800  }
0x46: {  	[spmem:s21] =	stream.linear.scatter [tilespmem:s26], [sflag:$0x2], $0x2800, $0x38;
	[tilespmem:$0x1C100] =	vst v63  }
0x47: {  	_ =	swait.ge [sflag:s28], $0x2800  }
0x48: {  	[sflag:s28] =	ssyncset.done $0x0  }
0x49: {  	[sflag:s28] =	ssyncadd.s32 $0xFFFFD800  }
0x4a: {  	[spmem:s22] =	stream.linear.scatter [tilespmem:s26], [sflag:$0x2], $0x2800, $0x38;
	[tilespmem:$0x1C100] =	vst v63  }
0x4b: {  	_ =	swait.ge [sflag:s28], $0x2800  }
0x4c: {  	[sflag:s28] =	ssyncset.done $0x0  }
0x4d: {  	s9 =	simm.s32 @!p0 $0x17180;
	[sflag:s28] =	ssyncadd.s32 $0xFFFFD800  }
0x4e: {  	[spmem:s23] =	stream.linear.scatter @!p0 [tilespmem:s9], [sflag:$0x2], $0x2800, $0x38;
	[tilespmem:$0x1C100] =	vst v63  }
0x4f: {  	s9 =	simm.s32 @!p0 $0x2  }
0x50: {  	_ =	swait.ge @!p0 [sflag:s9], $0x2800  }
0x51: {  	[sflag:s9] =	ssyncset.done @!p0 $0x0  }
0x52: {  	s10 =	simm.s32 $0x0;
	[sflag:s9] =	ssyncadd.s32 @!p0 $0xFFFFD800;
	s9 =	simm.s32 $0x40  }
.LBB2_4:
0x53: {  	p1 =	sne.s32 s9, $0x9C00;
	[tilespmem:s10+$0x19980] =	vst v0;
	s10 =	smov.u32 s9;
	s9 =	sadd.s32 $0x40, s9  }
.Ltmp1:
0x54: {  	(pc) =	sbr.rel @p1 .LBB2_4-.Ltmp1, $2  }
0x55: {  	_ =	sdelay $0x2  }
0x56: {  	s10 =	sshra.s32 s10, $0x2  }
0x57: {  	[tilespmem:s10+$0x19980] =	vst v0  }
0x58: {  	s9 =	simm.s32 $0x0;
	s10 =	simm.s32 $0x0;
	[bflag:$0x0] =	sbarrier.arrive $0xFFFF  }
.LBB2_6:
0x59: {  	s11 =	smul.u32 $0x7D0, s10;
	_ =	sdelay $0x1  }
0x5a: {  	s11 =	sadd.s32 s24, s11  }
0x5b: {  	s11 =	sshrl.u32 s11, $0x3  }
0x5c: {  	s12 =	sadd.s32 s14, s11  }
0x5d: {  	[tilespmem:s29], [sflag:$0x2] =	stream.linear.gather [hbm4b:s12+s9], $0x7D0, $0x38;
	[tilespmem:$0x1C100] =	vst v63  }
0x5e: {  	_ =	swait.ge [sflag:s28], $0x7D0  }
0x5f: {  	[sflag:s28] =	ssyncset.done $0x0  }
0x60: {  	s11 =	sadd.s32 s15, s11;
	[sflag:s28] =	ssyncadd.s32 $0xFFFFF830  }
0x61: {  	[tilespmem:s30], [sflag:$0x2] =	stream.linear.gather [hbm4b:s11+s9], $0x7D0, $0x38;
	[tilespmem:$0x1C100] =	vst v63  }
0x62: {  	_ =	swait.ge [sflag:s28], $0x7D0  }
0x63: {  	[sflag:s28] =	ssyncset.done $0x0  }
0x64: {  	s11 =	simm.s32 $0x0;
	[sflag:s28] =	ssyncadd.s32 $0xFFFFF830  }
.LBB2_7:
0x65: {  	s12 =	sshra.s32 s11, $0x2  }
0x66: {  	v2 =	vld [tilespmem:s12+$0x13880];
	_ =	sdelay $0x4  }
0x67: {  	[tilespmem:$0x14880] =	vst v2  }
0x68: {  	v2 =	vld [tilespmem:s12+$0x14080];
	_ =	sdelay $0x4  }
0x69: {  	[tilespmem:$0x14900] =	vst v2  }
0x6a: {  	v2 =	vld [tilespmem:s12+$0x13890];
	_ =	sdelay $0x4  }
0x6b: {  	[tilespmem:$0x14890] =	vst v2  }
0x6c: {  	v2 =	vld [tilespmem:s12+$0x14090];
	_ =	sdelay $0x4  }
0x6d: {  	[tilespmem:$0x14910] =	vst v2  }
0x6e: {  	v2 =	vld [tilespmem:s12+$0x138A0];
	_ =	sdelay $0x4  }
0x6f: {  	[tilespmem:$0x148A0] =	vst v2  }
0x70: {  	v2 =	vld [tilespmem:s12+$0x140A0];
	_ =	sdelay $0x4  }
0x71: {  	[tilespmem:$0x14920] =	vst v2  }
0x72: {  	v2 =	vld [tilespmem:s12+$0x138B0];
	_ =	sdelay $0x4  }
0x73: {  	[tilespmem:$0x148B0] =	vst v2  }
0x74: {  	v2 =	vld [tilespmem:s12+$0x140B0];
	_ =	sdelay $0x4  }
0x75: {  	[tilespmem:$0x14930] =	vst v2  }
0x76: {  	v2 =	vld [tilespmem:s12+$0x138C0];
	_ =	sdelay $0x4  }
0x77: {  	[tilespmem:$0x148C0] =	vst v2  }
0x78: {  	v2 =	vld [tilespmem:s12+$0x140C0];
	_ =	sdelay $0x4  }
0x79: {  	[tilespmem:$0x14940] =	vst v2  }
0x7a: {  	[tilespmem:s4], [sflag:$0x1] =	stream.indirect.gather [hbm4b:s1+s31], $0x80, s0, s31, $0xb8;
	[tilespmem:$0x1C100] =	vst v63  }
0x7b: {  	_ =	swait.ge [sflag:s5], $0x2800  }
0x7c: {  	[sflag:s5] =	ssyncset.done $0x0  }
0x7d: {  	[sflag:s5] =	ssyncadd.s32 $0xFFFFD800  }
0x7e: {  	[spmem:s2] =	stream.indirect.scatter.add.f32 [tilespmem:s4], [sflag:$0x2], $0x80, s6, s31, $0xb8;
	[tilespmem:$0x1C100] =	vst v63  }
0x7f: {  	_ =	swait.ge [sflag:s28], $0x2800  }
0x80: {  	[sflag:s28] =	ssyncset.done $0x0  }
0x81: {  	[sflag:s28] =	ssyncadd.s32 $0xFFFFD800  }
0x82: {  	v2 =	vld [tilespmem:$0x14900];
	_ =	sdelay $0x7  }
0x83: {  	[tilespmem:v2+s7+$0x0] =	vst.idx.add.f32.msk $0xffff, v1  }
0x84: {  	v2 =	vld [tilespmem:$0x14910];
	_ =	sdelay $0x7  }
0x85: {  	[tilespmem:v2+s7+$0x0] =	vst.idx.add.f32.msk $0xffff, v1  }
0x86: {  	v2 =	vld [tilespmem:$0x14920];
	_ =	sdelay $0x7  }
0x87: {  	[tilespmem:v2+s7+$0x0] =	vst.idx.add.f32.msk $0xffff, v1  }
0x88: {  	v2 =	vld [tilespmem:$0x14930];
	_ =	sdelay $0x7  }
0x89: {  	[tilespmem:v2+s7+$0x0] =	vst.idx.add.f32.msk $0xffff, v1  }
0x8a: {  	v2 =	vld [tilespmem:$0x14940];
	_ =	sdelay $0x2  }
0x8b: {  	p1 =	sne.s32 s11, $0x1E00  }
.Ltmp2:
0x8c: {  	_ = 	snop;
	(pc) =	sbr.rel @p1 .LBB2_7-.Ltmp2, $2  }
0x8d: {  	_ =	sdelay $0x2  }
0x8e: {  	s11 =	sadd.s32 $0x140, s11;
	[tilespmem:v2+s7+$0x0] =	vst.idx.add.f32.msk $0xffff, v1  }
0x8f: {  	s10 =	sadd.s32 $0x1, s10  }
0x90: {  	p1 =	sne.s32 s10, $0x5  }
.Ltmp3:
0x91: {  	_ = 	snop;
	(pc) =	sbr.rel @p1 .LBB2_6-.Ltmp3, $1  }
0x92: {  	_ =	sdelay $0x3  }
0x93: {  	[bflag:$0x0] =	sbarrier.arrive $0xFFFF  }
0x94: {  	[tilespmem:s26], [sflag:$0x2] =	stream.linear.gather [spmem:s16], $0x2800, $0x38;
	[tilespmem:$0x1C100] =	vst v63  }
0x95: {  	_ =	swait.ge [sflag:s28], $0x2800  }
0x96: {  	[sflag:s28] =	ssyncset.done $0x0  }
0x97: {  	s9 =	rddreg [dreg:$0x5];
	[sflag:s28] =	ssyncadd.s32 $0xFFFFD800  }
0x98: {  	[hbm4b:s9+s3] =	stream.linear.scatter [tilespmem:s26], [sflag:$0x2], $0x2800, $0x38;
	[tilespmem:$0x1C100] =	vst v63  }
0x99: {  	_ =	swait.ge [sflag:s28], $0x2800  }
0x9a: {  	[sflag:s28] =	ssyncset.done $0x0  }
0x9b: {  	[sflag:s28] =	ssyncadd.s32 $0xFFFFD800  }
0x9c: {  	[tilespmem:s26], [sflag:$0x2] =	stream.linear.gather [spmem:s17], $0x2800, $0x38;
	[tilespmem:$0x1C100] =	vst v63  }
0x9d: {  	_ =	swait.ge [sflag:s28], $0x2800  }
0x9e: {  	[sflag:s28] =	ssyncset.done $0x0  }
0x9f: {  	s10 =	rddreg [dreg:$0x6];
	[sflag:s28] =	ssyncadd.s32 $0xFFFFD800  }
0xa0: {  	[hbm4b:s10+s3] =	stream.linear.scatter [tilespmem:s26], [sflag:$0x2], $0x2800, $0x38;
	[tilespmem:$0x1C100] =	vst v63  }
0xa1: {  	_ =	swait.ge [sflag:s28], $0x2800  }
0xa2: {  	[sflag:s28] =	ssyncset.done $0x0  }
0xa3: {  	[sflag:s28] =	ssyncadd.s32 $0xFFFFD800  }
0xa4: {  	[tilespmem:s26], [sflag:$0x2] =	stream.linear.gather [spmem:s18], $0x2800, $0x38;
	[tilespmem:$0x1C100] =	vst v63  }
0xa5: {  	_ =	swait.ge [sflag:s28], $0x2800  }
0xa6: {  	[sflag:s28] =	ssyncset.done $0x0  }
0xa7: {  	s11 =	rddreg [dreg:$0x7];
	[sflag:s28] =	ssyncadd.s32 $0xFFFFD800  }
0xa8: {  	[hbm4b:s11+s3] =	stream.linear.scatter [tilespmem:s26], [sflag:$0x2], $0x2800, $0x38;
	[tilespmem:$0x1C100] =	vst v63  }
0xa9: {  	_ =	swait.ge [sflag:s28], $0x2800  }
0xaa: {  	[sflag:s28] =	ssyncset.done $0x0  }
0xab: {  	[sflag:s28] =	ssyncadd.s32 $0xFFFFD800  }
0xac: {  	[tilespmem:s26], [sflag:$0x2] =	stream.linear.gather [spmem:s19], $0x2800, $0x38;
	[tilespmem:$0x1C100] =	vst v63  }
0xad: {  	_ =	swait.ge [sflag:s28], $0x2800  }
0xae: {  	[sflag:s28] =	ssyncset.done $0x0  }
0xaf: {  	s12 =	rddreg [dreg:$0x8];
	[sflag:s28] =	ssyncadd.s32 $0xFFFFD800  }
0xb0: {  	[hbm4b:s12+s3] =	stream.linear.scatter [tilespmem:s26], [sflag:$0x2], $0x2800, $0x38;
	[tilespmem:$0x1C100] =	vst v63  }
0xb1: {  	_ =	swait.ge [sflag:s28], $0x2800  }
0xb2: {  	[sflag:s28] =	ssyncset.done $0x0  }
0xb3: {  	[sflag:s28] =	ssyncadd.s32 $0xFFFFD800  }
0xb4: {  	[tilespmem:s26], [sflag:$0x2] =	stream.linear.gather [spmem:s20], $0x2800, $0x38;
	[tilespmem:$0x1C100] =	vst v63  }
0xb5: {  	_ =	swait.ge [sflag:s28], $0x2800  }
0xb6: {  	[sflag:s28] =	ssyncset.done $0x0  }
0xb7: {  	s10 =	rddreg [dreg:$0x9];
	[sflag:s28] =	ssyncadd.s32 $0xFFFFD800  }
0xb8: {  	[hbm4b:s10+s3] =	stream.linear.scatter [tilespmem:s26], [sflag:$0x2], $0x2800, $0x38;
	[tilespmem:$0x1C100] =	vst v63  }
0xb9: {  	_ =	swait.ge [sflag:s28], $0x2800  }
0xba: {  	[sflag:s28] =	ssyncset.done $0x0  }
0xbb: {  	[sflag:s28] =	ssyncadd.s32 $0xFFFFD800  }
0xbc: {  	[tilespmem:s26], [sflag:$0x2] =	stream.linear.gather [spmem:s21], $0x2800, $0x38;
	[tilespmem:$0x1C100] =	vst v63  }
0xbd: {  	_ =	swait.ge [sflag:s28], $0x2800  }
0xbe: {  	[sflag:s28] =	ssyncset.done $0x0  }
0xbf: {  	s11 =	rddreg [dreg:$0xa];
	[sflag:s28] =	ssyncadd.s32 $0xFFFFD800  }
0xc0: {  	[hbm4b:s11+s3] =	stream.linear.scatter [tilespmem:s26], [sflag:$0x2], $0x2800, $0x38;
	[tilespmem:$0x1C100] =	vst v63  }
0xc1: {  	_ =	swait.ge [sflag:s28], $0x2800  }
0xc2: {  	[sflag:s28] =	ssyncset.done $0x0  }
0xc3: {  	[sflag:s28] =	ssyncadd.s32 $0xFFFFD800  }
0xc4: {  	[tilespmem:s26], [sflag:$0x2] =	stream.linear.gather [spmem:s22], $0x2800, $0x38;
	[tilespmem:$0x1C100] =	vst v63  }
0xc5: {  	_ =	swait.ge [sflag:s28], $0x2800  }
0xc6: {  	[sflag:s28] =	ssyncset.done $0x0  }
0xc7: {  	s12 =	rddreg [dreg:$0xb];
	[sflag:s28] =	ssyncadd.s32 $0xFFFFD800  }
0xc8: {  	[hbm4b:s12+s3] =	stream.linear.scatter [tilespmem:s26], [sflag:$0x2], $0x2800, $0x38;
	[tilespmem:$0x1C100] =	vst v63  }
0xc9: {  	_ =	swait.ge [sflag:s28], $0x2800  }
0xca: {  	[sflag:s28] =	ssyncset.done $0x0  }
0xcb: {  	s9 =	simm.s32 @!p0 $0x17180;
	s10 =	simm.s32 @!p0 $0x2;
	[sflag:s28] =	ssyncadd.s32 $0xFFFFD800  }
0xcc: {  	[tilespmem:s9], [sflag:$0x2] =	stream.linear.gather @!p0 [spmem:s23], $0x2800, $0x38;
	[tilespmem:$0x1C100] =	vst v63  }
0xcd: {  	_ =	swait.ge @!p0 [sflag:s10], $0x2800  }
0xce: {  	[sflag:s10] =	ssyncset.done @!p0 $0x0  }
0xcf: {  	s11 =	simm.s32 @!p0 $0x0;
	s12 =	rddreg [dreg:$0xc];
	[sflag:s10] =	ssyncadd.s32 @!p0 $0xFFFFD800  }
0xd0: {  	[hbm4b:s12+s11] =	stream.linear.scatter @!p0 [tilespmem:s9], [sflag:$0x2], $0x2800, $0x38;
	[tilespmem:$0x1C100] =	vst v63  }
0xd1: {  	s8 =	sadd.s32 $0x1, s8;
	_ =	swait.ge @!p0 [sflag:s10], $0x2800  }
0xd2: {  	p1 =	sne.s32 s8, s25;
	[sflag:s10] =	ssyncset.done @!p0 $0x0  }
.Ltmp4:
0xd3: {  	[sflag:s10] =	ssyncadd.s32 @!p0 $0xFFFFD800;
	(pc) =	sbr.rel @p1 .LBB2_1-.Ltmp4, $4  }
0xd4: {  	[hbm4b:s13+s3] =	stream.linear.scatter [tilespmem:s7], [sflag:$0x2], $0x2710, $0x38;
	[tilespmem:$0x1C100] =	vst v63  }
0xd5: {  	_ =	swait.ge [sflag:s28], $0x2710  }
0xd6: {  	[sflag:s28] =	ssyncset.done $0x0  }
0xd7: {  	[sflag:s28] =	ssyncadd.s32 $0xFFFFD8F0  }
0xd8: {  	_ =	sfence.sel $0x180000  }
0xd9: {  	[bflag:$0x0] =	sbarrier.arrive $0xFFFF  }
0xda: {  	_ =	strace $0x90000047  }
0xdb: {  	s0 =	stileid.u32;
	[bflag:$0x2] =	sbarrier.arrive $0xFFFF  }
0xdc: {  	p0 =	sne.s32 s0, $0x0;
	s0 =	rddreg [dreg:$0x4]  }
0xdd: {  	s0 =	sadd.s32 @!p0 $0x100000, s0  }
0xde: {  	[sflag:s0] =	ssyncadd.tile.s32 @!p0 $0x1;
	_ =	shalt  }
.Lfunc_end2:
_tile_overlayer_lowered:
.L_overlay_start_2:
0xdf: {  	(tag) =	ssettag $0x2  }
0xe0: {  	s0 =	rddreg [dreg:$0x0];
	s2 =	stileid.u32  }
0xe1: {  	s1 =	rddreg [dreg:$0x1];
	p0 =	sne.s32 s2, $0x0  }
0xe2: {  	s3 =	rddreg [dreg:$0x2];
	[bflag:$0x3] =	sbarrier.arrive $0xFFFF;
	s2 =	simm.s32 @!p0 $0x1C02  }
0xe3: {  	[timem:s3], [sflag:s2] =	dma.local @!p0 [hbm:s0], s1  }
0xe4: {  	s0 =	simm.s32 @!p0 $0x2  }
0xe5: {  	_ =	swait.ge @!p0 [sflag:s0], s1  }
0xe6: {  	s1 =	ssub.s32 @!p0 $0x0, s1;
	[sflag:s0] =	ssyncset.done @!p0 $0x0  }
0xe7: {  	[sflag:s0] =	ssyncadd.s32 @!p0 s1  }
0xe8: {  	[bflag:$0x3] =	sbarrier.arrive $0xFFFF  }
0xe9: {  	_ =	shalt  }

</sc_bundles>
